<compile_context>
chip_gen: v7x
topology: tpu7x:2x2x1
jax: 0.10.2.dev20260603
libtpu: 0.0.44.dev20260713+nightly
codegen_flags: <defaults>
</compile_context>

<pallas_src>
import jax
import jax.numpy as jnp
from jax import lax
from jax.experimental import pallas as pl
from jax.experimental.pallas import tpu as pltpu
from jax.experimental.pallas import tpu_sc as plsc

N = 10000
D = 128
H = 128
EMB = 64

NC = 2
NS = 16
NW = NC * NS

C = 128
E = 320000
K = 80
EPW = K * C
E_PAD = NW * EPW
DST_PAD = N

ACC_ROWS = 10112
RPT = ACC_ROWS // NS
_CHUNKS = [(0, 128), (128, 128), (256, 128), (384, 128), (512, 120)]

_f32 = jnp.float32


def _sc_aggregate(m, src3d, dst3d, zeros_blk, dim):
    mesh = plsc.VectorSubcoreMesh(core_axis_name="c", subcore_axis_name="s")
    KH = K // 2

    def body(m_hbm, src_hbm, dst_hbm, z_hbm, acc_out,
             acc_sp, src_v, dst_v, rows0, rows1, sem0, sem1, ssem0, ssem1):
        cid = lax.axis_index("c")
        sid = lax.axis_index("s")
        wid = cid * NS + sid

        pltpu.sync_copy(z_hbm, rows0)
        for off, sz in _CHUNKS:
            pltpu.sync_copy(rows0.at[pl.ds(0, sz)],
                            acc_sp.at[pl.ds(sid * RPT + off, sz)])

        plsc.subcore_barrier()

        rows = (rows0, rows1)
        sems = (sem0, sem1)

        def gather(j, b):
            hc = C // 2
            pltpu.async_copy(m_hbm.at[src_v.at[j, pl.ds(0, hc)]],
                             rows[b].at[pl.ds(0, hc)], sems[b])
            pltpu.async_copy(m_hbm.at[src_v.at[j, pl.ds(hc, hc)]],
                             rows[b].at[pl.ds(hc, hc)], sems[b])

        def wait(b):
            pltpu.make_async_copy(m_hbm.at[pl.ds(0, C)], rows[b],
                                  sems[b]).wait()

        ssems = (ssem0, ssem1)

        def scatter(j, b):
            pltpu.async_copy(rows[b], acc_sp.at[dst_v.at[j]], ssems[b],
                             add=True)

        def swait(j, b):
            pltpu.make_async_copy(rows[b], acc_sp.at[dst_v.at[j]],
                                  ssems[b]).wait()

        for half in range(2):
            pltpu.sync_copy(src_hbm.at[wid, pl.ds(half * KH, KH)], src_v)
            pltpu.sync_copy(dst_hbm.at[wid, pl.ds(half * KH, KH)], dst_v)
            gather(0, 0)
            gather(1, 1)

            def step(i, carry):
                j0 = 2 * i
                wait(0)
                scatter(j0, 0)
                wait(1)
                scatter(j0 + 1, 1)

                @pl.when(j0 + 2 < KH)
                def _():
                    swait(j0, 0)
                    gather(j0 + 2, 0)

                @pl.when(j0 + 3 < KH)
                def _():
                    swait(j0 + 1, 1)
                    gather(j0 + 3, 1)

                return carry

            lax.fori_loop(0, KH // 2, step, 0)
            swait(KH - 2, 0)
            swait(KH - 1, 1)

        plsc.subcore_barrier()

        for off, sz in _CHUNKS:
            r0 = sid * RPT + off
            pltpu.sync_copy(acc_sp.at[pl.ds(r0, sz)], rows0.at[pl.ds(0, sz)])
            pltpu.sync_copy(rows0.at[pl.ds(0, sz)],
                            acc_out.at[cid, pl.ds(r0, sz)])

    fn = pl.kernel(
        body,
        out_type=jax.ShapeDtypeStruct((NC, ACC_ROWS, dim), _f32),
        mesh=mesh,
        scratch_types=[
            pltpu.VMEM_SHARED((ACC_ROWS, dim), _f32),
            pltpu.VMEM((K // 2, C), jnp.int32),
            pltpu.VMEM((K // 2, C), jnp.int32),
            pltpu.VMEM((C, dim), _f32),
            pltpu.VMEM((C, dim), _f32),
            pltpu.SemaphoreType.DMA,
            pltpu.SemaphoreType.DMA,
            pltpu.SemaphoreType.DMA,
            pltpu.SemaphoreType.DMA,
        ],
    )
    return fn(m, src3d, dst3d, zeros_blk)


def _sc_degree(dst3d, ones_blk, zeros_blk):
    mesh = plsc.VectorSubcoreMesh(core_axis_name="c", subcore_axis_name="s")

    def body(dst_hbm, ones_hbm, z_hbm, deg_out,
             deg_sp, dst_v, ones_v):
        cid = lax.axis_index("c")
        sid = lax.axis_index("s")
        wid = cid * NS + sid

        for off, sz in _CHUNKS:
            pltpu.sync_copy(z_hbm.at[pl.ds(0, sz)],
                            deg_sp.at[pl.ds(sid * RPT + off, sz)])
        pltpu.sync_copy(dst_hbm.at[wid], dst_v)
        pltpu.sync_copy(ones_hbm, ones_v)

        plsc.subcore_barrier()

        def step(j, carry):
            pltpu.sync_copy(ones_v, deg_sp.at[dst_v.at[j]], add=True)
            return carry

        lax.fori_loop(0, K, step, 0)

        plsc.subcore_barrier()

        for off, sz in _CHUNKS:
            r0 = sid * RPT + off
            pltpu.sync_copy(deg_sp.at[pl.ds(r0, sz)], ones_v.at[pl.ds(0, sz)])
            pltpu.sync_copy(ones_v.at[pl.ds(0, sz)],
                            deg_out.at[cid, pl.ds(r0, sz)])

    fn = pl.kernel(
        body,
        out_type=jax.ShapeDtypeStruct((NC, ACC_ROWS, H), _f32),
        mesh=mesh,
        scratch_types=[
            pltpu.VMEM_SHARED((ACC_ROWS, H), _f32),
            pltpu.VMEM((K, C), jnp.int32),
            pltpu.VMEM((C, H), _f32),
        ],
    )
    return fn(dst3d, ones_blk, zeros_blk)


def _dot(a, b):
    return jnp.dot(a.astype(jnp.bfloat16), b.astype(jnp.bfloat16),
                   preferred_element_type=_f32)


def _tc_layer(h, accp, degp, b, Ws, Wn, act):
    dout = Ws.shape[1]

    def body(h_ref, acc_ref, deg_ref, b_ref, ws_ref, wn_ref, o_ref):
        agg = acc_ref[0, :N, :] + acc_ref[1, :N, :]
        deg = deg_ref[0, :N, 0:1] + deg_ref[1, :N, 0:1]
        invd = 1.0 / jnp.maximum(deg, 1.0)
        out = (_dot(h_ref[...], ws_ref[...]) + _dot(agg * invd, wn_ref[...])
               + b_ref[...])
        o_ref[...] = jnp.maximum(out, 0.0) if act else out

    return pl.pallas_call(
        body,
        out_shape=jax.ShapeDtypeStruct((N, dout), _f32),
    )(h, accp, degp, b, Ws, Wn)


def _tc_final(h, accp, degp, b, Ws, Wn, vW1, vb1, vW2, vb2, vW3, vb3):

    def body(h_ref, acc_ref, deg_ref, b_ref, ws_ref, wn_ref,
             w1, bb1, w2, bb2, w3, bb3, o_ref):
        agg = acc_ref[0, :N, :] + acc_ref[1, :N, :]
        deg = deg_ref[0, :N, 0:1] + deg_ref[1, :N, 0:1]
        invd = 1.0 / jnp.maximum(deg, 1.0)
        h3 = (_dot(h_ref[...], ws_ref[...]) + _dot(agg * invd, wn_ref[...])
              + b_ref[...])
        g = jnp.mean(h3, axis=0, keepdims=True)
        v = jnp.maximum(_dot(g, w1[...]) + bb1[...], 0.0)
        v = jnp.maximum(_dot(v, w2[...]) + bb2[...], 0.0)
        o_ref[...] = _dot(v, w3[...]) + bb3[...]

    return pl.pallas_call(
        body,
        out_shape=jax.ShapeDtypeStruct((1, 1), _f32),
    )(h, accp, degp, b, Ws, Wn, vW1, vb1, vW2, vb2, vW3, vb3)


def kernel(x, edge_index, Ws0, Wn0, b0, Ws1, Wn1, b1, Ws2, Wn2, b2,
           vW1, vb1, vW2, vb2, vW3, vb3):
    src = edge_index[0]
    dst = edge_index[1]
    pad = E_PAD - E
    src3d = jnp.concatenate(
        [src, jnp.zeros((pad,), jnp.int32)]).reshape(NW, K, C)
    dst3d = jnp.concatenate(
        [dst, jnp.full((pad,), DST_PAD, jnp.int32)]).reshape(NW, K, C)

    z128 = jnp.zeros((C, H), _f32)
    ones128 = jnp.ones((C, H), _f32)

    degp = _sc_degree(dst3d, ones128, z128)

    accx = _sc_aggregate(x, src3d, dst3d, z128, dim=D)
    h1 = _tc_layer(x, accx, degp, b0.reshape(1, H), Ws0, Wn0, act=True)
    acc1 = _sc_aggregate(h1, src3d, dst3d, z128, dim=H)
    h2 = _tc_layer(h1, acc1, degp, b1.reshape(1, H), Ws1, Wn1, act=True)
    acc2 = _sc_aggregate(h2, src3d, dst3d, z128, dim=H)
    vh = vW1.shape[1]
    out = _tc_final(h2, acc2, degp, b2.reshape(1, EMB), Ws2, Wn2,
                    vW1, vb1.reshape(1, vh), vW2,
                    vb2.reshape(1, vh), vW3, vb3.reshape(1, 1))
    return out[0, 0]

# --- scband reference (transcript-rebuilt; emitter-appended) ---
"""Pipeline reference for scband-gnncritic-75625784148322 (READ-ONLY COPY).

The authoritative reference and input builder live on the scoring server;
editing this copy changes nothing except your own understanding.
"""

import jax, jax.numpy as jnp
import numpy as np

N = 10000
E = 320000
D = 128
H = 128
EMB = 64
VH = 64


def _init(key, shape, scale):
    return (jax.random.normal(key, shape, dtype=jnp.float32) * scale).astype(jnp.float32)


def setup_inputs(seed: int = 0) -> dict:
    key = jax.random.key(seed)
    ks = jax.random.split(key, 24)
    x = jax.random.normal(ks[0], (N, D), dtype=jnp.float32)
    edge_index = jax.random.randint(ks[1], (2, E), 0, N, dtype=jnp.int32)
    inp = {"x": x, "edge_index": edge_index}
    # GraphSAGE layer params: (D->H), (H->H), (H->EMB)
    dims = [(D, H), (H, H), (H, EMB)]
    for i, (din, dout) in enumerate(dims):
        s = 1.0 / np.sqrt(din)
        inp[f"Ws{i}"] = _init(ks[2 + 3 * i], (din, dout), s)
        inp[f"Wn{i}"] = _init(ks[3 + 3 * i], (din, dout), s)
        inp[f"b{i}"] = jnp.zeros((dout,), dtype=jnp.float32)
    # value head MLP: EMB->VH->VH->1
    inp["vW1"] = _init(ks[12], (EMB, VH), 1.0 / np.sqrt(EMB))
    inp["vb1"] = jnp.zeros((VH,), dtype=jnp.float32)
    inp["vW2"] = _init(ks[13], (VH, VH), 1.0 / np.sqrt(VH))
    inp["vb2"] = jnp.zeros((VH,), dtype=jnp.float32)
    inp["vW3"] = _init(ks[14], (VH, 1), 1.0 / np.sqrt(VH))
    inp["vb3"] = jnp.zeros((1,), dtype=jnp.float32)
    return inp


def reference(x, edge_index, Ws0, Wn0, b0, Ws1, Wn1, b1, Ws2, Wn2, b2, vW1, vb1, vW2, vb2, vW3, vb3):
    src = edge_index[0]
    dst = edge_index[1]
    n = x.shape[0]
    deg = jax.ops.segment_sum(jnp.ones((src.shape[0],), jnp.float32), dst, num_segments=n)
    deg = jnp.maximum(deg, 1.0)[:, None]

    def sage_layer(h, Ws, Wn, b, act):
        msgs = jnp.take(h, src, axis=0)
        agg = jax.ops.segment_sum(msgs, dst, num_segments=n) / deg
        out = h @ Ws + agg @ Wn + b
        return jnp.maximum(out, 0.0) if act else out

    h = sage_layer(x, Ws0, Wn0, b0, True)
    h = sage_layer(h, Ws1, Wn1, b1, True)
    h = sage_layer(h, Ws2, Wn2, b2, False)
    # global mean pooling over all nodes (batch=None -> single graph)
    g = jnp.mean(h, axis=0)[None, :]
    v = jnp.maximum(g @ vW1 + vb1, 0.0)
    v = jnp.maximum(v @ vW2 + vb2, 0.0)
    v = (v @ vW3 + vb3)[..., 0]  # squeeze(-1) -> [1]
    return v[0]  # batch is None -> squeeze(0) -> scalar

if __name__ == "__main__":
    import jax
    _d = setup_inputs()
    print(jax.jit(kernel)(*tuple(_d.values())))

</pallas_src>

<mosaic_0001>
#map = affine_map<(d0, d1) -> (0, 0)>
#map1 = affine_map<(d0, d1) -> (0, 0, 0)>
module attributes {stable_mosaic.version = 14 : i64} {
  func.func @body(%arg0: i32, %arg1: i32, %arg2: memref<10000x128xf32, #tpu.memory_space<hbm>>, %arg3: memref<32x80x128xi32, #tpu.memory_space<hbm>>, %arg4: memref<32x80x128xi32, #tpu.memory_space<hbm>>, %arg5: memref<128x128xf32, #tpu.memory_space<hbm>>, %arg6: memref<2x10112x128xf32, #tpu.memory_space<hbm>>, %arg7: memref<10112x128xf32, #tpu.memory_space<vmem_shared>>, %arg8: memref<40x128xi32, #tpu.memory_space<vmem>>, %arg9: memref<40x128xi32, #tpu.memory_space<vmem>>, %arg10: memref<128x128xf32, #tpu.memory_space<vmem>>, %arg11: memref<128x128xf32, #tpu.memory_space<vmem>>, %arg12: memref<!tpu.dma_semaphore, #tpu.memory_space<semaphore_mem>>, %arg13: memref<!tpu.dma_semaphore, #tpu.memory_space<semaphore_mem>>, %arg14: memref<!tpu.dma_semaphore, #tpu.memory_space<semaphore_mem>>, %arg15: memref<!tpu.dma_semaphore, #tpu.memory_space<semaphore_mem>>) attributes {dimension_semantics = [#tpu.dimension_semantics<core_parallel>, #tpu.dimension_semantics<subcore_parallel>], iteration_bounds = array<i64: 2, 16>, scalar_prefetch = 0 : i64, scratch_operands = 9 : i64, tpu.core_type = #tpu.core_type<sc_vector_subcore>, window_params = [{transform_indices = #map}, {transform_indices = #map1}, {transform_indices = #map1}, {transform_indices = #map}, {transform_indices = #map1}]} {
    %mul3A = arith.constant 16 : i32
    %mul3A_0 = arith.muli %arg0, %mul3A : i32
    %add3A = arith.addi %mul3A_0, %arg1 : i32
    "tpu.region"() ({
      %run_scoped3A = tpu.sem_alloc : memref<!tpu.dma_semaphore, #tpu.memory_space<semaphore_mem>>
      tpu.enqueue_dma source(%arg5 : memref<128x128xf32, #tpu.memory_space<hbm>>) target(%arg10 : memref<128x128xf32, #tpu.memory_space<vmem>>) target_semaphore(%run_scoped3A : memref<!tpu.dma_semaphore, #tpu.memory_space<semaphore_mem>>)
      tpu.wait_dma2 semaphore(%run_scoped3A : memref<!tpu.dma_semaphore, #tpu.memory_space<semaphore_mem>>) src(%arg5 : memref<128x128xf32, #tpu.memory_space<hbm>>) dst(%arg10 : memref<128x128xf32, #tpu.memory_space<vmem>>)
      tpu.yield
    }) : () -> ()
    %mul3A_1 = arith.constant 632 : i32
    %mul3A_2 = arith.muli %arg1, %mul3A_1 : i32
    %add3A_3 = arith.constant 0 : i32
    %add3A_4 = arith.addi %mul3A_2, %add3A_3 : i32
    "tpu.region"() ({
      %run_scoped3A = tpu.sem_alloc : memref<!tpu.dma_semaphore, #tpu.memory_space<semaphore_mem>>
      %dma_start3A_159 = arith.constant 0 : i32
      %dma_start3A_160 = arith.constant 0 : i32
      %dma_start3A_161 = tpu.memref_slice %arg10[%dma_start3A_159, %dma_start3A_160] : memref<128x128xf32, #tpu.memory_space<vmem>> -> memref<128x128xf32, #tpu.memory_space<vmem>>
      %dma_start3A_162 = arith.constant 0 : i32
      %dma_start3A_163 = tpu.memref_slice %arg7[%add3A_4, %dma_start3A_162] : memref<10112x128xf32, #tpu.memory_space<vmem_shared>> -> memref<128x128xf32, #tpu.memory_space<vmem_shared>>
      %dma_start3A_164 = arith.constant 0 : i32
      %dma_start3A_165 = tpu.memref_slice %arg7[%add3A_4, %dma_start3A_164] : memref<10112x128xf32, #tpu.memory_space<vmem_shared>> -> memref<128x128xf32, #tpu.memory_space<vmem_shared>>
      %dma_start3A_166 = arith.constant 0 : i32
      %dma_start3A_167 = arith.constant 0 : i32
      %dma_start3A_168 = tpu.memref_slice %arg10[%dma_start3A_166, %dma_start3A_167] : memref<128x128xf32, #tpu.memory_space<vmem>> -> memref<128x128xf32, #tpu.memory_space<vmem>>
      tpu.enqueue_dma source(%dma_start3A_168 : memref<128x128xf32, #tpu.memory_space<vmem>>) target(%dma_start3A_165 : memref<128x128xf32, #tpu.memory_space<vmem_shared>>) target_semaphore(%run_scoped3A : memref<!tpu.dma_semaphore, #tpu.memory_space<semaphore_mem>>)
      %dma_wait3A_169 = arith.constant 0 : i32
      %dma_wait3A_170 = arith.constant 0 : i32
      %dma_wait3A_171 = tpu.memref_slice %arg10[%dma_wait3A_169, %dma_wait3A_170] : memref<128x128xf32, #tpu.memory_space<vmem>> -> memref<128x128xf32, #tpu.memory_space<vmem>>
      %dma_wait3A_172 = arith.constant 0 : i32
      %dma_wait3A_173 = tpu.memref_slice %arg7[%add3A_4, %dma_wait3A_172] : memref<10112x128xf32, #tpu.memory_space<vmem_shared>> -> memref<128x128xf32, #tpu.memory_space<vmem_shared>>
      %dma_wait3A_174 = arith.constant 0 : i32
      %dma_wait3A_175 = tpu.memref_slice %arg7[%add3A_4, %dma_wait3A_174] : memref<10112x128xf32, #tpu.memory_space<vmem_shared>> -> memref<128x128xf32, #tpu.memory_space<vmem_shared>>
      %dma_wait3A_176 = arith.constant 0 : i32
      %dma_wait3A_177 = arith.constant 0 : i32
      %dma_wait3A_178 = tpu.memref_slice %arg10[%dma_wait3A_176, %dma_wait3A_177] : memref<128x128xf32, #tpu.memory_space<vmem>> -> memref<128x128xf32, #tpu.memory_space<vmem>>
      tpu.wait_dma2 semaphore(%run_scoped3A : memref<!tpu.dma_semaphore, #tpu.memory_space<semaphore_mem>>) src(%dma_wait3A_178 : memref<128x128xf32, #tpu.memory_space<vmem>>) dst(%dma_wait3A_175 : memref<128x128xf32, #tpu.memory_space<vmem_shared>>)
      tpu.yield
    }) : () -> ()
    %mul3A_5 = arith.constant 632 : i32
    %mul3A_6 = arith.muli %arg1, %mul3A_5 : i32
    %add3A_7 = arith.constant 128 : i32
    %add3A_8 = arith.addi %mul3A_6, %add3A_7 : i32
    "tpu.region"() ({
      %run_scoped3A = tpu.sem_alloc : memref<!tpu.dma_semaphore, #tpu.memory_space<semaphore_mem>>
      %dma_start3A_159 = arith.constant 0 : i32
      %dma_start3A_160 = arith.constant 0 : i32
      %dma_start3A_161 = tpu.memref_slice %arg10[%dma_start3A_159, %dma_start3A_160] : memref<128x128xf32, #tpu.memory_space<vmem>> -> memref<128x128xf32, #tpu.memory_space<vmem>>
      %dma_start3A_162 = arith.constant 0 : i32
      %dma_start3A_163 = tpu.memref_slice %arg7[%add3A_8, %dma_start3A_162] : memref<10112x128xf32, #tpu.memory_space<vmem_shared>> -> memref<128x128xf32, #tpu.memory_space<vmem_shared>>
      %dma_start3A_164 = arith.constant 0 : i32
      %dma_start3A_165 = tpu.memref_slice %arg7[%add3A_8, %dma_start3A_164] : memref<10112x128xf32, #tpu.memory_space<vmem_shared>> -> memref<128x128xf32, #tpu.memory_space<vmem_shared>>
      %dma_start3A_166 = arith.constant 0 : i32
      %dma_start3A_167 = arith.constant 0 : i32
      %dma_start3A_168 = tpu.memref_slice %arg10[%dma_start3A_166, %dma_start3A_167] : memref<128x128xf32, #tpu.memory_space<vmem>> -> memref<128x128xf32, #tpu.memory_space<vmem>>
      tpu.enqueue_dma source(%dma_start3A_168 : memref<128x128xf32, #tpu.memory_space<vmem>>) target(%dma_start3A_165 : memref<128x128xf32, #tpu.memory_space<vmem_shared>>) target_semaphore(%run_scoped3A : memref<!tpu.dma_semaphore, #tpu.memory_space<semaphore_mem>>)
      %dma_wait3A_169 = arith.constant 0 : i32
      %dma_wait3A_170 = arith.constant 0 : i32
      %dma_wait3A_171 = tpu.memref_slice %arg10[%dma_wait3A_169, %dma_wait3A_170] : memref<128x128xf32, #tpu.memory_space<vmem>> -> memref<128x128xf32, #tpu.memory_space<vmem>>
      %dma_wait3A_172 = arith.constant 0 : i32
      %dma_wait3A_173 = tpu.memref_slice %arg7[%add3A_8, %dma_wait3A_172] : memref<10112x128xf32, #tpu.memory_space<vmem_shared>> -> memref<128x128xf32, #tpu.memory_space<vmem_shared>>
      %dma_wait3A_174 = arith.constant 0 : i32
      %dma_wait3A_175 = tpu.memref_slice %arg7[%add3A_8, %dma_wait3A_174] : memref<10112x128xf32, #tpu.memory_space<vmem_shared>> -> memref<128x128xf32, #tpu.memory_space<vmem_shared>>
      %dma_wait3A_176 = arith.constant 0 : i32
      %dma_wait3A_177 = arith.constant 0 : i32
      %dma_wait3A_178 = tpu.memref_slice %arg10[%dma_wait3A_176, %dma_wait3A_177] : memref<128x128xf32, #tpu.memory_space<vmem>> -> memref<128x128xf32, #tpu.memory_space<vmem>>
      tpu.wait_dma2 semaphore(%run_scoped3A : memref<!tpu.dma_semaphore, #tpu.memory_space<semaphore_mem>>) src(%dma_wait3A_178 : memref<128x128xf32, #tpu.memory_space<vmem>>) dst(%dma_wait3A_175 : memref<128x128xf32, #tpu.memory_space<vmem_shared>>)
      tpu.yield
    }) : () -> ()
    %mul3A_9 = arith.constant 632 : i32
    %mul3A_10 = arith.muli %arg1, %mul3A_9 : i32
    %add3A_11 = arith.constant 256 : i32
    %add3A_12 = arith.addi %mul3A_10, %add3A_11 : i32
    "tpu.region"() ({
      %run_scoped3A = tpu.sem_alloc : memref<!tpu.dma_semaphore, #tpu.memory_space<semaphore_mem>>
      %dma_start3A_159 = arith.constant 0 : i32
      %dma_start3A_160 = arith.constant 0 : i32
      %dma_start3A_161 = tpu.memref_slice %arg10[%dma_start3A_159, %dma_start3A_160] : memref<128x128xf32, #tpu.memory_space<vmem>> -> memref<128x128xf32, #tpu.memory_space<vmem>>
      %dma_start3A_162 = arith.constant 0 : i32
      %dma_start3A_163 = tpu.memref_slice %arg7[%add3A_12, %dma_start3A_162] : memref<10112x128xf32, #tpu.memory_space<vmem_shared>> -> memref<128x128xf32, #tpu.memory_space<vmem_shared>>
      %dma_start3A_164 = arith.constant 0 : i32
      %dma_start3A_165 = tpu.memref_slice %arg7[%add3A_12, %dma_start3A_164] : memref<10112x128xf32, #tpu.memory_space<vmem_shared>> -> memref<128x128xf32, #tpu.memory_space<vmem_shared>>
      %dma_start3A_166 = arith.constant 0 : i32
      %dma_start3A_167 = arith.constant 0 : i32
      %dma_start3A_168 = tpu.memref_slice %arg10[%dma_start3A_166, %dma_start3A_167] : memref<128x128xf32, #tpu.memory_space<vmem>> -> memref<128x128xf32, #tpu.memory_space<vmem>>
      tpu.enqueue_dma source(%dma_start3A_168 : memref<128x128xf32, #tpu.memory_space<vmem>>) target(%dma_start3A_165 : memref<128x128xf32, #tpu.memory_space<vmem_shared>>) target_semaphore(%run_scoped3A : memref<!tpu.dma_semaphore, #tpu.memory_space<semaphore_mem>>)
      %dma_wait3A_169 = arith.constant 0 : i32
      %dma_wait3A_170 = arith.constant 0 : i32
      %dma_wait3A_171 = tpu.memref_slice %arg10[%dma_wait3A_169, %dma_wait3A_170] : memref<128x128xf32, #tpu.memory_space<vmem>> -> memref<128x128xf32, #tpu.memory_space<vmem>>
      %dma_wait3A_172 = arith.constant 0 : i32
      %dma_wait3A_173 = tpu.memref_slice %arg7[%add3A_12, %dma_wait3A_172] : memref<10112x128xf32, #tpu.memory_space<vmem_shared>> -> memref<128x128xf32, #tpu.memory_space<vmem_shared>>
      %dma_wait3A_174 = arith.constant 0 : i32
      %dma_wait3A_175 = tpu.memref_slice %arg7[%add3A_12, %dma_wait3A_174] : memref<10112x128xf32, #tpu.memory_space<vmem_shared>> -> memref<128x128xf32, #tpu.memory_space<vmem_shared>>
      %dma_wait3A_176 = arith.constant 0 : i32
      %dma_wait3A_177 = arith.constant 0 : i32
      %dma_wait3A_178 = tpu.memref_slice %arg10[%dma_wait3A_176, %dma_wait3A_177] : memref<128x128xf32, #tpu.memory_space<vmem>> -> memref<128x128xf32, #tpu.memory_space<vmem>>
      tpu.wait_dma2 semaphore(%run_scoped3A : memref<!tpu.dma_semaphore, #tpu.memory_space<semaphore_mem>>) src(%dma_wait3A_178 : memref<128x128xf32, #tpu.memory_space<vmem>>) dst(%dma_wait3A_175 : memref<128x128xf32, #tpu.memory_space<vmem_shared>>)
      tpu.yield
    }) : () -> ()
    %mul3A_13 = arith.constant 632 : i32
    %mul3A_14 = arith.muli %arg1, %mul3A_13 : i32
    %add3A_15 = arith.constant 384 : i32
    %add3A_16 = arith.addi %mul3A_14, %add3A_15 : i32
    "tpu.region"() ({
      %run_scoped3A = tpu.sem_alloc : memref<!tpu.dma_semaphore, #tpu.memory_space<semaphore_mem>>
      %dma_start3A_159 = arith.constant 0 : i32
      %dma_start3A_160 = arith.constant 0 : i32
      %dma_start3A_161 = tpu.memref_slice %arg10[%dma_start3A_159, %dma_start3A_160] : memref<128x128xf32, #tpu.memory_space<vmem>> -> memref<128x128xf32, #tpu.memory_space<vmem>>
      %dma_start3A_162 = arith.constant 0 : i32
      %dma_start3A_163 = tpu.memref_slice %arg7[%add3A_16, %dma_start3A_162] : memref<10112x128xf32, #tpu.memory_space<vmem_shared>> -> memref<128x128xf32, #tpu.memory_space<vmem_shared>>
      %dma_start3A_164 = arith.constant 0 : i32
      %dma_start3A_165 = tpu.memref_slice %arg7[%add3A_16, %dma_start3A_164] : memref<10112x128xf32, #tpu.memory_space<vmem_shared>> -> memref<128x128xf32, #tpu.memory_space<vmem_shared>>
      %dma_start3A_166 = arith.constant 0 : i32
      %dma_start3A_167 = arith.constant 0 : i32
      %dma_start3A_168 = tpu.memref_slice %arg10[%dma_start3A_166, %dma_start3A_167] : memref<128x128xf32, #tpu.memory_space<vmem>> -> memref<128x128xf32, #tpu.memory_space<vmem>>
      tpu.enqueue_dma source(%dma_start3A_168 : memref<128x128xf32, #tpu.memory_space<vmem>>) target(%dma_start3A_165 : memref<128x128xf32, #tpu.memory_space<vmem_shared>>) target_semaphore(%run_scoped3A : memref<!tpu.dma_semaphore, #tpu.memory_space<semaphore_mem>>)
      %dma_wait3A_169 = arith.constant 0 : i32
      %dma_wait3A_170 = arith.constant 0 : i32
      %dma_wait3A_171 = tpu.memref_slice %arg10[%dma_wait3A_169, %dma_wait3A_170] : memref<128x128xf32, #tpu.memory_space<vmem>> -> memref<128x128xf32, #tpu.memory_space<vmem>>
      %dma_wait3A_172 = arith.constant 0 : i32
      %dma_wait3A_173 = tpu.memref_slice %arg7[%add3A_16, %dma_wait3A_172] : memref<10112x128xf32, #tpu.memory_space<vmem_shared>> -> memref<128x128xf32, #tpu.memory_space<vmem_shared>>
      %dma_wait3A_174 = arith.constant 0 : i32
      %dma_wait3A_175 = tpu.memref_slice %arg7[%add3A_16, %dma_wait3A_174] : memref<10112x128xf32, #tpu.memory_space<vmem_shared>> -> memref<128x128xf32, #tpu.memory_space<vmem_shared>>
      %dma_wait3A_176 = arith.constant 0 : i32
      %dma_wait3A_177 = arith.constant 0 : i32
      %dma_wait3A_178 = tpu.memref_slice %arg10[%dma_wait3A_176, %dma_wait3A_177] : memref<128x128xf32, #tpu.memory_space<vmem>> -> memref<128x128xf32, #tpu.memory_space<vmem>>
      tpu.wait_dma2 semaphore(%run_scoped3A : memref<!tpu.dma_semaphore, #tpu.memory_space<semaphore_mem>>) src(%dma_wait3A_178 : memref<128x128xf32, #tpu.memory_space<vmem>>) dst(%dma_wait3A_175 : memref<128x128xf32, #tpu.memory_space<vmem_shared>>)
      tpu.yield
    }) : () -> ()
    %mul3A_17 = arith.constant 632 : i32
    %mul3A_18 = arith.muli %arg1, %mul3A_17 : i32
    %add3A_19 = arith.constant 512 : i32
    %add3A_20 = arith.addi %mul3A_18, %add3A_19 : i32
    "tpu.region"() ({
      %run_scoped3A = tpu.sem_alloc : memref<!tpu.dma_semaphore, #tpu.memory_space<semaphore_mem>>
      %dma_start3A_159 = arith.constant 0 : i32
      %dma_start3A_160 = arith.constant 0 : i32
      %dma_start3A_161 = tpu.memref_slice %arg10[%dma_start3A_159, %dma_start3A_160] : memref<128x128xf32, #tpu.memory_space<vmem>> -> memref<120x128xf32, #tpu.memory_space<vmem>>
      %dma_start3A_162 = arith.constant 0 : i32
      %dma_start3A_163 = tpu.memref_slice %arg7[%add3A_20, %dma_start3A_162] : memref<10112x128xf32, #tpu.memory_space<vmem_shared>> -> memref<120x128xf32, #tpu.memory_space<vmem_shared>>
      %dma_start3A_164 = arith.constant 0 : i32
      %dma_start3A_165 = tpu.memref_slice %arg7[%add3A_20, %dma_start3A_164] : memref<10112x128xf32, #tpu.memory_space<vmem_shared>> -> memref<120x128xf32, #tpu.memory_space<vmem_shared>>
      %dma_start3A_166 = arith.constant 0 : i32
      %dma_start3A_167 = arith.constant 0 : i32
      %dma_start3A_168 = tpu.memref_slice %arg10[%dma_start3A_166, %dma_start3A_167] : memref<128x128xf32, #tpu.memory_space<vmem>> -> memref<120x128xf32, #tpu.memory_space<vmem>>
      tpu.enqueue_dma source(%dma_start3A_168 : memref<120x128xf32, #tpu.memory_space<vmem>>) target(%dma_start3A_165 : memref<120x128xf32, #tpu.memory_space<vmem_shared>>) target_semaphore(%run_scoped3A : memref<!tpu.dma_semaphore, #tpu.memory_space<semaphore_mem>>)
      %dma_wait3A_169 = arith.constant 0 : i32
      %dma_wait3A_170 = arith.constant 0 : i32
      %dma_wait3A_171 = tpu.memref_slice %arg10[%dma_wait3A_169, %dma_wait3A_170] : memref<128x128xf32, #tpu.memory_space<vmem>> -> memref<120x128xf32, #tpu.memory_space<vmem>>
      %dma_wait3A_172 = arith.constant 0 : i32
      %dma_wait3A_173 = tpu.memref_slice %arg7[%add3A_20, %dma_wait3A_172] : memref<10112x128xf32, #tpu.memory_space<vmem_shared>> -> memref<120x128xf32, #tpu.memory_space<vmem_shared>>
      %dma_wait3A_174 = arith.constant 0 : i32
      %dma_wait3A_175 = tpu.memref_slice %arg7[%add3A_20, %dma_wait3A_174] : memref<10112x128xf32, #tpu.memory_space<vmem_shared>> -> memref<120x128xf32, #tpu.memory_space<vmem_shared>>
      %dma_wait3A_176 = arith.constant 0 : i32
      %dma_wait3A_177 = arith.constant 0 : i32
      %dma_wait3A_178 = tpu.memref_slice %arg10[%dma_wait3A_176, %dma_wait3A_177] : memref<128x128xf32, #tpu.memory_space<vmem>> -> memref<120x128xf32, #tpu.memory_space<vmem>>
      tpu.wait_dma2 semaphore(%run_scoped3A : memref<!tpu.dma_semaphore, #tpu.memory_space<semaphore_mem>>) src(%dma_wait3A_178 : memref<120x128xf32, #tpu.memory_space<vmem>>) dst(%dma_wait3A_175 : memref<120x128xf32, #tpu.memory_space<vmem_shared>>)
      tpu.yield
    }) : () -> ()
    %barrier3A = arith.constant 0 : index
    tpu.barrier barrier_id(%barrier3A)
    "tpu.region"() ({
      %run_scoped3A = tpu.sem_alloc : memref<!tpu.dma_semaphore, #tpu.memory_space<semaphore_mem>>
      %dma_start3A_159 = arith.constant 0 : i32
      %dma_start3A_160 = arith.constant 0 : i32
      %dma_start3A_161 = tpu.memref_slice %arg3[%add3A, %dma_start3A_159, %dma_start3A_160] : memref<32x80x128xi32, #tpu.memory_space<hbm>> -> memref<1x40x128xi32, #tpu.memory_space<hbm>>
      %dma_start3A_162 = tpu.memref_squeeze %dma_start3A_161 : memref<1x40x128xi32, #tpu.memory_space<hbm>> -> memref<40x128xi32, #tpu.memory_space<hbm>>
      %dma_start3A_163 = arith.constant 0 : i32
      %dma_start3A_164 = arith.constant 0 : i32
      %dma_start3A_165 = tpu.memref_slice %arg3[%add3A, %dma_start3A_163, %dma_start3A_164] : memref<32x80x128xi32, #tpu.memory_space<hbm>> -> memref<1x40x128xi32, #tpu.memory_space<hbm>>
      %dma_start3A_166 = tpu.memref_squeeze %dma_start3A_165 : memref<1x40x128xi32, #tpu.memory_space<hbm>> -> memref<40x128xi32, #tpu.memory_space<hbm>>
      tpu.enqueue_dma source(%dma_start3A_166 : memref<40x128xi32, #tpu.memory_space<hbm>>) target(%arg8 : memref<40x128xi32, #tpu.memory_space<vmem>>) target_semaphore(%run_scoped3A : memref<!tpu.dma_semaphore, #tpu.memory_space<semaphore_mem>>)
      %dma_wait3A_167 = arith.constant 0 : i32
      %dma_wait3A_168 = arith.constant 0 : i32
      %dma_wait3A_169 = tpu.memref_slice %arg3[%add3A, %dma_wait3A_167, %dma_wait3A_168] : memref<32x80x128xi32, #tpu.memory_space<hbm>> -> memref<1x40x128xi32, #tpu.memory_space<hbm>>
      %dma_wait3A_170 = tpu.memref_squeeze %dma_wait3A_169 : memref<1x40x128xi32, #tpu.memory_space<hbm>> -> memref<40x128xi32, #tpu.memory_space<hbm>>
      %dma_wait3A_171 = arith.constant 0 : i32
      %dma_wait3A_172 = arith.constant 0 : i32
      %dma_wait3A_173 = tpu.memref_slice %arg3[%add3A, %dma_wait3A_171, %dma_wait3A_172] : memref<32x80x128xi32, #tpu.memory_space<hbm>> -> memref<1x40x128xi32, #tpu.memory_space<hbm>>
      %dma_wait3A_174 = tpu.memref_squeeze %dma_wait3A_173 : memref<1x40x128xi32, #tpu.memory_space<hbm>> -> memref<40x128xi32, #tpu.memory_space<hbm>>
      tpu.wait_dma2 semaphore(%run_scoped3A : memref<!tpu.dma_semaphore, #tpu.memory_space<semaphore_mem>>) src(%dma_wait3A_174 : memref<40x128xi32, #tpu.memory_space<hbm>>) dst(%arg8 : memref<40x128xi32, #tpu.memory_space<vmem>>)
      tpu.yield
    }) : () -> ()
    "tpu.region"() ({
      %run_scoped3A = tpu.sem_alloc : memref<!tpu.dma_semaphore, #tpu.memory_space<semaphore_mem>>
      %dma_start3A_159 = arith.constant 0 : i32
      %dma_start3A_160 = arith.constant 0 : i32
      %dma_start3A_161 = tpu.memref_slice %arg4[%add3A, %dma_start3A_159, %dma_start3A_160] : memref<32x80x128xi32, #tpu.memory_space<hbm>> -> memref<1x40x128xi32, #tpu.memory_space<hbm>>
      %dma_start3A_162 = tpu.memref_squeeze %dma_start3A_161 : memref<1x40x128xi32, #tpu.memory_space<hbm>> -> memref<40x128xi32, #tpu.memory_space<hbm>>
      %dma_start3A_163 = arith.constant 0 : i32
      %dma_start3A_164 = arith.constant 0 : i32
      %dma_start3A_165 = tpu.memref_slice %arg4[%add3A, %dma_start3A_163, %dma_start3A_164] : memref<32x80x128xi32, #tpu.memory_space<hbm>> -> memref<1x40x128xi32, #tpu.memory_space<hbm>>
      %dma_start3A_166 = tpu.memref_squeeze %dma_start3A_165 : memref<1x40x128xi32, #tpu.memory_space<hbm>> -> memref<40x128xi32, #tpu.memory_space<hbm>>
      tpu.enqueue_dma source(%dma_start3A_166 : memref<40x128xi32, #tpu.memory_space<hbm>>) target(%arg9 : memref<40x128xi32, #tpu.memory_space<vmem>>) target_semaphore(%run_scoped3A : memref<!tpu.dma_semaphore, #tpu.memory_space<semaphore_mem>>)
      %dma_wait3A_167 = arith.constant 0 : i32
      %dma_wait3A_168 = arith.constant 0 : i32
      %dma_wait3A_169 = tpu.memref_slice %arg4[%add3A, %dma_wait3A_167, %dma_wait3A_168] : memref<32x80x128xi32, #tpu.memory_space<hbm>> -> memref<1x40x128xi32, #tpu.memory_space<hbm>>
      %dma_wait3A_170 = tpu.memref_squeeze %dma_wait3A_169 : memref<1x40x128xi32, #tpu.memory_space<hbm>> -> memref<40x128xi32, #tpu.memory_space<hbm>>
      %dma_wait3A_171 = arith.constant 0 : i32
      %dma_wait3A_172 = arith.constant 0 : i32
      %dma_wait3A_173 = tpu.memref_slice %arg4[%add3A, %dma_wait3A_171, %dma_wait3A_172] : memref<32x80x128xi32, #tpu.memory_space<hbm>> -> memref<1x40x128xi32, #tpu.memory_space<hbm>>
      %dma_wait3A_174 = tpu.memref_squeeze %dma_wait3A_173 : memref<1x40x128xi32, #tpu.memory_space<hbm>> -> memref<40x128xi32, #tpu.memory_space<hbm>>
      tpu.wait_dma2 semaphore(%run_scoped3A : memref<!tpu.dma_semaphore, #tpu.memory_space<semaphore_mem>>) src(%dma_wait3A_174 : memref<40x128xi32, #tpu.memory_space<hbm>>) dst(%arg9 : memref<40x128xi32, #tpu.memory_space<vmem>>)
      tpu.yield
    }) : () -> ()
    %dma_start3A = arith.constant 0 : i32
    %dma_start3A_21 = arith.constant 0 : i32
    %dma_start3A_22 = arith.constant 0 : i32
    %dma_start3A_23 = tpu.memref_slice %arg10[%dma_start3A_21, %dma_start3A_22] : memref<128x128xf32, #tpu.memory_space<vmem>> -> memref<64x128xf32, #tpu.memory_space<vmem>>
    %dma_start3A_24 = arith.constant 0 : i32
    %dma_start3A_25 = tpu.memref_slice %arg8[%dma_start3A, %dma_start3A_24] : memref<40x128xi32, #tpu.memory_space<vmem>> -> memref<1x64xi32, #tpu.memory_space<vmem>>
    %dma_start3A_26 = tpu.memref_squeeze %dma_start3A_25 : memref<1x64xi32, #tpu.memory_space<vmem>> -> memref<64xi32, #tpu.memory_space<vmem>>
    %dma_start3A_27 = arith.constant 0 : i32
    %dma_start3A_28 = arith.constant 0 : i32
    %dma_start3A_29 = tpu.memref_slice %arg2[%dma_start3A_27, %dma_start3A_28] : memref<10000x128xf32, #tpu.memory_space<hbm>> -> memref<10000x128xf32, #tpu.memory_space<hbm>>
    tpu.enqueue_indirect_dma source(%dma_start3A_29 : memref<10000x128xf32, #tpu.memory_space<hbm>>) target(%dma_start3A_23 : memref<64x128xf32, #tpu.memory_space<vmem>>) offsets(%dma_start3A_26 : memref<64xi32, #tpu.memory_space<vmem>>) semaphore(%arg12 : memref<!tpu.dma_semaphore, #tpu.memory_space<semaphore_mem>>)
    %dma_start3A_30 = arith.constant 0 : i32
    %dma_start3A_31 = arith.constant 64 : i32
    %dma_start3A_32 = arith.constant 0 : i32
    %dma_start3A_33 = tpu.memref_slice %arg10[%dma_start3A_31, %dma_start3A_32] : memref<128x128xf32, #tpu.memory_space<vmem>> -> memref<64x128xf32, #tpu.memory_space<vmem>>
    %dma_start3A_34 = arith.constant 64 : i32
    %dma_start3A_35 = tpu.memref_slice %arg8[%dma_start3A_30, %dma_start3A_34] : memref<40x128xi32, #tpu.memory_space<vmem>> -> memref<1x64xi32, #tpu.memory_space<vmem>>
    %dma_start3A_36 = tpu.memref_squeeze %dma_start3A_35 : memref<1x64xi32, #tpu.memory_space<vmem>> -> memref<64xi32, #tpu.memory_space<vmem>>
    %dma_start3A_37 = arith.constant 0 : i32
    %dma_start3A_38 = arith.constant 0 : i32
    %dma_start3A_39 = tpu.memref_slice %arg2[%dma_start3A_37, %dma_start3A_38] : memref<10000x128xf32, #tpu.memory_space<hbm>> -> memref<10000x128xf32, #tpu.memory_space<hbm>>
    tpu.enqueue_indirect_dma source(%dma_start3A_39 : memref<10000x128xf32, #tpu.memory_space<hbm>>) target(%dma_start3A_33 : memref<64x128xf32, #tpu.memory_space<vmem>>) offsets(%dma_start3A_36 : memref<64xi32, #tpu.memory_space<vmem>>) semaphore(%arg12 : memref<!tpu.dma_semaphore, #tpu.memory_space<semaphore_mem>>)
    %dma_start3A_40 = arith.constant 1 : i32
    %dma_start3A_41 = arith.constant 0 : i32
    %dma_start3A_42 = arith.constant 0 : i32
    %dma_start3A_43 = tpu.memref_slice %arg11[%dma_start3A_41, %dma_start3A_42] : memref<128x128xf32, #tpu.memory_space<vmem>> -> memref<64x128xf32, #tpu.memory_space<vmem>>
    %dma_start3A_44 = arith.constant 0 : i32
    %dma_start3A_45 = tpu.memref_slice %arg8[%dma_start3A_40, %dma_start3A_44] : memref<40x128xi32, #tpu.memory_space<vmem>> -> memref<1x64xi32, #tpu.memory_space<vmem>>
    %dma_start3A_46 = tpu.memref_squeeze %dma_start3A_45 : memref<1x64xi32, #tpu.memory_space<vmem>> -> memref<64xi32, #tpu.memory_space<vmem>>
    %dma_start3A_47 = arith.constant 0 : i32
    %dma_start3A_48 = arith.constant 0 : i32
    %dma_start3A_49 = tpu.memref_slice %arg2[%dma_start3A_47, %dma_start3A_48] : memref<10000x128xf32, #tpu.memory_space<hbm>> -> memref<10000x128xf32, #tpu.memory_space<hbm>>
    tpu.enqueue_indirect_dma source(%dma_start3A_49 : memref<10000x128xf32, #tpu.memory_space<hbm>>) target(%dma_start3A_43 : memref<64x128xf32, #tpu.memory_space<vmem>>) offsets(%dma_start3A_46 : memref<64xi32, #tpu.memory_space<vmem>>) semaphore(%arg13 : memref<!tpu.dma_semaphore, #tpu.memory_space<semaphore_mem>>)
    %dma_start3A_50 = arith.constant 1 : i32
    %dma_start3A_51 = arith.constant 64 : i32
    %dma_start3A_52 = arith.constant 0 : i32
    %dma_start3A_53 = tpu.memref_slice %arg11[%dma_start3A_51, %dma_start3A_52] : memref<128x128xf32, #tpu.memory_space<vmem>> -> memref<64x128xf32, #tpu.memory_space<vmem>>
    %dma_start3A_54 = arith.constant 64 : i32
    %dma_start3A_55 = tpu.memref_slice %arg8[%dma_start3A_50, %dma_start3A_54] : memref<40x128xi32, #tpu.memory_space<vmem>> -> memref<1x64xi32, #tpu.memory_space<vmem>>
    %dma_start3A_56 = tpu.memref_squeeze %dma_start3A_55 : memref<1x64xi32, #tpu.memory_space<vmem>> -> memref<64xi32, #tpu.memory_space<vmem>>
    %dma_start3A_57 = arith.constant 0 : i32
    %dma_start3A_58 = arith.constant 0 : i32
    %dma_start3A_59 = tpu.memref_slice %arg2[%dma_start3A_57, %dma_start3A_58] : memref<10000x128xf32, #tpu.memory_space<hbm>> -> memref<10000x128xf32, #tpu.memory_space<hbm>>
    tpu.enqueue_indirect_dma source(%dma_start3A_59 : memref<10000x128xf32, #tpu.memory_space<hbm>>) target(%dma_start3A_53 : memref<64x128xf32, #tpu.memory_space<vmem>>) offsets(%dma_start3A_56 : memref<64xi32, #tpu.memory_space<vmem>>) semaphore(%arg13 : memref<!tpu.dma_semaphore, #tpu.memory_space<semaphore_mem>>)
    %scan3A = arith.constant 0 : i32
    %scan3A_60 = arith.constant 0 : i32
    %scan3A_61 = arith.constant 20 : i32
    %scan3A_62 = arith.addi %scan3A_60, %scan3A_61 : i32
    %scan3A_63 = arith.constant 1 : i32
    scf.for %scan3A_159 = %scan3A_60 to %scan3A_62 step %scan3A_63  : i32 {
      %mul3A_160 = arith.constant 2 : i32
      %mul3A_161 = arith.muli %mul3A_160, %scan3A_159 : i32
      %dma_wait3A_162 = arith.constant 0 : i32
      %dma_wait3A_163 = arith.constant 0 : i32
      %dma_wait3A_164 = tpu.memref_slice %arg2[%dma_wait3A_162, %dma_wait3A_163] : memref<10000x128xf32, #tpu.memory_space<hbm>> -> memref<128x128xf32, #tpu.memory_space<hbm>>
      %dma_wait3A_165 = arith.constant 0 : i32
      %dma_wait3A_166 = arith.constant 0 : i32
      %dma_wait3A_167 = tpu.memref_slice %arg2[%dma_wait3A_165, %dma_wait3A_166] : memref<10000x128xf32, #tpu.memory_space<hbm>> -> memref<128x128xf32, #tpu.memory_space<hbm>>
      tpu.wait_dma2 semaphore(%arg12 : memref<!tpu.dma_semaphore, #tpu.memory_space<semaphore_mem>>) src(%dma_wait3A_167 : memref<128x128xf32, #tpu.memory_space<hbm>>) dst(%arg10 : memref<128x128xf32, #tpu.memory_space<vmem>>)
      %dma_start3A_168 = arith.constant 0 : i32
      %dma_start3A_169 = tpu.memref_slice %arg9[%mul3A_161, %dma_start3A_168] : memref<40x128xi32, #tpu.memory_space<vmem>> -> memref<1x128xi32, #tpu.memory_space<vmem>>
      %dma_start3A_170 = tpu.memref_squeeze %dma_start3A_169 : memref<1x128xi32, #tpu.memory_space<vmem>> -> memref<128xi32, #tpu.memory_space<vmem>>
      %dma_start3A_171 = arith.constant 0 : i32
      %dma_start3A_172 = arith.constant 0 : i32
      %dma_start3A_173 = tpu.memref_slice %arg7[%dma_start3A_171, %dma_start3A_172] : memref<10112x128xf32, #tpu.memory_space<vmem_shared>> -> memref<10112x128xf32, #tpu.memory_space<vmem_shared>>
      tpu.enqueue_indirect_dma source(%arg10 : memref<128x128xf32, #tpu.memory_space<vmem>>) target(%dma_start3A_173 : memref<10112x128xf32, #tpu.memory_space<vmem_shared>>) offsets(%dma_start3A_170 : memref<128xi32, #tpu.memory_space<vmem>>) semaphore(%arg14 : memref<!tpu.dma_semaphore, #tpu.memory_space<semaphore_mem>>) {add = true}
      %dma_wait3A_174 = arith.constant 0 : i32
      %dma_wait3A_175 = arith.constant 0 : i32
      %dma_wait3A_176 = tpu.memref_slice %arg2[%dma_wait3A_174, %dma_wait3A_175] : memref<10000x128xf32, #tpu.memory_space<hbm>> -> memref<128x128xf32, #tpu.memory_space<hbm>>
      %dma_wait3A_177 = arith.constant 0 : i32
      %dma_wait3A_178 = arith.constant 0 : i32
      %dma_wait3A_179 = tpu.memref_slice %arg2[%dma_wait3A_177, %dma_wait3A_178] : memref<10000x128xf32, #tpu.memory_space<hbm>> -> memref<128x128xf32, #tpu.memory_space<hbm>>
      tpu.wait_dma2 semaphore(%arg13 : memref<!tpu.dma_semaphore, #tpu.memory_space<semaphore_mem>>) src(%dma_wait3A_179 : memref<128x128xf32, #tpu.memory_space<hbm>>) dst(%arg11 : memref<128x128xf32, #tpu.memory_space<vmem>>)
      %add3A_180 = arith.constant 1 : i32
      %add3A_181 = arith.addi %mul3A_161, %add3A_180 : i32
      %dma_start3A_182 = arith.constant 0 : i32
      %dma_start3A_183 = tpu.memref_slice %arg9[%add3A_181, %dma_start3A_182] : memref<40x128xi32, #tpu.memory_space<vmem>> -> memref<1x128xi32, #tpu.memory_space<vmem>>
      %dma_start3A_184 = tpu.memref_squeeze %dma_start3A_183 : memref<1x128xi32, #tpu.memory_space<vmem>> -> memref<128xi32, #tpu.memory_space<vmem>>
      %dma_start3A_185 = arith.constant 0 : i32
      %dma_start3A_186 = arith.constant 0 : i32
      %dma_start3A_187 = tpu.memref_slice %arg7[%dma_start3A_185, %dma_start3A_186] : memref<10112x128xf32, #tpu.memory_space<vmem_shared>> -> memref<10112x128xf32, #tpu.memory_space<vmem_shared>>
      tpu.enqueue_indirect_dma source(%arg11 : memref<128x128xf32, #tpu.memory_space<vmem>>) target(%dma_start3A_187 : memref<10112x128xf32, #tpu.memory_space<vmem_shared>>) offsets(%dma_start3A_184 : memref<128xi32, #tpu.memory_space<vmem>>) semaphore(%arg15 : memref<!tpu.dma_semaphore, #tpu.memory_space<semaphore_mem>>) {add = true}
      %add3A_188 = arith.constant 2 : i32
      %add3A_189 = arith.addi %mul3A_161, %add3A_188 : i32
      %lt3A = arith.constant 40 : i32
      %lt3A_190 = arith.cmpi slt, %add3A_189, %lt3A : i32
      %convert_element_type3A = arith.extui %lt3A_190 : i1 to i32
      %cond3A = arith.constant 0 : i32
      %cond3A_191 = arith.cmpi ne, %convert_element_type3A, %cond3A : i32
      scf.if %cond3A_191 {
        %dma_wait3A_199 = arith.constant 0 : i32
        %dma_wait3A_200 = tpu.memref_slice %arg9[%mul3A_161, %dma_wait3A_199] : memref<40x128xi32, #tpu.memory_space<vmem>> -> memref<1x128xi32, #tpu.memory_space<vmem>>
        %dma_wait3A_201 = tpu.memref_squeeze %dma_wait3A_200 : memref<1x128xi32, #tpu.memory_space<vmem>> -> memref<128xi32, #tpu.memory_space<vmem>>
        %dma_wait3A_202 = arith.constant 0 : i32
        %dma_wait3A_203 = arith.constant 0 : i32
        %dma_wait3A_204 = tpu.memref_slice %arg7[%dma_wait3A_202, %dma_wait3A_203] : memref<10112x128xf32, #tpu.memory_space<vmem_shared>> -> memref<10112x128xf32, #tpu.memory_space<vmem_shared>>
        tpu.wait_indirect_dma semaphore(%arg14 : memref<!tpu.dma_semaphore, #tpu.memory_space<semaphore_mem>>) src(%arg10 : memref<128x128xf32, #tpu.memory_space<vmem>>) dst(%dma_wait3A_204 : memref<10112x128xf32, #tpu.memory_space<vmem_shared>>)
        %add3A_205 = arith.constant 2 : i32
        %add3A_206 = arith.addi %mul3A_161, %add3A_205 : i32
        %dma_start3A_207 = arith.constant 0 : i32
        %dma_start3A_208 = arith.constant 0 : i32
        %dma_start3A_209 = tpu.memref_slice %arg10[%dma_start3A_207, %dma_start3A_208] : memref<128x128xf32, #tpu.memory_space<vmem>> -> memref<64x128xf32, #tpu.memory_space<vmem>>
        %dma_start3A_210 = arith.constant 0 : i32
        %dma_start3A_211 = tpu.memref_slice %arg8[%add3A_206, %dma_start3A_210] : memref<40x128xi32, #tpu.memory_space<vmem>> -> memref<1x64xi32, #tpu.memory_space<vmem>>
        %dma_start3A_212 = tpu.memref_squeeze %dma_start3A_211 : memref<1x64xi32, #tpu.memory_space<vmem>> -> memref<64xi32, #tpu.memory_space<vmem>>
        %dma_start3A_213 = arith.constant 0 : i32
        %dma_start3A_214 = arith.constant 0 : i32
        %dma_start3A_215 = tpu.memref_slice %arg2[%dma_start3A_213, %dma_start3A_214] : memref<10000x128xf32, #tpu.memory_space<hbm>> -> memref<10000x128xf32, #tpu.memory_space<hbm>>
        tpu.enqueue_indirect_dma source(%dma_start3A_215 : memref<10000x128xf32, #tpu.memory_space<hbm>>) target(%dma_start3A_209 : memref<64x128xf32, #tpu.memory_space<vmem>>) offsets(%dma_start3A_212 : memref<64xi32, #tpu.memory_space<vmem>>) semaphore(%arg12 : memref<!tpu.dma_semaphore, #tpu.memory_space<semaphore_mem>>)
        %dma_start3A_216 = arith.constant 64 : i32
        %dma_start3A_217 = arith.constant 0 : i32
        %dma_start3A_218 = tpu.memref_slice %arg10[%dma_start3A_216, %dma_start3A_217] : memref<128x128xf32, #tpu.memory_space<vmem>> -> memref<64x128xf32, #tpu.memory_space<vmem>>
        %dma_start3A_219 = arith.constant 64 : i32
        %dma_start3A_220 = tpu.memref_slice %arg8[%add3A_206, %dma_start3A_219] : memref<40x128xi32, #tpu.memory_space<vmem>> -> memref<1x64xi32, #tpu.memory_space<vmem>>
        %dma_start3A_221 = tpu.memref_squeeze %dma_start3A_220 : memref<1x64xi32, #tpu.memory_space<vmem>> -> memref<64xi32, #tpu.memory_space<vmem>>
        %dma_start3A_222 = arith.constant 0 : i32
        %dma_start3A_223 = arith.constant 0 : i32
        %dma_start3A_224 = tpu.memref_slice %arg2[%dma_start3A_222, %dma_start3A_223] : memref<10000x128xf32, #tpu.memory_space<hbm>> -> memref<10000x128xf32, #tpu.memory_space<hbm>>
        tpu.enqueue_indirect_dma source(%dma_start3A_224 : memref<10000x128xf32, #tpu.memory_space<hbm>>) target(%dma_start3A_218 : memref<64x128xf32, #tpu.memory_space<vmem>>) offsets(%dma_start3A_221 : memref<64xi32, #tpu.memory_space<vmem>>) semaphore(%arg12 : memref<!tpu.dma_semaphore, #tpu.memory_space<semaphore_mem>>)
      } else {
      }
      %add3A_192 = arith.constant 3 : i32
      %add3A_193 = arith.addi %mul3A_161, %add3A_192 : i32
      %lt3A_194 = arith.constant 40 : i32
      %lt3A_195 = arith.cmpi slt, %add3A_193, %lt3A_194 : i32
      %convert_element_type3A_196 = arith.extui %lt3A_195 : i1 to i32
      %cond3A_197 = arith.constant 0 : i32
      %cond3A_198 = arith.cmpi ne, %convert_element_type3A_196, %cond3A_197 : i32
      scf.if %cond3A_198 {
        %add3A_199 = arith.constant 1 : i32
        %add3A_200 = arith.addi %mul3A_161, %add3A_199 : i32
        %dma_wait3A_201 = arith.constant 0 : i32
        %dma_wait3A_202 = tpu.memref_slice %arg9[%add3A_200, %dma_wait3A_201] : memref<40x128xi32, #tpu.memory_space<vmem>> -> memref<1x128xi32, #tpu.memory_space<vmem>>
        %dma_wait3A_203 = tpu.memref_squeeze %dma_wait3A_202 : memref<1x128xi32, #tpu.memory_space<vmem>> -> memref<128xi32, #tpu.memory_space<vmem>>
        %dma_wait3A_204 = arith.constant 0 : i32
        %dma_wait3A_205 = arith.constant 0 : i32
        %dma_wait3A_206 = tpu.memref_slice %arg7[%dma_wait3A_204, %dma_wait3A_205] : memref<10112x128xf32, #tpu.memory_space<vmem_shared>> -> memref<10112x128xf32, #tpu.memory_space<vmem_shared>>
        tpu.wait_indirect_dma semaphore(%arg15 : memref<!tpu.dma_semaphore, #tpu.memory_space<semaphore_mem>>) src(%arg11 : memref<128x128xf32, #tpu.memory_space<vmem>>) dst(%dma_wait3A_206 : memref<10112x128xf32, #tpu.memory_space<vmem_shared>>)
        %add3A_207 = arith.constant 3 : i32
        %add3A_208 = arith.addi %mul3A_161, %add3A_207 : i32
        %dma_start3A_209 = arith.constant 0 : i32
        %dma_start3A_210 = arith.constant 0 : i32
        %dma_start3A_211 = tpu.memref_slice %arg11[%dma_start3A_209, %dma_start3A_210] : memref<128x128xf32, #tpu.memory_space<vmem>> -> memref<64x128xf32, #tpu.memory_space<vmem>>
        %dma_start3A_212 = arith.constant 0 : i32
        %dma_start3A_213 = tpu.memref_slice %arg8[%add3A_208, %dma_start3A_212] : memref<40x128xi32, #tpu.memory_space<vmem>> -> memref<1x64xi32, #tpu.memory_space<vmem>>
        %dma_start3A_214 = tpu.memref_squeeze %dma_start3A_213 : memref<1x64xi32, #tpu.memory_space<vmem>> -> memref<64xi32, #tpu.memory_space<vmem>>
        %dma_start3A_215 = arith.constant 0 : i32
        %dma_start3A_216 = arith.constant 0 : i32
        %dma_start3A_217 = tpu.memref_slice %arg2[%dma_start3A_215, %dma_start3A_216] : memref<10000x128xf32, #tpu.memory_space<hbm>> -> memref<10000x128xf32, #tpu.memory_space<hbm>>
        tpu.enqueue_indirect_dma source(%dma_start3A_217 : memref<10000x128xf32, #tpu.memory_space<hbm>>) target(%dma_start3A_211 : memref<64x128xf32, #tpu.memory_space<vmem>>) offsets(%dma_start3A_214 : memref<64xi32, #tpu.memory_space<vmem>>) semaphore(%arg13 : memref<!tpu.dma_semaphore, #tpu.memory_space<semaphore_mem>>)
        %dma_start3A_218 = arith.constant 64 : i32
        %dma_start3A_219 = arith.constant 0 : i32
        %dma_start3A_220 = tpu.memref_slice %arg11[%dma_start3A_218, %dma_start3A_219] : memref<128x128xf32, #tpu.memory_space<vmem>> -> memref<64x128xf32, #tpu.memory_space<vmem>>
        %dma_start3A_221 = arith.constant 64 : i32
        %dma_start3A_222 = tpu.memref_slice %arg8[%add3A_208, %dma_start3A_221] : memref<40x128xi32, #tpu.memory_space<vmem>> -> memref<1x64xi32, #tpu.memory_space<vmem>>
        %dma_start3A_223 = tpu.memref_squeeze %dma_start3A_222 : memref<1x64xi32, #tpu.memory_space<vmem>> -> memref<64xi32, #tpu.memory_space<vmem>>
        %dma_start3A_224 = arith.constant 0 : i32
        %dma_start3A_225 = arith.constant 0 : i32
        %dma_start3A_226 = tpu.memref_slice %arg2[%dma_start3A_224, %dma_start3A_225] : memref<10000x128xf32, #tpu.memory_space<hbm>> -> memref<10000x128xf32, #tpu.memory_space<hbm>>
        tpu.enqueue_indirect_dma source(%dma_start3A_226 : memref<10000x128xf32, #tpu.memory_space<hbm>>) target(%dma_start3A_220 : memref<64x128xf32, #tpu.memory_space<vmem>>) offsets(%dma_start3A_223 : memref<64xi32, #tpu.memory_space<vmem>>) semaphore(%arg13 : memref<!tpu.dma_semaphore, #tpu.memory_space<semaphore_mem>>)
      } else {
      }
    }
    %scan3A_64 = arith.constant 20 : i32
    %dma_wait3A = arith.constant 38 : i32
    %dma_wait3A_65 = arith.constant 0 : i32
    %dma_wait3A_66 = tpu.memref_slice %arg9[%dma_wait3A, %dma_wait3A_65] : memref<40x128xi32, #tpu.memory_space<vmem>> -> memref<1x128xi32, #tpu.memory_space<vmem>>
    %dma_wait3A_67 = tpu.memref_squeeze %dma_wait3A_66 : memref<1x128xi32, #tpu.memory_space<vmem>> -> memref<128xi32, #tpu.memory_space<vmem>>
    %dma_wait3A_68 = arith.constant 0 : i32
    %dma_wait3A_69 = arith.constant 0 : i32
    %dma_wait3A_70 = tpu.memref_slice %arg7[%dma_wait3A_68, %dma_wait3A_69] : memref<10112x128xf32, #tpu.memory_space<vmem_shared>> -> memref<10112x128xf32, #tpu.memory_space<vmem_shared>>
    tpu.wait_indirect_dma semaphore(%arg14 : memref<!tpu.dma_semaphore, #tpu.memory_space<semaphore_mem>>) src(%arg10 : memref<128x128xf32, #tpu.memory_space<vmem>>) dst(%dma_wait3A_70 : memref<10112x128xf32, #tpu.memory_space<vmem_shared>>)
    %dma_wait3A_71 = arith.constant 39 : i32
    %dma_wait3A_72 = arith.constant 0 : i32
    %dma_wait3A_73 = tpu.memref_slice %arg9[%dma_wait3A_71, %dma_wait3A_72] : memref<40x128xi32, #tpu.memory_space<vmem>> -> memref<1x128xi32, #tpu.memory_space<vmem>>
    %dma_wait3A_74 = tpu.memref_squeeze %dma_wait3A_73 : memref<1x128xi32, #tpu.memory_space<vmem>> -> memref<128xi32, #tpu.memory_space<vmem>>
    %dma_wait3A_75 = arith.constant 0 : i32
    %dma_wait3A_76 = arith.constant 0 : i32
    %dma_wait3A_77 = tpu.memref_slice %arg7[%dma_wait3A_75, %dma_wait3A_76] : memref<10112x128xf32, #tpu.memory_space<vmem_shared>> -> memref<10112x128xf32, #tpu.memory_space<vmem_shared>>
    tpu.wait_indirect_dma semaphore(%arg15 : memref<!tpu.dma_semaphore, #tpu.memory_space<semaphore_mem>>) src(%arg11 : memref<128x128xf32, #tpu.memory_space<vmem>>) dst(%dma_wait3A_77 : memref<10112x128xf32, #tpu.memory_space<vmem_shared>>)
    "tpu.region"() ({
      %run_scoped3A = tpu.sem_alloc : memref<!tpu.dma_semaphore, #tpu.memory_space<semaphore_mem>>
      %dma_start3A_159 = arith.constant 40 : i32
      %dma_start3A_160 = arith.constant 0 : i32
      %dma_start3A_161 = tpu.memref_slice %arg3[%add3A, %dma_start3A_159, %dma_start3A_160] : memref<32x80x128xi32, #tpu.memory_space<hbm>> -> memref<1x40x128xi32, #tpu.memory_space<hbm>>
      %dma_start3A_162 = tpu.memref_squeeze %dma_start3A_161 : memref<1x40x128xi32, #tpu.memory_space<hbm>> -> memref<40x128xi32, #tpu.memory_space<hbm>>
      %dma_start3A_163 = arith.constant 40 : i32
      %dma_start3A_164 = arith.constant 0 : i32
      %dma_start3A_165 = tpu.memref_slice %arg3[%add3A, %dma_start3A_163, %dma_start3A_164] : memref<32x80x128xi32, #tpu.memory_space<hbm>> -> memref<1x40x128xi32, #tpu.memory_space<hbm>>
      %dma_start3A_166 = tpu.memref_squeeze %dma_start3A_165 : memref<1x40x128xi32, #tpu.memory_space<hbm>> -> memref<40x128xi32, #tpu.memory_space<hbm>>
      tpu.enqueue_dma source(%dma_start3A_166 : memref<40x128xi32, #tpu.memory_space<hbm>>) target(%arg8 : memref<40x128xi32, #tpu.memory_space<vmem>>) target_semaphore(%run_scoped3A : memref<!tpu.dma_semaphore, #tpu.memory_space<semaphore_mem>>)
      %dma_wait3A_167 = arith.constant 40 : i32
      %dma_wait3A_168 = arith.constant 0 : i32
      %dma_wait3A_169 = tpu.memref_slice %arg3[%add3A, %dma_wait3A_167, %dma_wait3A_168] : memref<32x80x128xi32, #tpu.memory_space<hbm>> -> memref<1x40x128xi32, #tpu.memory_space<hbm>>
      %dma_wait3A_170 = tpu.memref_squeeze %dma_wait3A_169 : memref<1x40x128xi32, #tpu.memory_space<hbm>> -> memref<40x128xi32, #tpu.memory_space<hbm>>
      %dma_wait3A_171 = arith.constant 40 : i32
      %dma_wait3A_172 = arith.constant 0 : i32
      %dma_wait3A_173 = tpu.memref_slice %arg3[%add3A, %dma_wait3A_171, %dma_wait3A_172] : memref<32x80x128xi32, #tpu.memory_space<hbm>> -> memref<1x40x128xi32, #tpu.memory_space<hbm>>
      %dma_wait3A_174 = tpu.memref_squeeze %dma_wait3A_173 : memref<1x40x128xi32, #tpu.memory_space<hbm>> -> memref<40x128xi32, #tpu.memory_space<hbm>>
      tpu.wait_dma2 semaphore(%run_scoped3A : memref<!tpu.dma_semaphore, #tpu.memory_space<semaphore_mem>>) src(%dma_wait3A_174 : memref<40x128xi32, #tpu.memory_space<hbm>>) dst(%arg8 : memref<40x128xi32, #tpu.memory_space<vmem>>)
      tpu.yield
    }) : () -> ()
    "tpu.region"() ({
      %run_scoped3A = tpu.sem_alloc : memref<!tpu.dma_semaphore, #tpu.memory_space<semaphore_mem>>
      %dma_start3A_159 = arith.constant 40 : i32
      %dma_start3A_160 = arith.constant 0 : i32
      %dma_start3A_161 = tpu.memref_slice %arg4[%add3A, %dma_start3A_159, %dma_start3A_160] : memref<32x80x128xi32, #tpu.memory_space<hbm>> -> memref<1x40x128xi32, #tpu.memory_space<hbm>>
      %dma_start3A_162 = tpu.memref_squeeze %dma_start3A_161 : memref<1x40x128xi32, #tpu.memory_space<hbm>> -> memref<40x128xi32, #tpu.memory_space<hbm>>
      %dma_start3A_163 = arith.constant 40 : i32
      %dma_start3A_164 = arith.constant 0 : i32
      %dma_start3A_165 = tpu.memref_slice %arg4[%add3A, %dma_start3A_163, %dma_start3A_164] : memref<32x80x128xi32, #tpu.memory_space<hbm>> -> memref<1x40x128xi32, #tpu.memory_space<hbm>>
      %dma_start3A_166 = tpu.memref_squeeze %dma_start3A_165 : memref<1x40x128xi32, #tpu.memory_space<hbm>> -> memref<40x128xi32, #tpu.memory_space<hbm>>
      tpu.enqueue_dma source(%dma_start3A_166 : memref<40x128xi32, #tpu.memory_space<hbm>>) target(%arg9 : memref<40x128xi32, #tpu.memory_space<vmem>>) target_semaphore(%run_scoped3A : memref<!tpu.dma_semaphore, #tpu.memory_space<semaphore_mem>>)
      %dma_wait3A_167 = arith.constant 40 : i32
      %dma_wait3A_168 = arith.constant 0 : i32
      %dma_wait3A_169 = tpu.memref_slice %arg4[%add3A, %dma_wait3A_167, %dma_wait3A_168] : memref<32x80x128xi32, #tpu.memory_space<hbm>> -> memref<1x40x128xi32, #tpu.memory_space<hbm>>
      %dma_wait3A_170 = tpu.memref_squeeze %dma_wait3A_169 : memref<1x40x128xi32, #tpu.memory_space<hbm>> -> memref<40x128xi32, #tpu.memory_space<hbm>>
      %dma_wait3A_171 = arith.constant 40 : i32
      %dma_wait3A_172 = arith.constant 0 : i32
      %dma_wait3A_173 = tpu.memref_slice %arg4[%add3A, %dma_wait3A_171, %dma_wait3A_172] : memref<32x80x128xi32, #tpu.memory_space<hbm>> -> memref<1x40x128xi32, #tpu.memory_space<hbm>>
      %dma_wait3A_174 = tpu.memref_squeeze %dma_wait3A_173 : memref<1x40x128xi32, #tpu.memory_space<hbm>> -> memref<40x128xi32, #tpu.memory_space<hbm>>
      tpu.wait_dma2 semaphore(%run_scoped3A : memref<!tpu.dma_semaphore, #tpu.memory_space<semaphore_mem>>) src(%dma_wait3A_174 : memref<40x128xi32, #tpu.memory_space<hbm>>) dst(%arg9 : memref<40x128xi32, #tpu.memory_space<vmem>>)
      tpu.yield
    }) : () -> ()
    %dma_start3A_78 = arith.constant 0 : i32
    %dma_start3A_79 = arith.constant 0 : i32
    %dma_start3A_80 = arith.constant 0 : i32
    %dma_start3A_81 = tpu.memref_slice %arg10[%dma_start3A_79, %dma_start3A_80] : memref<128x128xf32, #tpu.memory_space<vmem>> -> memref<64x128xf32, #tpu.memory_space<vmem>>
    %dma_start3A_82 = arith.constant 0 : i32
    %dma_start3A_83 = tpu.memref_slice %arg8[%dma_start3A_78, %dma_start3A_82] : memref<40x128xi32, #tpu.memory_space<vmem>> -> memref<1x64xi32, #tpu.memory_space<vmem>>
    %dma_start3A_84 = tpu.memref_squeeze %dma_start3A_83 : memref<1x64xi32, #tpu.memory_space<vmem>> -> memref<64xi32, #tpu.memory_space<vmem>>
    %dma_start3A_85 = arith.constant 0 : i32
    %dma_start3A_86 = arith.constant 0 : i32
    %dma_start3A_87 = tpu.memref_slice %arg2[%dma_start3A_85, %dma_start3A_86] : memref<10000x128xf32, #tpu.memory_space<hbm>> -> memref<10000x128xf32, #tpu.memory_space<hbm>>
    tpu.enqueue_indirect_dma source(%dma_start3A_87 : memref<10000x128xf32, #tpu.memory_space<hbm>>) target(%dma_start3A_81 : memref<64x128xf32, #tpu.memory_space<vmem>>) offsets(%dma_start3A_84 : memref<64xi32, #tpu.memory_space<vmem>>) semaphore(%arg12 : memref<!tpu.dma_semaphore, #tpu.memory_space<semaphore_mem>>)
    %dma_start3A_88 = arith.constant 0 : i32
    %dma_start3A_89 = arith.constant 64 : i32
    %dma_start3A_90 = arith.constant 0 : i32
    %dma_start3A_91 = tpu.memref_slice %arg10[%dma_start3A_89, %dma_start3A_90] : memref<128x128xf32, #tpu.memory_space<vmem>> -> memref<64x128xf32, #tpu.memory_space<vmem>>
    %dma_start3A_92 = arith.constant 64 : i32
    %dma_start3A_93 = tpu.memref_slice %arg8[%dma_start3A_88, %dma_start3A_92] : memref<40x128xi32, #tpu.memory_space<vmem>> -> memref<1x64xi32, #tpu.memory_space<vmem>>
    %dma_start3A_94 = tpu.memref_squeeze %dma_start3A_93 : memref<1x64xi32, #tpu.memory_space<vmem>> -> memref<64xi32, #tpu.memory_space<vmem>>
    %dma_start3A_95 = arith.constant 0 : i32
    %dma_start3A_96 = arith.constant 0 : i32
    %dma_start3A_97 = tpu.memref_slice %arg2[%dma_start3A_95, %dma_start3A_96] : memref<10000x128xf32, #tpu.memory_space<hbm>> -> memref<10000x128xf32, #tpu.memory_space<hbm>>
    tpu.enqueue_indirect_dma source(%dma_start3A_97 : memref<10000x128xf32, #tpu.memory_space<hbm>>) target(%dma_start3A_91 : memref<64x128xf32, #tpu.memory_space<vmem>>) offsets(%dma_start3A_94 : memref<64xi32, #tpu.memory_space<vmem>>) semaphore(%arg12 : memref<!tpu.dma_semaphore, #tpu.memory_space<semaphore_mem>>)
    %dma_start3A_98 = arith.constant 1 : i32
    %dma_start3A_99 = arith.constant 0 : i32
    %dma_start3A_100 = arith.constant 0 : i32
    %dma_start3A_101 = tpu.memref_slice %arg11[%dma_start3A_99, %dma_start3A_100] : memref<128x128xf32, #tpu.memory_space<vmem>> -> memref<64x128xf32, #tpu.memory_space<vmem>>
    %dma_start3A_102 = arith.constant 0 : i32
    %dma_start3A_103 = tpu.memref_slice %arg8[%dma_start3A_98, %dma_start3A_102] : memref<40x128xi32, #tpu.memory_space<vmem>> -> memref<1x64xi32, #tpu.memory_space<vmem>>
    %dma_start3A_104 = tpu.memref_squeeze %dma_start3A_103 : memref<1x64xi32, #tpu.memory_space<vmem>> -> memref<64xi32, #tpu.memory_space<vmem>>
    %dma_start3A_105 = arith.constant 0 : i32
    %dma_start3A_106 = arith.constant 0 : i32
    %dma_start3A_107 = tpu.memref_slice %arg2[%dma_start3A_105, %dma_start3A_106] : memref<10000x128xf32, #tpu.memory_space<hbm>> -> memref<10000x128xf32, #tpu.memory_space<hbm>>
    tpu.enqueue_indirect_dma source(%dma_start3A_107 : memref<10000x128xf32, #tpu.memory_space<hbm>>) target(%dma_start3A_101 : memref<64x128xf32, #tpu.memory_space<vmem>>) offsets(%dma_start3A_104 : memref<64xi32, #tpu.memory_space<vmem>>) semaphore(%arg13 : memref<!tpu.dma_semaphore, #tpu.memory_space<semaphore_mem>>)
    %dma_start3A_108 = arith.constant 1 : i32
    %dma_start3A_109 = arith.constant 64 : i32
    %dma_start3A_110 = arith.constant 0 : i32
    %dma_start3A_111 = tpu.memref_slice %arg11[%dma_start3A_109, %dma_start3A_110] : memref<128x128xf32, #tpu.memory_space<vmem>> -> memref<64x128xf32, #tpu.memory_space<vmem>>
    %dma_start3A_112 = arith.constant 64 : i32
    %dma_start3A_113 = tpu.memref_slice %arg8[%dma_start3A_108, %dma_start3A_112] : memref<40x128xi32, #tpu.memory_space<vmem>> -> memref<1x64xi32, #tpu.memory_space<vmem>>
    %dma_start3A_114 = tpu.memref_squeeze %dma_start3A_113 : memref<1x64xi32, #tpu.memory_space<vmem>> -> memref<64xi32, #tpu.memory_space<vmem>>
    %dma_start3A_115 = arith.constant 0 : i32
    %dma_start3A_116 = arith.constant 0 : i32
    %dma_start3A_117 = tpu.memref_slice %arg2[%dma_start3A_115, %dma_start3A_116] : memref<10000x128xf32, #tpu.memory_space<hbm>> -> memref<10000x128xf32, #tpu.memory_space<hbm>>
    tpu.enqueue_indirect_dma source(%dma_start3A_117 : memref<10000x128xf32, #tpu.memory_space<hbm>>) target(%dma_start3A_111 : memref<64x128xf32, #tpu.memory_space<vmem>>) offsets(%dma_start3A_114 : memref<64xi32, #tpu.memory_space<vmem>>) semaphore(%arg13 : memref<!tpu.dma_semaphore, #tpu.memory_space<semaphore_mem>>)
    %scan3A_118 = arith.constant 0 : i32
    %scan3A_119 = arith.constant 0 : i32
    %scan3A_120 = arith.constant 20 : i32
    %scan3A_121 = arith.addi %scan3A_119, %scan3A_120 : i32
    %scan3A_122 = arith.constant 1 : i32
    scf.for %scan3A_159 = %scan3A_119 to %scan3A_121 step %scan3A_122  : i32 {
      %mul3A_160 = arith.constant 2 : i32
      %mul3A_161 = arith.muli %mul3A_160, %scan3A_159 : i32
      %dma_wait3A_162 = arith.constant 0 : i32
      %dma_wait3A_163 = arith.constant 0 : i32
      %dma_wait3A_164 = tpu.memref_slice %arg2[%dma_wait3A_162, %dma_wait3A_163] : memref<10000x128xf32, #tpu.memory_space<hbm>> -> memref<128x128xf32, #tpu.memory_space<hbm>>
      %dma_wait3A_165 = arith.constant 0 : i32
      %dma_wait3A_166 = arith.constant 0 : i32
      %dma_wait3A_167 = tpu.memref_slice %arg2[%dma_wait3A_165, %dma_wait3A_166] : memref<10000x128xf32, #tpu.memory_space<hbm>> -> memref<128x128xf32, #tpu.memory_space<hbm>>
      tpu.wait_dma2 semaphore(%arg12 : memref<!tpu.dma_semaphore, #tpu.memory_space<semaphore_mem>>) src(%dma_wait3A_167 : memref<128x128xf32, #tpu.memory_space<hbm>>) dst(%arg10 : memref<128x128xf32, #tpu.memory_space<vmem>>)
      %dma_start3A_168 = arith.constant 0 : i32
      %dma_start3A_169 = tpu.memref_slice %arg9[%mul3A_161, %dma_start3A_168] : memref<40x128xi32, #tpu.memory_space<vmem>> -> memref<1x128xi32, #tpu.memory_space<vmem>>
      %dma_start3A_170 = tpu.memref_squeeze %dma_start3A_169 : memref<1x128xi32, #tpu.memory_space<vmem>> -> memref<128xi32, #tpu.memory_space<vmem>>
      %dma_start3A_171 = arith.constant 0 : i32
      %dma_start3A_172 = arith.constant 0 : i32
      %dma_start3A_173 = tpu.memref_slice %arg7[%dma_start3A_171, %dma_start3A_172] : memref<10112x128xf32, #tpu.memory_space<vmem_shared>> -> memref<10112x128xf32, #tpu.memory_space<vmem_shared>>
      tpu.enqueue_indirect_dma source(%arg10 : memref<128x128xf32, #tpu.memory_space<vmem>>) target(%dma_start3A_173 : memref<10112x128xf32, #tpu.memory_space<vmem_shared>>) offsets(%dma_start3A_170 : memref<128xi32, #tpu.memory_space<vmem>>) semaphore(%arg14 : memref<!tpu.dma_semaphore, #tpu.memory_space<semaphore_mem>>) {add = true}
      %dma_wait3A_174 = arith.constant 0 : i32
      %dma_wait3A_175 = arith.constant 0 : i32
      %dma_wait3A_176 = tpu.memref_slice %arg2[%dma_wait3A_174, %dma_wait3A_175] : memref<10000x128xf32, #tpu.memory_space<hbm>> -> memref<128x128xf32, #tpu.memory_space<hbm>>
      %dma_wait3A_177 = arith.constant 0 : i32
      %dma_wait3A_178 = arith.constant 0 : i32
      %dma_wait3A_179 = tpu.memref_slice %arg2[%dma_wait3A_177, %dma_wait3A_178] : memref<10000x128xf32, #tpu.memory_space<hbm>> -> memref<128x128xf32, #tpu.memory_space<hbm>>
      tpu.wait_dma2 semaphore(%arg13 : memref<!tpu.dma_semaphore, #tpu.memory_space<semaphore_mem>>) src(%dma_wait3A_179 : memref<128x128xf32, #tpu.memory_space<hbm>>) dst(%arg11 : memref<128x128xf32, #tpu.memory_space<vmem>>)
      %add3A_180 = arith.constant 1 : i32
      %add3A_181 = arith.addi %mul3A_161, %add3A_180 : i32
      %dma_start3A_182 = arith.constant 0 : i32
      %dma_start3A_183 = tpu.memref_slice %arg9[%add3A_181, %dma_start3A_182] : memref<40x128xi32, #tpu.memory_space<vmem>> -> memref<1x128xi32, #tpu.memory_space<vmem>>
      %dma_start3A_184 = tpu.memref_squeeze %dma_start3A_183 : memref<1x128xi32, #tpu.memory_space<vmem>> -> memref<128xi32, #tpu.memory_space<vmem>>
      %dma_start3A_185 = arith.constant 0 : i32
      %dma_start3A_186 = arith.constant 0 : i32
      %dma_start3A_187 = tpu.memref_slice %arg7[%dma_start3A_185, %dma_start3A_186] : memref<10112x128xf32, #tpu.memory_space<vmem_shared>> -> memref<10112x128xf32, #tpu.memory_space<vmem_shared>>
      tpu.enqueue_indirect_dma source(%arg11 : memref<128x128xf32, #tpu.memory_space<vmem>>) target(%dma_start3A_187 : memref<10112x128xf32, #tpu.memory_space<vmem_shared>>) offsets(%dma_start3A_184 : memref<128xi32, #tpu.memory_space<vmem>>) semaphore(%arg15 : memref<!tpu.dma_semaphore, #tpu.memory_space<semaphore_mem>>) {add = true}
      %add3A_188 = arith.constant 2 : i32
      %add3A_189 = arith.addi %mul3A_161, %add3A_188 : i32
      %lt3A = arith.constant 40 : i32
      %lt3A_190 = arith.cmpi slt, %add3A_189, %lt3A : i32
      %convert_element_type3A = arith.extui %lt3A_190 : i1 to i32
      %cond3A = arith.constant 0 : i32
      %cond3A_191 = arith.cmpi ne, %convert_element_type3A, %cond3A : i32
      scf.if %cond3A_191 {
        %dma_wait3A_199 = arith.constant 0 : i32
        %dma_wait3A_200 = tpu.memref_slice %arg9[%mul3A_161, %dma_wait3A_199] : memref<40x128xi32, #tpu.memory_space<vmem>> -> memref<1x128xi32, #tpu.memory_space<vmem>>
        %dma_wait3A_201 = tpu.memref_squeeze %dma_wait3A_200 : memref<1x128xi32, #tpu.memory_space<vmem>> -> memref<128xi32, #tpu.memory_space<vmem>>
        %dma_wait3A_202 = arith.constant 0 : i32
        %dma_wait3A_203 = arith.constant 0 : i32
        %dma_wait3A_204 = tpu.memref_slice %arg7[%dma_wait3A_202, %dma_wait3A_203] : memref<10112x128xf32, #tpu.memory_space<vmem_shared>> -> memref<10112x128xf32, #tpu.memory_space<vmem_shared>>
        tpu.wait_indirect_dma semaphore(%arg14 : memref<!tpu.dma_semaphore, #tpu.memory_space<semaphore_mem>>) src(%arg10 : memref<128x128xf32, #tpu.memory_space<vmem>>) dst(%dma_wait3A_204 : memref<10112x128xf32, #tpu.memory_space<vmem_shared>>)
        %add3A_205 = arith.constant 2 : i32
        %add3A_206 = arith.addi %mul3A_161, %add3A_205 : i32
        %dma_start3A_207 = arith.constant 0 : i32
        %dma_start3A_208 = arith.constant 0 : i32
        %dma_start3A_209 = tpu.memref_slice %arg10[%dma_start3A_207, %dma_start3A_208] : memref<128x128xf32, #tpu.memory_space<vmem>> -> memref<64x128xf32, #tpu.memory_space<vmem>>
        %dma_start3A_210 = arith.constant 0 : i32
        %dma_start3A_211 = tpu.memref_slice %arg8[%add3A_206, %dma_start3A_210] : memref<40x128xi32, #tpu.memory_space<vmem>> -> memref<1x64xi32, #tpu.memory_space<vmem>>
        %dma_start3A_212 = tpu.memref_squeeze %dma_start3A_211 : memref<1x64xi32, #tpu.memory_space<vmem>> -> memref<64xi32, #tpu.memory_space<vmem>>
        %dma_start3A_213 = arith.constant 0 : i32
        %dma_start3A_214 = arith.constant 0 : i32
        %dma_start3A_215 = tpu.memref_slice %arg2[%dma_start3A_213, %dma_start3A_214] : memref<10000x128xf32, #tpu.memory_space<hbm>> -> memref<10000x128xf32, #tpu.memory_space<hbm>>
        tpu.enqueue_indirect_dma source(%dma_start3A_215 : memref<10000x128xf32, #tpu.memory_space<hbm>>) target(%dma_start3A_209 : memref<64x128xf32, #tpu.memory_space<vmem>>) offsets(%dma_start3A_212 : memref<64xi32, #tpu.memory_space<vmem>>) semaphore(%arg12 : memref<!tpu.dma_semaphore, #tpu.memory_space<semaphore_mem>>)
        %dma_start3A_216 = arith.constant 64 : i32
        %dma_start3A_217 = arith.constant 0 : i32
        %dma_start3A_218 = tpu.memref_slice %arg10[%dma_start3A_216, %dma_start3A_217] : memref<128x128xf32, #tpu.memory_space<vmem>> -> memref<64x128xf32, #tpu.memory_space<vmem>>
        %dma_start3A_219 = arith.constant 64 : i32
        %dma_start3A_220 = tpu.memref_slice %arg8[%add3A_206, %dma_start3A_219] : memref<40x128xi32, #tpu.memory_space<vmem>> -> memref<1x64xi32, #tpu.memory_space<vmem>>
        %dma_start3A_221 = tpu.memref_squeeze %dma_start3A_220 : memref<1x64xi32, #tpu.memory_space<vmem>> -> memref<64xi32, #tpu.memory_space<vmem>>
        %dma_start3A_222 = arith.constant 0 : i32
        %dma_start3A_223 = arith.constant 0 : i32
        %dma_start3A_224 = tpu.memref_slice %arg2[%dma_start3A_222, %dma_start3A_223] : memref<10000x128xf32, #tpu.memory_space<hbm>> -> memref<10000x128xf32, #tpu.memory_space<hbm>>
        tpu.enqueue_indirect_dma source(%dma_start3A_224 : memref<10000x128xf32, #tpu.memory_space<hbm>>) target(%dma_start3A_218 : memref<64x128xf32, #tpu.memory_space<vmem>>) offsets(%dma_start3A_221 : memref<64xi32, #tpu.memory_space<vmem>>) semaphore(%arg12 : memref<!tpu.dma_semaphore, #tpu.memory_space<semaphore_mem>>)
      } else {
      }
      %add3A_192 = arith.constant 3 : i32
      %add3A_193 = arith.addi %mul3A_161, %add3A_192 : i32
      %lt3A_194 = arith.constant 40 : i32
      %lt3A_195 = arith.cmpi slt, %add3A_193, %lt3A_194 : i32
      %convert_element_type3A_196 = arith.extui %lt3A_195 : i1 to i32
      %cond3A_197 = arith.constant 0 : i32
      %cond3A_198 = arith.cmpi ne, %convert_element_type3A_196, %cond3A_197 : i32
      scf.if %cond3A_198 {
        %add3A_199 = arith.constant 1 : i32
        %add3A_200 = arith.addi %mul3A_161, %add3A_199 : i32
        %dma_wait3A_201 = arith.constant 0 : i32
        %dma_wait3A_202 = tpu.memref_slice %arg9[%add3A_200, %dma_wait3A_201] : memref<40x128xi32, #tpu.memory_space<vmem>> -> memref<1x128xi32, #tpu.memory_space<vmem>>
        %dma_wait3A_203 = tpu.memref_squeeze %dma_wait3A_202 : memref<1x128xi32, #tpu.memory_space<vmem>> -> memref<128xi32, #tpu.memory_space<vmem>>
        %dma_wait3A_204 = arith.constant 0 : i32
        %dma_wait3A_205 = arith.constant 0 : i32
        %dma_wait3A_206 = tpu.memref_slice %arg7[%dma_wait3A_204, %dma_wait3A_205] : memref<10112x128xf32, #tpu.memory_space<vmem_shared>> -> memref<10112x128xf32, #tpu.memory_space<vmem_shared>>
        tpu.wait_indirect_dma semaphore(%arg15 : memref<!tpu.dma_semaphore, #tpu.memory_space<semaphore_mem>>) src(%arg11 : memref<128x128xf32, #tpu.memory_space<vmem>>) dst(%dma_wait3A_206 : memref<10112x128xf32, #tpu.memory_space<vmem_shared>>)
        %add3A_207 = arith.constant 3 : i32
        %add3A_208 = arith.addi %mul3A_161, %add3A_207 : i32
        %dma_start3A_209 = arith.constant 0 : i32
        %dma_start3A_210 = arith.constant 0 : i32
        %dma_start3A_211 = tpu.memref_slice %arg11[%dma_start3A_209, %dma_start3A_210] : memref<128x128xf32, #tpu.memory_space<vmem>> -> memref<64x128xf32, #tpu.memory_space<vmem>>
        %dma_start3A_212 = arith.constant 0 : i32
        %dma_start3A_213 = tpu.memref_slice %arg8[%add3A_208, %dma_start3A_212] : memref<40x128xi32, #tpu.memory_space<vmem>> -> memref<1x64xi32, #tpu.memory_space<vmem>>
        %dma_start3A_214 = tpu.memref_squeeze %dma_start3A_213 : memref<1x64xi32, #tpu.memory_space<vmem>> -> memref<64xi32, #tpu.memory_space<vmem>>
        %dma_start3A_215 = arith.constant 0 : i32
        %dma_start3A_216 = arith.constant 0 : i32
        %dma_start3A_217 = tpu.memref_slice %arg2[%dma_start3A_215, %dma_start3A_216] : memref<10000x128xf32, #tpu.memory_space<hbm>> -> memref<10000x128xf32, #tpu.memory_space<hbm>>
        tpu.enqueue_indirect_dma source(%dma_start3A_217 : memref<10000x128xf32, #tpu.memory_space<hbm>>) target(%dma_start3A_211 : memref<64x128xf32, #tpu.memory_space<vmem>>) offsets(%dma_start3A_214 : memref<64xi32, #tpu.memory_space<vmem>>) semaphore(%arg13 : memref<!tpu.dma_semaphore, #tpu.memory_space<semaphore_mem>>)
        %dma_start3A_218 = arith.constant 64 : i32
        %dma_start3A_219 = arith.constant 0 : i32
        %dma_start3A_220 = tpu.memref_slice %arg11[%dma_start3A_218, %dma_start3A_219] : memref<128x128xf32, #tpu.memory_space<vmem>> -> memref<64x128xf32, #tpu.memory_space<vmem>>
        %dma_start3A_221 = arith.constant 64 : i32
        %dma_start3A_222 = tpu.memref_slice %arg8[%add3A_208, %dma_start3A_221] : memref<40x128xi32, #tpu.memory_space<vmem>> -> memref<1x64xi32, #tpu.memory_space<vmem>>
        %dma_start3A_223 = tpu.memref_squeeze %dma_start3A_222 : memref<1x64xi32, #tpu.memory_space<vmem>> -> memref<64xi32, #tpu.memory_space<vmem>>
        %dma_start3A_224 = arith.constant 0 : i32
        %dma_start3A_225 = arith.constant 0 : i32
        %dma_start3A_226 = tpu.memref_slice %arg2[%dma_start3A_224, %dma_start3A_225] : memref<10000x128xf32, #tpu.memory_space<hbm>> -> memref<10000x128xf32, #tpu.memory_space<hbm>>
        tpu.enqueue_indirect_dma source(%dma_start3A_226 : memref<10000x128xf32, #tpu.memory_space<hbm>>) target(%dma_start3A_220 : memref<64x128xf32, #tpu.memory_space<vmem>>) offsets(%dma_start3A_223 : memref<64xi32, #tpu.memory_space<vmem>>) semaphore(%arg13 : memref<!tpu.dma_semaphore, #tpu.memory_space<semaphore_mem>>)
      } else {
      }
    }
    %scan3A_123 = arith.constant 20 : i32
    %dma_wait3A_124 = arith.constant 38 : i32
    %dma_wait3A_125 = arith.constant 0 : i32
    %dma_wait3A_126 = tpu.memref_slice %arg9[%dma_wait3A_124, %dma_wait3A_125] : memref<40x128xi32, #tpu.memory_space<vmem>> -> memref<1x128xi32, #tpu.memory_space<vmem>>
    %dma_wait3A_127 = tpu.memref_squeeze %dma_wait3A_126 : memref<1x128xi32, #tpu.memory_space<vmem>> -> memref<128xi32, #tpu.memory_space<vmem>>
    %dma_wait3A_128 = arith.constant 0 : i32
    %dma_wait3A_129 = arith.constant 0 : i32
    %dma_wait3A_130 = tpu.memref_slice %arg7[%dma_wait3A_128, %dma_wait3A_129] : memref<10112x128xf32, #tpu.memory_space<vmem_shared>> -> memref<10112x128xf32, #tpu.memory_space<vmem_shared>>
    tpu.wait_indirect_dma semaphore(%arg14 : memref<!tpu.dma_semaphore, #tpu.memory_space<semaphore_mem>>) src(%arg10 : memref<128x128xf32, #tpu.memory_space<vmem>>) dst(%dma_wait3A_130 : memref<10112x128xf32, #tpu.memory_space<vmem_shared>>)
    %dma_wait3A_131 = arith.constant 39 : i32
    %dma_wait3A_132 = arith.constant 0 : i32
    %dma_wait3A_133 = tpu.memref_slice %arg9[%dma_wait3A_131, %dma_wait3A_132] : memref<40x128xi32, #tpu.memory_space<vmem>> -> memref<1x128xi32, #tpu.memory_space<vmem>>
    %dma_wait3A_134 = tpu.memref_squeeze %dma_wait3A_133 : memref<1x128xi32, #tpu.memory_space<vmem>> -> memref<128xi32, #tpu.memory_space<vmem>>
    %dma_wait3A_135 = arith.constant 0 : i32
    %dma_wait3A_136 = arith.constant 0 : i32
    %dma_wait3A_137 = tpu.memref_slice %arg7[%dma_wait3A_135, %dma_wait3A_136] : memref<10112x128xf32, #tpu.memory_space<vmem_shared>> -> memref<10112x128xf32, #tpu.memory_space<vmem_shared>>
    tpu.wait_indirect_dma semaphore(%arg15 : memref<!tpu.dma_semaphore, #tpu.memory_space<semaphore_mem>>) src(%arg11 : memref<128x128xf32, #tpu.memory_space<vmem>>) dst(%dma_wait3A_137 : memref<10112x128xf32, #tpu.memory_space<vmem_shared>>)
    %barrier3A_138 = arith.constant 0 : index
    tpu.barrier barrier_id(%barrier3A_138)
    %mul3A_139 = arith.constant 632 : i32
    %mul3A_140 = arith.muli %arg1, %mul3A_139 : i32
    %add3A_141 = arith.constant 0 : i32
    %add3A_142 = arith.addi %mul3A_140, %add3A_141 : i32
    "tpu.region"() ({
      %run_scoped3A = tpu.sem_alloc : memref<!tpu.dma_semaphore, #tpu.memory_space<semaphore_mem>>
      %dma_start3A_159 = arith.constant 0 : i32
      %dma_start3A_160 = arith.constant 0 : i32
      %dma_start3A_161 = tpu.memref_slice %arg10[%dma_start3A_159, %dma_start3A_160] : memref<128x128xf32, #tpu.memory_space<vmem>> -> memref<128x128xf32, #tpu.memory_space<vmem>>
      %dma_start3A_162 = arith.constant 0 : i32
      %dma_start3A_163 = tpu.memref_slice %arg7[%add3A_142, %dma_start3A_162] : memref<10112x128xf32, #tpu.memory_space<vmem_shared>> -> memref<128x128xf32, #tpu.memory_space<vmem_shared>>
      %dma_start3A_164 = arith.constant 0 : i32
      %dma_start3A_165 = arith.constant 0 : i32
      %dma_start3A_166 = tpu.memref_slice %arg10[%dma_start3A_164, %dma_start3A_165] : memref<128x128xf32, #tpu.memory_space<vmem>> -> memref<128x128xf32, #tpu.memory_space<vmem>>
      %dma_start3A_167 = arith.constant 0 : i32
      %dma_start3A_168 = tpu.memref_slice %arg7[%add3A_142, %dma_start3A_167] : memref<10112x128xf32, #tpu.memory_space<vmem_shared>> -> memref<128x128xf32, #tpu.memory_space<vmem_shared>>
      tpu.enqueue_dma source(%dma_start3A_168 : memref<128x128xf32, #tpu.memory_space<vmem_shared>>) target(%dma_start3A_166 : memref<128x128xf32, #tpu.memory_space<vmem>>) target_semaphore(%run_scoped3A : memref<!tpu.dma_semaphore, #tpu.memory_space<semaphore_mem>>)
      %dma_wait3A_169 = arith.constant 0 : i32
      %dma_wait3A_170 = arith.constant 0 : i32
      %dma_wait3A_171 = tpu.memref_slice %arg10[%dma_wait3A_169, %dma_wait3A_170] : memref<128x128xf32, #tpu.memory_space<vmem>> -> memref<128x128xf32, #tpu.memory_space<vmem>>
      %dma_wait3A_172 = arith.constant 0 : i32
      %dma_wait3A_173 = tpu.memref_slice %arg7[%add3A_142, %dma_wait3A_172] : memref<10112x128xf32, #tpu.memory_space<vmem_shared>> -> memref<128x128xf32, #tpu.memory_space<vmem_shared>>
      %dma_wait3A_174 = arith.constant 0 : i32
      %dma_wait3A_175 = arith.constant 0 : i32
      %dma_wait3A_176 = tpu.memref_slice %arg10[%dma_wait3A_174, %dma_wait3A_175] : memref<128x128xf32, #tpu.memory_space<vmem>> -> memref<128x128xf32, #tpu.memory_space<vmem>>
      %dma_wait3A_177 = arith.constant 0 : i32
      %dma_wait3A_178 = tpu.memref_slice %arg7[%add3A_142, %dma_wait3A_177] : memref<10112x128xf32, #tpu.memory_space<vmem_shared>> -> memref<128x128xf32, #tpu.memory_space<vmem_shared>>
      tpu.wait_dma2 semaphore(%run_scoped3A : memref<!tpu.dma_semaphore, #tpu.memory_space<semaphore_mem>>) src(%dma_wait3A_178 : memref<128x128xf32, #tpu.memory_space<vmem_shared>>) dst(%dma_wait3A_176 : memref<128x128xf32, #tpu.memory_space<vmem>>)
      tpu.yield
    }) : () -> ()
    "tpu.region"() ({
      %run_scoped3A = tpu.sem_alloc : memref<!tpu.dma_semaphore, #tpu.memory_space<semaphore_mem>>
      %dma_start3A_159 = arith.constant 0 : i32
      %dma_start3A_160 = arith.constant 0 : i32
      %dma_start3A_161 = tpu.memref_slice %arg10[%dma_start3A_159, %dma_start3A_160] : memref<128x128xf32, #tpu.memory_space<vmem>> -> memref<128x128xf32, #tpu.memory_space<vmem>>
      %dma_start3A_162 = arith.constant 0 : i32
      %dma_start3A_163 = tpu.memref_slice %arg6[%arg0, %add3A_142, %dma_start3A_162] : memref<2x10112x128xf32, #tpu.memory_space<hbm>> -> memref<1x128x128xf32, #tpu.memory_space<hbm>>
      %dma_start3A_164 = tpu.memref_squeeze %dma_start3A_163 : memref<1x128x128xf32, #tpu.memory_space<hbm>> -> memref<128x128xf32, #tpu.memory_space<hbm>>
      %dma_start3A_165 = arith.constant 0 : i32
      %dma_start3A_166 = tpu.memref_slice %arg6[%arg0, %add3A_142, %dma_start3A_165] : memref<2x10112x128xf32, #tpu.memory_space<hbm>> -> memref<1x128x128xf32, #tpu.memory_space<hbm>>
      %dma_start3A_167 = tpu.memref_squeeze %dma_start3A_166 : memref<1x128x128xf32, #tpu.memory_space<hbm>> -> memref<128x128xf32, #tpu.memory_space<hbm>>
      %dma_start3A_168 = arith.constant 0 : i32
      %dma_start3A_169 = arith.constant 0 : i32
      %dma_start3A_170 = tpu.memref_slice %arg10[%dma_start3A_168, %dma_start3A_169] : memref<128x128xf32, #tpu.memory_space<vmem>> -> memref<128x128xf32, #tpu.memory_space<vmem>>
      tpu.enqueue_dma source(%dma_start3A_170 : memref<128x128xf32, #tpu.memory_space<vmem>>) target(%dma_start3A_167 : memref<128x128xf32, #tpu.memory_space<hbm>>) target_semaphore(%run_scoped3A : memref<!tpu.dma_semaphore, #tpu.memory_space<semaphore_mem>>)
      %dma_wait3A_171 = arith.constant 0 : i32
      %dma_wait3A_172 = arith.constant 0 : i32
      %dma_wait3A_173 = tpu.memref_slice %arg10[%dma_wait3A_171, %dma_wait3A_172] : memref<128x128xf32, #tpu.memory_space<vmem>> -> memref<128x128xf32, #tpu.memory_space<vmem>>
      %dma_wait3A_174 = arith.constant 0 : i32
      %dma_wait3A_175 = tpu.memref_slice %arg6[%arg0, %add3A_142, %dma_wait3A_174] : memref<2x10112x128xf32, #tpu.memory_space<hbm>> -> memref<1x128x128xf32, #tpu.memory_space<hbm>>
      %dma_wait3A_176 = tpu.memref_squeeze %dma_wait3A_175 : memref<1x128x128xf32, #tpu.memory_space<hbm>> -> memref<128x128xf32, #tpu.memory_space<hbm>>
      %dma_wait3A_177 = arith.constant 0 : i32
      %dma_wait3A_178 = tpu.memref_slice %arg6[%arg0, %add3A_142, %dma_wait3A_177] : memref<2x10112x128xf32, #tpu.memory_space<hbm>> -> memref<1x128x128xf32, #tpu.memory_space<hbm>>
      %dma_wait3A_179 = tpu.memref_squeeze %dma_wait3A_178 : memref<1x128x128xf32, #tpu.memory_space<hbm>> -> memref<128x128xf32, #tpu.memory_space<hbm>>
      %dma_wait3A_180 = arith.constant 0 : i32
      %dma_wait3A_181 = arith.constant 0 : i32
      %dma_wait3A_182 = tpu.memref_slice %arg10[%dma_wait3A_180, %dma_wait3A_181] : memref<128x128xf32, #tpu.memory_space<vmem>> -> memref<128x128xf32, #tpu.memory_space<vmem>>
      tpu.wait_dma2 semaphore(%run_scoped3A : memref<!tpu.dma_semaphore, #tpu.memory_space<semaphore_mem>>) src(%dma_wait3A_182 : memref<128x128xf32, #tpu.memory_space<vmem>>) dst(%dma_wait3A_179 : memref<128x128xf32, #tpu.memory_space<hbm>>)
      tpu.yield
    }) : () -> ()
    %mul3A_143 = arith.constant 632 : i32
    %mul3A_144 = arith.muli %arg1, %mul3A_143 : i32
    %add3A_145 = arith.constant 128 : i32
    %add3A_146 = arith.addi %mul3A_144, %add3A_145 : i32
    "tpu.region"() ({
      %run_scoped3A = tpu.sem_alloc : memref<!tpu.dma_semaphore, #tpu.memory_space<semaphore_mem>>
      %dma_start3A_159 = arith.constant 0 : i32
      %dma_start3A_160 = arith.constant 0 : i32
      %dma_start3A_161 = tpu.memref_slice %arg10[%dma_start3A_159, %dma_start3A_160] : memref<128x128xf32, #tpu.memory_space<vmem>> -> memref<128x128xf32, #tpu.memory_space<vmem>>
      %dma_start3A_162 = arith.constant 0 : i32
      %dma_start3A_163 = tpu.memref_slice %arg7[%add3A_146, %dma_start3A_162] : memref<10112x128xf32, #tpu.memory_space<vmem_shared>> -> memref<128x128xf32, #tpu.memory_space<vmem_shared>>
      %dma_start3A_164 = arith.constant 0 : i32
      %dma_start3A_165 = arith.constant 0 : i32
      %dma_start3A_166 = tpu.memref_slice %arg10[%dma_start3A_164, %dma_start3A_165] : memref<128x128xf32, #tpu.memory_space<vmem>> -> memref<128x128xf32, #tpu.memory_space<vmem>>
      %dma_start3A_167 = arith.constant 0 : i32
      %dma_start3A_168 = tpu.memref_slice %arg7[%add3A_146, %dma_start3A_167] : memref<10112x128xf32, #tpu.memory_space<vmem_shared>> -> memref<128x128xf32, #tpu.memory_space<vmem_shared>>
      tpu.enqueue_dma source(%dma_start3A_168 : memref<128x128xf32, #tpu.memory_space<vmem_shared>>) target(%dma_start3A_166 : memref<128x128xf32, #tpu.memory_space<vmem>>) target_semaphore(%run_scoped3A : memref<!tpu.dma_semaphore, #tpu.memory_space<semaphore_mem>>)
      %dma_wait3A_169 = arith.constant 0 : i32
      %dma_wait3A_170 = arith.constant 0 : i32
      %dma_wait3A_171 = tpu.memref_slice %arg10[%dma_wait3A_169, %dma_wait3A_170] : memref<128x128xf32, #tpu.memory_space<vmem>> -> memref<128x128xf32, #tpu.memory_space<vmem>>
      %dma_wait3A_172 = arith.constant 0 : i32
      %dma_wait3A_173 = tpu.memref_slice %arg7[%add3A_146, %dma_wait3A_172] : memref<10112x128xf32, #tpu.memory_space<vmem_shared>> -> memref<128x128xf32, #tpu.memory_space<vmem_shared>>
      %dma_wait3A_174 = arith.constant 0 : i32
      %dma_wait3A_175 = arith.constant 0 : i32
      %dma_wait3A_176 = tpu.memref_slice %arg10[%dma_wait3A_174, %dma_wait3A_175] : memref<128x128xf32, #tpu.memory_space<vmem>> -> memref<128x128xf32, #tpu.memory_space<vmem>>
      %dma_wait3A_177 = arith.constant 0 : i32
      %dma_wait3A_178 = tpu.memref_slice %arg7[%add3A_146, %dma_wait3A_177] : memref<10112x128xf32, #tpu.memory_space<vmem_shared>> -> memref<128x128xf32, #tpu.memory_space<vmem_shared>>
      tpu.wait_dma2 semaphore(%run_scoped3A : memref<!tpu.dma_semaphore, #tpu.memory_space<semaphore_mem>>) src(%dma_wait3A_178 : memref<128x128xf32, #tpu.memory_space<vmem_shared>>) dst(%dma_wait3A_176 : memref<128x128xf32, #tpu.memory_space<vmem>>)
      tpu.yield
    }) : () -> ()
    "tpu.region"() ({
      %run_scoped3A = tpu.sem_alloc : memref<!tpu.dma_semaphore, #tpu.memory_space<semaphore_mem>>
      %dma_start3A_159 = arith.constant 0 : i32
      %dma_start3A_160 = arith.constant 0 : i32
      %dma_start3A_161 = tpu.memref_slice %arg10[%dma_start3A_159, %dma_start3A_160] : memref<128x128xf32, #tpu.memory_space<vmem>> -> memref<128x128xf32, #tpu.memory_space<vmem>>
      %dma_start3A_162 = arith.constant 0 : i32
      %dma_start3A_163 = tpu.memref_slice %arg6[%arg0, %add3A_146, %dma_start3A_162] : memref<2x10112x128xf32, #tpu.memory_space<hbm>> -> memref<1x128x128xf32, #tpu.memory_space<hbm>>
      %dma_start3A_164 = tpu.memref_squeeze %dma_start3A_163 : memref<1x128x128xf32, #tpu.memory_space<hbm>> -> memref<128x128xf32, #tpu.memory_space<hbm>>
      %dma_start3A_165 = arith.constant 0 : i32
      %dma_start3A_166 = tpu.memref_slice %arg6[%arg0, %add3A_146, %dma_start3A_165] : memref<2x10112x128xf32, #tpu.memory_space<hbm>> -> memref<1x128x128xf32, #tpu.memory_space<hbm>>
      %dma_start3A_167 = tpu.memref_squeeze %dma_start3A_166 : memref<1x128x128xf32, #tpu.memory_space<hbm>> -> memref<128x128xf32, #tpu.memory_space<hbm>>
      %dma_start3A_168 = arith.constant 0 : i32
      %dma_start3A_169 = arith.constant 0 : i32
      %dma_start3A_170 = tpu.memref_slice %arg10[%dma_start3A_168, %dma_start3A_169] : memref<128x128xf32, #tpu.memory_space<vmem>> -> memref<128x128xf32, #tpu.memory_space<vmem>>
      tpu.enqueue_dma source(%dma_start3A_170 : memref<128x128xf32, #tpu.memory_space<vmem>>) target(%dma_start3A_167 : memref<128x128xf32, #tpu.memory_space<hbm>>) target_semaphore(%run_scoped3A : memref<!tpu.dma_semaphore, #tpu.memory_space<semaphore_mem>>)
      %dma_wait3A_171 = arith.constant 0 : i32
      %dma_wait3A_172 = arith.constant 0 : i32
      %dma_wait3A_173 = tpu.memref_slice %arg10[%dma_wait3A_171, %dma_wait3A_172] : memref<128x128xf32, #tpu.memory_space<vmem>> -> memref<128x128xf32, #tpu.memory_space<vmem>>
      %dma_wait3A_174 = arith.constant 0 : i32
      %dma_wait3A_175 = tpu.memref_slice %arg6[%arg0, %add3A_146, %dma_wait3A_174] : memref<2x10112x128xf32, #tpu.memory_space<hbm>> -> memref<1x128x128xf32, #tpu.memory_space<hbm>>
      %dma_wait3A_176 = tpu.memref_squeeze %dma_wait3A_175 : memref<1x128x128xf32, #tpu.memory_space<hbm>> -> memref<128x128xf32, #tpu.memory_space<hbm>>
      %dma_wait3A_177 = arith.constant 0 : i32
      %dma_wait3A_178 = tpu.memref_slice %arg6[%arg0, %add3A_146, %dma_wait3A_177] : memref<2x10112x128xf32, #tpu.memory_space<hbm>> -> memref<1x128x128xf32, #tpu.memory_space<hbm>>
      %dma_wait3A_179 = tpu.memref_squeeze %dma_wait3A_178 : memref<1x128x128xf32, #tpu.memory_space<hbm>> -> memref<128x128xf32, #tpu.memory_space<hbm>>
      %dma_wait3A_180 = arith.constant 0 : i32
      %dma_wait3A_181 = arith.constant 0 : i32
      %dma_wait3A_182 = tpu.memref_slice %arg10[%dma_wait3A_180, %dma_wait3A_181] : memref<128x128xf32, #tpu.memory_space<vmem>> -> memref<128x128xf32, #tpu.memory_space<vmem>>
      tpu.wait_dma2 semaphore(%run_scoped3A : memref<!tpu.dma_semaphore, #tpu.memory_space<semaphore_mem>>) src(%dma_wait3A_182 : memref<128x128xf32, #tpu.memory_space<vmem>>) dst(%dma_wait3A_179 : memref<128x128xf32, #tpu.memory_space<hbm>>)
      tpu.yield
    }) : () -> ()
    %mul3A_147 = arith.constant 632 : i32
    %mul3A_148 = arith.muli %arg1, %mul3A_147 : i32
    %add3A_149 = arith.constant 256 : i32
    %add3A_150 = arith.addi %mul3A_148, %add3A_149 : i32
    "tpu.region"() ({
      %run_scoped3A = tpu.sem_alloc : memref<!tpu.dma_semaphore, #tpu.memory_space<semaphore_mem>>
      %dma_start3A_159 = arith.constant 0 : i32
      %dma_start3A_160 = arith.constant 0 : i32
      %dma_start3A_161 = tpu.memref_slice %arg10[%dma_start3A_159, %dma_start3A_160] : memref<128x128xf32, #tpu.memory_space<vmem>> -> memref<128x128xf32, #tpu.memory_space<vmem>>
      %dma_start3A_162 = arith.constant 0 : i32
      %dma_start3A_163 = tpu.memref_slice %arg7[%add3A_150, %dma_start3A_162] : memref<10112x128xf32, #tpu.memory_space<vmem_shared>> -> memref<128x128xf32, #tpu.memory_space<vmem_shared>>
      %dma_start3A_164 = arith.constant 0 : i32
      %dma_start3A_165 = arith.constant 0 : i32
      %dma_start3A_166 = tpu.memref_slice %arg10[%dma_start3A_164, %dma_start3A_165] : memref<128x128xf32, #tpu.memory_space<vmem>> -> memref<128x128xf32, #tpu.memory_space<vmem>>
      %dma_start3A_167 = arith.constant 0 : i32
      %dma_start3A_168 = tpu.memref_slice %arg7[%add3A_150, %dma_start3A_167] : memref<10112x128xf32, #tpu.memory_space<vmem_shared>> -> memref<128x128xf32, #tpu.memory_space<vmem_shared>>
      tpu.enqueue_dma source(%dma_start3A_168 : memref<128x128xf32, #tpu.memory_space<vmem_shared>>) target(%dma_start3A_166 : memref<128x128xf32, #tpu.memory_space<vmem>>) target_semaphore(%run_scoped3A : memref<!tpu.dma_semaphore, #tpu.memory_space<semaphore_mem>>)
      %dma_wait3A_169 = arith.constant 0 : i32
      %dma_wait3A_170 = arith.constant 0 : i32
      %dma_wait3A_171 = tpu.memref_slice %arg10[%dma_wait3A_169, %dma_wait3A_170] : memref<128x128xf32, #tpu.memory_space<vmem>> -> memref<128x128xf32, #tpu.memory_space<vmem>>
      %dma_wait3A_172 = arith.constant 0 : i32
      %dma_wait3A_173 = tpu.memref_slice %arg7[%add3A_150, %dma_wait3A_172] : memref<10112x128xf32, #tpu.memory_space<vmem_shared>> -> memref<128x128xf32, #tpu.memory_space<vmem_shared>>
      %dma_wait3A_174 = arith.constant 0 : i32
      %dma_wait3A_175 = arith.constant 0 : i32
      %dma_wait3A_176 = tpu.memref_slice %arg10[%dma_wait3A_174, %dma_wait3A_175] : memref<128x128xf32, #tpu.memory_space<vmem>> -> memref<128x128xf32, #tpu.memory_space<vmem>>
      %dma_wait3A_177 = arith.constant 0 : i32
      %dma_wait3A_178 = tpu.memref_slice %arg7[%add3A_150, %dma_wait3A_177] : memref<10112x128xf32, #tpu.memory_space<vmem_shared>> -> memref<128x128xf32, #tpu.memory_space<vmem_shared>>
      tpu.wait_dma2 semaphore(%run_scoped3A : memref<!tpu.dma_semaphore, #tpu.memory_space<semaphore_mem>>) src(%dma_wait3A_178 : memref<128x128xf32, #tpu.memory_space<vmem_shared>>) dst(%dma_wait3A_176 : memref<128x128xf32, #tpu.memory_space<vmem>>)
      tpu.yield
    }) : () -> ()
    "tpu.region"() ({
      %run_scoped3A = tpu.sem_alloc : memref<!tpu.dma_semaphore, #tpu.memory_space<semaphore_mem>>
      %dma_start3A_159 = arith.constant 0 : i32
      %dma_start3A_160 = arith.constant 0 : i32
      %dma_start3A_161 = tpu.memref_slice %arg10[%dma_start3A_159, %dma_start3A_160] : memref<128x128xf32, #tpu.memory_space<vmem>> -> memref<128x128xf32, #tpu.memory_space<vmem>>
      %dma_start3A_162 = arith.constant 0 : i32
      %dma_start3A_163 = tpu.memref_slice %arg6[%arg0, %add3A_150, %dma_start3A_162] : memref<2x10112x128xf32, #tpu.memory_space<hbm>> -> memref<1x128x128xf32, #tpu.memory_space<hbm>>
      %dma_start3A_164 = tpu.memref_squeeze %dma_start3A_163 : memref<1x128x128xf32, #tpu.memory_space<hbm>> -> memref<128x128xf32, #tpu.memory_space<hbm>>
      %dma_start3A_165 = arith.constant 0 : i32
      %dma_start3A_166 = tpu.memref_slice %arg6[%arg0, %add3A_150, %dma_start3A_165] : memref<2x10112x128xf32, #tpu.memory_space<hbm>> -> memref<1x128x128xf32, #tpu.memory_space<hbm>>
      %dma_start3A_167 = tpu.memref_squeeze %dma_start3A_166 : memref<1x128x128xf32, #tpu.memory_space<hbm>> -> memref<128x128xf32, #tpu.memory_space<hbm>>
      %dma_start3A_168 = arith.constant 0 : i32
      %dma_start3A_169 = arith.constant 0 : i32
      %dma_start3A_170 = tpu.memref_slice %arg10[%dma_start3A_168, %dma_start3A_169] : memref<128x128xf32, #tpu.memory_space<vmem>> -> memref<128x128xf32, #tpu.memory_space<vmem>>
      tpu.enqueue_dma source(%dma_start3A_170 : memref<128x128xf32, #tpu.memory_space<vmem>>) target(%dma_start3A_167 : memref<128x128xf32, #tpu.memory_space<hbm>>) target_semaphore(%run_scoped3A : memref<!tpu.dma_semaphore, #tpu.memory_space<semaphore_mem>>)
      %dma_wait3A_171 = arith.constant 0 : i32
      %dma_wait3A_172 = arith.constant 0 : i32
      %dma_wait3A_173 = tpu.memref_slice %arg10[%dma_wait3A_171, %dma_wait3A_172] : memref<128x128xf32, #tpu.memory_space<vmem>> -> memref<128x128xf32, #tpu.memory_space<vmem>>
      %dma_wait3A_174 = arith.constant 0 : i32
      %dma_wait3A_175 = tpu.memref_slice %arg6[%arg0, %add3A_150, %dma_wait3A_174] : memref<2x10112x128xf32, #tpu.memory_space<hbm>> -> memref<1x128x128xf32, #tpu.memory_space<hbm>>
      %dma_wait3A_176 = tpu.memref_squeeze %dma_wait3A_175 : memref<1x128x128xf32, #tpu.memory_space<hbm>> -> memref<128x128xf32, #tpu.memory_space<hbm>>
      %dma_wait3A_177 = arith.constant 0 : i32
      %dma_wait3A_178 = tpu.memref_slice %arg6[%arg0, %add3A_150, %dma_wait3A_177] : memref<2x10112x128xf32, #tpu.memory_space<hbm>> -> memref<1x128x128xf32, #tpu.memory_space<hbm>>
      %dma_wait3A_179 = tpu.memref_squeeze %dma_wait3A_178 : memref<1x128x128xf32, #tpu.memory_space<hbm>> -> memref<128x128xf32, #tpu.memory_space<hbm>>
      %dma_wait3A_180 = arith.constant 0 : i32
      %dma_wait3A_181 = arith.constant 0 : i32
      %dma_wait3A_182 = tpu.memref_slice %arg10[%dma_wait3A_180, %dma_wait3A_181] : memref<128x128xf32, #tpu.memory_space<vmem>> -> memref<128x128xf32, #tpu.memory_space<vmem>>
      tpu.wait_dma2 semaphore(%run_scoped3A : memref<!tpu.dma_semaphore, #tpu.memory_space<semaphore_mem>>) src(%dma_wait3A_182 : memref<128x128xf32, #tpu.memory_space<vmem>>) dst(%dma_wait3A_179 : memref<128x128xf32, #tpu.memory_space<hbm>>)
      tpu.yield
    }) : () -> ()
    %mul3A_151 = arith.constant 632 : i32
    %mul3A_152 = arith.muli %arg1, %mul3A_151 : i32
    %add3A_153 = arith.constant 384 : i32
    %add3A_154 = arith.addi %mul3A_152, %add3A_153 : i32
    "tpu.region"() ({
      %run_scoped3A = tpu.sem_alloc : memref<!tpu.dma_semaphore, #tpu.memory_space<semaphore_mem>>
      %dma_start3A_159 = arith.constant 0 : i32
      %dma_start3A_160 = arith.constant 0 : i32
      %dma_start3A_161 = tpu.memref_slice %arg10[%dma_start3A_159, %dma_start3A_160] : memref<128x128xf32, #tpu.memory_space<vmem>> -> memref<128x128xf32, #tpu.memory_space<vmem>>
      %dma_start3A_162 = arith.constant 0 : i32
      %dma_start3A_163 = tpu.memref_slice %arg7[%add3A_154, %dma_start3A_162] : memref<10112x128xf32, #tpu.memory_space<vmem_shared>> -> memref<128x128xf32, #tpu.memory_space<vmem_shared>>
      %dma_start3A_164 = arith.constant 0 : i32
      %dma_start3A_165 = arith.constant 0 : i32
      %dma_start3A_166 = tpu.memref_slice %arg10[%dma_start3A_164, %dma_start3A_165] : memref<128x128xf32, #tpu.memory_space<vmem>> -> memref<128x128xf32, #tpu.memory_space<vmem>>
      %dma_start3A_167 = arith.constant 0 : i32
      %dma_start3A_168 = tpu.memref_slice %arg7[%add3A_154, %dma_start3A_167] : memref<10112x128xf32, #tpu.memory_space<vmem_shared>> -> memref<128x128xf32, #tpu.memory_space<vmem_shared>>
      tpu.enqueue_dma source(%dma_start3A_168 : memref<128x128xf32, #tpu.memory_space<vmem_shared>>) target(%dma_start3A_166 : memref<128x128xf32, #tpu.memory_space<vmem>>) target_semaphore(%run_scoped3A : memref<!tpu.dma_semaphore, #tpu.memory_space<semaphore_mem>>)
      %dma_wait3A_169 = arith.constant 0 : i32
      %dma_wait3A_170 = arith.constant 0 : i32
      %dma_wait3A_171 = tpu.memref_slice %arg10[%dma_wait3A_169, %dma_wait3A_170] : memref<128x128xf32, #tpu.memory_space<vmem>> -> memref<128x128xf32, #tpu.memory_space<vmem>>
      %dma_wait3A_172 = arith.constant 0 : i32
      %dma_wait3A_173 = tpu.memref_slice %arg7[%add3A_154, %dma_wait3A_172] : memref<10112x128xf32, #tpu.memory_space<vmem_shared>> -> memref<128x128xf32, #tpu.memory_space<vmem_shared>>
      %dma_wait3A_174 = arith.constant 0 : i32
      %dma_wait3A_175 = arith.constant 0 : i32
      %dma_wait3A_176 = tpu.memref_slice %arg10[%dma_wait3A_174, %dma_wait3A_175] : memref<128x128xf32, #tpu.memory_space<vmem>> -> memref<128x128xf32, #tpu.memory_space<vmem>>
      %dma_wait3A_177 = arith.constant 0 : i32
      %dma_wait3A_178 = tpu.memref_slice %arg7[%add3A_154, %dma_wait3A_177] : memref<10112x128xf32, #tpu.memory_space<vmem_shared>> -> memref<128x128xf32, #tpu.memory_space<vmem_shared>>
      tpu.wait_dma2 semaphore(%run_scoped3A : memref<!tpu.dma_semaphore, #tpu.memory_space<semaphore_mem>>) src(%dma_wait3A_178 : memref<128x128xf32, #tpu.memory_space<vmem_shared>>) dst(%dma_wait3A_176 : memref<128x128xf32, #tpu.memory_space<vmem>>)
      tpu.yield
    }) : () -> ()
    "tpu.region"() ({
      %run_scoped3A = tpu.sem_alloc : memref<!tpu.dma_semaphore, #tpu.memory_space<semaphore_mem>>
      %dma_start3A_159 = arith.constant 0 : i32
      %dma_start3A_160 = arith.constant 0 : i32
      %dma_start3A_161 = tpu.memref_slice %arg10[%dma_start3A_159, %dma_start3A_160] : memref<128x128xf32, #tpu.memory_space<vmem>> -> memref<128x128xf32, #tpu.memory_space<vmem>>
      %dma_start3A_162 = arith.constant 0 : i32
      %dma_start3A_163 = tpu.memref_slice %arg6[%arg0, %add3A_154, %dma_start3A_162] : memref<2x10112x128xf32, #tpu.memory_space<hbm>> -> memref<1x128x128xf32, #tpu.memory_space<hbm>>
      %dma_start3A_164 = tpu.memref_squeeze %dma_start3A_163 : memref<1x128x128xf32, #tpu.memory_space<hbm>> -> memref<128x128xf32, #tpu.memory_space<hbm>>
      %dma_start3A_165 = arith.constant 0 : i32
      %dma_start3A_166 = tpu.memref_slice %arg6[%arg0, %add3A_154, %dma_start3A_165] : memref<2x10112x128xf32, #tpu.memory_space<hbm>> -> memref<1x128x128xf32, #tpu.memory_space<hbm>>
      %dma_start3A_167 = tpu.memref_squeeze %dma_start3A_166 : memref<1x128x128xf32, #tpu.memory_space<hbm>> -> memref<128x128xf32, #tpu.memory_space<hbm>>
      %dma_start3A_168 = arith.constant 0 : i32
      %dma_start3A_169 = arith.constant 0 : i32
      %dma_start3A_170 = tpu.memref_slice %arg10[%dma_start3A_168, %dma_start3A_169] : memref<128x128xf32, #tpu.memory_space<vmem>> -> memref<128x128xf32, #tpu.memory_space<vmem>>
      tpu.enqueue_dma source(%dma_start3A_170 : memref<128x128xf32, #tpu.memory_space<vmem>>) target(%dma_start3A_167 : memref<128x128xf32, #tpu.memory_space<hbm>>) target_semaphore(%run_scoped3A : memref<!tpu.dma_semaphore, #tpu.memory_space<semaphore_mem>>)
      %dma_wait3A_171 = arith.constant 0 : i32
      %dma_wait3A_172 = arith.constant 0 : i32
      %dma_wait3A_173 = tpu.memref_slice %arg10[%dma_wait3A_171, %dma_wait3A_172] : memref<128x128xf32, #tpu.memory_space<vmem>> -> memref<128x128xf32, #tpu.memory_space<vmem>>
      %dma_wait3A_174 = arith.constant 0 : i32
      %dma_wait3A_175 = tpu.memref_slice %arg6[%arg0, %add3A_154, %dma_wait3A_174] : memref<2x10112x128xf32, #tpu.memory_space<hbm>> -> memref<1x128x128xf32, #tpu.memory_space<hbm>>
      %dma_wait3A_176 = tpu.memref_squeeze %dma_wait3A_175 : memref<1x128x128xf32, #tpu.memory_space<hbm>> -> memref<128x128xf32, #tpu.memory_space<hbm>>
      %dma_wait3A_177 = arith.constant 0 : i32
      %dma_wait3A_178 = tpu.memref_slice %arg6[%arg0, %add3A_154, %dma_wait3A_177] : memref<2x10112x128xf32, #tpu.memory_space<hbm>> -> memref<1x128x128xf32, #tpu.memory_space<hbm>>
      %dma_wait3A_179 = tpu.memref_squeeze %dma_wait3A_178 : memref<1x128x128xf32, #tpu.memory_space<hbm>> -> memref<128x128xf32, #tpu.memory_space<hbm>>
      %dma_wait3A_180 = arith.constant 0 : i32
      %dma_wait3A_181 = arith.constant 0 : i32
      %dma_wait3A_182 = tpu.memref_slice %arg10[%dma_wait3A_180, %dma_wait3A_181] : memref<128x128xf32, #tpu.memory_space<vmem>> -> memref<128x128xf32, #tpu.memory_space<vmem>>
      tpu.wait_dma2 semaphore(%run_scoped3A : memref<!tpu.dma_semaphore, #tpu.memory_space<semaphore_mem>>) src(%dma_wait3A_182 : memref<128x128xf32, #tpu.memory_space<vmem>>) dst(%dma_wait3A_179 : memref<128x128xf32, #tpu.memory_space<hbm>>)
      tpu.yield
    }) : () -> ()
    %mul3A_155 = arith.constant 632 : i32
    %mul3A_156 = arith.muli %arg1, %mul3A_155 : i32
    %add3A_157 = arith.constant 512 : i32
    %add3A_158 = arith.addi %mul3A_156, %add3A_157 : i32
    "tpu.region"() ({
      %run_scoped3A = tpu.sem_alloc : memref<!tpu.dma_semaphore, #tpu.memory_space<semaphore_mem>>
      %dma_start3A_159 = arith.constant 0 : i32
      %dma_start3A_160 = arith.constant 0 : i32
      %dma_start3A_161 = tpu.memref_slice %arg10[%dma_start3A_159, %dma_start3A_160] : memref<128x128xf32, #tpu.memory_space<vmem>> -> memref<120x128xf32, #tpu.memory_space<vmem>>
      %dma_start3A_162 = arith.constant 0 : i32
      %dma_start3A_163 = tpu.memref_slice %arg7[%add3A_158, %dma_start3A_162] : memref<10112x128xf32, #tpu.memory_space<vmem_shared>> -> memref<120x128xf32, #tpu.memory_space<vmem_shared>>
      %dma_start3A_164 = arith.constant 0 : i32
      %dma_start3A_165 = arith.constant 0 : i32
      %dma_start3A_166 = tpu.memref_slice %arg10[%dma_start3A_164, %dma_start3A_165] : memref<128x128xf32, #tpu.memory_space<vmem>> -> memref<120x128xf32, #tpu.memory_space<vmem>>
      %dma_start3A_167 = arith.constant 0 : i32
      %dma_start3A_168 = tpu.memref_slice %arg7[%add3A_158, %dma_start3A_167] : memref<10112x128xf32, #tpu.memory_space<vmem_shared>> -> memref<120x128xf32, #tpu.memory_space<vmem_shared>>
      tpu.enqueue_dma source(%dma_start3A_168 : memref<120x128xf32, #tpu.memory_space<vmem_shared>>) target(%dma_start3A_166 : memref<120x128xf32, #tpu.memory_space<vmem>>) target_semaphore(%run_scoped3A : memref<!tpu.dma_semaphore, #tpu.memory_space<semaphore_mem>>)
      %dma_wait3A_169 = arith.constant 0 : i32
      %dma_wait3A_170 = arith.constant 0 : i32
      %dma_wait3A_171 = tpu.memref_slice %arg10[%dma_wait3A_169, %dma_wait3A_170] : memref<128x128xf32, #tpu.memory_space<vmem>> -> memref<120x128xf32, #tpu.memory_space<vmem>>
      %dma_wait3A_172 = arith.constant 0 : i32
      %dma_wait3A_173 = tpu.memref_slice %arg7[%add3A_158, %dma_wait3A_172] : memref<10112x128xf32, #tpu.memory_space<vmem_shared>> -> memref<120x128xf32, #tpu.memory_space<vmem_shared>>
      %dma_wait3A_174 = arith.constant 0 : i32
      %dma_wait3A_175 = arith.constant 0 : i32
      %dma_wait3A_176 = tpu.memref_slice %arg10[%dma_wait3A_174, %dma_wait3A_175] : memref<128x128xf32, #tpu.memory_space<vmem>> -> memref<120x128xf32, #tpu.memory_space<vmem>>
      %dma_wait3A_177 = arith.constant 0 : i32
      %dma_wait3A_178 = tpu.memref_slice %arg7[%add3A_158, %dma_wait3A_177] : memref<10112x128xf32, #tpu.memory_space<vmem_shared>> -> memref<120x128xf32, #tpu.memory_space<vmem_shared>>
      tpu.wait_dma2 semaphore(%run_scoped3A : memref<!tpu.dma_semaphore, #tpu.memory_space<semaphore_mem>>) src(%dma_wait3A_178 : memref<120x128xf32, #tpu.memory_space<vmem_shared>>) dst(%dma_wait3A_176 : memref<120x128xf32, #tpu.memory_space<vmem>>)
      tpu.yield
    }) : () -> ()
    "tpu.region"() ({
      %run_scoped3A = tpu.sem_alloc : memref<!tpu.dma_semaphore, #tpu.memory_space<semaphore_mem>>
      %dma_start3A_159 = arith.constant 0 : i32
      %dma_start3A_160 = arith.constant 0 : i32
      %dma_start3A_161 = tpu.memref_slice %arg10[%dma_start3A_159, %dma_start3A_160] : memref<128x128xf32, #tpu.memory_space<vmem>> -> memref<120x128xf32, #tpu.memory_space<vmem>>
      %dma_start3A_162 = arith.constant 0 : i32
      %dma_start3A_163 = tpu.memref_slice %arg6[%arg0, %add3A_158, %dma_start3A_162] : memref<2x10112x128xf32, #tpu.memory_space<hbm>> -> memref<1x120x128xf32, #tpu.memory_space<hbm>>
      %dma_start3A_164 = tpu.memref_squeeze %dma_start3A_163 : memref<1x120x128xf32, #tpu.memory_space<hbm>> -> memref<120x128xf32, #tpu.memory_space<hbm>>
      %dma_start3A_165 = arith.constant 0 : i32
      %dma_start3A_166 = tpu.memref_slice %arg6[%arg0, %add3A_158, %dma_start3A_165] : memref<2x10112x128xf32, #tpu.memory_space<hbm>> -> memref<1x120x128xf32, #tpu.memory_space<hbm>>
      %dma_start3A_167 = tpu.memref_squeeze %dma_start3A_166 : memref<1x120x128xf32, #tpu.memory_space<hbm>> -> memref<120x128xf32, #tpu.memory_space<hbm>>
      %dma_start3A_168 = arith.constant 0 : i32
      %dma_start3A_169 = arith.constant 0 : i32
      %dma_start3A_170 = tpu.memref_slice %arg10[%dma_start3A_168, %dma_start3A_169] : memref<128x128xf32, #tpu.memory_space<vmem>> -> memref<120x128xf32, #tpu.memory_space<vmem>>
      tpu.enqueue_dma source(%dma_start3A_170 : memref<120x128xf32, #tpu.memory_space<vmem>>) target(%dma_start3A_167 : memref<120x128xf32, #tpu.memory_space<hbm>>) target_semaphore(%run_scoped3A : memref<!tpu.dma_semaphore, #tpu.memory_space<semaphore_mem>>)
      %dma_wait3A_171 = arith.constant 0 : i32
      %dma_wait3A_172 = arith.constant 0 : i32
      %dma_wait3A_173 = tpu.memref_slice %arg10[%dma_wait3A_171, %dma_wait3A_172] : memref<128x128xf32, #tpu.memory_space<vmem>> -> memref<120x128xf32, #tpu.memory_space<vmem>>
      %dma_wait3A_174 = arith.constant 0 : i32
      %dma_wait3A_175 = tpu.memref_slice %arg6[%arg0, %add3A_158, %dma_wait3A_174] : memref<2x10112x128xf32, #tpu.memory_space<hbm>> -> memref<1x120x128xf32, #tpu.memory_space<hbm>>
      %dma_wait3A_176 = tpu.memref_squeeze %dma_wait3A_175 : memref<1x120x128xf32, #tpu.memory_space<hbm>> -> memref<120x128xf32, #tpu.memory_space<hbm>>
      %dma_wait3A_177 = arith.constant 0 : i32
      %dma_wait3A_178 = tpu.memref_slice %arg6[%arg0, %add3A_158, %dma_wait3A_177] : memref<2x10112x128xf32, #tpu.memory_space<hbm>> -> memref<1x120x128xf32, #tpu.memory_space<hbm>>
      %dma_wait3A_179 = tpu.memref_squeeze %dma_wait3A_178 : memref<1x120x128xf32, #tpu.memory_space<hbm>> -> memref<120x128xf32, #tpu.memory_space<hbm>>
      %dma_wait3A_180 = arith.constant 0 : i32
      %dma_wait3A_181 = arith.constant 0 : i32
      %dma_wait3A_182 = tpu.memref_slice %arg10[%dma_wait3A_180, %dma_wait3A_181] : memref<128x128xf32, #tpu.memory_space<vmem>> -> memref<120x128xf32, #tpu.memory_space<vmem>>
      tpu.wait_dma2 semaphore(%run_scoped3A : memref<!tpu.dma_semaphore, #tpu.memory_space<semaphore_mem>>) src(%dma_wait3A_182 : memref<120x128xf32, #tpu.memory_space<vmem>>) dst(%dma_wait3A_179 : memref<120x128xf32, #tpu.memory_space<hbm>>)
      tpu.yield
    }) : () -> ()
    return
  }
}

#map = affine_map<(d0, d1) -> (0, 0)>
#map1 = affine_map<(d0, d1) -> (0, 0, 0)>
module attributes {stable_mosaic.version = 14 : i64} {
  func.func @body(%arg0: i32, %arg1: i32, %arg2: memref<10000x128xf32, #tpu.memory_space<hbm>>, %arg3: memref<32x80x128xi32, #tpu.memory_space<hbm>>, %arg4: memref<32x80x128xi32, #tpu.memory_space<hbm>>, %arg5: memref<128x128xf32, #tpu.memory_space<hbm>>, %arg6: memref<2x10112x128xf32, #tpu.memory_space<hbm>>, %arg7: memref<10112x128xf32, #tpu.memory_space<vmem_shared>>, %arg8: memref<40x128xi32, #tpu.memory_space<vmem>>, %arg9: memref<40x128xi32, #tpu.memory_space<vmem>>, %arg10: memref<128x128xf32, #tpu.memory_space<vmem>>, %arg11: memref<128x128xf32, #tpu.memory_space<vmem>>, %arg12: memref<!tpu.dma_semaphore, #tpu.memory_space<semaphore_mem>>, %arg13: memref<!tpu.dma_semaphore, #tpu.memory_space<semaphore_mem>>, %arg14: memref<!tpu.dma_semaphore, #tpu.memory_space<semaphore_mem>>, %arg15: memref<!tpu.dma_semaphore, #tpu.memory_space<semaphore_mem>>) attributes {dimension_semantics = [#tpu.dimension_semantics<core_parallel>, #tpu.dimension_semantics<subcore_parallel>], iteration_bounds = array<i64: 2, 16>, scalar_prefetch = 0 : i64, scratch_operands = 9 : i64, tpu.core_type = #tpu.core_type<sc_vector_subcore>, window_params = [{transform_indices = #map}, {transform_indices = #map1}, {transform_indices = #map1}, {transform_indices = #map}, {transform_indices = #map1}]} {
    %mul3A = arith.constant 16 : i32
    %mul3A_0 = arith.muli %arg0, %mul3A : i32
    %add3A = arith.addi %mul3A_0, %arg1 : i32
    "tpu.region"() ({
      %run_scoped3A = tpu.sem_alloc : memref<!tpu.dma_semaphore, #tpu.memory_space<semaphore_mem>>
      tpu.enqueue_dma source(%arg5 : memref<128x128xf32, #tpu.memory_space<hbm>>) target(%arg10 : memref<128x128xf32, #tpu.memory_space<vmem>>) target_semaphore(%run_scoped3A : memref<!tpu.dma_semaphore, #tpu.memory_space<semaphore_mem>>)
      tpu.wait_dma2 semaphore(%run_scoped3A : memref<!tpu.dma_semaphore, #tpu.memory_space<semaphore_mem>>) src(%arg5 : memref<128x128xf32, #tpu.memory_space<hbm>>) dst(%arg10 : memref<128x128xf32, #tpu.memory_space<vmem>>)
      tpu.yield
    }) : () -> ()
    %mul3A_1 = arith.constant 632 : i32
    %mul3A_2 = arith.muli %arg1, %mul3A_1 : i32
    %add3A_3 = arith.constant 0 : i32
    %add3A_4 = arith.addi %mul3A_2, %add3A_3 : i32
    "tpu.region"() ({
      %run_scoped3A = tpu.sem_alloc : memref<!tpu.dma_semaphore, #tpu.memory_space<semaphore_mem>>
      %dma_start3A_159 = arith.constant 0 : i32
      %dma_start3A_160 = arith.constant 0 : i32
      %dma_start3A_161 = tpu.memref_slice %arg10[%dma_start3A_159, %dma_start3A_160] : memref<128x128xf32, #tpu.memory_space<vmem>> -> memref<128x128xf32, #tpu.memory_space<vmem>>
      %dma_start3A_162 = arith.constant 0 : i32
      %dma_start3A_163 = tpu.memref_slice %arg7[%add3A_4, %dma_start3A_162] : memref<10112x128xf32, #tpu.memory_space<vmem_shared>> -> memref<128x128xf32, #tpu.memory_space<vmem_shared>>
      %dma_start3A_164 = arith.constant 0 : i32
      %dma_start3A_165 = tpu.memref_slice %arg7[%add3A_4, %dma_start3A_164] : memref<10112x128xf32, #tpu.memory_space<vmem_shared>> -> memref<128x128xf32, #tpu.memory_space<vmem_shared>>
      %dma_start3A_166 = arith.constant 0 : i32
      %dma_start3A_167 = arith.constant 0 : i32
      %dma_start3A_168 = tpu.memref_slice %arg10[%dma_start3A_166, %dma_start3A_167] : memref<128x128xf32, #tpu.memory_space<vmem>> -> memref<128x128xf32, #tpu.memory_space<vmem>>
      tpu.enqueue_dma source(%dma_start3A_168 : memref<128x128xf32, #tpu.memory_space<vmem>>) target(%dma_start3A_165 : memref<128x128xf32, #tpu.memory_space<vmem_shared>>) target_semaphore(%run_scoped3A : memref<!tpu.dma_semaphore, #tpu.memory_space<semaphore_mem>>)
      %dma_wait3A_169 = arith.constant 0 : i32
      %dma_wait3A_170 = arith.constant 0 : i32
      %dma_wait3A_171 = tpu.memref_slice %arg10[%dma_wait3A_169, %dma_wait3A_170] : memref<128x128xf32, #tpu.memory_space<vmem>> -> memref<128x128xf32, #tpu.memory_space<vmem>>
      %dma_wait3A_172 = arith.constant 0 : i32
      %dma_wait3A_173 = tpu.memref_slice %arg7[%add3A_4, %dma_wait3A_172] : memref<10112x128xf32, #tpu.memory_space<vmem_shared>> -> memref<128x128xf32, #tpu.memory_space<vmem_shared>>
      %dma_wait3A_174 = arith.constant 0 : i32
      %dma_wait3A_175 = tpu.memref_slice %arg7[%add3A_4, %dma_wait3A_174] : memref<10112x128xf32, #tpu.memory_space<vmem_shared>> -> memref<128x128xf32, #tpu.memory_space<vmem_shared>>
      %dma_wait3A_176 = arith.constant 0 : i32
      %dma_wait3A_177 = arith.constant 0 : i32
      %dma_wait3A_178 = tpu.memref_slice %arg10[%dma_wait3A_176, %dma_wait3A_177] : memref<128x128xf32, #tpu.memory_space<vmem>> -> memref<128x128xf32, #tpu.memory_space<vmem>>
      tpu.wait_dma2 semaphore(%run_scoped3A : memref<!tpu.dma_semaphore, #tpu.memory_space<semaphore_mem>>) src(%dma_wait3A_178 : memref<128x128xf32, #tpu.memory_space<vmem>>) dst(%dma_wait3A_175 : memref<128x128xf32, #tpu.memory_space<vmem_shared>>)
      tpu.yield
    }) : () -> ()
    %mul3A_5 = arith.constant 632 : i32
    %mul3A_6 = arith.muli %arg1, %mul3A_5 : i32
    %add3A_7 = arith.constant 128 : i32
    %add3A_8 = arith.addi %mul3A_6, %add3A_7 : i32
    "tpu.region"() ({
      %run_scoped3A = tpu.sem_alloc : memref<!tpu.dma_semaphore, #tpu.memory_space<semaphore_mem>>
      %dma_start3A_159 = arith.constant 0 : i32
      %dma_start3A_160 = arith.constant 0 : i32
      %dma_start3A_161 = tpu.memref_slice %arg10[%dma_start3A_159, %dma_start3A_160] : memref<128x128xf32, #tpu.memory_space<vmem>> -> memref<128x128xf32, #tpu.memory_space<vmem>>
      %dma_start3A_162 = arith.constant 0 : i32
      %dma_start3A_163 = tpu.memref_slice %arg7[%add3A_8, %dma_start3A_162] : memref<10112x128xf32, #tpu.memory_space<vmem_shared>> -> memref<128x128xf32, #tpu.memory_space<vmem_shared>>
      %dma_start3A_164 = arith.constant 0 : i32
      %dma_start3A_165 = tpu.memref_slice %arg7[%add3A_8, %dma_start3A_164] : memref<10112x128xf32, #tpu.memory_space<vmem_shared>> -> memref<128x128xf32, #tpu.memory_space<vmem_shared>>
      %dma_start3A_166 = arith.constant 0 : i32
      %dma_start3A_167 = arith.constant 0 : i32
      %dma_start3A_168 = tpu.memref_slice %arg10[%dma_start3A_166, %dma_start3A_167] : memref<128x128xf32, #tpu.memory_space<vmem>> -> memref<128x128xf32, #tpu.memory_space<vmem>>
      tpu.enqueue_dma source(%dma_start3A_168 : memref<128x128xf32, #tpu.memory_space<vmem>>) target(%dma_start3A_165 : memref<128x128xf32, #tpu.memory_space<vmem_shared>>) target_semaphore(%run_scoped3A : memref<!tpu.dma_semaphore, #tpu.memory_space<semaphore_mem>>)
      %dma_wait3A_169 = arith.constant 0 : i32
      %dma_wait3A_170 = arith.constant 0 : i32
      %dma_wait3A_171 = tpu.memref_slice %arg10[%dma_wait3A_169, %dma_wait3A_170] : memref<128x128xf32, #tpu.memory_space<vmem>> -> memref<128x128xf32, #tpu.memory_space<vmem>>
      %dma_wait3A_172 = arith.constant 0 : i32
      %dma_wait3A_173 = tpu.memref_slice %arg7[%add3A_8, %dma_wait3A_172] : memref<10112x128xf32, #tpu.memory_space<vmem_shared>> -> memref<128x128xf32, #tpu.memory_space<vmem_shared>>
      %dma_wait3A_174 = arith.constant 0 : i32
      %dma_wait3A_175 = tpu.memref_slice %arg7[%add3A_8, %dma_wait3A_174] : memref<10112x128xf32, #tpu.memory_space<vmem_shared>> -> memref<128x128xf32, #tpu.memory_space<vmem_shared>>
      %dma_wait3A_176 = arith.constant 0 : i32
      %dma_wait3A_177 = arith.constant 0 : i32
      %dma_wait3A_178 = tpu.memref_slice %arg10[%dma_wait3A_176, %dma_wait3A_177] : memref<128x128xf32, #tpu.memory_space<vmem>> -> memref<128x128xf32, #tpu.memory_space<vmem>>
      tpu.wait_dma2 semaphore(%run_scoped3A : memref<!tpu.dma_semaphore, #tpu.memory_space<semaphore_mem>>) src(%dma_wait3A_178 : memref<128x128xf32, #tpu.memory_space<vmem>>) dst(%dma_wait3A_175 : memref<128x128xf32, #tpu.memory_space<vmem_shared>>)
      tpu.yield
    }) : () -> ()
    %mul3A_9 = arith.constant 632 : i32
    %mul3A_10 = arith.muli %arg1, %mul3A_9 : i32
    %add3A_11 = arith.constant 256 : i32
    %add3A_12 = arith.addi %mul3A_10, %add3A_11 : i32
    "tpu.region"() ({
      %run_scoped3A = tpu.sem_alloc : memref<!tpu.dma_semaphore, #tpu.memory_space<semaphore_mem>>
      %dma_start3A_159 = arith.constant 0 : i32
      %dma_start3A_160 = arith.constant 0 : i32
      %dma_start3A_161 = tpu.memref_slice %arg10[%dma_start3A_159, %dma_start3A_160] : memref<128x128xf32, #tpu.memory_space<vmem>> -> memref<128x128xf32, #tpu.memory_space<vmem>>
      %dma_start3A_162 = arith.constant 0 : i32
      %dma_start3A_163 = tpu.memref_slice %arg7[%add3A_12, %dma_start3A_162] : memref<10112x128xf32, #tpu.memory_space<vmem_shared>> -> memref<128x128xf32, #tpu.memory_space<vmem_shared>>
      %dma_start3A_164 = arith.constant 0 : i32
      %dma_start3A_165 = tpu.memref_slice %arg7[%add3A_12, %dma_start3A_164] : memref<10112x128xf32, #tpu.memory_space<vmem_shared>> -> memref<128x128xf32, #tpu.memory_space<vmem_shared>>
      %dma_start3A_166 = arith.constant 0 : i32
      %dma_start3A_167 = arith.constant 0 : i32
      %dma_start3A_168 = tpu.memref_slice %arg10[%dma_start3A_166, %dma_start3A_167] : memref<128x128xf32, #tpu.memory_space<vmem>> -> memref<128x128xf32, #tpu.memory_space<vmem>>
      tpu.enqueue_dma source(%dma_start3A_168 : memref<128x128xf32, #tpu.memory_space<vmem>>) target(%dma_start3A_165 : memref<128x128xf32, #tpu.memory_space<vmem_shared>>) target_semaphore(%run_scoped3A : memref<!tpu.dma_semaphore, #tpu.memory_space<semaphore_mem>>)
      %dma_wait3A_169 = arith.constant 0 : i32
      %dma_wait3A_170 = arith.constant 0 : i32
      %dma_wait3A_171 = tpu.memref_slice %arg10[%dma_wait3A_169, %dma_wait3A_170] : memref<128x128xf32, #tpu.memory_space<vmem>> -> memref<128x128xf32, #tpu.memory_space<vmem>>
      %dma_wait3A_172 = arith.constant 0 : i32
      %dma_wait3A_173 = tpu.memref_slice %arg7[%add3A_12, %dma_wait3A_172] : memref<10112x128xf32, #tpu.memory_space<vmem_shared>> -> memref<128x128xf32, #tpu.memory_space<vmem_shared>>
      %dma_wait3A_174 = arith.constant 0 : i32
      %dma_wait3A_175 = tpu.memref_slice %arg7[%add3A_12, %dma_wait3A_174] : memref<10112x128xf32, #tpu.memory_space<vmem_shared>> -> memref<128x128xf32, #tpu.memory_space<vmem_shared>>
      %dma_wait3A_176 = arith.constant 0 : i32
      %dma_wait3A_177 = arith.constant 0 : i32
      %dma_wait3A_178 = tpu.memref_slice %arg10[%dma_wait3A_176, %dma_wait3A_177] : memref<128x128xf32, #tpu.memory_space<vmem>> -> memref<128x128xf32, #tpu.memory_space<vmem>>
      tpu.wait_dma2 semaphore(%run_scoped3A : memref<!tpu.dma_semaphore, #tpu.memory_space<semaphore_mem>>) src(%dma_wait3A_178 : memref<128x128xf32, #tpu.memory_space<vmem>>) dst(%dma_wait3A_175 : memref<128x128xf32, #tpu.memory_space<vmem_shared>>)
      tpu.yield
    }) : () -> ()
    %mul3A_13 = arith.constant 632 : i32
    %mul3A_14 = arith.muli %arg1, %mul3A_13 : i32
    %add3A_15 = arith.constant 384 : i32
    %add3A_16 = arith.addi %mul3A_14, %add3A_15 : i32
    "tpu.region"() ({
      %run_scoped3A = tpu.sem_alloc : memref<!tpu.dma_semaphore, #tpu.memory_space<semaphore_mem>>
      %dma_start3A_159 = arith.constant 0 : i32
      %dma_start3A_160 = arith.constant 0 : i32
      %dma_start3A_161 = tpu.memref_slice %arg10[%dma_start3A_159, %dma_start3A_160] : memref<128x128xf32, #tpu.memory_space<vmem>> -> memref<128x128xf32, #tpu.memory_space<vmem>>
      %dma_start3A_162 = arith.constant 0 : i32
      %dma_start3A_163 = tpu.memref_slice %arg7[%add3A_16, %dma_start3A_162] : memref<10112x128xf32, #tpu.memory_space<vmem_shared>> -> memref<128x128xf32, #tpu.memory_space<vmem_shared>>
      %dma_start3A_164 = arith.constant 0 : i32
      %dma_start3A_165 = tpu.memref_slice %arg7[%add3A_16, %dma_start3A_164] : memref<10112x128xf32, #tpu.memory_space<vmem_shared>> -> memref<128x128xf32, #tpu.memory_space<vmem_shared>>
      %dma_start3A_166 = arith.constant 0 : i32
      %dma_start3A_167 = arith.constant 0 : i32
      %dma_start3A_168 = tpu.memref_slice %arg10[%dma_start3A_166, %dma_start3A_167] : memref<128x128xf32, #tpu.memory_space<vmem>> -> memref<128x128xf32, #tpu.memory_space<vmem>>
      tpu.enqueue_dma source(%dma_start3A_168 : memref<128x128xf32, #tpu.memory_space<vmem>>) target(%dma_start3A_165 : memref<128x128xf32, #tpu.memory_space<vmem_shared>>) target_semaphore(%run_scoped3A : memref<!tpu.dma_semaphore, #tpu.memory_space<semaphore_mem>>)
      %dma_wait3A_169 = arith.constant 0 : i32
      %dma_wait3A_170 = arith.constant 0 : i32
      %dma_wait3A_171 = tpu.memref_slice %arg10[%dma_wait3A_169, %dma_wait3A_170] : memref<128x128xf32, #tpu.memory_space<vmem>> -> memref<128x128xf32, #tpu.memory_space<vmem>>
      %dma_wait3A_172 = arith.constant 0 : i32
      %dma_wait3A_173 = tpu.memref_slice %arg7[%add3A_16, %dma_wait3A_172] : memref<10112x128xf32, #tpu.memory_space<vmem_shared>> -> memref<128x128xf32, #tpu.memory_space<vmem_shared>>
      %dma_wait3A_174 = arith.constant 0 : i32
      %dma_wait3A_175 = tpu.memref_slice %arg7[%add3A_16, %dma_wait3A_174] : memref<10112x128xf32, #tpu.memory_space<vmem_shared>> -> memref<128x128xf32, #tpu.memory_space<vmem_shared>>
      %dma_wait3A_176 = arith.constant 0 : i32
      %dma_wait3A_177 = arith.constant 0 : i32
      %dma_wait3A_178 = tpu.memref_slice %arg10[%dma_wait3A_176, %dma_wait3A_177] : memref<128x128xf32, #tpu.memory_space<vmem>> -> memref<128x128xf32, #tpu.memory_space<vmem>>
      tpu.wait_dma2 semaphore(%run_scoped3A : memref<!tpu.dma_semaphore, #tpu.memory_space<semaphore_mem>>) src(%dma_wait3A_178 : memref<128x128xf32, #tpu.memory_space<vmem>>) dst(%dma_wait3A_175 : memref<128x128xf32, #tpu.memory_space<vmem_shared>>)
      tpu.yield
    }) : () -> ()
    %mul3A_17 = arith.constant 632 : i32
    %mul3A_18 = arith.muli %arg1, %mul3A_17 : i32
    %add3A_19 = arith.constant 512 : i32
    %add3A_20 = arith.addi %mul3A_18, %add3A_19 : i32
    "tpu.region"() ({
      %run_scoped3A = tpu.sem_alloc : memref<!tpu.dma_semaphore, #tpu.memory_space<semaphore_mem>>
      %dma_start3A_159 = arith.constant 0 : i32
      %dma_start3A_160 = arith.constant 0 : i32
      %dma_start3A_161 = tpu.memref_slice %arg10[%dma_start3A_159, %dma_start3A_160] : memref<128x128xf32, #tpu.memory_space<vmem>> -> memref<120x128xf32, #tpu.memory_space<vmem>>
      %dma_start3A_162 = arith.constant 0 : i32
      %dma_start3A_163 = tpu.memref_slice %arg7[%add3A_20, %dma_start3A_162] : memref<10112x128xf32, #tpu.memory_space<vmem_shared>> -> memref<120x128xf32, #tpu.memory_space<vmem_shared>>
      %dma_start3A_164 = arith.constant 0 : i32
      %dma_start3A_165 = tpu.memref_slice %arg7[%add3A_20, %dma_start3A_164] : memref<10112x128xf32, #tpu.memory_space<vmem_shared>> -> memref<120x128xf32, #tpu.memory_space<vmem_shared>>
      %dma_start3A_166 = arith.constant 0 : i32
      %dma_start3A_167 = arith.constant 0 : i32
      %dma_start3A_168 = tpu.memref_slice %arg10[%dma_start3A_166, %dma_start3A_167] : memref<128x128xf32, #tpu.memory_space<vmem>> -> memref<120x128xf32, #tpu.memory_space<vmem>>
      tpu.enqueue_dma source(%dma_start3A_168 : memref<120x128xf32, #tpu.memory_space<vmem>>) target(%dma_start3A_165 : memref<120x128xf32, #tpu.memory_space<vmem_shared>>) target_semaphore(%run_scoped3A : memref<!tpu.dma_semaphore, #tpu.memory_space<semaphore_mem>>)
      %dma_wait3A_169 = arith.constant 0 : i32
      %dma_wait3A_170 = arith.constant 0 : i32
      %dma_wait3A_171 = tpu.memref_slice %arg10[%dma_wait3A_169, %dma_wait3A_170] : memref<128x128xf32, #tpu.memory_space<vmem>> -> memref<120x128xf32, #tpu.memory_space<vmem>>
      %dma_wait3A_172 = arith.constant 0 : i32
      %dma_wait3A_173 = tpu.memref_slice %arg7[%add3A_20, %dma_wait3A_172] : memref<10112x128xf32, #tpu.memory_space<vmem_shared>> -> memref<120x128xf32, #tpu.memory_space<vmem_shared>>
      %dma_wait3A_174 = arith.constant 0 : i32
      %dma_wait3A_175 = tpu.memref_slice %arg7[%add3A_20, %dma_wait3A_174] : memref<10112x128xf32, #tpu.memory_space<vmem_shared>> -> memref<120x128xf32, #tpu.memory_space<vmem_shared>>
      %dma_wait3A_176 = arith.constant 0 : i32
      %dma_wait3A_177 = arith.constant 0 : i32
      %dma_wait3A_178 = tpu.memref_slice %arg10[%dma_wait3A_176, %dma_wait3A_177] : memref<128x128xf32, #tpu.memory_space<vmem>> -> memref<120x128xf32, #tpu.memory_space<vmem>>
      tpu.wait_dma2 semaphore(%run_scoped3A : memref<!tpu.dma_semaphore, #tpu.memory_space<semaphore_mem>>) src(%dma_wait3A_178 : memref<120x128xf32, #tpu.memory_space<vmem>>) dst(%dma_wait3A_175 : memref<120x128xf32, #tpu.memory_space<vmem_shared>>)
      tpu.yield
    }) : () -> ()
    %barrier3A = arith.constant 0 : index
    tpu.barrier barrier_id(%barrier3A)
    "tpu.region"() ({
      %run_scoped3A = tpu.sem_alloc : memref<!tpu.dma_semaphore, #tpu.memory_space<semaphore_mem>>
      %dma_start3A_159 = arith.constant 0 : i32
      %dma_start3A_160 = arith.constant 0 : i32
      %dma_start3A_161 = tpu.memref_slice %arg3[%add3A, %dma_start3A_159, %dma_start3A_160] : memref<32x80x128xi32, #tpu.memory_space<hbm>> -> memref<1x40x128xi32, #tpu.memory_space<hbm>>
      %dma_start3A_162 = tpu.memref_squeeze %dma_start3A_161 : memref<1x40x128xi32, #tpu.memory_space<hbm>> -> memref<40x128xi32, #tpu.memory_space<hbm>>
      %dma_start3A_163 = arith.constant 0 : i32
      %dma_start3A_164 = arith.constant 0 : i32
      %dma_start3A_165 = tpu.memref_slice %arg3[%add3A, %dma_start3A_163, %dma_start3A_164] : memref<32x80x128xi32, #tpu.memory_space<hbm>> -> memref<1x40x128xi32, #tpu.memory_space<hbm>>
      %dma_start3A_166 = tpu.memref_squeeze %dma_start3A_165 : memref<1x40x128xi32, #tpu.memory_space<hbm>> -> memref<40x128xi32, #tpu.memory_space<hbm>>
      tpu.enqueue_dma source(%dma_start3A_166 : memref<40x128xi32, #tpu.memory_space<hbm>>) target(%arg8 : memref<40x128xi32, #tpu.memory_space<vmem>>) target_semaphore(%run_scoped3A : memref<!tpu.dma_semaphore, #tpu.memory_space<semaphore_mem>>)
      %dma_wait3A_167 = arith.constant 0 : i32
      %dma_wait3A_168 = arith.constant 0 : i32
      %dma_wait3A_169 = tpu.memref_slice %arg3[%add3A, %dma_wait3A_167, %dma_wait3A_168] : memref<32x80x128xi32, #tpu.memory_space<hbm>> -> memref<1x40x128xi32, #tpu.memory_space<hbm>>
      %dma_wait3A_170 = tpu.memref_squeeze %dma_wait3A_169 : memref<1x40x128xi32, #tpu.memory_space<hbm>> -> memref<40x128xi32, #tpu.memory_space<hbm>>
      %dma_wait3A_171 = arith.constant 0 : i32
      %dma_wait3A_172 = arith.constant 0 : i32
      %dma_wait3A_173 = tpu.memref_slice %arg3[%add3A, %dma_wait3A_171, %dma_wait3A_172] : memref<32x80x128xi32, #tpu.memory_space<hbm>> -> memref<1x40x128xi32, #tpu.memory_space<hbm>>
      %dma_wait3A_174 = tpu.memref_squeeze %dma_wait3A_173 : memref<1x40x128xi32, #tpu.memory_space<hbm>> -> memref<40x128xi32, #tpu.memory_space<hbm>>
      tpu.wait_dma2 semaphore(%run_scoped3A : memref<!tpu.dma_semaphore, #tpu.memory_space<semaphore_mem>>) src(%dma_wait3A_174 : memref<40x128xi32, #tpu.memory_space<hbm>>) dst(%arg8 : memref<40x128xi32, #tpu.memory_space<vmem>>)
      tpu.yield
    }) : () -> ()
    "tpu.region"() ({
      %run_scoped3A = tpu.sem_alloc : memref<!tpu.dma_semaphore, #tpu.memory_space<semaphore_mem>>
      %dma_start3A_159 = arith.constant 0 : i32
      %dma_start3A_160 = arith.constant 0 : i32
      %dma_start3A_161 = tpu.memref_slice %arg4[%add3A, %dma_start3A_159, %dma_start3A_160] : memref<32x80x128xi32, #tpu.memory_space<hbm>> -> memref<1x40x128xi32, #tpu.memory_space<hbm>>
      %dma_start3A_162 = tpu.memref_squeeze %dma_start3A_161 : memref<1x40x128xi32, #tpu.memory_space<hbm>> -> memref<40x128xi32, #tpu.memory_space<hbm>>
      %dma_start3A_163 = arith.constant 0 : i32
      %dma_start3A_164 = arith.constant 0 : i32
      %dma_start3A_165 = tpu.memref_slice %arg4[%add3A, %dma_start3A_163, %dma_start3A_164] : memref<32x80x128xi32, #tpu.memory_space<hbm>> -> memref<1x40x128xi32, #tpu.memory_space<hbm>>
      %dma_start3A_166 = tpu.memref_squeeze %dma_start3A_165 : memref<1x40x128xi32, #tpu.memory_space<hbm>> -> memref<40x128xi32, #tpu.memory_space<hbm>>
      tpu.enqueue_dma source(%dma_start3A_166 : memref<40x128xi32, #tpu.memory_space<hbm>>) target(%arg9 : memref<40x128xi32, #tpu.memory_space<vmem>>) target_semaphore(%run_scoped3A : memref<!tpu.dma_semaphore, #tpu.memory_space<semaphore_mem>>)
      %dma_wait3A_167 = arith.constant 0 : i32
      %dma_wait3A_168 = arith.constant 0 : i32
      %dma_wait3A_169 = tpu.memref_slice %arg4[%add3A, %dma_wait3A_167, %dma_wait3A_168] : memref<32x80x128xi32, #tpu.memory_space<hbm>> -> memref<1x40x128xi32, #tpu.memory_space<hbm>>
      %dma_wait3A_170 = tpu.memref_squeeze %dma_wait3A_169 : memref<1x40x128xi32, #tpu.memory_space<hbm>> -> memref<40x128xi32, #tpu.memory_space<hbm>>
      %dma_wait3A_171 = arith.constant 0 : i32
      %dma_wait3A_172 = arith.constant 0 : i32
      %dma_wait3A_173 = tpu.memref_slice %arg4[%add3A, %dma_wait3A_171, %dma_wait3A_172] : memref<32x80x128xi32, #tpu.memory_space<hbm>> -> memref<1x40x128xi32, #tpu.memory_space<hbm>>
      %dma_wait3A_174 = tpu.memref_squeeze %dma_wait3A_173 : memref<1x40x128xi32, #tpu.memory_space<hbm>> -> memref<40x128xi32, #tpu.memory_space<hbm>>
      tpu.wait_dma2 semaphore(%run_scoped3A : memref<!tpu.dma_semaphore, #tpu.memory_space<semaphore_mem>>) src(%dma_wait3A_174 : memref<40x128xi32, #tpu.memory_space<hbm>>) dst(%arg9 : memref<40x128xi32, #tpu.memory_space<vmem>>)
      tpu.yield
    }) : () -> ()
    %dma_start3A = arith.constant 0 : i32
    %dma_start3A_21 = arith.constant 0 : i32
    %dma_start3A_22 = arith.constant 0 : i32
    %dma_start3A_23 = tpu.memref_slice %arg10[%dma_start3A_21, %dma_start3A_22] : memref<128x128xf32, #tpu.memory_space<vmem>> -> memref<64x128xf32, #tpu.memory_space<vmem>>
    %dma_start3A_24 = arith.constant 0 : i32
    %dma_start3A_25 = tpu.memref_slice %arg8[%dma_start3A, %dma_start3A_24] : memref<40x128xi32, #tpu.memory_space<vmem>> -> memref<1x64xi32, #tpu.memory_space<vmem>>
    %dma_start3A_26 = tpu.memref_squeeze %dma_start3A_25 : memref<1x64xi32, #tpu.memory_space<vmem>> -> memref<64xi32, #tpu.memory_space<vmem>>
    %dma_start3A_27 = arith.constant 0 : i32
    %dma_start3A_28 = arith.constant 0 : i32
    %dma_start3A_29 = tpu.memref_slice %arg2[%dma_start3A_27, %dma_start3A_28] : memref<10000x128xf32, #tpu.memory_space<hbm>> -> memref<10000x128xf32, #tpu.memory_space<hbm>>
    tpu.enqueue_indirect_dma source(%dma_start3A_29 : memref<10000x128xf32, #tpu.memory_space<hbm>>) target(%dma_start3A_23 : memref<64x128xf32, #tpu.memory_space<vmem>>) offsets(%dma_start3A_26 : memref<64xi32, #tpu.memory_space<vmem>>) semaphore(%arg12 : memref<!tpu.dma_semaphore, #tpu.memory_space<semaphore_mem>>)
    %dma_start3A_30 = arith.constant 0 : i32
    %dma_start3A_31 = arith.constant 64 : i32
    %dma_start3A_32 = arith.constant 0 : i32
    %dma_start3A_33 = tpu.memref_slice %arg10[%dma_start3A_31, %dma_start3A_32] : memref<128x128xf32, #tpu.memory_space<vmem>> -> memref<64x128xf32, #tpu.memory_space<vmem>>
    %dma_start3A_34 = arith.constant 64 : i32
    %dma_start3A_35 = tpu.memref_slice %arg8[%dma_start3A_30, %dma_start3A_34] : memref<40x128xi32, #tpu.memory_space<vmem>> -> memref<1x64xi32, #tpu.memory_space<vmem>>
    %dma_start3A_36 = tpu.memref_squeeze %dma_start3A_35 : memref<1x64xi32, #tpu.memory_space<vmem>> -> memref<64xi32, #tpu.memory_space<vmem>>
    %dma_start3A_37 = arith.constant 0 : i32
    %dma_start3A_38 = arith.constant 0 : i32
    %dma_start3A_39 = tpu.memref_slice %arg2[%dma_start3A_37, %dma_start3A_38] : memref<10000x128xf32, #tpu.memory_space<hbm>> -> memref<10000x128xf32, #tpu.memory_space<hbm>>
    tpu.enqueue_indirect_dma source(%dma_start3A_39 : memref<10000x128xf32, #tpu.memory_space<hbm>>) target(%dma_start3A_33 : memref<64x128xf32, #tpu.memory_space<vmem>>) offsets(%dma_start3A_36 : memref<64xi32, #tpu.memory_space<vmem>>) semaphore(%arg12 : memref<!tpu.dma_semaphore, #tpu.memory_space<semaphore_mem>>)
    %dma_start3A_40 = arith.constant 1 : i32
    %dma_start3A_41 = arith.constant 0 : i32
    %dma_start3A_42 = arith.constant 0 : i32
    %dma_start3A_43 = tpu.memref_slice %arg11[%dma_start3A_41, %dma_start3A_42] : memref<128x128xf32, #tpu.memory_space<vmem>> -> memref<64x128xf32, #tpu.memory_space<vmem>>
    %dma_start3A_44 = arith.constant 0 : i32
    %dma_start3A_45 = tpu.memref_slice %arg8[%dma_start3A_40, %dma_start3A_44] : memref<40x128xi32, #tpu.memory_space<vmem>> -> memref<1x64xi32, #tpu.memory_space<vmem>>
    %dma_start3A_46 = tpu.memref_squeeze %dma_start3A_45 : memref<1x64xi32, #tpu.memory_space<vmem>> -> memref<64xi32, #tpu.memory_space<vmem>>
    %dma_start3A_47 = arith.constant 0 : i32
    %dma_start3A_48 = arith.constant 0 : i32
    %dma_start3A_49 = tpu.memref_slice %arg2[%dma_start3A_47, %dma_start3A_48] : memref<10000x128xf32, #tpu.memory_space<hbm>> -> memref<10000x128xf32, #tpu.memory_space<hbm>>
    tpu.enqueue_indirect_dma source(%dma_start3A_49 : memref<10000x128xf32, #tpu.memory_space<hbm>>) target(%dma_start3A_43 : memref<64x128xf32, #tpu.memory_space<vmem>>) offsets(%dma_start3A_46 : memref<64xi32, #tpu.memory_space<vmem>>) semaphore(%arg13 : memref<!tpu.dma_semaphore, #tpu.memory_space<semaphore_mem>>)
    %dma_start3A_50 = arith.constant 1 : i32
    %dma_start3A_51 = arith.constant 64 : i32
    %dma_start3A_52 = arith.constant 0 : i32
    %dma_start3A_53 = tpu.memref_slice %arg11[%dma_start3A_51, %dma_start3A_52] : memref<128x128xf32, #tpu.memory_space<vmem>> -> memref<64x128xf32, #tpu.memory_space<vmem>>
    %dma_start3A_54 = arith.constant 64 : i32
    %dma_start3A_55 = tpu.memref_slice %arg8[%dma_start3A_50, %dma_start3A_54] : memref<40x128xi32, #tpu.memory_space<vmem>> -> memref<1x64xi32, #tpu.memory_space<vmem>>
    %dma_start3A_56 = tpu.memref_squeeze %dma_start3A_55 : memref<1x64xi32, #tpu.memory_space<vmem>> -> memref<64xi32, #tpu.memory_space<vmem>>
    %dma_start3A_57 = arith.constant 0 : i32
    %dma_start3A_58 = arith.constant 0 : i32
    %dma_start3A_59 = tpu.memref_slice %arg2[%dma_start3A_57, %dma_start3A_58] : memref<10000x128xf32, #tpu.memory_space<hbm>> -> memref<10000x128xf32, #tpu.memory_space<hbm>>
    tpu.enqueue_indirect_dma source(%dma_start3A_59 : memref<10000x128xf32, #tpu.memory_space<hbm>>) target(%dma_start3A_53 : memref<64x128xf32, #tpu.memory_space<vmem>>) offsets(%dma_start3A_56 : memref<64xi32, #tpu.memory_space<vmem>>) semaphore(%arg13 : memref<!tpu.dma_semaphore, #tpu.memory_space<semaphore_mem>>)
    %scan3A = arith.constant 0 : i32
    %scan3A_60 = arith.constant 0 : i32
    %scan3A_61 = arith.constant 20 : i32
    %scan3A_62 = arith.addi %scan3A_60, %scan3A_61 : i32
    %scan3A_63 = arith.constant 1 : i32
    scf.for %scan3A_159 = %scan3A_60 to %scan3A_62 step %scan3A_63  : i32 {
      %mul3A_160 = arith.constant 2 : i32
      %mul3A_161 = arith.muli %mul3A_160, %scan3A_159 : i32
      %dma_wait3A_162 = arith.constant 0 : i32
      %dma_wait3A_163 = arith.constant 0 : i32
      %dma_wait3A_164 = tpu.memref_slice %arg2[%dma_wait3A_162, %dma_wait3A_163] : memref<10000x128xf32, #tpu.memory_space<hbm>> -> memref<128x128xf32, #tpu.memory_space<hbm>>
      %dma_wait3A_165 = arith.constant 0 : i32
      %dma_wait3A_166 = arith.constant 0 : i32
      %dma_wait3A_167 = tpu.memref_slice %arg2[%dma_wait3A_165, %dma_wait3A_166] : memref<10000x128xf32, #tpu.memory_space<hbm>> -> memref<128x128xf32, #tpu.memory_space<hbm>>
      tpu.wait_dma2 semaphore(%arg12 : memref<!tpu.dma_semaphore, #tpu.memory_space<semaphore_mem>>) src(%dma_wait3A_167 : memref<128x128xf32, #tpu.memory_space<hbm>>) dst(%arg10 : memref<128x128xf32, #tpu.memory_space<vmem>>)
      %dma_start3A_168 = arith.constant 0 : i32
      %dma_start3A_169 = tpu.memref_slice %arg9[%mul3A_161, %dma_start3A_168] : memref<40x128xi32, #tpu.memory_space<vmem>> -> memref<1x128xi32, #tpu.memory_space<vmem>>
      %dma_start3A_170 = tpu.memref_squeeze %dma_start3A_169 : memref<1x128xi32, #tpu.memory_space<vmem>> -> memref<128xi32, #tpu.memory_space<vmem>>
      %dma_start3A_171 = arith.constant 0 : i32
      %dma_start3A_172 = arith.constant 0 : i32
      %dma_start3A_173 = tpu.memref_slice %arg7[%dma_start3A_171, %dma_start3A_172] : memref<10112x128xf32, #tpu.memory_space<vmem_shared>> -> memref<10112x128xf32, #tpu.memory_space<vmem_shared>>
      tpu.enqueue_indirect_dma source(%arg10 : memref<128x128xf32, #tpu.memory_space<vmem>>) target(%dma_start3A_173 : memref<10112x128xf32, #tpu.memory_space<vmem_shared>>) offsets(%dma_start3A_170 : memref<128xi32, #tpu.memory_space<vmem>>) semaphore(%arg14 : memref<!tpu.dma_semaphore, #tpu.memory_space<semaphore_mem>>) {add = true}
      %dma_wait3A_174 = arith.constant 0 : i32
      %dma_wait3A_175 = arith.constant 0 : i32
      %dma_wait3A_176 = tpu.memref_slice %arg2[%dma_wait3A_174, %dma_wait3A_175] : memref<10000x128xf32, #tpu.memory_space<hbm>> -> memref<128x128xf32, #tpu.memory_space<hbm>>
      %dma_wait3A_177 = arith.constant 0 : i32
      %dma_wait3A_178 = arith.constant 0 : i32
      %dma_wait3A_179 = tpu.memref_slice %arg2[%dma_wait3A_177, %dma_wait3A_178] : memref<10000x128xf32, #tpu.memory_space<hbm>> -> memref<128x128xf32, #tpu.memory_space<hbm>>
      tpu.wait_dma2 semaphore(%arg13 : memref<!tpu.dma_semaphore, #tpu.memory_space<semaphore_mem>>) src(%dma_wait3A_179 : memref<128x128xf32, #tpu.memory_space<hbm>>) dst(%arg11 : memref<128x128xf32, #tpu.memory_space<vmem>>)
      %add3A_180 = arith.constant 1 : i32
      %add3A_181 = arith.addi %mul3A_161, %add3A_180 : i32
      %dma_start3A_182 = arith.constant 0 : i32
      %dma_start3A_183 = tpu.memref_slice %arg9[%add3A_181, %dma_start3A_182] : memref<40x128xi32, #tpu.memory_space<vmem>> -> memref<1x128xi32, #tpu.memory_space<vmem>>
      %dma_start3A_184 = tpu.memref_squeeze %dma_start3A_183 : memref<1x128xi32, #tpu.memory_space<vmem>> -> memref<128xi32, #tpu.memory_space<vmem>>
      %dma_start3A_185 = arith.constant 0 : i32
      %dma_start3A_186 = arith.constant 0 : i32
      %dma_start3A_187 = tpu.memref_slice %arg7[%dma_start3A_185, %dma_start3A_186] : memref<10112x128xf32, #tpu.memory_space<vmem_shared>> -> memref<10112x128xf32, #tpu.memory_space<vmem_shared>>
      tpu.enqueue_indirect_dma source(%arg11 : memref<128x128xf32, #tpu.memory_space<vmem>>) target(%dma_start3A_187 : memref<10112x128xf32, #tpu.memory_space<vmem_shared>>) offsets(%dma_start3A_184 : memref<128xi32, #tpu.memory_space<vmem>>) semaphore(%arg15 : memref<!tpu.dma_semaphore, #tpu.memory_space<semaphore_mem>>) {add = true}
      %add3A_188 = arith.constant 2 : i32
      %add3A_189 = arith.addi %mul3A_161, %add3A_188 : i32
      %lt3A = arith.constant 40 : i32
      %lt3A_190 = arith.cmpi slt, %add3A_189, %lt3A : i32
      %convert_element_type3A = arith.extui %lt3A_190 : i1 to i32
      %cond3A = arith.constant 0 : i32
      %cond3A_191 = arith.cmpi ne, %convert_element_type3A, %cond3A : i32
      scf.if %cond3A_191 {
        %dma_wait3A_199 = arith.constant 0 : i32
        %dma_wait3A_200 = tpu.memref_slice %arg9[%mul3A_161, %dma_wait3A_199] : memref<40x128xi32, #tpu.memory_space<vmem>> -> memref<1x128xi32, #tpu.memory_space<vmem>>
        %dma_wait3A_201 = tpu.memref_squeeze %dma_wait3A_200 : memref<1x128xi32, #tpu.memory_space<vmem>> -> memref<128xi32, #tpu.memory_space<vmem>>
        %dma_wait3A_202 = arith.constant 0 : i32
        %dma_wait3A_203 = arith.constant 0 : i32
        %dma_wait3A_204 = tpu.memref_slice %arg7[%dma_wait3A_202, %dma_wait3A_203] : memref<10112x128xf32, #tpu.memory_space<vmem_shared>> -> memref<10112x128xf32, #tpu.memory_space<vmem_shared>>
        tpu.wait_indirect_dma semaphore(%arg14 : memref<!tpu.dma_semaphore, #tpu.memory_space<semaphore_mem>>) src(%arg10 : memref<128x128xf32, #tpu.memory_space<vmem>>) dst(%dma_wait3A_204 : memref<10112x128xf32, #tpu.memory_space<vmem_shared>>)
        %add3A_205 = arith.constant 2 : i32
        %add3A_206 = arith.addi %mul3A_161, %add3A_205 : i32
        %dma_start3A_207 = arith.constant 0 : i32
        %dma_start3A_208 = arith.constant 0 : i32
        %dma_start3A_209 = tpu.memref_slice %arg10[%dma_start3A_207, %dma_start3A_208] : memref<128x128xf32, #tpu.memory_space<vmem>> -> memref<64x128xf32, #tpu.memory_space<vmem>>
        %dma_start3A_210 = arith.constant 0 : i32
        %dma_start3A_211 = tpu.memref_slice %arg8[%add3A_206, %dma_start3A_210] : memref<40x128xi32, #tpu.memory_space<vmem>> -> memref<1x64xi32, #tpu.memory_space<vmem>>
        %dma_start3A_212 = tpu.memref_squeeze %dma_start3A_211 : memref<1x64xi32, #tpu.memory_space<vmem>> -> memref<64xi32, #tpu.memory_space<vmem>>
        %dma_start3A_213 = arith.constant 0 : i32
        %dma_start3A_214 = arith.constant 0 : i32
        %dma_start3A_215 = tpu.memref_slice %arg2[%dma_start3A_213, %dma_start3A_214] : memref<10000x128xf32, #tpu.memory_space<hbm>> -> memref<10000x128xf32, #tpu.memory_space<hbm>>
        tpu.enqueue_indirect_dma source(%dma_start3A_215 : memref<10000x128xf32, #tpu.memory_space<hbm>>) target(%dma_start3A_209 : memref<64x128xf32, #tpu.memory_space<vmem>>) offsets(%dma_start3A_212 : memref<64xi32, #tpu.memory_space<vmem>>) semaphore(%arg12 : memref<!tpu.dma_semaphore, #tpu.memory_space<semaphore_mem>>)
        %dma_start3A_216 = arith.constant 64 : i32
        %dma_start3A_217 = arith.constant 0 : i32
        %dma_start3A_218 = tpu.memref_slice %arg10[%dma_start3A_216, %dma_start3A_217] : memref<128x128xf32, #tpu.memory_space<vmem>> -> memref<64x128xf32, #tpu.memory_space<vmem>>
        %dma_start3A_219 = arith.constant 64 : i32
        %dma_start3A_220 = tpu.memref_slice %arg8[%add3A_206, %dma_start3A_219] : memref<40x128xi32, #tpu.memory_space<vmem>> -> memref<1x64xi32, #tpu.memory_space<vmem>>
        %dma_start3A_221 = tpu.memref_squeeze %dma_start3A_220 : memref<1x64xi32, #tpu.memory_space<vmem>> -> memref<64xi32, #tpu.memory_space<vmem>>
        %dma_start3A_222 = arith.constant 0 : i32
        %dma_start3A_223 = arith.constant 0 : i32
        %dma_start3A_224 = tpu.memref_slice %arg2[%dma_start3A_222, %dma_start3A_223] : memref<10000x128xf32, #tpu.memory_space<hbm>> -> memref<10000x128xf32, #tpu.memory_space<hbm>>
        tpu.enqueue_indirect_dma source(%dma_start3A_224 : memref<10000x128xf32, #tpu.memory_space<hbm>>) target(%dma_start3A_218 : memref<64x128xf32, #tpu.memory_space<vmem>>) offsets(%dma_start3A_221 : memref<64xi32, #tpu.memory_space<vmem>>) semaphore(%arg12 : memref<!tpu.dma_semaphore, #tpu.memory_space<semaphore_mem>>)
      } else {
      }
      %add3A_192 = arith.constant 3 : i32
      %add3A_193 = arith.addi %mul3A_161, %add3A_192 : i32
      %lt3A_194 = arith.constant 40 : i32
      %lt3A_195 = arith.cmpi slt, %add3A_193, %lt3A_194 : i32
      %convert_element_type3A_196 = arith.extui %lt3A_195 : i1 to i32
      %cond3A_197 = arith.constant 0 : i32
      %cond3A_198 = arith.cmpi ne, %convert_element_type3A_196, %cond3A_197 : i32
      scf.if %cond3A_198 {
        %add3A_199 = arith.constant 1 : i32
        %add3A_200 = arith.addi %mul3A_161, %add3A_199 : i32
        %dma_wait3A_201 = arith.constant 0 : i32
        %dma_wait3A_202 = tpu.memref_slice %arg9[%add3A_200, %dma_wait3A_201] : memref<40x128xi32, #tpu.memory_space<vmem>> -> memref<1x128xi32, #tpu.memory_space<vmem>>
        %dma_wait3A_203 = tpu.memref_squeeze %dma_wait3A_202 : memref<1x128xi32, #tpu.memory_space<vmem>> -> memref<128xi32, #tpu.memory_space<vmem>>
        %dma_wait3A_204 = arith.constant 0 : i32
        %dma_wait3A_205 = arith.constant 0 : i32
        %dma_wait3A_206 = tpu.memref_slice %arg7[%dma_wait3A_204, %dma_wait3A_205] : memref<10112x128xf32, #tpu.memory_space<vmem_shared>> -> memref<10112x128xf32, #tpu.memory_space<vmem_shared>>
        tpu.wait_indirect_dma semaphore(%arg15 : memref<!tpu.dma_semaphore, #tpu.memory_space<semaphore_mem>>) src(%arg11 : memref<128x128xf32, #tpu.memory_space<vmem>>) dst(%dma_wait3A_206 : memref<10112x128xf32, #tpu.memory_space<vmem_shared>>)
        %add3A_207 = arith.constant 3 : i32
        %add3A_208 = arith.addi %mul3A_161, %add3A_207 : i32
        %dma_start3A_209 = arith.constant 0 : i32
        %dma_start3A_210 = arith.constant 0 : i32
        %dma_start3A_211 = tpu.memref_slice %arg11[%dma_start3A_209, %dma_start3A_210] : memref<128x128xf32, #tpu.memory_space<vmem>> -> memref<64x128xf32, #tpu.memory_space<vmem>>
        %dma_start3A_212 = arith.constant 0 : i32
        %dma_start3A_213 = tpu.memref_slice %arg8[%add3A_208, %dma_start3A_212] : memref<40x128xi32, #tpu.memory_space<vmem>> -> memref<1x64xi32, #tpu.memory_space<vmem>>
        %dma_start3A_214 = tpu.memref_squeeze %dma_start3A_213 : memref<1x64xi32, #tpu.memory_space<vmem>> -> memref<64xi32, #tpu.memory_space<vmem>>
        %dma_start3A_215 = arith.constant 0 : i32
        %dma_start3A_216 = arith.constant 0 : i32
        %dma_start3A_217 = tpu.memref_slice %arg2[%dma_start3A_215, %dma_start3A_216] : memref<10000x128xf32, #tpu.memory_space<hbm>> -> memref<10000x128xf32, #tpu.memory_space<hbm>>
        tpu.enqueue_indirect_dma source(%dma_start3A_217 : memref<10000x128xf32, #tpu.memory_space<hbm>>) target(%dma_start3A_211 : memref<64x128xf32, #tpu.memory_space<vmem>>) offsets(%dma_start3A_214 : memref<64xi32, #tpu.memory_space<vmem>>) semaphore(%arg13 : memref<!tpu.dma_semaphore, #tpu.memory_space<semaphore_mem>>)
        %dma_start3A_218 = arith.constant 64 : i32
        %dma_start3A_219 = arith.constant 0 : i32
        %dma_start3A_220 = tpu.memref_slice %arg11[%dma_start3A_218, %dma_start3A_219] : memref<128x128xf32, #tpu.memory_space<vmem>> -> memref<64x128xf32, #tpu.memory_space<vmem>>
        %dma_start3A_221 = arith.constant 64 : i32
        %dma_start3A_222 = tpu.memref_slice %arg8[%add3A_208, %dma_start3A_221] : memref<40x128xi32, #tpu.memory_space<vmem>> -> memref<1x64xi32, #tpu.memory_space<vmem>>
        %dma_start3A_223 = tpu.memref_squeeze %dma_start3A_222 : memref<1x64xi32, #tpu.memory_space<vmem>> -> memref<64xi32, #tpu.memory_space<vmem>>
        %dma_start3A_224 = arith.constant 0 : i32
        %dma_start3A_225 = arith.constant 0 : i32
        %dma_start3A_226 = tpu.memref_slice %arg2[%dma_start3A_224, %dma_start3A_225] : memref<10000x128xf32, #tpu.memory_space<hbm>> -> memref<10000x128xf32, #tpu.memory_space<hbm>>
        tpu.enqueue_indirect_dma source(%dma_start3A_226 : memref<10000x128xf32, #tpu.memory_space<hbm>>) target(%dma_start3A_220 : memref<64x128xf32, #tpu.memory_space<vmem>>) offsets(%dma_start3A_223 : memref<64xi32, #tpu.memory_space<vmem>>) semaphore(%arg13 : memref<!tpu.dma_semaphore, #tpu.memory_space<semaphore_mem>>)
      } else {
      }
    }
    %scan3A_64 = arith.constant 20 : i32
    %dma_wait3A = arith.constant 38 : i32
    %dma_wait3A_65 = arith.constant 0 : i32
    %dma_wait3A_66 = tpu.memref_slice %arg9[%dma_wait3A, %dma_wait3A_65] : memref<40x128xi32, #tpu.memory_space<vmem>> -> memref<1x128xi32, #tpu.memory_space<vmem>>
    %dma_wait3A_67 = tpu.memref_squeeze %dma_wait3A_66 : memref<1x128xi32, #tpu.memory_space<vmem>> -> memref<128xi32, #tpu.memory_space<vmem>>
    %dma_wait3A_68 = arith.constant 0 : i32
    %dma_wait3A_69 = arith.constant 0 : i32
    %dma_wait3A_70 = tpu.memref_slice %arg7[%dma_wait3A_68, %dma_wait3A_69] : memref<10112x128xf32, #tpu.memory_space<vmem_shared>> -> memref<10112x128xf32, #tpu.memory_space<vmem_shared>>
    tpu.wait_indirect_dma semaphore(%arg14 : memref<!tpu.dma_semaphore, #tpu.memory_space<semaphore_mem>>) src(%arg10 : memref<128x128xf32, #tpu.memory_space<vmem>>) dst(%dma_wait3A_70 : memref<10112x128xf32, #tpu.memory_space<vmem_shared>>)
    %dma_wait3A_71 = arith.constant 39 : i32
    %dma_wait3A_72 = arith.constant 0 : i32
    %dma_wait3A_73 = tpu.memref_slice %arg9[%dma_wait3A_71, %dma_wait3A_72] : memref<40x128xi32, #tpu.memory_space<vmem>> -> memref<1x128xi32, #tpu.memory_space<vmem>>
    %dma_wait3A_74 = tpu.memref_squeeze %dma_wait3A_73 : memref<1x128xi32, #tpu.memory_space<vmem>> -> memref<128xi32, #tpu.memory_space<vmem>>
    %dma_wait3A_75 = arith.constant 0 : i32
    %dma_wait3A_76 = arith.constant 0 : i32
    %dma_wait3A_77 = tpu.memref_slice %arg7[%dma_wait3A_75, %dma_wait3A_76] : memref<10112x128xf32, #tpu.memory_space<vmem_shared>> -> memref<10112x128xf32, #tpu.memory_space<vmem_shared>>
    tpu.wait_indirect_dma semaphore(%arg15 : memref<!tpu.dma_semaphore, #tpu.memory_space<semaphore_mem>>) src(%arg11 : memref<128x128xf32, #tpu.memory_space<vmem>>) dst(%dma_wait3A_77 : memref<10112x128xf32, #tpu.memory_space<vmem_shared>>)
    "tpu.region"() ({
      %run_scoped3A = tpu.sem_alloc : memref<!tpu.dma_semaphore, #tpu.memory_space<semaphore_mem>>
      %dma_start3A_159 = arith.constant 40 : i32
      %dma_start3A_160 = arith.constant 0 : i32
      %dma_start3A_161 = tpu.memref_slice %arg3[%add3A, %dma_start3A_159, %dma_start3A_160] : memref<32x80x128xi32, #tpu.memory_space<hbm>> -> memref<1x40x128xi32, #tpu.memory_space<hbm>>
      %dma_start3A_162 = tpu.memref_squeeze %dma_start3A_161 : memref<1x40x128xi32, #tpu.memory_space<hbm>> -> memref<40x128xi32, #tpu.memory_space<hbm>>
      %dma_start3A_163 = arith.constant 40 : i32
      %dma_start3A_164 = arith.constant 0 : i32
      %dma_start3A_165 = tpu.memref_slice %arg3[%add3A, %dma_start3A_163, %dma_start3A_164] : memref<32x80x128xi32, #tpu.memory_space<hbm>> -> memref<1x40x128xi32, #tpu.memory_space<hbm>>
      %dma_start3A_166 = tpu.memref_squeeze %dma_start3A_165 : memref<1x40x128xi32, #tpu.memory_space<hbm>> -> memref<40x128xi32, #tpu.memory_space<hbm>>
      tpu.enqueue_dma source(%dma_start3A_166 : memref<40x128xi32, #tpu.memory_space<hbm>>) target(%arg8 : memref<40x128xi32, #tpu.memory_space<vmem>>) target_semaphore(%run_scoped3A : memref<!tpu.dma_semaphore, #tpu.memory_space<semaphore_mem>>)
      %dma_wait3A_167 = arith.constant 40 : i32
      %dma_wait3A_168 = arith.constant 0 : i32
      %dma_wait3A_169 = tpu.memref_slice %arg3[%add3A, %dma_wait3A_167, %dma_wait3A_168] : memref<32x80x128xi32, #tpu.memory_space<hbm>> -> memref<1x40x128xi32, #tpu.memory_space<hbm>>
      %dma_wait3A_170 = tpu.memref_squeeze %dma_wait3A_169 : memref<1x40x128xi32, #tpu.memory_space<hbm>> -> memref<40x128xi32, #tpu.memory_space<hbm>>
      %dma_wait3A_171 = arith.constant 40 : i32
      %dma_wait3A_172 = arith.constant 0 : i32
      %dma_wait3A_173 = tpu.memref_slice %arg3[%add3A, %dma_wait3A_171, %dma_wait3A_172] : memref<32x80x128xi32, #tpu.memory_space<hbm>> -> memref<1x40x128xi32, #tpu.memory_space<hbm>>
      %dma_wait3A_174 = tpu.memref_squeeze %dma_wait3A_173 : memref<1x40x128xi32, #tpu.memory_space<hbm>> -> memref<40x128xi32, #tpu.memory_space<hbm>>
      tpu.wait_dma2 semaphore(%run_scoped3A : memref<!tpu.dma_semaphore, #tpu.memory_space<semaphore_mem>>) src(%dma_wait3A_174 : memref<40x128xi32, #tpu.memory_space<hbm>>) dst(%arg8 : memref<40x128xi32, #tpu.memory_space<vmem>>)
      tpu.yield
    }) : () -> ()
    "tpu.region"() ({
      %run_scoped3A = tpu.sem_alloc : memref<!tpu.dma_semaphore, #tpu.memory_space<semaphore_mem>>
      %dma_start3A_159 = arith.constant 40 : i32
      %dma_start3A_160 = arith.constant 0 : i32
      %dma_start3A_161 = tpu.memref_slice %arg4[%add3A, %dma_start3A_159, %dma_start3A_160] : memref<32x80x128xi32, #tpu.memory_space<hbm>> -> memref<1x40x128xi32, #tpu.memory_space<hbm>>
      %dma_start3A_162 = tpu.memref_squeeze %dma_start3A_161 : memref<1x40x128xi32, #tpu.memory_space<hbm>> -> memref<40x128xi32, #tpu.memory_space<hbm>>
      %dma_start3A_163 = arith.constant 40 : i32
      %dma_start3A_164 = arith.constant 0 : i32
      %dma_start3A_165 = tpu.memref_slice %arg4[%add3A, %dma_start3A_163, %dma_start3A_164] : memref<32x80x128xi32, #tpu.memory_space<hbm>> -> memref<1x40x128xi32, #tpu.memory_space<hbm>>
      %dma_start3A_166 = tpu.memref_squeeze %dma_start3A_165 : memref<1x40x128xi32, #tpu.memory_space<hbm>> -> memref<40x128xi32, #tpu.memory_space<hbm>>
      tpu.enqueue_dma source(%dma_start3A_166 : memref<40x128xi32, #tpu.memory_space<hbm>>) target(%arg9 : memref<40x128xi32, #tpu.memory_space<vmem>>) target_semaphore(%run_scoped3A : memref<!tpu.dma_semaphore, #tpu.memory_space<semaphore_mem>>)
      %dma_wait3A_167 = arith.constant 40 : i32
      %dma_wait3A_168 = arith.constant 0 : i32
      %dma_wait3A_169 = tpu.memref_slice %arg4[%add3A, %dma_wait3A_167, %dma_wait3A_168] : memref<32x80x128xi32, #tpu.memory_space<hbm>> -> memref<1x40x128xi32, #tpu.memory_space<hbm>>
      %dma_wait3A_170 = tpu.memref_squeeze %dma_wait3A_169 : memref<1x40x128xi32, #tpu.memory_space<hbm>> -> memref<40x128xi32, #tpu.memory_space<hbm>>
      %dma_wait3A_171 = arith.constant 40 : i32
      %dma_wait3A_172 = arith.constant 0 : i32
      %dma_wait3A_173 = tpu.memref_slice %arg4[%add3A, %dma_wait3A_171, %dma_wait3A_172] : memref<32x80x128xi32, #tpu.memory_space<hbm>> -> memref<1x40x128xi32, #tpu.memory_space<hbm>>
      %dma_wait3A_174 = tpu.memref_squeeze %dma_wait3A_173 : memref<1x40x128xi32, #tpu.memory_space<hbm>> -> memref<40x128xi32, #tpu.memory_space<hbm>>
      tpu.wait_dma2 semaphore(%run_scoped3A : memref<!tpu.dma_semaphore, #tpu.memory_space<semaphore_mem>>) src(%dma_wait3A_174 : memref<40x128xi32, #tpu.memory_space<hbm>>) dst(%arg9 : memref<40x128xi32, #tpu.memory_space<vmem>>)
      tpu.yield
    }) : () -> ()
    %dma_start3A_78 = arith.constant 0 : i32
    %dma_start3A_79 = arith.constant 0 : i32
    %dma_start3A_80 = arith.constant 0 : i32
    %dma_start3A_81 = tpu.memref_slice %arg10[%dma_start3A_79, %dma_start3A_80] : memref<128x128xf32, #tpu.memory_space<vmem>> -> memref<64x128xf32, #tpu.memory_space<vmem>>
    %dma_start3A_82 = arith.constant 0 : i32
    %dma_start3A_83 = tpu.memref_slice %arg8[%dma_start3A_78, %dma_start3A_82] : memref<40x128xi32, #tpu.memory_space<vmem>> -> memref<1x64xi32, #tpu.memory_space<vmem>>
    %dma_start3A_84 = tpu.memref_squeeze %dma_start3A_83 : memref<1x64xi32, #tpu.memory_space<vmem>> -> memref<64xi32, #tpu.memory_space<vmem>>
    %dma_start3A_85 = arith.constant 0 : i32
    %dma_start3A_86 = arith.constant 0 : i32
    %dma_start3A_87 = tpu.memref_slice %arg2[%dma_start3A_85, %dma_start3A_86] : memref<10000x128xf32, #tpu.memory_space<hbm>> -> memref<10000x128xf32, #tpu.memory_space<hbm>>
    tpu.enqueue_indirect_dma source(%dma_start3A_87 : memref<10000x128xf32, #tpu.memory_space<hbm>>) target(%dma_start3A_81 : memref<64x128xf32, #tpu.memory_space<vmem>>) offsets(%dma_start3A_84 : memref<64xi32, #tpu.memory_space<vmem>>) semaphore(%arg12 : memref<!tpu.dma_semaphore, #tpu.memory_space<semaphore_mem>>)
    %dma_start3A_88 = arith.constant 0 : i32
    %dma_start3A_89 = arith.constant 64 : i32
    %dma_start3A_90 = arith.constant 0 : i32
    %dma_start3A_91 = tpu.memref_slice %arg10[%dma_start3A_89, %dma_start3A_90] : memref<128x128xf32, #tpu.memory_space<vmem>> -> memref<64x128xf32, #tpu.memory_space<vmem>>
    %dma_start3A_92 = arith.constant 64 : i32
    %dma_start3A_93 = tpu.memref_slice %arg8[%dma_start3A_88, %dma_start3A_92] : memref<40x128xi32, #tpu.memory_space<vmem>> -> memref<1x64xi32, #tpu.memory_space<vmem>>
    %dma_start3A_94 = tpu.memref_squeeze %dma_start3A_93 : memref<1x64xi32, #tpu.memory_space<vmem>> -> memref<64xi32, #tpu.memory_space<vmem>>
    %dma_start3A_95 = arith.constant 0 : i32
    %dma_start3A_96 = arith.constant 0 : i32
    %dma_start3A_97 = tpu.memref_slice %arg2[%dma_start3A_95, %dma_start3A_96] : memref<10000x128xf32, #tpu.memory_space<hbm>> -> memref<10000x128xf32, #tpu.memory_space<hbm>>
    tpu.enqueue_indirect_dma source(%dma_start3A_97 : memref<10000x128xf32, #tpu.memory_space<hbm>>) target(%dma_start3A_91 : memref<64x128xf32, #tpu.memory_space<vmem>>) offsets(%dma_start3A_94 : memref<64xi32, #tpu.memory_space<vmem>>) semaphore(%arg12 : memref<!tpu.dma_semaphore, #tpu.memory_space<semaphore_mem>>)
    %dma_start3A_98 = arith.constant 1 : i32
    %dma_start3A_99 = arith.constant 0 : i32
    %dma_start3A_100 = arith.constant 0 : i32
    %dma_start3A_101 = tpu.memref_slice %arg11[%dma_start3A_99, %dma_start3A_100] : memref<128x128xf32, #tpu.memory_space<vmem>> -> memref<64x128xf32, #tpu.memory_space<vmem>>
    %dma_start3A_102 = arith.constant 0 : i32
    %dma_start3A_103 = tpu.memref_slice %arg8[%dma_start3A_98, %dma_start3A_102] : memref<40x128xi32, #tpu.memory_space<vmem>> -> memref<1x64xi32, #tpu.memory_space<vmem>>
    %dma_start3A_104 = tpu.memref_squeeze %dma_start3A_103 : memref<1x64xi32, #tpu.memory_space<vmem>> -> memref<64xi32, #tpu.memory_space<vmem>>
    %dma_start3A_105 = arith.constant 0 : i32
    %dma_start3A_106 = arith.constant 0 : i32
    %dma_start3A_107 = tpu.memref_slice %arg2[%dma_start3A_105, %dma_start3A_106] : memref<10000x128xf32, #tpu.memory_space<hbm>> -> memref<10000x128xf32, #tpu.memory_space<hbm>>
    tpu.enqueue_indirect_dma source(%dma_start3A_107 : memref<10000x128xf32, #tpu.memory_space<hbm>>) target(%dma_start3A_101 : memref<64x128xf32, #tpu.memory_space<vmem>>) offsets(%dma_start3A_104 : memref<64xi32, #tpu.memory_space<vmem>>) semaphore(%arg13 : memref<!tpu.dma_semaphore, #tpu.memory_space<semaphore_mem>>)
    %dma_start3A_108 = arith.constant 1 : i32
    %dma_start3A_109 = arith.constant 64 : i32
    %dma_start3A_110 = arith.constant 0 : i32
    %dma_start3A_111 = tpu.memref_slice %arg11[%dma_start3A_109, %dma_start3A_110] : memref<128x128xf32, #tpu.memory_space<vmem>> -> memref<64x128xf32, #tpu.memory_space<vmem>>
    %dma_start3A_112 = arith.constant 64 : i32
    %dma_start3A_113 = tpu.memref_slice %arg8[%dma_start3A_108, %dma_start3A_112] : memref<40x128xi32, #tpu.memory_space<vmem>> -> memref<1x64xi32, #tpu.memory_space<vmem>>
    %dma_start3A_114 = tpu.memref_squeeze %dma_start3A_113 : memref<1x64xi32, #tpu.memory_space<vmem>> -> memref<64xi32, #tpu.memory_space<vmem>>
    %dma_start3A_115 = arith.constant 0 : i32
    %dma_start3A_116 = arith.constant 0 : i32
    %dma_start3A_117 = tpu.memref_slice %arg2[%dma_start3A_115, %dma_start3A_116] : memref<10000x128xf32, #tpu.memory_space<hbm>> -> memref<10000x128xf32, #tpu.memory_space<hbm>>
    tpu.enqueue_indirect_dma source(%dma_start3A_117 : memref<10000x128xf32, #tpu.memory_space<hbm>>) target(%dma_start3A_111 : memref<64x128xf32, #tpu.memory_space<vmem>>) offsets(%dma_start3A_114 : memref<64xi32, #tpu.memory_space<vmem>>) semaphore(%arg13 : memref<!tpu.dma_semaphore, #tpu.memory_space<semaphore_mem>>)
    %scan3A_118 = arith.constant 0 : i32
    %scan3A_119 = arith.constant 0 : i32
    %scan3A_120 = arith.constant 20 : i32
    %scan3A_121 = arith.addi %scan3A_119, %scan3A_120 : i32
    %scan3A_122 = arith.constant 1 : i32
    scf.for %scan3A_159 = %scan3A_119 to %scan3A_121 step %scan3A_122  : i32 {
      %mul3A_160 = arith.constant 2 : i32
      %mul3A_161 = arith.muli %mul3A_160, %scan3A_159 : i32
      %dma_wait3A_162 = arith.constant 0 : i32
      %dma_wait3A_163 = arith.constant 0 : i32
      %dma_wait3A_164 = tpu.memref_slice %arg2[%dma_wait3A_162, %dma_wait3A_163] : memref<10000x128xf32, #tpu.memory_space<hbm>> -> memref<128x128xf32, #tpu.memory_space<hbm>>
      %dma_wait3A_165 = arith.constant 0 : i32
      %dma_wait3A_166 = arith.constant 0 : i32
      %dma_wait3A_167 = tpu.memref_slice %arg2[%dma_wait3A_165, %dma_wait3A_166] : memref<10000x128xf32, #tpu.memory_space<hbm>> -> memref<128x128xf32, #tpu.memory_space<hbm>>
      tpu.wait_dma2 semaphore(%arg12 : memref<!tpu.dma_semaphore, #tpu.memory_space<semaphore_mem>>) src(%dma_wait3A_167 : memref<128x128xf32, #tpu.memory_space<hbm>>) dst(%arg10 : memref<128x128xf32, #tpu.memory_space<vmem>>)
      %dma_start3A_168 = arith.constant 0 : i32
      %dma_start3A_169 = tpu.memref_slice %arg9[%mul3A_161, %dma_start3A_168] : memref<40x128xi32, #tpu.memory_space<vmem>> -> memref<1x128xi32, #tpu.memory_space<vmem>>
      %dma_start3A_170 = tpu.memref_squeeze %dma_start3A_169 : memref<1x128xi32, #tpu.memory_space<vmem>> -> memref<128xi32, #tpu.memory_space<vmem>>
      %dma_start3A_171 = arith.constant 0 : i32
      %dma_start3A_172 = arith.constant 0 : i32
      %dma_start3A_173 = tpu.memref_slice %arg7[%dma_start3A_171, %dma_start3A_172] : memref<10112x128xf32, #tpu.memory_space<vmem_shared>> -> memref<10112x128xf32, #tpu.memory_space<vmem_shared>>
      tpu.enqueue_indirect_dma source(%arg10 : memref<128x128xf32, #tpu.memory_space<vmem>>) target(%dma_start3A_173 : memref<10112x128xf32, #tpu.memory_space<vmem_shared>>) offsets(%dma_start3A_170 : memref<128xi32, #tpu.memory_space<vmem>>) semaphore(%arg14 : memref<!tpu.dma_semaphore, #tpu.memory_space<semaphore_mem>>) {add = true}
      %dma_wait3A_174 = arith.constant 0 : i32
      %dma_wait3A_175 = arith.constant 0 : i32
      %dma_wait3A_176 = tpu.memref_slice %arg2[%dma_wait3A_174, %dma_wait3A_175] : memref<10000x128xf32, #tpu.memory_space<hbm>> -> memref<128x128xf32, #tpu.memory_space<hbm>>
      %dma_wait3A_177 = arith.constant 0 : i32
      %dma_wait3A_178 = arith.constant 0 : i32
      %dma_wait3A_179 = tpu.memref_slice %arg2[%dma_wait3A_177, %dma_wait3A_178] : memref<10000x128xf32, #tpu.memory_space<hbm>> -> memref<128x128xf32, #tpu.memory_space<hbm>>
      tpu.wait_dma2 semaphore(%arg13 : memref<!tpu.dma_semaphore, #tpu.memory_space<semaphore_mem>>) src(%dma_wait3A_179 : memref<128x128xf32, #tpu.memory_space<hbm>>) dst(%arg11 : memref<128x128xf32, #tpu.memory_space<vmem>>)
      %add3A_180 = arith.constant 1 : i32
      %add3A_181 = arith.addi %mul3A_161, %add3A_180 : i32
      %dma_start3A_182 = arith.constant 0 : i32
      %dma_start3A_183 = tpu.memref_slice %arg9[%add3A_181, %dma_start3A_182] : memref<40x128xi32, #tpu.memory_space<vmem>> -> memref<1x128xi32, #tpu.memory_space<vmem>>
      %dma_start3A_184 = tpu.memref_squeeze %dma_start3A_183 : memref<1x128xi32, #tpu.memory_space<vmem>> -> memref<128xi32, #tpu.memory_space<vmem>>
      %dma_start3A_185 = arith.constant 0 : i32
      %dma_start3A_186 = arith.constant 0 : i32
      %dma_start3A_187 = tpu.memref_slice %arg7[%dma_start3A_185, %dma_start3A_186] : memref<10112x128xf32, #tpu.memory_space<vmem_shared>> -> memref<10112x128xf32, #tpu.memory_space<vmem_shared>>
      tpu.enqueue_indirect_dma source(%arg11 : memref<128x128xf32, #tpu.memory_space<vmem>>) target(%dma_start3A_187 : memref<10112x128xf32, #tpu.memory_space<vmem_shared>>) offsets(%dma_start3A_184 : memref<128xi32, #tpu.memory_space<vmem>>) semaphore(%arg15 : memref<!tpu.dma_semaphore, #tpu.memory_space<semaphore_mem>>) {add = true}
      %add3A_188 = arith.constant 2 : i32
      %add3A_189 = arith.addi %mul3A_161, %add3A_188 : i32
      %lt3A = arith.constant 40 : i32
      %lt3A_190 = arith.cmpi slt, %add3A_189, %lt3A : i32
      %convert_element_type3A = arith.extui %lt3A_190 : i1 to i32
      %cond3A = arith.constant 0 : i32
      %cond3A_191 = arith.cmpi ne, %convert_element_type3A, %cond3A : i32
      scf.if %cond3A_191 {
        %dma_wait3A_199 = arith.constant 0 : i32
        %dma_wait3A_200 = tpu.memref_slice %arg9[%mul3A_161, %dma_wait3A_199] : memref<40x128xi32, #tpu.memory_space<vmem>> -> memref<1x128xi32, #tpu.memory_space<vmem>>
        %dma_wait3A_201 = tpu.memref_squeeze %dma_wait3A_200 : memref<1x128xi32, #tpu.memory_space<vmem>> -> memref<128xi32, #tpu.memory_space<vmem>>
        %dma_wait3A_202 = arith.constant 0 : i32
        %dma_wait3A_203 = arith.constant 0 : i32
        %dma_wait3A_204 = tpu.memref_slice %arg7[%dma_wait3A_202, %dma_wait3A_203] : memref<10112x128xf32, #tpu.memory_space<vmem_shared>> -> memref<10112x128xf32, #tpu.memory_space<vmem_shared>>
        tpu.wait_indirect_dma semaphore(%arg14 : memref<!tpu.dma_semaphore, #tpu.memory_space<semaphore_mem>>) src(%arg10 : memref<128x128xf32, #tpu.memory_space<vmem>>) dst(%dma_wait3A_204 : memref<10112x128xf32, #tpu.memory_space<vmem_shared>>)
        %add3A_205 = arith.constant 2 : i32
        %add3A_206 = arith.addi %mul3A_161, %add3A_205 : i32
        %dma_start3A_207 = arith.constant 0 : i32
        %dma_start3A_208 = arith.constant 0 : i32
        %dma_start3A_209 = tpu.memref_slice %arg10[%dma_start3A_207, %dma_start3A_208] : memref<128x128xf32, #tpu.memory_space<vmem>> -> memref<64x128xf32, #tpu.memory_space<vmem>>
        %dma_start3A_210 = arith.constant 0 : i32
        %dma_start3A_211 = tpu.memref_slice %arg8[%add3A_206, %dma_start3A_210] : memref<40x128xi32, #tpu.memory_space<vmem>> -> memref<1x64xi32, #tpu.memory_space<vmem>>
        %dma_start3A_212 = tpu.memref_squeeze %dma_start3A_211 : memref<1x64xi32, #tpu.memory_space<vmem>> -> memref<64xi32, #tpu.memory_space<vmem>>
        %dma_start3A_213 = arith.constant 0 : i32
        %dma_start3A_214 = arith.constant 0 : i32
        %dma_start3A_215 = tpu.memref_slice %arg2[%dma_start3A_213, %dma_start3A_214] : memref<10000x128xf32, #tpu.memory_space<hbm>> -> memref<10000x128xf32, #tpu.memory_space<hbm>>
        tpu.enqueue_indirect_dma source(%dma_start3A_215 : memref<10000x128xf32, #tpu.memory_space<hbm>>) target(%dma_start3A_209 : memref<64x128xf32, #tpu.memory_space<vmem>>) offsets(%dma_start3A_212 : memref<64xi32, #tpu.memory_space<vmem>>) semaphore(%arg12 : memref<!tpu.dma_semaphore, #tpu.memory_space<semaphore_mem>>)
        %dma_start3A_216 = arith.constant 64 : i32
        %dma_start3A_217 = arith.constant 0 : i32
        %dma_start3A_218 = tpu.memref_slice %arg10[%dma_start3A_216, %dma_start3A_217] : memref<128x128xf32, #tpu.memory_space<vmem>> -> memref<64x128xf32, #tpu.memory_space<vmem>>
        %dma_start3A_219 = arith.constant 64 : i32
        %dma_start3A_220 = tpu.memref_slice %arg8[%add3A_206, %dma_start3A_219] : memref<40x128xi32, #tpu.memory_space<vmem>> -> memref<1x64xi32, #tpu.memory_space<vmem>>
        %dma_start3A_221 = tpu.memref_squeeze %dma_start3A_220 : memref<1x64xi32, #tpu.memory_space<vmem>> -> memref<64xi32, #tpu.memory_space<vmem>>
        %dma_start3A_222 = arith.constant 0 : i32
        %dma_start3A_223 = arith.constant 0 : i32
        %dma_start3A_224 = tpu.memref_slice %arg2[%dma_start3A_222, %dma_start3A_223] : memref<10000x128xf32, #tpu.memory_space<hbm>> -> memref<10000x128xf32, #tpu.memory_space<hbm>>
        tpu.enqueue_indirect_dma source(%dma_start3A_224 : memref<10000x128xf32, #tpu.memory_space<hbm>>) target(%dma_start3A_218 : memref<64x128xf32, #tpu.memory_space<vmem>>) offsets(%dma_start3A_221 : memref<64xi32, #tpu.memory_space<vmem>>) semaphore(%arg12 : memref<!tpu.dma_semaphore, #tpu.memory_space<semaphore_mem>>)
      } else {
      }
      %add3A_192 = arith.constant 3 : i32
      %add3A_193 = arith.addi %mul3A_161, %add3A_192 : i32
      %lt3A_194 = arith.constant 40 : i32
      %lt3A_195 = arith.cmpi slt, %add3A_193, %lt3A_194 : i32
      %convert_element_type3A_196 = arith.extui %lt3A_195 : i1 to i32
      %cond3A_197 = arith.constant 0 : i32
      %cond3A_198 = arith.cmpi ne, %convert_element_type3A_196, %cond3A_197 : i32
      scf.if %cond3A_198 {
        %add3A_199 = arith.constant 1 : i32
        %add3A_200 = arith.addi %mul3A_161, %add3A_199 : i32
        %dma_wait3A_201 = arith.constant 0 : i32
        %dma_wait3A_202 = tpu.memref_slice %arg9[%add3A_200, %dma_wait3A_201] : memref<40x128xi32, #tpu.memory_space<vmem>> -> memref<1x128xi32, #tpu.memory_space<vmem>>
        %dma_wait3A_203 = tpu.memref_squeeze %dma_wait3A_202 : memref<1x128xi32, #tpu.memory_space<vmem>> -> memref<128xi32, #tpu.memory_space<vmem>>
        %dma_wait3A_204 = arith.constant 0 : i32
        %dma_wait3A_205 = arith.constant 0 : i32
        %dma_wait3A_206 = tpu.memref_slice %arg7[%dma_wait3A_204, %dma_wait3A_205] : memref<10112x128xf32, #tpu.memory_space<vmem_shared>> -> memref<10112x128xf32, #tpu.memory_space<vmem_shared>>
        tpu.wait_indirect_dma semaphore(%arg15 : memref<!tpu.dma_semaphore, #tpu.memory_space<semaphore_mem>>) src(%arg11 : memref<128x128xf32, #tpu.memory_space<vmem>>) dst(%dma_wait3A_206 : memref<10112x128xf32, #tpu.memory_space<vmem_shared>>)
        %add3A_207 = arith.constant 3 : i32
        %add3A_208 = arith.addi %mul3A_161, %add3A_207 : i32
        %dma_start3A_209 = arith.constant 0 : i32
        %dma_start3A_210 = arith.constant 0 : i32
        %dma_start3A_211 = tpu.memref_slice %arg11[%dma_start3A_209, %dma_start3A_210] : memref<128x128xf32, #tpu.memory_space<vmem>> -> memref<64x128xf32, #tpu.memory_space<vmem>>
        %dma_start3A_212 = arith.constant 0 : i32
        %dma_start3A_213 = tpu.memref_slice %arg8[%add3A_208, %dma_start3A_212] : memref<40x128xi32, #tpu.memory_space<vmem>> -> memref<1x64xi32, #tpu.memory_space<vmem>>
        %dma_start3A_214 = tpu.memref_squeeze %dma_start3A_213 : memref<1x64xi32, #tpu.memory_space<vmem>> -> memref<64xi32, #tpu.memory_space<vmem>>
        %dma_start3A_215 = arith.constant 0 : i32
        %dma_start3A_216 = arith.constant 0 : i32
        %dma_start3A_217 = tpu.memref_slice %arg2[%dma_start3A_215, %dma_start3A_216] : memref<10000x128xf32, #tpu.memory_space<hbm>> -> memref<10000x128xf32, #tpu.memory_space<hbm>>
        tpu.enqueue_indirect_dma source(%dma_start3A_217 : memref<10000x128xf32, #tpu.memory_space<hbm>>) target(%dma_start3A_211 : memref<64x128xf32, #tpu.memory_space<vmem>>) offsets(%dma_start3A_214 : memref<64xi32, #tpu.memory_space<vmem>>) semaphore(%arg13 : memref<!tpu.dma_semaphore, #tpu.memory_space<semaphore_mem>>)
        %dma_start3A_218 = arith.constant 64 : i32
        %dma_start3A_219 = arith.constant 0 : i32
        %dma_start3A_220 = tpu.memref_slice %arg11[%dma_start3A_218, %dma_start3A_219] : memref<128x128xf32, #tpu.memory_space<vmem>> -> memref<64x128xf32, #tpu.memory_space<vmem>>
        %dma_start3A_221 = arith.constant 64 : i32
        %dma_start3A_222 = tpu.memref_slice %arg8[%add3A_208, %dma_start3A_221] : memref<40x128xi32, #tpu.memory_space<vmem>> -> memref<1x64xi32, #tpu.memory_space<vmem>>
        %dma_start3A_223 = tpu.memref_squeeze %dma_start3A_222 : memref<1x64xi32, #tpu.memory_space<vmem>> -> memref<64xi32, #tpu.memory_space<vmem>>
        %dma_start3A_224 = arith.constant 0 : i32
        %dma_start3A_225 = arith.constant 0 : i32
        %dma_start3A_226 = tpu.memref_slice %arg2[%dma_start3A_224, %dma_start3A_225] : memref<10000x128xf32, #tpu.memory_space<hbm>> -> memref<10000x128xf32, #tpu.memory_space<hbm>>
        tpu.enqueue_indirect_dma source(%dma_start3A_226 : memref<10000x128xf32, #tpu.memory_space<hbm>>) target(%dma_start3A_220 : memref<64x128xf32, #tpu.memory_space<vmem>>) offsets(%dma_start3A_223 : memref<64xi32, #tpu.memory_space<vmem>>) semaphore(%arg13 : memref<!tpu.dma_semaphore, #tpu.memory_space<semaphore_mem>>)
      } else {
      }
    }
    %scan3A_123 = arith.constant 20 : i32
    %dma_wait3A_124 = arith.constant 38 : i32
    %dma_wait3A_125 = arith.constant 0 : i32
    %dma_wait3A_126 = tpu.memref_slice %arg9[%dma_wait3A_124, %dma_wait3A_125] : memref<40x128xi32, #tpu.memory_space<vmem>> -> memref<1x128xi32, #tpu.memory_space<vmem>>
    %dma_wait3A_127 = tpu.memref_squeeze %dma_wait3A_126 : memref<1x128xi32, #tpu.memory_space<vmem>> -> memref<128xi32, #tpu.memory_space<vmem>>
    %dma_wait3A_128 = arith.constant 0 : i32
    %dma_wait3A_129 = arith.constant 0 : i32
    %dma_wait3A_130 = tpu.memref_slice %arg7[%dma_wait3A_128, %dma_wait3A_129] : memref<10112x128xf32, #tpu.memory_space<vmem_shared>> -> memref<10112x128xf32, #tpu.memory_space<vmem_shared>>
    tpu.wait_indirect_dma semaphore(%arg14 : memref<!tpu.dma_semaphore, #tpu.memory_space<semaphore_mem>>) src(%arg10 : memref<128x128xf32, #tpu.memory_space<vmem>>) dst(%dma_wait3A_130 : memref<10112x128xf32, #tpu.memory_space<vmem_shared>>)
    %dma_wait3A_131 = arith.constant 39 : i32
    %dma_wait3A_132 = arith.constant 0 : i32
    %dma_wait3A_133 = tpu.memref_slice %arg9[%dma_wait3A_131, %dma_wait3A_132] : memref<40x128xi32, #tpu.memory_space<vmem>> -> memref<1x128xi32, #tpu.memory_space<vmem>>
    %dma_wait3A_134 = tpu.memref_squeeze %dma_wait3A_133 : memref<1x128xi32, #tpu.memory_space<vmem>> -> memref<128xi32, #tpu.memory_space<vmem>>
    %dma_wait3A_135 = arith.constant 0 : i32
    %dma_wait3A_136 = arith.constant 0 : i32
    %dma_wait3A_137 = tpu.memref_slice %arg7[%dma_wait3A_135, %dma_wait3A_136] : memref<10112x128xf32, #tpu.memory_space<vmem_shared>> -> memref<10112x128xf32, #tpu.memory_space<vmem_shared>>
    tpu.wait_indirect_dma semaphore(%arg15 : memref<!tpu.dma_semaphore, #tpu.memory_space<semaphore_mem>>) src(%arg11 : memref<128x128xf32, #tpu.memory_space<vmem>>) dst(%dma_wait3A_137 : memref<10112x128xf32, #tpu.memory_space<vmem_shared>>)
    %barrier3A_138 = arith.constant 0 : index
    tpu.barrier barrier_id(%barrier3A_138)
    %mul3A_139 = arith.constant 632 : i32
    %mul3A_140 = arith.muli %arg1, %mul3A_139 : i32
    %add3A_141 = arith.constant 0 : i32
    %add3A_142 = arith.addi %mul3A_140, %add3A_141 : i32
    "tpu.region"() ({
      %run_scoped3A = tpu.sem_alloc : memref<!tpu.dma_semaphore, #tpu.memory_space<semaphore_mem>>
      %dma_start3A_159 = arith.constant 0 : i32
      %dma_start3A_160 = arith.constant 0 : i32
      %dma_start3A_161 = tpu.memref_slice %arg10[%dma_start3A_159, %dma_start3A_160] : memref<128x128xf32, #tpu.memory_space<vmem>> -> memref<128x128xf32, #tpu.memory_space<vmem>>
      %dma_start3A_162 = arith.constant 0 : i32
      %dma_start3A_163 = tpu.memref_slice %arg7[%add3A_142, %dma_start3A_162] : memref<10112x128xf32, #tpu.memory_space<vmem_shared>> -> memref<128x128xf32, #tpu.memory_space<vmem_shared>>
      %dma_start3A_164 = arith.constant 0 : i32
      %dma_start3A_165 = arith.constant 0 : i32
      %dma_start3A_166 = tpu.memref_slice %arg10[%dma_start3A_164, %dma_start3A_165] : memref<128x128xf32, #tpu.memory_space<vmem>> -> memref<128x128xf32, #tpu.memory_space<vmem>>
      %dma_start3A_167 = arith.constant 0 : i32
      %dma_start3A_168 = tpu.memref_slice %arg7[%add3A_142, %dma_start3A_167] : memref<10112x128xf32, #tpu.memory_space<vmem_shared>> -> memref<128x128xf32, #tpu.memory_space<vmem_shared>>
      tpu.enqueue_dma source(%dma_start3A_168 : memref<128x128xf32, #tpu.memory_space<vmem_shared>>) target(%dma_start3A_166 : memref<128x128xf32, #tpu.memory_space<vmem>>) target_semaphore(%run_scoped3A : memref<!tpu.dma_semaphore, #tpu.memory_space<semaphore_mem>>)
      %dma_wait3A_169 = arith.constant 0 : i32
      %dma_wait3A_170 = arith.constant 0 : i32
      %dma_wait3A_171 = tpu.memref_slice %arg10[%dma_wait3A_169, %dma_wait3A_170] : memref<128x128xf32, #tpu.memory_space<vmem>> -> memref<128x128xf32, #tpu.memory_space<vmem>>
      %dma_wait3A_172 = arith.constant 0 : i32
      %dma_wait3A_173 = tpu.memref_slice %arg7[%add3A_142, %dma_wait3A_172] : memref<10112x128xf32, #tpu.memory_space<vmem_shared>> -> memref<128x128xf32, #tpu.memory_space<vmem_shared>>
      %dma_wait3A_174 = arith.constant 0 : i32
      %dma_wait3A_175 = arith.constant 0 : i32
      %dma_wait3A_176 = tpu.memref_slice %arg10[%dma_wait3A_174, %dma_wait3A_175] : memref<128x128xf32, #tpu.memory_space<vmem>> -> memref<128x128xf32, #tpu.memory_space<vmem>>
      %dma_wait3A_177 = arith.constant 0 : i32
      %dma_wait3A_178 = tpu.memref_slice %arg7[%add3A_142, %dma_wait3A_177] : memref<10112x128xf32, #tpu.memory_space<vmem_shared>> -> memref<128x128xf32, #tpu.memory_space<vmem_shared>>
      tpu.wait_dma2 semaphore(%run_scoped3A : memref<!tpu.dma_semaphore, #tpu.memory_space<semaphore_mem>>) src(%dma_wait3A_178 : memref<128x128xf32, #tpu.memory_space<vmem_shared>>) dst(%dma_wait3A_176 : memref<128x128xf32, #tpu.memory_space<vmem>>)
      tpu.yield
    }) : () -> ()
    "tpu.region"() ({
      %run_scoped3A = tpu.sem_alloc : memref<!tpu.dma_semaphore, #tpu.memory_space<semaphore_mem>>
      %dma_start3A_159 = arith.constant 0 : i32
      %dma_start3A_160 = arith.constant 0 : i32
      %dma_start3A_161 = tpu.memref_slice %arg10[%dma_start3A_159, %dma_start3A_160] : memref<128x128xf32, #tpu.memory_space<vmem>> -> memref<128x128xf32, #tpu.memory_space<vmem>>
      %dma_start3A_162 = arith.constant 0 : i32
      %dma_start3A_163 = tpu.memref_slice %arg6[%arg0, %add3A_142, %dma_start3A_162] : memref<2x10112x128xf32, #tpu.memory_space<hbm>> -> memref<1x128x128xf32, #tpu.memory_space<hbm>>
      %dma_start3A_164 = tpu.memref_squeeze %dma_start3A_163 : memref<1x128x128xf32, #tpu.memory_space<hbm>> -> memref<128x128xf32, #tpu.memory_space<hbm>>
      %dma_start3A_165 = arith.constant 0 : i32
      %dma_start3A_166 = tpu.memref_slice %arg6[%arg0, %add3A_142, %dma_start3A_165] : memref<2x10112x128xf32, #tpu.memory_space<hbm>> -> memref<1x128x128xf32, #tpu.memory_space<hbm>>
      %dma_start3A_167 = tpu.memref_squeeze %dma_start3A_166 : memref<1x128x128xf32, #tpu.memory_space<hbm>> -> memref<128x128xf32, #tpu.memory_space<hbm>>
      %dma_start3A_168 = arith.constant 0 : i32
      %dma_start3A_169 = arith.constant 0 : i32
      %dma_start3A_170 = tpu.memref_slice %arg10[%dma_start3A_168, %dma_start3A_169] : memref<128x128xf32, #tpu.memory_space<vmem>> -> memref<128x128xf32, #tpu.memory_space<vmem>>
      tpu.enqueue_dma source(%dma_start3A_170 : memref<128x128xf32, #tpu.memory_space<vmem>>) target(%dma_start3A_167 : memref<128x128xf32, #tpu.memory_space<hbm>>) target_semaphore(%run_scoped3A : memref<!tpu.dma_semaphore, #tpu.memory_space<semaphore_mem>>)
      %dma_wait3A_171 = arith.constant 0 : i32
      %dma_wait3A_172 = arith.constant 0 : i32
      %dma_wait3A_173 = tpu.memref_slice %arg10[%dma_wait3A_171, %dma_wait3A_172] : memref<128x128xf32, #tpu.memory_space<vmem>> -> memref<128x128xf32, #tpu.memory_space<vmem>>
      %dma_wait3A_174 = arith.constant 0 : i32
      %dma_wait3A_175 = tpu.memref_slice %arg6[%arg0, %add3A_142, %dma_wait3A_174] : memref<2x10112x128xf32, #tpu.memory_space<hbm>> -> memref<1x128x128xf32, #tpu.memory_space<hbm>>
      %dma_wait3A_176 = tpu.memref_squeeze %dma_wait3A_175 : memref<1x128x128xf32, #tpu.memory_space<hbm>> -> memref<128x128xf32, #tpu.memory_space<hbm>>
      %dma_wait3A_177 = arith.constant 0 : i32
      %dma_wait3A_178 = tpu.memref_slice %arg6[%arg0, %add3A_142, %dma_wait3A_177] : memref<2x10112x128xf32, #tpu.memory_space<hbm>> -> memref<1x128x128xf32, #tpu.memory_space<hbm>>
      %dma_wait3A_179 = tpu.memref_squeeze %dma_wait3A_178 : memref<1x128x128xf32, #tpu.memory_space<hbm>> -> memref<128x128xf32, #tpu.memory_space<hbm>>
      %dma_wait3A_180 = arith.constant 0 : i32
      %dma_wait3A_181 = arith.constant 0 : i32
      %dma_wait3A_182 = tpu.memref_slice %arg10[%dma_wait3A_180, %dma_wait3A_181] : memref<128x128xf32, #tpu.memory_space<vmem>> -> memref<128x128xf32, #tpu.memory_space<vmem>>
      tpu.wait_dma2 semaphore(%run_scoped3A : memref<!tpu.dma_semaphore, #tpu.memory_space<semaphore_mem>>) src(%dma_wait3A_182 : memref<128x128xf32, #tpu.memory_space<vmem>>) dst(%dma_wait3A_179 : memref<128x128xf32, #tpu.memory_space<hbm>>)
      tpu.yield
    }) : () -> ()
    %mul3A_143 = arith.constant 632 : i32
    %mul3A_144 = arith.muli %arg1, %mul3A_143 : i32
    %add3A_145 = arith.constant 128 : i32
    %add3A_146 = arith.addi %mul3A_144, %add3A_145 : i32
    "tpu.region"() ({
      %run_scoped3A = tpu.sem_alloc : memref<!tpu.dma_semaphore, #tpu.memory_space<semaphore_mem>>
      %dma_start3A_159 = arith.constant 0 : i32
      %dma_start3A_160 = arith.constant 0 : i32
      %dma_start3A_161 = tpu.memref_slice %arg10[%dma_start3A_159, %dma_start3A_160] : memref<128x128xf32, #tpu.memory_space<vmem>> -> memref<128x128xf32, #tpu.memory_space<vmem>>
      %dma_start3A_162 = arith.constant 0 : i32
      %dma_start3A_163 = tpu.memref_slice %arg7[%add3A_146, %dma_start3A_162] : memref<10112x128xf32, #tpu.memory_space<vmem_shared>> -> memref<128x128xf32, #tpu.memory_space<vmem_shared>>
      %dma_start3A_164 = arith.constant 0 : i32
      %dma_start3A_165 = arith.constant 0 : i32
      %dma_start3A_166 = tpu.memref_slice %arg10[%dma_start3A_164, %dma_start3A_165] : memref<128x128xf32, #tpu.memory_space<vmem>> -> memref<128x128xf32, #tpu.memory_space<vmem>>
      %dma_start3A_167 = arith.constant 0 : i32
      %dma_start3A_168 = tpu.memref_slice %arg7[%add3A_146, %dma_start3A_167] : memref<10112x128xf32, #tpu.memory_space<vmem_shared>> -> memref<128x128xf32, #tpu.memory_space<vmem_shared>>
      tpu.enqueue_dma source(%dma_start3A_168 : memref<128x128xf32, #tpu.memory_space<vmem_shared>>) target(%dma_start3A_166 : memref<128x128xf32, #tpu.memory_space<vmem>>) target_semaphore(%run_scoped3A : memref<!tpu.dma_semaphore, #tpu.memory_space<semaphore_mem>>)
      %dma_wait3A_169 = arith.constant 0 : i32
      %dma_wait3A_170 = arith.constant 0 : i32
      %dma_wait3A_171 = tpu.memref_slice %arg10[%dma_wait3A_169, %dma_wait3A_170] : memref<128x128xf32, #tpu.memory_space<vmem>> -> memref<128x128xf32, #tpu.memory_space<vmem>>
      %dma_wait3A_172 = arith.constant 0 : i32
      %dma_wait3A_173 = tpu.memref_slice %arg7[%add3A_146, %dma_wait3A_172] : memref<10112x128xf32, #tpu.memory_space<vmem_shared>> -> memref<128x128xf32, #tpu.memory_space<vmem_shared>>
      %dma_wait3A_174 = arith.constant 0 : i32
      %dma_wait3A_175 = arith.constant 0 : i32
      %dma_wait3A_176 = tpu.memref_slice %arg10[%dma_wait3A_174, %dma_wait3A_175] : memref<128x128xf32, #tpu.memory_space<vmem>> -> memref<128x128xf32, #tpu.memory_space<vmem>>
      %dma_wait3A_177 = arith.constant 0 : i32
      %dma_wait3A_178 = tpu.memref_slice %arg7[%add3A_146, %dma_wait3A_177] : memref<10112x128xf32, #tpu.memory_space<vmem_shared>> -> memref<128x128xf32, #tpu.memory_space<vmem_shared>>
      tpu.wait_dma2 semaphore(%run_scoped3A : memref<!tpu.dma_semaphore, #tpu.memory_space<semaphore_mem>>) src(%dma_wait3A_178 : memref<128x128xf32, #tpu.memory_space<vmem_shared>>) dst(%dma_wait3A_176 : memref<128x128xf32, #tpu.memory_space<vmem>>)
      tpu.yield
    }) : () -> ()
    "tpu.region"() ({
      %run_scoped3A = tpu.sem_alloc : memref<!tpu.dma_semaphore, #tpu.memory_space<semaphore_mem>>
      %dma_start3A_159 = arith.constant 0 : i32
      %dma_start3A_160 = arith.constant 0 : i32
      %dma_start3A_161 = tpu.memref_slice %arg10[%dma_start3A_159, %dma_start3A_160] : memref<128x128xf32, #tpu.memory_space<vmem>> -> memref<128x128xf32, #tpu.memory_space<vmem>>
      %dma_start3A_162 = arith.constant 0 : i32
      %dma_start3A_163 = tpu.memref_slice %arg6[%arg0, %add3A_146, %dma_start3A_162] : memref<2x10112x128xf32, #tpu.memory_space<hbm>> -> memref<1x128x128xf32, #tpu.memory_space<hbm>>
      %dma_start3A_164 = tpu.memref_squeeze %dma_start3A_163 : memref<1x128x128xf32, #tpu.memory_space<hbm>> -> memref<128x128xf32, #tpu.memory_space<hbm>>
      %dma_start3A_165 = arith.constant 0 : i32
      %dma_start3A_166 = tpu.memref_slice %arg6[%arg0, %add3A_146, %dma_start3A_165] : memref<2x10112x128xf32, #tpu.memory_space<hbm>> -> memref<1x128x128xf32, #tpu.memory_space<hbm>>
      %dma_start3A_167 = tpu.memref_squeeze %dma_start3A_166 : memref<1x128x128xf32, #tpu.memory_space<hbm>> -> memref<128x128xf32, #tpu.memory_space<hbm>>
      %dma_start3A_168 = arith.constant 0 : i32
      %dma_start3A_169 = arith.constant 0 : i32
      %dma_start3A_170 = tpu.memref_slice %arg10[%dma_start3A_168, %dma_start3A_169] : memref<128x128xf32, #tpu.memory_space<vmem>> -> memref<128x128xf32, #tpu.memory_space<vmem>>
      tpu.enqueue_dma source(%dma_start3A_170 : memref<128x128xf32, #tpu.memory_space<vmem>>) target(%dma_start3A_167 : memref<128x128xf32, #tpu.memory_space<hbm>>) target_semaphore(%run_scoped3A : memref<!tpu.dma_semaphore, #tpu.memory_space<semaphore_mem>>)
      %dma_wait3A_171 = arith.constant 0 : i32
      %dma_wait3A_172 = arith.constant 0 : i32
      %dma_wait3A_173 = tpu.memref_slice %arg10[%dma_wait3A_171, %dma_wait3A_172] : memref<128x128xf32, #tpu.memory_space<vmem>> -> memref<128x128xf32, #tpu.memory_space<vmem>>
      %dma_wait3A_174 = arith.constant 0 : i32
      %dma_wait3A_175 = tpu.memref_slice %arg6[%arg0, %add3A_146, %dma_wait3A_174] : memref<2x10112x128xf32, #tpu.memory_space<hbm>> -> memref<1x128x128xf32, #tpu.memory_space<hbm>>
      %dma_wait3A_176 = tpu.memref_squeeze %dma_wait3A_175 : memref<1x128x128xf32, #tpu.memory_space<hbm>> -> memref<128x128xf32, #tpu.memory_space<hbm>>
      %dma_wait3A_177 = arith.constant 0 : i32
      %dma_wait3A_178 = tpu.memref_slice %arg6[%arg0, %add3A_146, %dma_wait3A_177] : memref<2x10112x128xf32, #tpu.memory_space<hbm>> -> memref<1x128x128xf32, #tpu.memory_space<hbm>>
      %dma_wait3A_179 = tpu.memref_squeeze %dma_wait3A_178 : memref<1x128x128xf32, #tpu.memory_space<hbm>> -> memref<128x128xf32, #tpu.memory_space<hbm>>
      %dma_wait3A_180 = arith.constant 0 : i32
      %dma_wait3A_181 = arith.constant 0 : i32
      %dma_wait3A_182 = tpu.memref_slice %arg10[%dma_wait3A_180, %dma_wait3A_181] : memref<128x128xf32, #tpu.memory_space<vmem>> -> memref<128x128xf32, #tpu.memory_space<vmem>>
      tpu.wait_dma2 semaphore(%run_scoped3A : memref<!tpu.dma_semaphore, #tpu.memory_space<semaphore_mem>>) src(%dma_wait3A_182 : memref<128x128xf32, #tpu.memory_space<vmem>>) dst(%dma_wait3A_179 : memref<128x128xf32, #tpu.memory_space<hbm>>)
      tpu.yield
    }) : () -> ()
    %mul3A_147 = arith.constant 632 : i32
    %mul3A_148 = arith.muli %arg1, %mul3A_147 : i32
    %add3A_149 = arith.constant 256 : i32
    %add3A_150 = arith.addi %mul3A_148, %add3A_149 : i32
    "tpu.region"() ({
      %run_scoped3A = tpu.sem_alloc : memref<!tpu.dma_semaphore, #tpu.memory_space<semaphore_mem>>
      %dma_start3A_159 = arith.constant 0 : i32
      %dma_start3A_160 = arith.constant 0 : i32
      %dma_start3A_161 = tpu.memref_slice %arg10[%dma_start3A_159, %dma_start3A_160] : memref<128x128xf32, #tpu.memory_space<vmem>> -> memref<128x128xf32, #tpu.memory_space<vmem>>
      %dma_start3A_162 = arith.constant 0 : i32
      %dma_start3A_163 = tpu.memref_slice %arg7[%add3A_150, %dma_start3A_162] : memref<10112x128xf32, #tpu.memory_space<vmem_shared>> -> memref<128x128xf32, #tpu.memory_space<vmem_shared>>
      %dma_start3A_164 = arith.constant 0 : i32
      %dma_start3A_165 = arith.constant 0 : i32
      %dma_start3A_166 = tpu.memref_slice %arg10[%dma_start3A_164, %dma_start3A_165] : memref<128x128xf32, #tpu.memory_space<vmem>> -> memref<128x128xf32, #tpu.memory_space<vmem>>
      %dma_start3A_167 = arith.constant 0 : i32
      %dma_start3A_168 = tpu.memref_slice %arg7[%add3A_150, %dma_start3A_167] : memref<10112x128xf32, #tpu.memory_space<vmem_shared>> -> memref<128x128xf32, #tpu.memory_space<vmem_shared>>
      tpu.enqueue_dma source(%dma_start3A_168 : memref<128x128xf32, #tpu.memory_space<vmem_shared>>) target(%dma_start3A_166 : memref<128x128xf32, #tpu.memory_space<vmem>>) target_semaphore(%run_scoped3A : memref<!tpu.dma_semaphore, #tpu.memory_space<semaphore_mem>>)
      %dma_wait3A_169 = arith.constant 0 : i32
      %dma_wait3A_170 = arith.constant 0 : i32
      %dma_wait3A_171 = tpu.memref_slice %arg10[%dma_wait3A_169, %dma_wait3A_170] : memref<128x128xf32, #tpu.memory_space<vmem>> -> memref<128x128xf32, #tpu.memory_space<vmem>>
      %dma_wait3A_172 = arith.constant 0 : i32
      %dma_wait3A_173 = tpu.memref_slice %arg7[%add3A_150, %dma_wait3A_172] : memref<10112x128xf32, #tpu.memory_space<vmem_shared>> -> memref<128x128xf32, #tpu.memory_space<vmem_shared>>
      %dma_wait3A_174 = arith.constant 0 : i32
      %dma_wait3A_175 = arith.constant 0 : i32
      %dma_wait3A_176 = tpu.memref_slice %arg10[%dma_wait3A_174, %dma_wait3A_175] : memref<128x128xf32, #tpu.memory_space<vmem>> -> memref<128x128xf32, #tpu.memory_space<vmem>>
      %dma_wait3A_177 = arith.constant 0 : i32
      %dma_wait3A_178 = tpu.memref_slice %arg7[%add3A_150, %dma_wait3A_177] : memref<10112x128xf32, #tpu.memory_space<vmem_shared>> -> memref<128x128xf32, #tpu.memory_space<vmem_shared>>
      tpu.wait_dma2 semaphore(%run_scoped3A : memref<!tpu.dma_semaphore, #tpu.memory_space<semaphore_mem>>) src(%dma_wait3A_178 : memref<128x128xf32, #tpu.memory_space<vmem_shared>>) dst(%dma_wait3A_176 : memref<128x128xf32, #tpu.memory_space<vmem>>)
      tpu.yield
    }) : () -> ()
    "tpu.region"() ({
      %run_scoped3A = tpu.sem_alloc : memref<!tpu.dma_semaphore, #tpu.memory_space<semaphore_mem>>
      %dma_start3A_159 = arith.constant 0 : i32
      %dma_start3A_160 = arith.constant 0 : i32
      %dma_start3A_161 = tpu.memref_slice %arg10[%dma_start3A_159, %dma_start3A_160] : memref<128x128xf32, #tpu.memory_space<vmem>> -> memref<128x128xf32, #tpu.memory_space<vmem>>
      %dma_start3A_162 = arith.constant 0 : i32
      %dma_start3A_163 = tpu.memref_slice %arg6[%arg0, %add3A_150, %dma_start3A_162] : memref<2x10112x128xf32, #tpu.memory_space<hbm>> -> memref<1x128x128xf32, #tpu.memory_space<hbm>>
      %dma_start3A_164 = tpu.memref_squeeze %dma_start3A_163 : memref<1x128x128xf32, #tpu.memory_space<hbm>> -> memref<128x128xf32, #tpu.memory_space<hbm>>
      %dma_start3A_165 = arith.constant 0 : i32
      %dma_start3A_166 = tpu.memref_slice %arg6[%arg0, %add3A_150, %dma_start3A_165] : memref<2x10112x128xf32, #tpu.memory_space<hbm>> -> memref<1x128x128xf32, #tpu.memory_space<hbm>>
      %dma_start3A_167 = tpu.memref_squeeze %dma_start3A_166 : memref<1x128x128xf32, #tpu.memory_space<hbm>> -> memref<128x128xf32, #tpu.memory_space<hbm>>
      %dma_start3A_168 = arith.constant 0 : i32
      %dma_start3A_169 = arith.constant 0 : i32
      %dma_start3A_170 = tpu.memref_slice %arg10[%dma_start3A_168, %dma_start3A_169] : memref<128x128xf32, #tpu.memory_space<vmem>> -> memref<128x128xf32, #tpu.memory_space<vmem>>
      tpu.enqueue_dma source(%dma_start3A_170 : memref<128x128xf32, #tpu.memory_space<vmem>>) target(%dma_start3A_167 : memref<128x128xf32, #tpu.memory_space<hbm>>) target_semaphore(%run_scoped3A : memref<!tpu.dma_semaphore, #tpu.memory_space<semaphore_mem>>)
      %dma_wait3A_171 = arith.constant 0 : i32
      %dma_wait3A_172 = arith.constant 0 : i32
      %dma_wait3A_173 = tpu.memref_slice %arg10[%dma_wait3A_171, %dma_wait3A_172] : memref<128x128xf32, #tpu.memory_space<vmem>> -> memref<128x128xf32, #tpu.memory_space<vmem>>
      %dma_wait3A_174 = arith.constant 0 : i32
      %dma_wait3A_175 = tpu.memref_slice %arg6[%arg0, %add3A_150, %dma_wait3A_174] : memref<2x10112x128xf32, #tpu.memory_space<hbm>> -> memref<1x128x128xf32, #tpu.memory_space<hbm>>
      %dma_wait3A_176 = tpu.memref_squeeze %dma_wait3A_175 : memref<1x128x128xf32, #tpu.memory_space<hbm>> -> memref<128x128xf32, #tpu.memory_space<hbm>>
      %dma_wait3A_177 = arith.constant 0 : i32
      %dma_wait3A_178 = tpu.memref_slice %arg6[%arg0, %add3A_150, %dma_wait3A_177] : memref<2x10112x128xf32, #tpu.memory_space<hbm>> -> memref<1x128x128xf32, #tpu.memory_space<hbm>>
      %dma_wait3A_179 = tpu.memref_squeeze %dma_wait3A_178 : memref<1x128x128xf32, #tpu.memory_space<hbm>> -> memref<128x128xf32, #tpu.memory_space<hbm>>
      %dma_wait3A_180 = arith.constant 0 : i32
      %dma_wait3A_181 = arith.constant 0 : i32
      %dma_wait3A_182 = tpu.memref_slice %arg10[%dma_wait3A_180, %dma_wait3A_181] : memref<128x128xf32, #tpu.memory_space<vmem>> -> memref<128x128xf32, #tpu.memory_space<vmem>>
      tpu.wait_dma2 semaphore(%run_scoped3A : memref<!tpu.dma_semaphore, #tpu.memory_space<semaphore_mem>>) src(%dma_wait3A_182 : memref<128x128xf32, #tpu.memory_space<vmem>>) dst(%dma_wait3A_179 : memref<128x128xf32, #tpu.memory_space<hbm>>)
      tpu.yield
    }) : () -> ()
    %mul3A_151 = arith.constant 632 : i32
    %mul3A_152 = arith.muli %arg1, %mul3A_151 : i32
    %add3A_153 = arith.constant 384 : i32
    %add3A_154 = arith.addi %mul3A_152, %add3A_153 : i32
    "tpu.region"() ({
      %run_scoped3A = tpu.sem_alloc : memref<!tpu.dma_semaphore, #tpu.memory_space<semaphore_mem>>
      %dma_start3A_159 = arith.constant 0 : i32
      %dma_start3A_160 = arith.constant 0 : i32
      %dma_start3A_161 = tpu.memref_slice %arg10[%dma_start3A_159, %dma_start3A_160] : memref<128x128xf32, #tpu.memory_space<vmem>> -> memref<128x128xf32, #tpu.memory_space<vmem>>
      %dma_start3A_162 = arith.constant 0 : i32
      %dma_start3A_163 = tpu.memref_slice %arg7[%add3A_154, %dma_start3A_162] : memref<10112x128xf32, #tpu.memory_space<vmem_shared>> -> memref<128x128xf32, #tpu.memory_space<vmem_shared>>
      %dma_start3A_164 = arith.constant 0 : i32
      %dma_start3A_165 = arith.constant 0 : i32
      %dma_start3A_166 = tpu.memref_slice %arg10[%dma_start3A_164, %dma_start3A_165] : memref<128x128xf32, #tpu.memory_space<vmem>> -> memref<128x128xf32, #tpu.memory_space<vmem>>
      %dma_start3A_167 = arith.constant 0 : i32
      %dma_start3A_168 = tpu.memref_slice %arg7[%add3A_154, %dma_start3A_167] : memref<10112x128xf32, #tpu.memory_space<vmem_shared>> -> memref<128x128xf32, #tpu.memory_space<vmem_shared>>
      tpu.enqueue_dma source(%dma_start3A_168 : memref<128x128xf32, #tpu.memory_space<vmem_shared>>) target(%dma_start3A_166 : memref<128x128xf32, #tpu.memory_space<vmem>>) target_semaphore(%run_scoped3A : memref<!tpu.dma_semaphore, #tpu.memory_space<semaphore_mem>>)
      %dma_wait3A_169 = arith.constant 0 : i32
      %dma_wait3A_170 = arith.constant 0 : i32
      %dma_wait3A_171 = tpu.memref_slice %arg10[%dma_wait3A_169, %dma_wait3A_170] : memref<128x128xf32, #tpu.memory_space<vmem>> -> memref<128x128xf32, #tpu.memory_space<vmem>>
      %dma_wait3A_172 = arith.constant 0 : i32
      %dma_wait3A_173 = tpu.memref_slice %arg7[%add3A_154, %dma_wait3A_172] : memref<10112x128xf32, #tpu.memory_space<vmem_shared>> -> memref<128x128xf32, #tpu.memory_space<vmem_shared>>
      %dma_wait3A_174 = arith.constant 0 : i32
      %dma_wait3A_175 = arith.constant 0 : i32
      %dma_wait3A_176 = tpu.memref_slice %arg10[%dma_wait3A_174, %dma_wait3A_175] : memref<128x128xf32, #tpu.memory_space<vmem>> -> memref<128x128xf32, #tpu.memory_space<vmem>>
      %dma_wait3A_177 = arith.constant 0 : i32
      %dma_wait3A_178 = tpu.memref_slice %arg7[%add3A_154, %dma_wait3A_177] : memref<10112x128xf32, #tpu.memory_space<vmem_shared>> -> memref<128x128xf32, #tpu.memory_space<vmem_shared>>
      tpu.wait_dma2 semaphore(%run_scoped3A : memref<!tpu.dma_semaphore, #tpu.memory_space<semaphore_mem>>) src(%dma_wait3A_178 : memref<128x128xf32, #tpu.memory_space<vmem_shared>>) dst(%dma_wait3A_176 : memref<128x128xf32, #tpu.memory_space<vmem>>)
      tpu.yield
    }) : () -> ()
    "tpu.region"() ({
      %run_scoped3A = tpu.sem_alloc : memref<!tpu.dma_semaphore, #tpu.memory_space<semaphore_mem>>
      %dma_start3A_159 = arith.constant 0 : i32
      %dma_start3A_160 = arith.constant 0 : i32
      %dma_start3A_161 = tpu.memref_slice %arg10[%dma_start3A_159, %dma_start3A_160] : memref<128x128xf32, #tpu.memory_space<vmem>> -> memref<128x128xf32, #tpu.memory_space<vmem>>
      %dma_start3A_162 = arith.constant 0 : i32
      %dma_start3A_163 = tpu.memref_slice %arg6[%arg0, %add3A_154, %dma_start3A_162] : memref<2x10112x128xf32, #tpu.memory_space<hbm>> -> memref<1x128x128xf32, #tpu.memory_space<hbm>>
      %dma_start3A_164 = tpu.memref_squeeze %dma_start3A_163 : memref<1x128x128xf32, #tpu.memory_space<hbm>> -> memref<128x128xf32, #tpu.memory_space<hbm>>
      %dma_start3A_165 = arith.constant 0 : i32
      %dma_start3A_166 = tpu.memref_slice %arg6[%arg0, %add3A_154, %dma_start3A_165] : memref<2x10112x128xf32, #tpu.memory_space<hbm>> -> memref<1x128x128xf32, #tpu.memory_space<hbm>>
      %dma_start3A_167 = tpu.memref_squeeze %dma_start3A_166 : memref<1x128x128xf32, #tpu.memory_space<hbm>> -> memref<128x128xf32, #tpu.memory_space<hbm>>
      %dma_start3A_168 = arith.constant 0 : i32
      %dma_start3A_169 = arith.constant 0 : i32
      %dma_start3A_170 = tpu.memref_slice %arg10[%dma_start3A_168, %dma_start3A_169] : memref<128x128xf32, #tpu.memory_space<vmem>> -> memref<128x128xf32, #tpu.memory_space<vmem>>
      tpu.enqueue_dma source(%dma_start3A_170 : memref<128x128xf32, #tpu.memory_space<vmem>>) target(%dma_start3A_167 : memref<128x128xf32, #tpu.memory_space<hbm>>) target_semaphore(%run_scoped3A : memref<!tpu.dma_semaphore, #tpu.memory_space<semaphore_mem>>)
      %dma_wait3A_171 = arith.constant 0 : i32
      %dma_wait3A_172 = arith.constant 0 : i32
      %dma_wait3A_173 = tpu.memref_slice %arg10[%dma_wait3A_171, %dma_wait3A_172] : memref<128x128xf32, #tpu.memory_space<vmem>> -> memref<128x128xf32, #tpu.memory_space<vmem>>
      %dma_wait3A_174 = arith.constant 0 : i32
      %dma_wait3A_175 = tpu.memref_slice %arg6[%arg0, %add3A_154, %dma_wait3A_174] : memref<2x10112x128xf32, #tpu.memory_space<hbm>> -> memref<1x128x128xf32, #tpu.memory_space<hbm>>
      %dma_wait3A_176 = tpu.memref_squeeze %dma_wait3A_175 : memref<1x128x128xf32, #tpu.memory_space<hbm>> -> memref<128x128xf32, #tpu.memory_space<hbm>>
      %dma_wait3A_177 = arith.constant 0 : i32
      %dma_wait3A_178 = tpu.memref_slice %arg6[%arg0, %add3A_154, %dma_wait3A_177] : memref<2x10112x128xf32, #tpu.memory_space<hbm>> -> memref<1x128x128xf32, #tpu.memory_space<hbm>>
      %dma_wait3A_179 = tpu.memref_squeeze %dma_wait3A_178 : memref<1x128x128xf32, #tpu.memory_space<hbm>> -> memref<128x128xf32, #tpu.memory_space<hbm>>
      %dma_wait3A_180 = arith.constant 0 : i32
      %dma_wait3A_181 = arith.constant 0 : i32
      %dma_wait3A_182 = tpu.memref_slice %arg10[%dma_wait3A_180, %dma_wait3A_181] : memref<128x128xf32, #tpu.memory_space<vmem>> -> memref<128x128xf32, #tpu.memory_space<vmem>>
      tpu.wait_dma2 semaphore(%run_scoped3A : memref<!tpu.dma_semaphore, #tpu.memory_space<semaphore_mem>>) src(%dma_wait3A_182 : memref<128x128xf32, #tpu.memory_space<vmem>>) dst(%dma_wait3A_179 : memref<128x128xf32, #tpu.memory_space<hbm>>)
      tpu.yield
    }) : () -> ()
    %mul3A_155 = arith.constant 632 : i32
    %mul3A_156 = arith.muli %arg1, %mul3A_155 : i32
    %add3A_157 = arith.constant 512 : i32
    %add3A_158 = arith.addi %mul3A_156, %add3A_157 : i32
    "tpu.region"() ({
      %run_scoped3A = tpu.sem_alloc : memref<!tpu.dma_semaphore, #tpu.memory_space<semaphore_mem>>
      %dma_start3A_159 = arith.constant 0 : i32
      %dma_start3A_160 = arith.constant 0 : i32
      %dma_start3A_161 = tpu.memref_slice %arg10[%dma_start3A_159, %dma_start3A_160] : memref<128x128xf32, #tpu.memory_space<vmem>> -> memref<120x128xf32, #tpu.memory_space<vmem>>
      %dma_start3A_162 = arith.constant 0 : i32
      %dma_start3A_163 = tpu.memref_slice %arg7[%add3A_158, %dma_start3A_162] : memref<10112x128xf32, #tpu.memory_space<vmem_shared>> -> memref<120x128xf32, #tpu.memory_space<vmem_shared>>
      %dma_start3A_164 = arith.constant 0 : i32
      %dma_start3A_165 = arith.constant 0 : i32
      %dma_start3A_166 = tpu.memref_slice %arg10[%dma_start3A_164, %dma_start3A_165] : memref<128x128xf32, #tpu.memory_space<vmem>> -> memref<120x128xf32, #tpu.memory_space<vmem>>
      %dma_start3A_167 = arith.constant 0 : i32
      %dma_start3A_168 = tpu.memref_slice %arg7[%add3A_158, %dma_start3A_167] : memref<10112x128xf32, #tpu.memory_space<vmem_shared>> -> memref<120x128xf32, #tpu.memory_space<vmem_shared>>
      tpu.enqueue_dma source(%dma_start3A_168 : memref<120x128xf32, #tpu.memory_space<vmem_shared>>) target(%dma_start3A_166 : memref<120x128xf32, #tpu.memory_space<vmem>>) target_semaphore(%run_scoped3A : memref<!tpu.dma_semaphore, #tpu.memory_space<semaphore_mem>>)
      %dma_wait3A_169 = arith.constant 0 : i32
      %dma_wait3A_170 = arith.constant 0 : i32
      %dma_wait3A_171 = tpu.memref_slice %arg10[%dma_wait3A_169, %dma_wait3A_170] : memref<128x128xf32, #tpu.memory_space<vmem>> -> memref<120x128xf32, #tpu.memory_space<vmem>>
      %dma_wait3A_172 = arith.constant 0 : i32
      %dma_wait3A_173 = tpu.memref_slice %arg7[%add3A_158, %dma_wait3A_172] : memref<10112x128xf32, #tpu.memory_space<vmem_shared>> -> memref<120x128xf32, #tpu.memory_space<vmem_shared>>
      %dma_wait3A_174 = arith.constant 0 : i32
      %dma_wait3A_175 = arith.constant 0 : i32
      %dma_wait3A_176 = tpu.memref_slice %arg10[%dma_wait3A_174, %dma_wait3A_175] : memref<128x128xf32, #tpu.memory_space<vmem>> -> memref<120x128xf32, #tpu.memory_space<vmem>>
      %dma_wait3A_177 = arith.constant 0 : i32
      %dma_wait3A_178 = tpu.memref_slice %arg7[%add3A_158, %dma_wait3A_177] : memref<10112x128xf32, #tpu.memory_space<vmem_shared>> -> memref<120x128xf32, #tpu.memory_space<vmem_shared>>
      tpu.wait_dma2 semaphore(%run_scoped3A : memref<!tpu.dma_semaphore, #tpu.memory_space<semaphore_mem>>) src(%dma_wait3A_178 : memref<120x128xf32, #tpu.memory_space<vmem_shared>>) dst(%dma_wait3A_176 : memref<120x128xf32, #tpu.memory_space<vmem>>)
      tpu.yield
    }) : () -> ()
    "tpu.region"() ({
      %run_scoped3A = tpu.sem_alloc : memref<!tpu.dma_semaphore, #tpu.memory_space<semaphore_mem>>
      %dma_start3A_159 = arith.constant 0 : i32
      %dma_start3A_160 = arith.constant 0 : i32
      %dma_start3A_161 = tpu.memref_slice %arg10[%dma_start3A_159, %dma_start3A_160] : memref<128x128xf32, #tpu.memory_space<vmem>> -> memref<120x128xf32, #tpu.memory_space<vmem>>
      %dma_start3A_162 = arith.constant 0 : i32
      %dma_start3A_163 = tpu.memref_slice %arg6[%arg0, %add3A_158, %dma_start3A_162] : memref<2x10112x128xf32, #tpu.memory_space<hbm>> -> memref<1x120x128xf32, #tpu.memory_space<hbm>>
      %dma_start3A_164 = tpu.memref_squeeze %dma_start3A_163 : memref<1x120x128xf32, #tpu.memory_space<hbm>> -> memref<120x128xf32, #tpu.memory_space<hbm>>
      %dma_start3A_165 = arith.constant 0 : i32
      %dma_start3A_166 = tpu.memref_slice %arg6[%arg0, %add3A_158, %dma_start3A_165] : memref<2x10112x128xf32, #tpu.memory_space<hbm>> -> memref<1x120x128xf32, #tpu.memory_space<hbm>>
      %dma_start3A_167 = tpu.memref_squeeze %dma_start3A_166 : memref<1x120x128xf32, #tpu.memory_space<hbm>> -> memref<120x128xf32, #tpu.memory_space<hbm>>
      %dma_start3A_168 = arith.constant 0 : i32
      %dma_start3A_169 = arith.constant 0 : i32
      %dma_start3A_170 = tpu.memref_slice %arg10[%dma_start3A_168, %dma_start3A_169] : memref<128x128xf32, #tpu.memory_space<vmem>> -> memref<120x128xf32, #tpu.memory_space<vmem>>
      tpu.enqueue_dma source(%dma_start3A_170 : memref<120x128xf32, #tpu.memory_space<vmem>>) target(%dma_start3A_167 : memref<120x128xf32, #tpu.memory_space<hbm>>) target_semaphore(%run_scoped3A : memref<!tpu.dma_semaphore, #tpu.memory_space<semaphore_mem>>)
      %dma_wait3A_171 = arith.constant 0 : i32
      %dma_wait3A_172 = arith.constant 0 : i32
      %dma_wait3A_173 = tpu.memref_slice %arg10[%dma_wait3A_171, %dma_wait3A_172] : memref<128x128xf32, #tpu.memory_space<vmem>> -> memref<120x128xf32, #tpu.memory_space<vmem>>
      %dma_wait3A_174 = arith.constant 0 : i32
      %dma_wait3A_175 = tpu.memref_slice %arg6[%arg0, %add3A_158, %dma_wait3A_174] : memref<2x10112x128xf32, #tpu.memory_space<hbm>> -> memref<1x120x128xf32, #tpu.memory_space<hbm>>
      %dma_wait3A_176 = tpu.memref_squeeze %dma_wait3A_175 : memref<1x120x128xf32, #tpu.memory_space<hbm>> -> memref<120x128xf32, #tpu.memory_space<hbm>>
      %dma_wait3A_177 = arith.constant 0 : i32
      %dma_wait3A_178 = tpu.memref_slice %arg6[%arg0, %add3A_158, %dma_wait3A_177] : memref<2x10112x128xf32, #tpu.memory_space<hbm>> -> memref<1x120x128xf32, #tpu.memory_space<hbm>>
      %dma_wait3A_179 = tpu.memref_squeeze %dma_wait3A_178 : memref<1x120x128xf32, #tpu.memory_space<hbm>> -> memref<120x128xf32, #tpu.memory_space<hbm>>
      %dma_wait3A_180 = arith.constant 0 : i32
      %dma_wait3A_181 = arith.constant 0 : i32
      %dma_wait3A_182 = tpu.memref_slice %arg10[%dma_wait3A_180, %dma_wait3A_181] : memref<128x128xf32, #tpu.memory_space<vmem>> -> memref<120x128xf32, #tpu.memory_space<vmem>>
      tpu.wait_dma2 semaphore(%run_scoped3A : memref<!tpu.dma_semaphore, #tpu.memory_space<semaphore_mem>>) src(%dma_wait3A_182 : memref<120x128xf32, #tpu.memory_space<vmem>>) dst(%dma_wait3A_179 : memref<120x128xf32, #tpu.memory_space<hbm>>)
      tpu.yield
    }) : () -> ()
    return
  }
}

#map = affine_map<(d0, d1) -> (0, 0)>
#map1 = affine_map<(d0, d1) -> (0, 0, 0)>
module attributes {stable_mosaic.version = 14 : i64} {
  func.func @body(%arg0: i32, %arg1: i32, %arg2: memref<10000x128xf32, #tpu.memory_space<hbm>>, %arg3: memref<32x80x128xi32, #tpu.memory_space<hbm>>, %arg4: memref<32x80x128xi32, #tpu.memory_space<hbm>>, %arg5: memref<128x128xf32, #tpu.memory_space<hbm>>, %arg6: memref<2x10112x128xf32, #tpu.memory_space<hbm>>, %arg7: memref<10112x128xf32, #tpu.memory_space<vmem_shared>>, %arg8: memref<40x128xi32, #tpu.memory_space<vmem>>, %arg9: memref<40x128xi32, #tpu.memory_space<vmem>>, %arg10: memref<128x128xf32, #tpu.memory_space<vmem>>, %arg11: memref<128x128xf32, #tpu.memory_space<vmem>>, %arg12: memref<!tpu.dma_semaphore, #tpu.memory_space<semaphore_mem>>, %arg13: memref<!tpu.dma_semaphore, #tpu.memory_space<semaphore_mem>>, %arg14: memref<!tpu.dma_semaphore, #tpu.memory_space<semaphore_mem>>, %arg15: memref<!tpu.dma_semaphore, #tpu.memory_space<semaphore_mem>>) attributes {dimension_semantics = [#tpu.dimension_semantics<core_parallel>, #tpu.dimension_semantics<subcore_parallel>], iteration_bounds = array<i64: 2, 16>, scalar_prefetch = 0 : i64, scratch_operands = 9 : i64, tpu.core_type = #tpu.core_type<sc_vector_subcore>, window_params = [{transform_indices = #map}, {transform_indices = #map1}, {transform_indices = #map1}, {transform_indices = #map}, {transform_indices = #map1}]} {
    %mul3A = arith.constant 16 : i32
    %mul3A_0 = arith.muli %arg0, %mul3A : i32
    %add3A = arith.addi %mul3A_0, %arg1 : i32
    "tpu.region"() ({
      %run_scoped3A = tpu.sem_alloc : memref<!tpu.dma_semaphore, #tpu.memory_space<semaphore_mem>>
      tpu.enqueue_dma source(%arg5 : memref<128x128xf32, #tpu.memory_space<hbm>>) target(%arg10 : memref<128x128xf32, #tpu.memory_space<vmem>>) target_semaphore(%run_scoped3A : memref<!tpu.dma_semaphore, #tpu.memory_space<semaphore_mem>>)
      tpu.wait_dma2 semaphore(%run_scoped3A : memref<!tpu.dma_semaphore, #tpu.memory_space<semaphore_mem>>) src(%arg5 : memref<128x128xf32, #tpu.memory_space<hbm>>) dst(%arg10 : memref<128x128xf32, #tpu.memory_space<vmem>>)
      tpu.yield
    }) : () -> ()
    %mul3A_1 = arith.constant 632 : i32
    %mul3A_2 = arith.muli %arg1, %mul3A_1 : i32
    %add3A_3 = arith.constant 0 : i32
    %add3A_4 = arith.addi %mul3A_2, %add3A_3 : i32
    "tpu.region"() ({
      %run_scoped3A = tpu.sem_alloc : memref<!tpu.dma_semaphore, #tpu.memory_space<semaphore_mem>>
      %dma_start3A_159 = arith.constant 0 : i32
      %dma_start3A_160 = arith.constant 0 : i32
      %dma_start3A_161 = tpu.memref_slice %arg10[%dma_start3A_159, %dma_start3A_160] : memref<128x128xf32, #tpu.memory_space<vmem>> -> memref<128x128xf32, #tpu.memory_space<vmem>>
      %dma_start3A_162 = arith.constant 0 : i32
      %dma_start3A_163 = tpu.memref_slice %arg7[%add3A_4, %dma_start3A_162] : memref<10112x128xf32, #tpu.memory_space<vmem_shared>> -> memref<128x128xf32, #tpu.memory_space<vmem_shared>>
      %dma_start3A_164 = arith.constant 0 : i32
      %dma_start3A_165 = tpu.memref_slice %arg7[%add3A_4, %dma_start3A_164] : memref<10112x128xf32, #tpu.memory_space<vmem_shared>> -> memref<128x128xf32, #tpu.memory_space<vmem_shared>>
      %dma_start3A_166 = arith.constant 0 : i32
      %dma_start3A_167 = arith.constant 0 : i32
      %dma_start3A_168 = tpu.memref_slice %arg10[%dma_start3A_166, %dma_start3A_167] : memref<128x128xf32, #tpu.memory_space<vmem>> -> memref<128x128xf32, #tpu.memory_space<vmem>>
      tpu.enqueue_dma source(%dma_start3A_168 : memref<128x128xf32, #tpu.memory_space<vmem>>) target(%dma_start3A_165 : memref<128x128xf32, #tpu.memory_space<vmem_shared>>) target_semaphore(%run_scoped3A : memref<!tpu.dma_semaphore, #tpu.memory_space<semaphore_mem>>)
      %dma_wait3A_169 = arith.constant 0 : i32
      %dma_wait3A_170 = arith.constant 0 : i32
      %dma_wait3A_171 = tpu.memref_slice %arg10[%dma_wait3A_169, %dma_wait3A_170] : memref<128x128xf32, #tpu.memory_space<vmem>> -> memref<128x128xf32, #tpu.memory_space<vmem>>
      %dma_wait3A_172 = arith.constant 0 : i32
      %dma_wait3A_173 = tpu.memref_slice %arg7[%add3A_4, %dma_wait3A_172] : memref<10112x128xf32, #tpu.memory_space<vmem_shared>> -> memref<128x128xf32, #tpu.memory_space<vmem_shared>>
      %dma_wait3A_174 = arith.constant 0 : i32
      %dma_wait3A_175 = tpu.memref_slice %arg7[%add3A_4, %dma_wait3A_174] : memref<10112x128xf32, #tpu.memory_space<vmem_shared>> -> memref<128x128xf32, #tpu.memory_space<vmem_shared>>
      %dma_wait3A_176 = arith.constant 0 : i32
      %dma_wait3A_177 = arith.constant 0 : i32
      %dma_wait3A_178 = tpu.memref_slice %arg10[%dma_wait3A_176, %dma_wait3A_177] : memref<128x128xf32, #tpu.memory_space<vmem>> -> memref<128x128xf32, #tpu.memory_space<vmem>>
      tpu.wait_dma2 semaphore(%run_scoped3A : memref<!tpu.dma_semaphore, #tpu.memory_space<semaphore_mem>>) src(%dma_wait3A_178 : memref<128x128xf32, #tpu.memory_space<vmem>>) dst(%dma_wait3A_175 : memref<128x128xf32, #tpu.memory_space<vmem_shared>>)
      tpu.yield
    }) : () -> ()
    %mul3A_5 = arith.constant 632 : i32
    %mul3A_6 = arith.muli %arg1, %mul3A_5 : i32
    %add3A_7 = arith.constant 128 : i32
    %add3A_8 = arith.addi %mul3A_6, %add3A_7 : i32
    "tpu.region"() ({
      %run_scoped3A = tpu.sem_alloc : memref<!tpu.dma_semaphore, #tpu.memory_space<semaphore_mem>>
      %dma_start3A_159 = arith.constant 0 : i32
      %dma_start3A_160 = arith.constant 0 : i32
      %dma_start3A_161 = tpu.memref_slice %arg10[%dma_start3A_159, %dma_start3A_160] : memref<128x128xf32, #tpu.memory_space<vmem>> -> memref<128x128xf32, #tpu.memory_space<vmem>>
      %dma_start3A_162 = arith.constant 0 : i32
      %dma_start3A_163 = tpu.memref_slice %arg7[%add3A_8, %dma_start3A_162] : memref<10112x128xf32, #tpu.memory_space<vmem_shared>> -> memref<128x128xf32, #tpu.memory_space<vmem_shared>>
      %dma_start3A_164 = arith.constant 0 : i32
      %dma_start3A_165 = tpu.memref_slice %arg7[%add3A_8, %dma_start3A_164] : memref<10112x128xf32, #tpu.memory_space<vmem_shared>> -> memref<128x128xf32, #tpu.memory_space<vmem_shared>>
      %dma_start3A_166 = arith.constant 0 : i32
      %dma_start3A_167 = arith.constant 0 : i32
      %dma_start3A_168 = tpu.memref_slice %arg10[%dma_start3A_166, %dma_start3A_167] : memref<128x128xf32, #tpu.memory_space<vmem>> -> memref<128x128xf32, #tpu.memory_space<vmem>>
      tpu.enqueue_dma source(%dma_start3A_168 : memref<128x128xf32, #tpu.memory_space<vmem>>) target(%dma_start3A_165 : memref<128x128xf32, #tpu.memory_space<vmem_shared>>) target_semaphore(%run_scoped3A : memref<!tpu.dma_semaphore, #tpu.memory_space<semaphore_mem>>)
      %dma_wait3A_169 = arith.constant 0 : i32
      %dma_wait3A_170 = arith.constant 0 : i32
      %dma_wait3A_171 = tpu.memref_slice %arg10[%dma_wait3A_169, %dma_wait3A_170] : memref<128x128xf32, #tpu.memory_space<vmem>> -> memref<128x128xf32, #tpu.memory_space<vmem>>
      %dma_wait3A_172 = arith.constant 0 : i32
      %dma_wait3A_173 = tpu.memref_slice %arg7[%add3A_8, %dma_wait3A_172] : memref<10112x128xf32, #tpu.memory_space<vmem_shared>> -> memref<128x128xf32, #tpu.memory_space<vmem_shared>>
      %dma_wait3A_174 = arith.constant 0 : i32
      %dma_wait3A_175 = tpu.memref_slice %arg7[%add3A_8, %dma_wait3A_174] : memref<10112x128xf32, #tpu.memory_space<vmem_shared>> -> memref<128x128xf32, #tpu.memory_space<vmem_shared>>
      %dma_wait3A_176 = arith.constant 0 : i32
      %dma_wait3A_177 = arith.constant 0 : i32
      %dma_wait3A_178 = tpu.memref_slice %arg10[%dma_wait3A_176, %dma_wait3A_177] : memref<128x128xf32, #tpu.memory_space<vmem>> -> memref<128x128xf32, #tpu.memory_space<vmem>>
      tpu.wait_dma2 semaphore(%run_scoped3A : memref<!tpu.dma_semaphore, #tpu.memory_space<semaphore_mem>>) src(%dma_wait3A_178 : memref<128x128xf32, #tpu.memory_space<vmem>>) dst(%dma_wait3A_175 : memref<128x128xf32, #tpu.memory_space<vmem_shared>>)
      tpu.yield
    }) : () -> ()
    %mul3A_9 = arith.constant 632 : i32
    %mul3A_10 = arith.muli %arg1, %mul3A_9 : i32
    %add3A_11 = arith.constant 256 : i32
    %add3A_12 = arith.addi %mul3A_10, %add3A_11 : i32
    "tpu.region"() ({
      %run_scoped3A = tpu.sem_alloc : memref<!tpu.dma_semaphore, #tpu.memory_space<semaphore_mem>>
      %dma_start3A_159 = arith.constant 0 : i32
      %dma_start3A_160 = arith.constant 0 : i32
      %dma_start3A_161 = tpu.memref_slice %arg10[%dma_start3A_159, %dma_start3A_160] : memref<128x128xf32, #tpu.memory_space<vmem>> -> memref<128x128xf32, #tpu.memory_space<vmem>>
      %dma_start3A_162 = arith.constant 0 : i32
      %dma_start3A_163 = tpu.memref_slice %arg7[%add3A_12, %dma_start3A_162] : memref<10112x128xf32, #tpu.memory_space<vmem_shared>> -> memref<128x128xf32, #tpu.memory_space<vmem_shared>>
      %dma_start3A_164 = arith.constant 0 : i32
      %dma_start3A_165 = tpu.memref_slice %arg7[%add3A_12, %dma_start3A_164] : memref<10112x128xf32, #tpu.memory_space<vmem_shared>> -> memref<128x128xf32, #tpu.memory_space<vmem_shared>>
      %dma_start3A_166 = arith.constant 0 : i32
      %dma_start3A_167 = arith.constant 0 : i32
      %dma_start3A_168 = tpu.memref_slice %arg10[%dma_start3A_166, %dma_start3A_167] : memref<128x128xf32, #tpu.memory_space<vmem>> -> memref<128x128xf32, #tpu.memory_space<vmem>>
      tpu.enqueue_dma source(%dma_start3A_168 : memref<128x128xf32, #tpu.memory_space<vmem>>) target(%dma_start3A_165 : memref<128x128xf32, #tpu.memory_space<vmem_shared>>) target_semaphore(%run_scoped3A : memref<!tpu.dma_semaphore, #tpu.memory_space<semaphore_mem>>)
      %dma_wait3A_169 = arith.constant 0 : i32
      %dma_wait3A_170 = arith.constant 0 : i32
      %dma_wait3A_171 = tpu.memref_slice %arg10[%dma_wait3A_169, %dma_wait3A_170] : memref<128x128xf32, #tpu.memory_space<vmem>> -> memref<128x128xf32, #tpu.memory_space<vmem>>
      %dma_wait3A_172 = arith.constant 0 : i32
      %dma_wait3A_173 = tpu.memref_slice %arg7[%add3A_12, %dma_wait3A_172] : memref<10112x128xf32, #tpu.memory_space<vmem_shared>> -> memref<128x128xf32, #tpu.memory_space<vmem_shared>>
      %dma_wait3A_174 = arith.constant 0 : i32
      %dma_wait3A_175 = tpu.memref_slice %arg7[%add3A_12, %dma_wait3A_174] : memref<10112x128xf32, #tpu.memory_space<vmem_shared>> -> memref<128x128xf32, #tpu.memory_space<vmem_shared>>
      %dma_wait3A_176 = arith.constant 0 : i32
      %dma_wait3A_177 = arith.constant 0 : i32
      %dma_wait3A_178 = tpu.memref_slice %arg10[%dma_wait3A_176, %dma_wait3A_177] : memref<128x128xf32, #tpu.memory_space<vmem>> -> memref<128x128xf32, #tpu.memory_space<vmem>>
      tpu.wait_dma2 semaphore(%run_scoped3A : memref<!tpu.dma_semaphore, #tpu.memory_space<semaphore_mem>>) src(%dma_wait3A_178 : memref<128x128xf32, #tpu.memory_space<vmem>>) dst(%dma_wait3A_175 : memref<128x128xf32, #tpu.memory_space<vmem_shared>>)
      tpu.yield
    }) : () -> ()
    %mul3A_13 = arith.constant 632 : i32
    %mul3A_14 = arith.muli %arg1, %mul3A_13 : i32
    %add3A_15 = arith.constant 384 : i32
    %add3A_16 = arith.addi %mul3A_14, %add3A_15 : i32
    "tpu.region"() ({
      %run_scoped3A = tpu.sem_alloc : memref<!tpu.dma_semaphore, #tpu.memory_space<semaphore_mem>>
      %dma_start3A_159 = arith.constant 0 : i32
      %dma_start3A_160 = arith.constant 0 : i32
      %dma_start3A_161 = tpu.memref_slice %arg10[%dma_start3A_159, %dma_start3A_160] : memref<128x128xf32, #tpu.memory_space<vmem>> -> memref<128x128xf32, #tpu.memory_space<vmem>>
      %dma_start3A_162 = arith.constant 0 : i32
      %dma_start3A_163 = tpu.memref_slice %arg7[%add3A_16, %dma_start3A_162] : memref<10112x128xf32, #tpu.memory_space<vmem_shared>> -> memref<128x128xf32, #tpu.memory_space<vmem_shared>>
      %dma_start3A_164 = arith.constant 0 : i32
      %dma_start3A_165 = tpu.memref_slice %arg7[%add3A_16, %dma_start3A_164] : memref<10112x128xf32, #tpu.memory_space<vmem_shared>> -> memref<128x128xf32, #tpu.memory_space<vmem_shared>>
      %dma_start3A_166 = arith.constant 0 : i32
      %dma_start3A_167 = arith.constant 0 : i32
      %dma_start3A_168 = tpu.memref_slice %arg10[%dma_start3A_166, %dma_start3A_167] : memref<128x128xf32, #tpu.memory_space<vmem>> -> memref<128x128xf32, #tpu.memory_space<vmem>>
      tpu.enqueue_dma source(%dma_start3A_168 : memref<128x128xf32, #tpu.memory_space<vmem>>) target(%dma_start3A_165 : memref<128x128xf32, #tpu.memory_space<vmem_shared>>) target_semaphore(%run_scoped3A : memref<!tpu.dma_semaphore, #tpu.memory_space<semaphore_mem>>)
      %dma_wait3A_169 = arith.constant 0 : i32
      %dma_wait3A_170 = arith.constant 0 : i32
      %dma_wait3A_171 = tpu.memref_slice %arg10[%dma_wait3A_169, %dma_wait3A_170] : memref<128x128xf32, #tpu.memory_space<vmem>> -> memref<128x128xf32, #tpu.memory_space<vmem>>
      %dma_wait3A_172 = arith.constant 0 : i32
      %dma_wait3A_173 = tpu.memref_slice %arg7[%add3A_16, %dma_wait3A_172] : memref<10112x128xf32, #tpu.memory_space<vmem_shared>> -> memref<128x128xf32, #tpu.memory_space<vmem_shared>>
      %dma_wait3A_174 = arith.constant 0 : i32
      %dma_wait3A_175 = tpu.memref_slice %arg7[%add3A_16, %dma_wait3A_174] : memref<10112x128xf32, #tpu.memory_space<vmem_shared>> -> memref<128x128xf32, #tpu.memory_space<vmem_shared>>
      %dma_wait3A_176 = arith.constant 0 : i32
      %dma_wait3A_177 = arith.constant 0 : i32
      %dma_wait3A_178 = tpu.memref_slice %arg10[%dma_wait3A_176, %dma_wait3A_177] : memref<128x128xf32, #tpu.memory_space<vmem>> -> memref<128x128xf32, #tpu.memory_space<vmem>>
      tpu.wait_dma2 semaphore(%run_scoped3A : memref<!tpu.dma_semaphore, #tpu.memory_space<semaphore_mem>>) src(%dma_wait3A_178 : memref<128x128xf32, #tpu.memory_space<vmem>>) dst(%dma_wait3A_175 : memref<128x128xf32, #tpu.memory_space<vmem_shared>>)
      tpu.yield
    }) : () -> ()
    %mul3A_17 = arith.constant 632 : i32
    %mul3A_18 = arith.muli %arg1, %mul3A_17 : i32
    %add3A_19 = arith.constant 512 : i32
    %add3A_20 = arith.addi %mul3A_18, %add3A_19 : i32
    "tpu.region"() ({
      %run_scoped3A = tpu.sem_alloc : memref<!tpu.dma_semaphore, #tpu.memory_space<semaphore_mem>>
      %dma_start3A_159 = arith.constant 0 : i32
      %dma_start3A_160 = arith.constant 0 : i32
      %dma_start3A_161 = tpu.memref_slice %arg10[%dma_start3A_159, %dma_start3A_160] : memref<128x128xf32, #tpu.memory_space<vmem>> -> memref<120x128xf32, #tpu.memory_space<vmem>>
      %dma_start3A_162 = arith.constant 0 : i32
      %dma_start3A_163 = tpu.memref_slice %arg7[%add3A_20, %dma_start3A_162] : memref<10112x128xf32, #tpu.memory_space<vmem_shared>> -> memref<120x128xf32, #tpu.memory_space<vmem_shared>>
      %dma_start3A_164 = arith.constant 0 : i32
      %dma_start3A_165 = tpu.memref_slice %arg7[%add3A_20, %dma_start3A_164] : memref<10112x128xf32, #tpu.memory_space<vmem_shared>> -> memref<120x128xf32, #tpu.memory_space<vmem_shared>>
      %dma_start3A_166 = arith.constant 0 : i32
      %dma_start3A_167 = arith.constant 0 : i32
      %dma_start3A_168 = tpu.memref_slice %arg10[%dma_start3A_166, %dma_start3A_167] : memref<128x128xf32, #tpu.memory_space<vmem>> -> memref<120x128xf32, #tpu.memory_space<vmem>>
      tpu.enqueue_dma source(%dma_start3A_168 : memref<120x128xf32, #tpu.memory_space<vmem>>) target(%dma_start3A_165 : memref<120x128xf32, #tpu.memory_space<vmem_shared>>) target_semaphore(%run_scoped3A : memref<!tpu.dma_semaphore, #tpu.memory_space<semaphore_mem>>)
      %dma_wait3A_169 = arith.constant 0 : i32
      %dma_wait3A_170 = arith.constant 0 : i32
      %dma_wait3A_171 = tpu.memref_slice %arg10[%dma_wait3A_169, %dma_wait3A_170] : memref<128x128xf32, #tpu.memory_space<vmem>> -> memref<120x128xf32, #tpu.memory_space<vmem>>
      %dma_wait3A_172 = arith.constant 0 : i32
      %dma_wait3A_173 = tpu.memref_slice %arg7[%add3A_20, %dma_wait3A_172] : memref<10112x128xf32, #tpu.memory_space<vmem_shared>> -> memref<120x128xf32, #tpu.memory_space<vmem_shared>>
      %dma_wait3A_174 = arith.constant 0 : i32
      %dma_wait3A_175 = tpu.memref_slice %arg7[%add3A_20, %dma_wait3A_174] : memref<10112x128xf32, #tpu.memory_space<vmem_shared>> -> memref<120x128xf32, #tpu.memory_space<vmem_shared>>
      %dma_wait3A_176 = arith.constant 0 : i32
      %dma_wait3A_177 = arith.constant 0 : i32
      %dma_wait3A_178 = tpu.memref_slice %arg10[%dma_wait3A_176, %dma_wait3A_177] : memref<128x128xf32, #tpu.memory_space<vmem>> -> memref<120x128xf32, #tpu.memory_space<vmem>>
      tpu.wait_dma2 semaphore(%run_scoped3A : memref<!tpu.dma_semaphore, #tpu.memory_space<semaphore_mem>>) src(%dma_wait3A_178 : memref<120x128xf32, #tpu.memory_space<vmem>>) dst(%dma_wait3A_175 : memref<120x128xf32, #tpu.memory_space<vmem_shared>>)
      tpu.yield
    }) : () -> ()
    %barrier3A = arith.constant 0 : index
    tpu.barrier barrier_id(%barrier3A)
    "tpu.region"() ({
      %run_scoped3A = tpu.sem_alloc : memref<!tpu.dma_semaphore, #tpu.memory_space<semaphore_mem>>
      %dma_start3A_159 = arith.constant 0 : i32
      %dma_start3A_160 = arith.constant 0 : i32
      %dma_start3A_161 = tpu.memref_slice %arg3[%add3A, %dma_start3A_159, %dma_start3A_160] : memref<32x80x128xi32, #tpu.memory_space<hbm>> -> memref<1x40x128xi32, #tpu.memory_space<hbm>>
      %dma_start3A_162 = tpu.memref_squeeze %dma_start3A_161 : memref<1x40x128xi32, #tpu.memory_space<hbm>> -> memref<40x128xi32, #tpu.memory_space<hbm>>
      %dma_start3A_163 = arith.constant 0 : i32
      %dma_start3A_164 = arith.constant 0 : i32
      %dma_start3A_165 = tpu.memref_slice %arg3[%add3A, %dma_start3A_163, %dma_start3A_164] : memref<32x80x128xi32, #tpu.memory_space<hbm>> -> memref<1x40x128xi32, #tpu.memory_space<hbm>>
      %dma_start3A_166 = tpu.memref_squeeze %dma_start3A_165 : memref<1x40x128xi32, #tpu.memory_space<hbm>> -> memref<40x128xi32, #tpu.memory_space<hbm>>
      tpu.enqueue_dma source(%dma_start3A_166 : memref<40x128xi32, #tpu.memory_space<hbm>>) target(%arg8 : memref<40x128xi32, #tpu.memory_space<vmem>>) target_semaphore(%run_scoped3A : memref<!tpu.dma_semaphore, #tpu.memory_space<semaphore_mem>>)
      %dma_wait3A_167 = arith.constant 0 : i32
      %dma_wait3A_168 = arith.constant 0 : i32
      %dma_wait3A_169 = tpu.memref_slice %arg3[%add3A, %dma_wait3A_167, %dma_wait3A_168] : memref<32x80x128xi32, #tpu.memory_space<hbm>> -> memref<1x40x128xi32, #tpu.memory_space<hbm>>
      %dma_wait3A_170 = tpu.memref_squeeze %dma_wait3A_169 : memref<1x40x128xi32, #tpu.memory_space<hbm>> -> memref<40x128xi32, #tpu.memory_space<hbm>>
      %dma_wait3A_171 = arith.constant 0 : i32
      %dma_wait3A_172 = arith.constant 0 : i32
      %dma_wait3A_173 = tpu.memref_slice %arg3[%add3A, %dma_wait3A_171, %dma_wait3A_172] : memref<32x80x128xi32, #tpu.memory_space<hbm>> -> memref<1x40x128xi32, #tpu.memory_space<hbm>>
      %dma_wait3A_174 = tpu.memref_squeeze %dma_wait3A_173 : memref<1x40x128xi32, #tpu.memory_space<hbm>> -> memref<40x128xi32, #tpu.memory_space<hbm>>
      tpu.wait_dma2 semaphore(%run_scoped3A : memref<!tpu.dma_semaphore, #tpu.memory_space<semaphore_mem>>) src(%dma_wait3A_174 : memref<40x128xi32, #tpu.memory_space<hbm>>) dst(%arg8 : memref<40x128xi32, #tpu.memory_space<vmem>>)
      tpu.yield
    }) : () -> ()
    "tpu.region"() ({
      %run_scoped3A = tpu.sem_alloc : memref<!tpu.dma_semaphore, #tpu.memory_space<semaphore_mem>>
      %dma_start3A_159 = arith.constant 0 : i32
      %dma_start3A_160 = arith.constant 0 : i32
      %dma_start3A_161 = tpu.memref_slice %arg4[%add3A, %dma_start3A_159, %dma_start3A_160] : memref<32x80x128xi32, #tpu.memory_space<hbm>> -> memref<1x40x128xi32, #tpu.memory_space<hbm>>
      %dma_start3A_162 = tpu.memref_squeeze %dma_start3A_161 : memref<1x40x128xi32, #tpu.memory_space<hbm>> -> memref<40x128xi32, #tpu.memory_space<hbm>>
      %dma_start3A_163 = arith.constant 0 : i32
      %dma_start3A_164 = arith.constant 0 : i32
      %dma_start3A_165 = tpu.memref_slice %arg4[%add3A, %dma_start3A_163, %dma_start3A_164] : memref<32x80x128xi32, #tpu.memory_space<hbm>> -> memref<1x40x128xi32, #tpu.memory_space<hbm>>
      %dma_start3A_166 = tpu.memref_squeeze %dma_start3A_165 : memref<1x40x128xi32, #tpu.memory_space<hbm>> -> memref<40x128xi32, #tpu.memory_space<hbm>>
      tpu.enqueue_dma source(%dma_start3A_166 : memref<40x128xi32, #tpu.memory_space<hbm>>) target(%arg9 : memref<40x128xi32, #tpu.memory_space<vmem>>) target_semaphore(%run_scoped3A : memref<!tpu.dma_semaphore, #tpu.memory_space<semaphore_mem>>)
      %dma_wait3A_167 = arith.constant 0 : i32
      %dma_wait3A_168 = arith.constant 0 : i32
      %dma_wait3A_169 = tpu.memref_slice %arg4[%add3A, %dma_wait3A_167, %dma_wait3A_168] : memref<32x80x128xi32, #tpu.memory_space<hbm>> -> memref<1x40x128xi32, #tpu.memory_space<hbm>>
      %dma_wait3A_170 = tpu.memref_squeeze %dma_wait3A_169 : memref<1x40x128xi32, #tpu.memory_space<hbm>> -> memref<40x128xi32, #tpu.memory_space<hbm>>
      %dma_wait3A_171 = arith.constant 0 : i32
      %dma_wait3A_172 = arith.constant 0 : i32
      %dma_wait3A_173 = tpu.memref_slice %arg4[%add3A, %dma_wait3A_171, %dma_wait3A_172] : memref<32x80x128xi32, #tpu.memory_space<hbm>> -> memref<1x40x128xi32, #tpu.memory_space<hbm>>
      %dma_wait3A_174 = tpu.memref_squeeze %dma_wait3A_173 : memref<1x40x128xi32, #tpu.memory_space<hbm>> -> memref<40x128xi32, #tpu.memory_space<hbm>>
      tpu.wait_dma2 semaphore(%run_scoped3A : memref<!tpu.dma_semaphore, #tpu.memory_space<semaphore_mem>>) src(%dma_wait3A_174 : memref<40x128xi32, #tpu.memory_space<hbm>>) dst(%arg9 : memref<40x128xi32, #tpu.memory_space<vmem>>)
      tpu.yield
    }) : () -> ()
    %dma_start3A = arith.constant 0 : i32
    %dma_start3A_21 = arith.constant 0 : i32
    %dma_start3A_22 = arith.constant 0 : i32
    %dma_start3A_23 = tpu.memref_slice %arg10[%dma_start3A_21, %dma_start3A_22] : memref<128x128xf32, #tpu.memory_space<vmem>> -> memref<64x128xf32, #tpu.memory_space<vmem>>
    %dma_start3A_24 = arith.constant 0 : i32
    %dma_start3A_25 = tpu.memref_slice %arg8[%dma_start3A, %dma_start3A_24] : memref<40x128xi32, #tpu.memory_space<vmem>> -> memref<1x64xi32, #tpu.memory_space<vmem>>
    %dma_start3A_26 = tpu.memref_squeeze %dma_start3A_25 : memref<1x64xi32, #tpu.memory_space<vmem>> -> memref<64xi32, #tpu.memory_space<vmem>>
    %dma_start3A_27 = arith.constant 0 : i32
    %dma_start3A_28 = arith.constant 0 : i32
    %dma_start3A_29 = tpu.memref_slice %arg2[%dma_start3A_27, %dma_start3A_28] : memref<10000x128xf32, #tpu.memory_space<hbm>> -> memref<10000x128xf32, #tpu.memory_space<hbm>>
    tpu.enqueue_indirect_dma source(%dma_start3A_29 : memref<10000x128xf32, #tpu.memory_space<hbm>>) target(%dma_start3A_23 : memref<64x128xf32, #tpu.memory_space<vmem>>) offsets(%dma_start3A_26 : memref<64xi32, #tpu.memory_space<vmem>>) semaphore(%arg12 : memref<!tpu.dma_semaphore, #tpu.memory_space<semaphore_mem>>)
    %dma_start3A_30 = arith.constant 0 : i32
    %dma_start3A_31 = arith.constant 64 : i32
    %dma_start3A_32 = arith.constant 0 : i32
    %dma_start3A_33 = tpu.memref_slice %arg10[%dma_start3A_31, %dma_start3A_32] : memref<128x128xf32, #tpu.memory_space<vmem>> -> memref<64x128xf32, #tpu.memory_space<vmem>>
    %dma_start3A_34 = arith.constant 64 : i32
    %dma_start3A_35 = tpu.memref_slice %arg8[%dma_start3A_30, %dma_start3A_34] : memref<40x128xi32, #tpu.memory_space<vmem>> -> memref<1x64xi32, #tpu.memory_space<vmem>>
    %dma_start3A_36 = tpu.memref_squeeze %dma_start3A_35 : memref<1x64xi32, #tpu.memory_space<vmem>> -> memref<64xi32, #tpu.memory_space<vmem>>
    %dma_start3A_37 = arith.constant 0 : i32
    %dma_start3A_38 = arith.constant 0 : i32
    %dma_start3A_39 = tpu.memref_slice %arg2[%dma_start3A_37, %dma_start3A_38] : memref<10000x128xf32, #tpu.memory_space<hbm>> -> memref<10000x128xf32, #tpu.memory_space<hbm>>
    tpu.enqueue_indirect_dma source(%dma_start3A_39 : memref<10000x128xf32, #tpu.memory_space<hbm>>) target(%dma_start3A_33 : memref<64x128xf32, #tpu.memory_space<vmem>>) offsets(%dma_start3A_36 : memref<64xi32, #tpu.memory_space<vmem>>) semaphore(%arg12 : memref<!tpu.dma_semaphore, #tpu.memory_space<semaphore_mem>>)
    %dma_start3A_40 = arith.constant 1 : i32
    %dma_start3A_41 = arith.constant 0 : i32
    %dma_start3A_42 = arith.constant 0 : i32
    %dma_start3A_43 = tpu.memref_slice %arg11[%dma_start3A_41, %dma_start3A_42] : memref<128x128xf32, #tpu.memory_space<vmem>> -> memref<64x128xf32, #tpu.memory_space<vmem>>
    %dma_start3A_44 = arith.constant 0 : i32
    %dma_start3A_45 = tpu.memref_slice %arg8[%dma_start3A_40, %dma_start3A_44] : memref<40x128xi32, #tpu.memory_space<vmem>> -> memref<1x64xi32, #tpu.memory_space<vmem>>
    %dma_start3A_46 = tpu.memref_squeeze %dma_start3A_45 : memref<1x64xi32, #tpu.memory_space<vmem>> -> memref<64xi32, #tpu.memory_space<vmem>>
    %dma_start3A_47 = arith.constant 0 : i32
    %dma_start3A_48 = arith.constant 0 : i32
    %dma_start3A_49 = tpu.memref_slice %arg2[%dma_start3A_47, %dma_start3A_48] : memref<10000x128xf32, #tpu.memory_space<hbm>> -> memref<10000x128xf32, #tpu.memory_space<hbm>>
    tpu.enqueue_indirect_dma source(%dma_start3A_49 : memref<10000x128xf32, #tpu.memory_space<hbm>>) target(%dma_start3A_43 : memref<64x128xf32, #tpu.memory_space<vmem>>) offsets(%dma_start3A_46 : memref<64xi32, #tpu.memory_space<vmem>>) semaphore(%arg13 : memref<!tpu.dma_semaphore, #tpu.memory_space<semaphore_mem>>)
    %dma_start3A_50 = arith.constant 1 : i32
    %dma_start3A_51 = arith.constant 64 : i32
    %dma_start3A_52 = arith.constant 0 : i32
    %dma_start3A_53 = tpu.memref_slice %arg11[%dma_start3A_51, %dma_start3A_52] : memref<128x128xf32, #tpu.memory_space<vmem>> -> memref<64x128xf32, #tpu.memory_space<vmem>>
    %dma_start3A_54 = arith.constant 64 : i32
    %dma_start3A_55 = tpu.memref_slice %arg8[%dma_start3A_50, %dma_start3A_54] : memref<40x128xi32, #tpu.memory_space<vmem>> -> memref<1x64xi32, #tpu.memory_space<vmem>>
    %dma_start3A_56 = tpu.memref_squeeze %dma_start3A_55 : memref<1x64xi32, #tpu.memory_space<vmem>> -> memref<64xi32, #tpu.memory_space<vmem>>
    %dma_start3A_57 = arith.constant 0 : i32
    %dma_start3A_58 = arith.constant 0 : i32
    %dma_start3A_59 = tpu.memref_slice %arg2[%dma_start3A_57, %dma_start3A_58] : memref<10000x128xf32, #tpu.memory_space<hbm>> -> memref<10000x128xf32, #tpu.memory_space<hbm>>
    tpu.enqueue_indirect_dma source(%dma_start3A_59 : memref<10000x128xf32, #tpu.memory_space<hbm>>) target(%dma_start3A_53 : memref<64x128xf32, #tpu.memory_space<vmem>>) offsets(%dma_start3A_56 : memref<64xi32, #tpu.memory_space<vmem>>) semaphore(%arg13 : memref<!tpu.dma_semaphore, #tpu.memory_space<semaphore_mem>>)
    %scan3A = arith.constant 0 : i32
    %scan3A_60 = arith.constant 0 : i32
    %scan3A_61 = arith.constant 20 : i32
    %scan3A_62 = arith.addi %scan3A_60, %scan3A_61 : i32
    %scan3A_63 = arith.constant 1 : i32
    scf.for %scan3A_159 = %scan3A_60 to %scan3A_62 step %scan3A_63  : i32 {
      %mul3A_160 = arith.constant 2 : i32
      %mul3A_161 = arith.muli %mul3A_160, %scan3A_159 : i32
      %dma_wait3A_162 = arith.constant 0 : i32
      %dma_wait3A_163 = arith.constant 0 : i32
      %dma_wait3A_164 = tpu.memref_slice %arg2[%dma_wait3A_162, %dma_wait3A_163] : memref<10000x128xf32, #tpu.memory_space<hbm>> -> memref<128x128xf32, #tpu.memory_space<hbm>>
      %dma_wait3A_165 = arith.constant 0 : i32
      %dma_wait3A_166 = arith.constant 0 : i32
      %dma_wait3A_167 = tpu.memref_slice %arg2[%dma_wait3A_165, %dma_wait3A_166] : memref<10000x128xf32, #tpu.memory_space<hbm>> -> memref<128x128xf32, #tpu.memory_space<hbm>>
      tpu.wait_dma2 semaphore(%arg12 : memref<!tpu.dma_semaphore, #tpu.memory_space<semaphore_mem>>) src(%dma_wait3A_167 : memref<128x128xf32, #tpu.memory_space<hbm>>) dst(%arg10 : memref<128x128xf32, #tpu.memory_space<vmem>>)
      %dma_start3A_168 = arith.constant 0 : i32
      %dma_start3A_169 = tpu.memref_slice %arg9[%mul3A_161, %dma_start3A_168] : memref<40x128xi32, #tpu.memory_space<vmem>> -> memref<1x128xi32, #tpu.memory_space<vmem>>
      %dma_start3A_170 = tpu.memref_squeeze %dma_start3A_169 : memref<1x128xi32, #tpu.memory_space<vmem>> -> memref<128xi32, #tpu.memory_space<vmem>>
      %dma_start3A_171 = arith.constant 0 : i32
      %dma_start3A_172 = arith.constant 0 : i32
      %dma_start3A_173 = tpu.memref_slice %arg7[%dma_start3A_171, %dma_start3A_172] : memref<10112x128xf32, #tpu.memory_space<vmem_shared>> -> memref<10112x128xf32, #tpu.memory_space<vmem_shared>>
      tpu.enqueue_indirect_dma source(%arg10 : memref<128x128xf32, #tpu.memory_space<vmem>>) target(%dma_start3A_173 : memref<10112x128xf32, #tpu.memory_space<vmem_shared>>) offsets(%dma_start3A_170 : memref<128xi32, #tpu.memory_space<vmem>>) semaphore(%arg14 : memref<!tpu.dma_semaphore, #tpu.memory_space<semaphore_mem>>) {add = true}
      %dma_wait3A_174 = arith.constant 0 : i32
      %dma_wait3A_175 = arith.constant 0 : i32
      %dma_wait3A_176 = tpu.memref_slice %arg2[%dma_wait3A_174, %dma_wait3A_175] : memref<10000x128xf32, #tpu.memory_space<hbm>> -> memref<128x128xf32, #tpu.memory_space<hbm>>
      %dma_wait3A_177 = arith.constant 0 : i32
      %dma_wait3A_178 = arith.constant 0 : i32
      %dma_wait3A_179 = tpu.memref_slice %arg2[%dma_wait3A_177, %dma_wait3A_178] : memref<10000x128xf32, #tpu.memory_space<hbm>> -> memref<128x128xf32, #tpu.memory_space<hbm>>
      tpu.wait_dma2 semaphore(%arg13 : memref<!tpu.dma_semaphore, #tpu.memory_space<semaphore_mem>>) src(%dma_wait3A_179 : memref<128x128xf32, #tpu.memory_space<hbm>>) dst(%arg11 : memref<128x128xf32, #tpu.memory_space<vmem>>)
      %add3A_180 = arith.constant 1 : i32
      %add3A_181 = arith.addi %mul3A_161, %add3A_180 : i32
      %dma_start3A_182 = arith.constant 0 : i32
      %dma_start3A_183 = tpu.memref_slice %arg9[%add3A_181, %dma_start3A_182] : memref<40x128xi32, #tpu.memory_space<vmem>> -> memref<1x128xi32, #tpu.memory_space<vmem>>
      %dma_start3A_184 = tpu.memref_squeeze %dma_start3A_183 : memref<1x128xi32, #tpu.memory_space<vmem>> -> memref<128xi32, #tpu.memory_space<vmem>>
      %dma_start3A_185 = arith.constant 0 : i32
      %dma_start3A_186 = arith.constant 0 : i32
      %dma_start3A_187 = tpu.memref_slice %arg7[%dma_start3A_185, %dma_start3A_186] : memref<10112x128xf32, #tpu.memory_space<vmem_shared>> -> memref<10112x128xf32, #tpu.memory_space<vmem_shared>>
      tpu.enqueue_indirect_dma source(%arg11 : memref<128x128xf32, #tpu.memory_space<vmem>>) target(%dma_start3A_187 : memref<10112x128xf32, #tpu.memory_space<vmem_shared>>) offsets(%dma_start3A_184 : memref<128xi32, #tpu.memory_space<vmem>>) semaphore(%arg15 : memref<!tpu.dma_semaphore, #tpu.memory_space<semaphore_mem>>) {add = true}
      %add3A_188 = arith.constant 2 : i32
      %add3A_189 = arith.addi %mul3A_161, %add3A_188 : i32
      %lt3A = arith.constant 40 : i32
      %lt3A_190 = arith.cmpi slt, %add3A_189, %lt3A : i32
      %convert_element_type3A = arith.extui %lt3A_190 : i1 to i32
      %cond3A = arith.constant 0 : i32
      %cond3A_191 = arith.cmpi ne, %convert_element_type3A, %cond3A : i32
      scf.if %cond3A_191 {
        %dma_wait3A_199 = arith.constant 0 : i32
        %dma_wait3A_200 = tpu.memref_slice %arg9[%mul3A_161, %dma_wait3A_199] : memref<40x128xi32, #tpu.memory_space<vmem>> -> memref<1x128xi32, #tpu.memory_space<vmem>>
        %dma_wait3A_201 = tpu.memref_squeeze %dma_wait3A_200 : memref<1x128xi32, #tpu.memory_space<vmem>> -> memref<128xi32, #tpu.memory_space<vmem>>
        %dma_wait3A_202 = arith.constant 0 : i32
        %dma_wait3A_203 = arith.constant 0 : i32
        %dma_wait3A_204 = tpu.memref_slice %arg7[%dma_wait3A_202, %dma_wait3A_203] : memref<10112x128xf32, #tpu.memory_space<vmem_shared>> -> memref<10112x128xf32, #tpu.memory_space<vmem_shared>>
        tpu.wait_indirect_dma semaphore(%arg14 : memref<!tpu.dma_semaphore, #tpu.memory_space<semaphore_mem>>) src(%arg10 : memref<128x128xf32, #tpu.memory_space<vmem>>) dst(%dma_wait3A_204 : memref<10112x128xf32, #tpu.memory_space<vmem_shared>>)
        %add3A_205 = arith.constant 2 : i32
        %add3A_206 = arith.addi %mul3A_161, %add3A_205 : i32
        %dma_start3A_207 = arith.constant 0 : i32
        %dma_start3A_208 = arith.constant 0 : i32
        %dma_start3A_209 = tpu.memref_slice %arg10[%dma_start3A_207, %dma_start3A_208] : memref<128x128xf32, #tpu.memory_space<vmem>> -> memref<64x128xf32, #tpu.memory_space<vmem>>
        %dma_start3A_210 = arith.constant 0 : i32
        %dma_start3A_211 = tpu.memref_slice %arg8[%add3A_206, %dma_start3A_210] : memref<40x128xi32, #tpu.memory_space<vmem>> -> memref<1x64xi32, #tpu.memory_space<vmem>>
        %dma_start3A_212 = tpu.memref_squeeze %dma_start3A_211 : memref<1x64xi32, #tpu.memory_space<vmem>> -> memref<64xi32, #tpu.memory_space<vmem>>
        %dma_start3A_213 = arith.constant 0 : i32
        %dma_start3A_214 = arith.constant 0 : i32
        %dma_start3A_215 = tpu.memref_slice %arg2[%dma_start3A_213, %dma_start3A_214] : memref<10000x128xf32, #tpu.memory_space<hbm>> -> memref<10000x128xf32, #tpu.memory_space<hbm>>
        tpu.enqueue_indirect_dma source(%dma_start3A_215 : memref<10000x128xf32, #tpu.memory_space<hbm>>) target(%dma_start3A_209 : memref<64x128xf32, #tpu.memory_space<vmem>>) offsets(%dma_start3A_212 : memref<64xi32, #tpu.memory_space<vmem>>) semaphore(%arg12 : memref<!tpu.dma_semaphore, #tpu.memory_space<semaphore_mem>>)
        %dma_start3A_216 = arith.constant 64 : i32
        %dma_start3A_217 = arith.constant 0 : i32
        %dma_start3A_218 = tpu.memref_slice %arg10[%dma_start3A_216, %dma_start3A_217] : memref<128x128xf32, #tpu.memory_space<vmem>> -> memref<64x128xf32, #tpu.memory_space<vmem>>
        %dma_start3A_219 = arith.constant 64 : i32
        %dma_start3A_220 = tpu.memref_slice %arg8[%add3A_206, %dma_start3A_219] : memref<40x128xi32, #tpu.memory_space<vmem>> -> memref<1x64xi32, #tpu.memory_space<vmem>>
        %dma_start3A_221 = tpu.memref_squeeze %dma_start3A_220 : memref<1x64xi32, #tpu.memory_space<vmem>> -> memref<64xi32, #tpu.memory_space<vmem>>
        %dma_start3A_222 = arith.constant 0 : i32
        %dma_start3A_223 = arith.constant 0 : i32
        %dma_start3A_224 = tpu.memref_slice %arg2[%dma_start3A_222, %dma_start3A_223] : memref<10000x128xf32, #tpu.memory_space<hbm>> -> memref<10000x128xf32, #tpu.memory_space<hbm>>
        tpu.enqueue_indirect_dma source(%dma_start3A_224 : memref<10000x128xf32, #tpu.memory_space<hbm>>) target(%dma_start3A_218 : memref<64x128xf32, #tpu.memory_space<vmem>>) offsets(%dma_start3A_221 : memref<64xi32, #tpu.memory_space<vmem>>) semaphore(%arg12 : memref<!tpu.dma_semaphore, #tpu.memory_space<semaphore_mem>>)
      } else {
      }
      %add3A_192 = arith.constant 3 : i32
      %add3A_193 = arith.addi %mul3A_161, %add3A_192 : i32
      %lt3A_194 = arith.constant 40 : i32
      %lt3A_195 = arith.cmpi slt, %add3A_193, %lt3A_194 : i32
      %convert_element_type3A_196 = arith.extui %lt3A_195 : i1 to i32
      %cond3A_197 = arith.constant 0 : i32
      %cond3A_198 = arith.cmpi ne, %convert_element_type3A_196, %cond3A_197 : i32
      scf.if %cond3A_198 {
        %add3A_199 = arith.constant 1 : i32
        %add3A_200 = arith.addi %mul3A_161, %add3A_199 : i32
        %dma_wait3A_201 = arith.constant 0 : i32
        %dma_wait3A_202 = tpu.memref_slice %arg9[%add3A_200, %dma_wait3A_201] : memref<40x128xi32, #tpu.memory_space<vmem>> -> memref<1x128xi32, #tpu.memory_space<vmem>>
        %dma_wait3A_203 = tpu.memref_squeeze %dma_wait3A_202 : memref<1x128xi32, #tpu.memory_space<vmem>> -> memref<128xi32, #tpu.memory_space<vmem>>
        %dma_wait3A_204 = arith.constant 0 : i32
        %dma_wait3A_205 = arith.constant 0 : i32
        %dma_wait3A_206 = tpu.memref_slice %arg7[%dma_wait3A_204, %dma_wait3A_205] : memref<10112x128xf32, #tpu.memory_space<vmem_shared>> -> memref<10112x128xf32, #tpu.memory_space<vmem_shared>>
        tpu.wait_indirect_dma semaphore(%arg15 : memref<!tpu.dma_semaphore, #tpu.memory_space<semaphore_mem>>) src(%arg11 : memref<128x128xf32, #tpu.memory_space<vmem>>) dst(%dma_wait3A_206 : memref<10112x128xf32, #tpu.memory_space<vmem_shared>>)
        %add3A_207 = arith.constant 3 : i32
        %add3A_208 = arith.addi %mul3A_161, %add3A_207 : i32
        %dma_start3A_209 = arith.constant 0 : i32
        %dma_start3A_210 = arith.constant 0 : i32
        %dma_start3A_211 = tpu.memref_slice %arg11[%dma_start3A_209, %dma_start3A_210] : memref<128x128xf32, #tpu.memory_space<vmem>> -> memref<64x128xf32, #tpu.memory_space<vmem>>
        %dma_start3A_212 = arith.constant 0 : i32
        %dma_start3A_213 = tpu.memref_slice %arg8[%add3A_208, %dma_start3A_212] : memref<40x128xi32, #tpu.memory_space<vmem>> -> memref<1x64xi32, #tpu.memory_space<vmem>>
        %dma_start3A_214 = tpu.memref_squeeze %dma_start3A_213 : memref<1x64xi32, #tpu.memory_space<vmem>> -> memref<64xi32, #tpu.memory_space<vmem>>
        %dma_start3A_215 = arith.constant 0 : i32
        %dma_start3A_216 = arith.constant 0 : i32
        %dma_start3A_217 = tpu.memref_slice %arg2[%dma_start3A_215, %dma_start3A_216] : memref<10000x128xf32, #tpu.memory_space<hbm>> -> memref<10000x128xf32, #tpu.memory_space<hbm>>
        tpu.enqueue_indirect_dma source(%dma_start3A_217 : memref<10000x128xf32, #tpu.memory_space<hbm>>) target(%dma_start3A_211 : memref<64x128xf32, #tpu.memory_space<vmem>>) offsets(%dma_start3A_214 : memref<64xi32, #tpu.memory_space<vmem>>) semaphore(%arg13 : memref<!tpu.dma_semaphore, #tpu.memory_space<semaphore_mem>>)
        %dma_start3A_218 = arith.constant 64 : i32
        %dma_start3A_219 = arith.constant 0 : i32
        %dma_start3A_220 = tpu.memref_slice %arg11[%dma_start3A_218, %dma_start3A_219] : memref<128x128xf32, #tpu.memory_space<vmem>> -> memref<64x128xf32, #tpu.memory_space<vmem>>
        %dma_start3A_221 = arith.constant 64 : i32
        %dma_start3A_222 = tpu.memref_slice %arg8[%add3A_208, %dma_start3A_221] : memref<40x128xi32, #tpu.memory_space<vmem>> -> memref<1x64xi32, #tpu.memory_space<vmem>>
        %dma_start3A_223 = tpu.memref_squeeze %dma_start3A_222 : memref<1x64xi32, #tpu.memory_space<vmem>> -> memref<64xi32, #tpu.memory_space<vmem>>
        %dma_start3A_224 = arith.constant 0 : i32
        %dma_start3A_225 = arith.constant 0 : i32
        %dma_start3A_226 = tpu.memref_slice %arg2[%dma_start3A_224, %dma_start3A_225] : memref<10000x128xf32, #tpu.memory_space<hbm>> -> memref<10000x128xf32, #tpu.memory_space<hbm>>
        tpu.enqueue_indirect_dma source(%dma_start3A_226 : memref<10000x128xf32, #tpu.memory_space<hbm>>) target(%dma_start3A_220 : memref<64x128xf32, #tpu.memory_space<vmem>>) offsets(%dma_start3A_223 : memref<64xi32, #tpu.memory_space<vmem>>) semaphore(%arg13 : memref<!tpu.dma_semaphore, #tpu.memory_space<semaphore_mem>>)
      } else {
      }
    }
    %scan3A_64 = arith.constant 20 : i32
    %dma_wait3A = arith.constant 38 : i32
    %dma_wait3A_65 = arith.constant 0 : i32
    %dma_wait3A_66 = tpu.memref_slice %arg9[%dma_wait3A, %dma_wait3A_65] : memref<40x128xi32, #tpu.memory_space<vmem>> -> memref<1x128xi32, #tpu.memory_space<vmem>>
    %dma_wait3A_67 = tpu.memref_squeeze %dma_wait3A_66 : memref<1x128xi32, #tpu.memory_space<vmem>> -> memref<128xi32, #tpu.memory_space<vmem>>
    %dma_wait3A_68 = arith.constant 0 : i32
    %dma_wait3A_69 = arith.constant 0 : i32
    %dma_wait3A_70 = tpu.memref_slice %arg7[%dma_wait3A_68, %dma_wait3A_69] : memref<10112x128xf32, #tpu.memory_space<vmem_shared>> -> memref<10112x128xf32, #tpu.memory_space<vmem_shared>>
    tpu.wait_indirect_dma semaphore(%arg14 : memref<!tpu.dma_semaphore, #tpu.memory_space<semaphore_mem>>) src(%arg10 : memref<128x128xf32, #tpu.memory_space<vmem>>) dst(%dma_wait3A_70 : memref<10112x128xf32, #tpu.memory_space<vmem_shared>>)
    %dma_wait3A_71 = arith.constant 39 : i32
    %dma_wait3A_72 = arith.constant 0 : i32
    %dma_wait3A_73 = tpu.memref_slice %arg9[%dma_wait3A_71, %dma_wait3A_72] : memref<40x128xi32, #tpu.memory_space<vmem>> -> memref<1x128xi32, #tpu.memory_space<vmem>>
    %dma_wait3A_74 = tpu.memref_squeeze %dma_wait3A_73 : memref<1x128xi32, #tpu.memory_space<vmem>> -> memref<128xi32, #tpu.memory_space<vmem>>
    %dma_wait3A_75 = arith.constant 0 : i32
    %dma_wait3A_76 = arith.constant 0 : i32
    %dma_wait3A_77 = tpu.memref_slice %arg7[%dma_wait3A_75, %dma_wait3A_76] : memref<10112x128xf32, #tpu.memory_space<vmem_shared>> -> memref<10112x128xf32, #tpu.memory_space<vmem_shared>>
    tpu.wait_indirect_dma semaphore(%arg15 : memref<!tpu.dma_semaphore, #tpu.memory_space<semaphore_mem>>) src(%arg11 : memref<128x128xf32, #tpu.memory_space<vmem>>) dst(%dma_wait3A_77 : memref<10112x128xf32, #tpu.memory_space<vmem_shared>>)
    "tpu.region"() ({
      %run_scoped3A = tpu.sem_alloc : memref<!tpu.dma_semaphore, #tpu.memory_space<semaphore_mem>>
      %dma_start3A_159 = arith.constant 40 : i32
      %dma_start3A_160 = arith.constant 0 : i32
      %dma_start3A_161 = tpu.memref_slice %arg3[%add3A, %dma_start3A_159, %dma_start3A_160] : memref<32x80x128xi32, #tpu.memory_space<hbm>> -> memref<1x40x128xi32, #tpu.memory_space<hbm>>
      %dma_start3A_162 = tpu.memref_squeeze %dma_start3A_161 : memref<1x40x128xi32, #tpu.memory_space<hbm>> -> memref<40x128xi32, #tpu.memory_space<hbm>>
      %dma_start3A_163 = arith.constant 40 : i32
      %dma_start3A_164 = arith.constant 0 : i32
      %dma_start3A_165 = tpu.memref_slice %arg3[%add3A, %dma_start3A_163, %dma_start3A_164] : memref<32x80x128xi32, #tpu.memory_space<hbm>> -> memref<1x40x128xi32, #tpu.memory_space<hbm>>
      %dma_start3A_166 = tpu.memref_squeeze %dma_start3A_165 : memref<1x40x128xi32, #tpu.memory_space<hbm>> -> memref<40x128xi32, #tpu.memory_space<hbm>>
      tpu.enqueue_dma source(%dma_start3A_166 : memref<40x128xi32, #tpu.memory_space<hbm>>) target(%arg8 : memref<40x128xi32, #tpu.memory_space<vmem>>) target_semaphore(%run_scoped3A : memref<!tpu.dma_semaphore, #tpu.memory_space<semaphore_mem>>)
      %dma_wait3A_167 = arith.constant 40 : i32
      %dma_wait3A_168 = arith.constant 0 : i32
      %dma_wait3A_169 = tpu.memref_slice %arg3[%add3A, %dma_wait3A_167, %dma_wait3A_168] : memref<32x80x128xi32, #tpu.memory_space<hbm>> -> memref<1x40x128xi32, #tpu.memory_space<hbm>>
      %dma_wait3A_170 = tpu.memref_squeeze %dma_wait3A_169 : memref<1x40x128xi32, #tpu.memory_space<hbm>> -> memref<40x128xi32, #tpu.memory_space<hbm>>
      %dma_wait3A_171 = arith.constant 40 : i32
      %dma_wait3A_172 = arith.constant 0 : i32
      %dma_wait3A_173 = tpu.memref_slice %arg3[%add3A, %dma_wait3A_171, %dma_wait3A_172] : memref<32x80x128xi32, #tpu.memory_space<hbm>> -> memref<1x40x128xi32, #tpu.memory_space<hbm>>
      %dma_wait3A_174 = tpu.memref_squeeze %dma_wait3A_173 : memref<1x40x128xi32, #tpu.memory_space<hbm>> -> memref<40x128xi32, #tpu.memory_space<hbm>>
      tpu.wait_dma2 semaphore(%run_scoped3A : memref<!tpu.dma_semaphore, #tpu.memory_space<semaphore_mem>>) src(%dma_wait3A_174 : memref<40x128xi32, #tpu.memory_space<hbm>>) dst(%arg8 : memref<40x128xi32, #tpu.memory_space<vmem>>)
      tpu.yield
    }) : () -> ()
    "tpu.region"() ({
      %run_scoped3A = tpu.sem_alloc : memref<!tpu.dma_semaphore, #tpu.memory_space<semaphore_mem>>
      %dma_start3A_159 = arith.constant 40 : i32
      %dma_start3A_160 = arith.constant 0 : i32
      %dma_start3A_161 = tpu.memref_slice %arg4[%add3A, %dma_start3A_159, %dma_start3A_160] : memref<32x80x128xi32, #tpu.memory_space<hbm>> -> memref<1x40x128xi32, #tpu.memory_space<hbm>>
      %dma_start3A_162 = tpu.memref_squeeze %dma_start3A_161 : memref<1x40x128xi32, #tpu.memory_space<hbm>> -> memref<40x128xi32, #tpu.memory_space<hbm>>
      %dma_start3A_163 = arith.constant 40 : i32
      %dma_start3A_164 = arith.constant 0 : i32
      %dma_start3A_165 = tpu.memref_slice %arg4[%add3A, %dma_start3A_163, %dma_start3A_164] : memref<32x80x128xi32, #tpu.memory_space<hbm>> -> memref<1x40x128xi32, #tpu.memory_space<hbm>>
      %dma_start3A_166 = tpu.memref_squeeze %dma_start3A_165 : memref<1x40x128xi32, #tpu.memory_space<hbm>> -> memref<40x128xi32, #tpu.memory_space<hbm>>
      tpu.enqueue_dma source(%dma_start3A_166 : memref<40x128xi32, #tpu.memory_space<hbm>>) target(%arg9 : memref<40x128xi32, #tpu.memory_space<vmem>>) target_semaphore(%run_scoped3A : memref<!tpu.dma_semaphore, #tpu.memory_space<semaphore_mem>>)
      %dma_wait3A_167 = arith.constant 40 : i32
      %dma_wait3A_168 = arith.constant 0 : i32
      %dma_wait3A_169 = tpu.memref_slice %arg4[%add3A, %dma_wait3A_167, %dma_wait3A_168] : memref<32x80x128xi32, #tpu.memory_space<hbm>> -> memref<1x40x128xi32, #tpu.memory_space<hbm>>
      %dma_wait3A_170 = tpu.memref_squeeze %dma_wait3A_169 : memref<1x40x128xi32, #tpu.memory_space<hbm>> -> memref<40x128xi32, #tpu.memory_space<hbm>>
      %dma_wait3A_171 = arith.constant 40 : i32
      %dma_wait3A_172 = arith.constant 0 : i32
      %dma_wait3A_173 = tpu.memref_slice %arg4[%add3A, %dma_wait3A_171, %dma_wait3A_172] : memref<32x80x128xi32, #tpu.memory_space<hbm>> -> memref<1x40x128xi32, #tpu.memory_space<hbm>>
      %dma_wait3A_174 = tpu.memref_squeeze %dma_wait3A_173 : memref<1x40x128xi32, #tpu.memory_space<hbm>> -> memref<40x128xi32, #tpu.memory_space<hbm>>
      tpu.wait_dma2 semaphore(%run_scoped3A : memref<!tpu.dma_semaphore, #tpu.memory_space<semaphore_mem>>) src(%dma_wait3A_174 : memref<40x128xi32, #tpu.memory_space<hbm>>) dst(%arg9 : memref<40x128xi32, #tpu.memory_space<vmem>>)
      tpu.yield
    }) : () -> ()
    %dma_start3A_78 = arith.constant 0 : i32
    %dma_start3A_79 = arith.constant 0 : i32
    %dma_start3A_80 = arith.constant 0 : i32
    %dma_start3A_81 = tpu.memref_slice %arg10[%dma_start3A_79, %dma_start3A_80] : memref<128x128xf32, #tpu.memory_space<vmem>> -> memref<64x128xf32, #tpu.memory_space<vmem>>
    %dma_start3A_82 = arith.constant 0 : i32
    %dma_start3A_83 = tpu.memref_slice %arg8[%dma_start3A_78, %dma_start3A_82] : memref<40x128xi32, #tpu.memory_space<vmem>> -> memref<1x64xi32, #tpu.memory_space<vmem>>
    %dma_start3A_84 = tpu.memref_squeeze %dma_start3A_83 : memref<1x64xi32, #tpu.memory_space<vmem>> -> memref<64xi32, #tpu.memory_space<vmem>>
    %dma_start3A_85 = arith.constant 0 : i32
    %dma_start3A_86 = arith.constant 0 : i32
    %dma_start3A_87 = tpu.memref_slice %arg2[%dma_start3A_85, %dma_start3A_86] : memref<10000x128xf32, #tpu.memory_space<hbm>> -> memref<10000x128xf32, #tpu.memory_space<hbm>>
    tpu.enqueue_indirect_dma source(%dma_start3A_87 : memref<10000x128xf32, #tpu.memory_space<hbm>>) target(%dma_start3A_81 : memref<64x128xf32, #tpu.memory_space<vmem>>) offsets(%dma_start3A_84 : memref<64xi32, #tpu.memory_space<vmem>>) semaphore(%arg12 : memref<!tpu.dma_semaphore, #tpu.memory_space<semaphore_mem>>)
    %dma_start3A_88 = arith.constant 0 : i32
    %dma_start3A_89 = arith.constant 64 : i32
    %dma_start3A_90 = arith.constant 0 : i32
    %dma_start3A_91 = tpu.memref_slice %arg10[%dma_start3A_89, %dma_start3A_90] : memref<128x128xf32, #tpu.memory_space<vmem>> -> memref<64x128xf32, #tpu.memory_space<vmem>>
    %dma_start3A_92 = arith.constant 64 : i32
    %dma_start3A_93 = tpu.memref_slice %arg8[%dma_start3A_88, %dma_start3A_92] : memref<40x128xi32, #tpu.memory_space<vmem>> -> memref<1x64xi32, #tpu.memory_space<vmem>>
    %dma_start3A_94 = tpu.memref_squeeze %dma_start3A_93 : memref<1x64xi32, #tpu.memory_space<vmem>> -> memref<64xi32, #tpu.memory_space<vmem>>
    %dma_start3A_95 = arith.constant 0 : i32
    %dma_start3A_96 = arith.constant 0 : i32
    %dma_start3A_97 = tpu.memref_slice %arg2[%dma_start3A_95, %dma_start3A_96] : memref<10000x128xf32, #tpu.memory_space<hbm>> -> memref<10000x128xf32, #tpu.memory_space<hbm>>
    tpu.enqueue_indirect_dma source(%dma_start3A_97 : memref<10000x128xf32, #tpu.memory_space<hbm>>) target(%dma_start3A_91 : memref<64x128xf32, #tpu.memory_space<vmem>>) offsets(%dma_start3A_94 : memref<64xi32, #tpu.memory_space<vmem>>) semaphore(%arg12 : memref<!tpu.dma_semaphore, #tpu.memory_space<semaphore_mem>>)
    %dma_start3A_98 = arith.constant 1 : i32
    %dma_start3A_99 = arith.constant 0 : i32
    %dma_start3A_100 = arith.constant 0 : i32
    %dma_start3A_101 = tpu.memref_slice %arg11[%dma_start3A_99, %dma_start3A_100] : memref<128x128xf32, #tpu.memory_space<vmem>> -> memref<64x128xf32, #tpu.memory_space<vmem>>
    %dma_start3A_102 = arith.constant 0 : i32
    %dma_start3A_103 = tpu.memref_slice %arg8[%dma_start3A_98, %dma_start3A_102] : memref<40x128xi32, #tpu.memory_space<vmem>> -> memref<1x64xi32, #tpu.memory_space<vmem>>
    %dma_start3A_104 = tpu.memref_squeeze %dma_start3A_103 : memref<1x64xi32, #tpu.memory_space<vmem>> -> memref<64xi32, #tpu.memory_space<vmem>>
    %dma_start3A_105 = arith.constant 0 : i32
    %dma_start3A_106 = arith.constant 0 : i32
    %dma_start3A_107 = tpu.memref_slice %arg2[%dma_start3A_105, %dma_start3A_106] : memref<10000x128xf32, #tpu.memory_space<hbm>> -> memref<10000x128xf32, #tpu.memory_space<hbm>>
    tpu.enqueue_indirect_dma source(%dma_start3A_107 : memref<10000x128xf32, #tpu.memory_space<hbm>>) target(%dma_start3A_101 : memref<64x128xf32, #tpu.memory_space<vmem>>) offsets(%dma_start3A_104 : memref<64xi32, #tpu.memory_space<vmem>>) semaphore(%arg13 : memref<!tpu.dma_semaphore, #tpu.memory_space<semaphore_mem>>)
    %dma_start3A_108 = arith.constant 1 : i32
    %dma_start3A_109 = arith.constant 64 : i32
    %dma_start3A_110 = arith.constant 0 : i32
    %dma_start3A_111 = tpu.memref_slice %arg11[%dma_start3A_109, %dma_start3A_110] : memref<128x128xf32, #tpu.memory_space<vmem>> -> memref<64x128xf32, #tpu.memory_space<vmem>>
    %dma_start3A_112 = arith.constant 64 : i32
    %dma_start3A_113 = tpu.memref_slice %arg8[%dma_start3A_108, %dma_start3A_112] : memref<40x128xi32, #tpu.memory_space<vmem>> -> memref<1x64xi32, #tpu.memory_space<vmem>>
    %dma_start3A_114 = tpu.memref_squeeze %dma_start3A_113 : memref<1x64xi32, #tpu.memory_space<vmem>> -> memref<64xi32, #tpu.memory_space<vmem>>
    %dma_start3A_115 = arith.constant 0 : i32
    %dma_start3A_116 = arith.constant 0 : i32
    %dma_start3A_117 = tpu.memref_slice %arg2[%dma_start3A_115, %dma_start3A_116] : memref<10000x128xf32, #tpu.memory_space<hbm>> -> memref<10000x128xf32, #tpu.memory_space<hbm>>
    tpu.enqueue_indirect_dma source(%dma_start3A_117 : memref<10000x128xf32, #tpu.memory_space<hbm>>) target(%dma_start3A_111 : memref<64x128xf32, #tpu.memory_space<vmem>>) offsets(%dma_start3A_114 : memref<64xi32, #tpu.memory_space<vmem>>) semaphore(%arg13 : memref<!tpu.dma_semaphore, #tpu.memory_space<semaphore_mem>>)
    %scan3A_118 = arith.constant 0 : i32
    %scan3A_119 = arith.constant 0 : i32
    %scan3A_120 = arith.constant 20 : i32
    %scan3A_121 = arith.addi %scan3A_119, %scan3A_120 : i32
    %scan3A_122 = arith.constant 1 : i32
    scf.for %scan3A_159 = %scan3A_119 to %scan3A_121 step %scan3A_122  : i32 {
      %mul3A_160 = arith.constant 2 : i32
      %mul3A_161 = arith.muli %mul3A_160, %scan3A_159 : i32
      %dma_wait3A_162 = arith.constant 0 : i32
      %dma_wait3A_163 = arith.constant 0 : i32
      %dma_wait3A_164 = tpu.memref_slice %arg2[%dma_wait3A_162, %dma_wait3A_163] : memref<10000x128xf32, #tpu.memory_space<hbm>> -> memref<128x128xf32, #tpu.memory_space<hbm>>
      %dma_wait3A_165 = arith.constant 0 : i32
      %dma_wait3A_166 = arith.constant 0 : i32
      %dma_wait3A_167 = tpu.memref_slice %arg2[%dma_wait3A_165, %dma_wait3A_166] : memref<10000x128xf32, #tpu.memory_space<hbm>> -> memref<128x128xf32, #tpu.memory_space<hbm>>
      tpu.wait_dma2 semaphore(%arg12 : memref<!tpu.dma_semaphore, #tpu.memory_space<semaphore_mem>>) src(%dma_wait3A_167 : memref<128x128xf32, #tpu.memory_space<hbm>>) dst(%arg10 : memref<128x128xf32, #tpu.memory_space<vmem>>)
      %dma_start3A_168 = arith.constant 0 : i32
      %dma_start3A_169 = tpu.memref_slice %arg9[%mul3A_161, %dma_start3A_168] : memref<40x128xi32, #tpu.memory_space<vmem>> -> memref<1x128xi32, #tpu.memory_space<vmem>>
      %dma_start3A_170 = tpu.memref_squeeze %dma_start3A_169 : memref<1x128xi32, #tpu.memory_space<vmem>> -> memref<128xi32, #tpu.memory_space<vmem>>
      %dma_start3A_171 = arith.constant 0 : i32
      %dma_start3A_172 = arith.constant 0 : i32
      %dma_start3A_173 = tpu.memref_slice %arg7[%dma_start3A_171, %dma_start3A_172] : memref<10112x128xf32, #tpu.memory_space<vmem_shared>> -> memref<10112x128xf32, #tpu.memory_space<vmem_shared>>
      tpu.enqueue_indirect_dma source(%arg10 : memref<128x128xf32, #tpu.memory_space<vmem>>) target(%dma_start3A_173 : memref<10112x128xf32, #tpu.memory_space<vmem_shared>>) offsets(%dma_start3A_170 : memref<128xi32, #tpu.memory_space<vmem>>) semaphore(%arg14 : memref<!tpu.dma_semaphore, #tpu.memory_space<semaphore_mem>>) {add = true}
      %dma_wait3A_174 = arith.constant 0 : i32
      %dma_wait3A_175 = arith.constant 0 : i32
      %dma_wait3A_176 = tpu.memref_slice %arg2[%dma_wait3A_174, %dma_wait3A_175] : memref<10000x128xf32, #tpu.memory_space<hbm>> -> memref<128x128xf32, #tpu.memory_space<hbm>>
      %dma_wait3A_177 = arith.constant 0 : i32
      %dma_wait3A_178 = arith.constant 0 : i32
      %dma_wait3A_179 = tpu.memref_slice %arg2[%dma_wait3A_177, %dma_wait3A_178] : memref<10000x128xf32, #tpu.memory_space<hbm>> -> memref<128x128xf32, #tpu.memory_space<hbm>>
      tpu.wait_dma2 semaphore(%arg13 : memref<!tpu.dma_semaphore, #tpu.memory_space<semaphore_mem>>) src(%dma_wait3A_179 : memref<128x128xf32, #tpu.memory_space<hbm>>) dst(%arg11 : memref<128x128xf32, #tpu.memory_space<vmem>>)
      %add3A_180 = arith.constant 1 : i32
      %add3A_181 = arith.addi %mul3A_161, %add3A_180 : i32
      %dma_start3A_182 = arith.constant 0 : i32
      %dma_start3A_183 = tpu.memref_slice %arg9[%add3A_181, %dma_start3A_182] : memref<40x128xi32, #tpu.memory_space<vmem>> -> memref<1x128xi32, #tpu.memory_space<vmem>>
      %dma_start3A_184 = tpu.memref_squeeze %dma_start3A_183 : memref<1x128xi32, #tpu.memory_space<vmem>> -> memref<128xi32, #tpu.memory_space<vmem>>
      %dma_start3A_185 = arith.constant 0 : i32
      %dma_start3A_186 = arith.constant 0 : i32
      %dma_start3A_187 = tpu.memref_slice %arg7[%dma_start3A_185, %dma_start3A_186] : memref<10112x128xf32, #tpu.memory_space<vmem_shared>> -> memref<10112x128xf32, #tpu.memory_space<vmem_shared>>
      tpu.enqueue_indirect_dma source(%arg11 : memref<128x128xf32, #tpu.memory_space<vmem>>) target(%dma_start3A_187 : memref<10112x128xf32, #tpu.memory_space<vmem_shared>>) offsets(%dma_start3A_184 : memref<128xi32, #tpu.memory_space<vmem>>) semaphore(%arg15 : memref<!tpu.dma_semaphore, #tpu.memory_space<semaphore_mem>>) {add = true}
      %add3A_188 = arith.constant 2 : i32
      %add3A_189 = arith.addi %mul3A_161, %add3A_188 : i32
      %lt3A = arith.constant 40 : i32
      %lt3A_190 = arith.cmpi slt, %add3A_189, %lt3A : i32
      %convert_element_type3A = arith.extui %lt3A_190 : i1 to i32
      %cond3A = arith.constant 0 : i32
      %cond3A_191 = arith.cmpi ne, %convert_element_type3A, %cond3A : i32
      scf.if %cond3A_191 {
        %dma_wait3A_199 = arith.constant 0 : i32
        %dma_wait3A_200 = tpu.memref_slice %arg9[%mul3A_161, %dma_wait3A_199] : memref<40x128xi32, #tpu.memory_space<vmem>> -> memref<1x128xi32, #tpu.memory_space<vmem>>
        %dma_wait3A_201 = tpu.memref_squeeze %dma_wait3A_200 : memref<1x128xi32, #tpu.memory_space<vmem>> -> memref<128xi32, #tpu.memory_space<vmem>>
        %dma_wait3A_202 = arith.constant 0 : i32
        %dma_wait3A_203 = arith.constant 0 : i32
        %dma_wait3A_204 = tpu.memref_slice %arg7[%dma_wait3A_202, %dma_wait3A_203] : memref<10112x128xf32, #tpu.memory_space<vmem_shared>> -> memref<10112x128xf32, #tpu.memory_space<vmem_shared>>
        tpu.wait_indirect_dma semaphore(%arg14 : memref<!tpu.dma_semaphore, #tpu.memory_space<semaphore_mem>>) src(%arg10 : memref<128x128xf32, #tpu.memory_space<vmem>>) dst(%dma_wait3A_204 : memref<10112x128xf32, #tpu.memory_space<vmem_shared>>)
        %add3A_205 = arith.constant 2 : i32
        %add3A_206 = arith.addi %mul3A_161, %add3A_205 : i32
        %dma_start3A_207 = arith.constant 0 : i32
        %dma_start3A_208 = arith.constant 0 : i32
        %dma_start3A_209 = tpu.memref_slice %arg10[%dma_start3A_207, %dma_start3A_208] : memref<128x128xf32, #tpu.memory_space<vmem>> -> memref<64x128xf32, #tpu.memory_space<vmem>>
        %dma_start3A_210 = arith.constant 0 : i32
        %dma_start3A_211 = tpu.memref_slice %arg8[%add3A_206, %dma_start3A_210] : memref<40x128xi32, #tpu.memory_space<vmem>> -> memref<1x64xi32, #tpu.memory_space<vmem>>
        %dma_start3A_212 = tpu.memref_squeeze %dma_start3A_211 : memref<1x64xi32, #tpu.memory_space<vmem>> -> memref<64xi32, #tpu.memory_space<vmem>>
        %dma_start3A_213 = arith.constant 0 : i32
        %dma_start3A_214 = arith.constant 0 : i32
        %dma_start3A_215 = tpu.memref_slice %arg2[%dma_start3A_213, %dma_start3A_214] : memref<10000x128xf32, #tpu.memory_space<hbm>> -> memref<10000x128xf32, #tpu.memory_space<hbm>>
        tpu.enqueue_indirect_dma source(%dma_start3A_215 : memref<10000x128xf32, #tpu.memory_space<hbm>>) target(%dma_start3A_209 : memref<64x128xf32, #tpu.memory_space<vmem>>) offsets(%dma_start3A_212 : memref<64xi32, #tpu.memory_space<vmem>>) semaphore(%arg12 : memref<!tpu.dma_semaphore, #tpu.memory_space<semaphore_mem>>)
        %dma_start3A_216 = arith.constant 64 : i32
        %dma_start3A_217 = arith.constant 0 : i32
        %dma_start3A_218 = tpu.memref_slice %arg10[%dma_start3A_216, %dma_start3A_217] : memref<128x128xf32, #tpu.memory_space<vmem>> -> memref<64x128xf32, #tpu.memory_space<vmem>>
        %dma_start3A_219 = arith.constant 64 : i32
        %dma_start3A_220 = tpu.memref_slice %arg8[%add3A_206, %dma_start3A_219] : memref<40x128xi32, #tpu.memory_space<vmem>> -> memref<1x64xi32, #tpu.memory_space<vmem>>
        %dma_start3A_221 = tpu.memref_squeeze %dma_start3A_220 : memref<1x64xi32, #tpu.memory_space<vmem>> -> memref<64xi32, #tpu.memory_space<vmem>>
        %dma_start3A_222 = arith.constant 0 : i32
        %dma_start3A_223 = arith.constant 0 : i32
        %dma_start3A_224 = tpu.memref_slice %arg2[%dma_start3A_222, %dma_start3A_223] : memref<10000x128xf32, #tpu.memory_space<hbm>> -> memref<10000x128xf32, #tpu.memory_space<hbm>>
        tpu.enqueue_indirect_dma source(%dma_start3A_224 : memref<10000x128xf32, #tpu.memory_space<hbm>>) target(%dma_start3A_218 : memref<64x128xf32, #tpu.memory_space<vmem>>) offsets(%dma_start3A_221 : memref<64xi32, #tpu.memory_space<vmem>>) semaphore(%arg12 : memref<!tpu.dma_semaphore, #tpu.memory_space<semaphore_mem>>)
      } else {
      }
      %add3A_192 = arith.constant 3 : i32
      %add3A_193 = arith.addi %mul3A_161, %add3A_192 : i32
      %lt3A_194 = arith.constant 40 : i32
      %lt3A_195 = arith.cmpi slt, %add3A_193, %lt3A_194 : i32
      %convert_element_type3A_196 = arith.extui %lt3A_195 : i1 to i32
      %cond3A_197 = arith.constant 0 : i32
      %cond3A_198 = arith.cmpi ne, %convert_element_type3A_196, %cond3A_197 : i32
      scf.if %cond3A_198 {
        %add3A_199 = arith.constant 1 : i32
        %add3A_200 = arith.addi %mul3A_161, %add3A_199 : i32
        %dma_wait3A_201 = arith.constant 0 : i32
        %dma_wait3A_202 = tpu.memref_slice %arg9[%add3A_200, %dma_wait3A_201] : memref<40x128xi32, #tpu.memory_space<vmem>> -> memref<1x128xi32, #tpu.memory_space<vmem>>
        %dma_wait3A_203 = tpu.memref_squeeze %dma_wait3A_202 : memref<1x128xi32, #tpu.memory_space<vmem>> -> memref<128xi32, #tpu.memory_space<vmem>>
        %dma_wait3A_204 = arith.constant 0 : i32
        %dma_wait3A_205 = arith.constant 0 : i32
        %dma_wait3A_206 = tpu.memref_slice %arg7[%dma_wait3A_204, %dma_wait3A_205] : memref<10112x128xf32, #tpu.memory_space<vmem_shared>> -> memref<10112x128xf32, #tpu.memory_space<vmem_shared>>
        tpu.wait_indirect_dma semaphore(%arg15 : memref<!tpu.dma_semaphore, #tpu.memory_space<semaphore_mem>>) src(%arg11 : memref<128x128xf32, #tpu.memory_space<vmem>>) dst(%dma_wait3A_206 : memref<10112x128xf32, #tpu.memory_space<vmem_shared>>)
        %add3A_207 = arith.constant 3 : i32
        %add3A_208 = arith.addi %mul3A_161, %add3A_207 : i32
        %dma_start3A_209 = arith.constant 0 : i32
        %dma_start3A_210 = arith.constant 0 : i32
        %dma_start3A_211 = tpu.memref_slice %arg11[%dma_start3A_209, %dma_start3A_210] : memref<128x128xf32, #tpu.memory_space<vmem>> -> memref<64x128xf32, #tpu.memory_space<vmem>>
        %dma_start3A_212 = arith.constant 0 : i32
        %dma_start3A_213 = tpu.memref_slice %arg8[%add3A_208, %dma_start3A_212] : memref<40x128xi32, #tpu.memory_space<vmem>> -> memref<1x64xi32, #tpu.memory_space<vmem>>
        %dma_start3A_214 = tpu.memref_squeeze %dma_start3A_213 : memref<1x64xi32, #tpu.memory_space<vmem>> -> memref<64xi32, #tpu.memory_space<vmem>>
        %dma_start3A_215 = arith.constant 0 : i32
        %dma_start3A_216 = arith.constant 0 : i32
        %dma_start3A_217 = tpu.memref_slice %arg2[%dma_start3A_215, %dma_start3A_216] : memref<10000x128xf32, #tpu.memory_space<hbm>> -> memref<10000x128xf32, #tpu.memory_space<hbm>>
        tpu.enqueue_indirect_dma source(%dma_start3A_217 : memref<10000x128xf32, #tpu.memory_space<hbm>>) target(%dma_start3A_211 : memref<64x128xf32, #tpu.memory_space<vmem>>) offsets(%dma_start3A_214 : memref<64xi32, #tpu.memory_space<vmem>>) semaphore(%arg13 : memref<!tpu.dma_semaphore, #tpu.memory_space<semaphore_mem>>)
        %dma_start3A_218 = arith.constant 64 : i32
        %dma_start3A_219 = arith.constant 0 : i32
        %dma_start3A_220 = tpu.memref_slice %arg11[%dma_start3A_218, %dma_start3A_219] : memref<128x128xf32, #tpu.memory_space<vmem>> -> memref<64x128xf32, #tpu.memory_space<vmem>>
        %dma_start3A_221 = arith.constant 64 : i32
        %dma_start3A_222 = tpu.memref_slice %arg8[%add3A_208, %dma_start3A_221] : memref<40x128xi32, #tpu.memory_space<vmem>> -> memref<1x64xi32, #tpu.memory_space<vmem>>
        %dma_start3A_223 = tpu.memref_squeeze %dma_start3A_222 : memref<1x64xi32, #tpu.memory_space<vmem>> -> memref<64xi32, #tpu.memory_space<vmem>>
        %dma_start3A_224 = arith.constant 0 : i32
        %dma_start3A_225 = arith.constant 0 : i32
        %dma_start3A_226 = tpu.memref_slice %arg2[%dma_start3A_224, %dma_start3A_225] : memref<10000x128xf32, #tpu.memory_space<hbm>> -> memref<10000x128xf32, #tpu.memory_space<hbm>>
        tpu.enqueue_indirect_dma source(%dma_start3A_226 : memref<10000x128xf32, #tpu.memory_space<hbm>>) target(%dma_start3A_220 : memref<64x128xf32, #tpu.memory_space<vmem>>) offsets(%dma_start3A_223 : memref<64xi32, #tpu.memory_space<vmem>>) semaphore(%arg13 : memref<!tpu.dma_semaphore, #tpu.memory_space<semaphore_mem>>)
      } else {
      }
    }
    %scan3A_123 = arith.constant 20 : i32
    %dma_wait3A_124 = arith.constant 38 : i32
    %dma_wait3A_125 = arith.constant 0 : i32
    %dma_wait3A_126 = tpu.memref_slice %arg9[%dma_wait3A_124, %dma_wait3A_125] : memref<40x128xi32, #tpu.memory_space<vmem>> -> memref<1x128xi32, #tpu.memory_space<vmem>>
    %dma_wait3A_127 = tpu.memref_squeeze %dma_wait3A_126 : memref<1x128xi32, #tpu.memory_space<vmem>> -> memref<128xi32, #tpu.memory_space<vmem>>
    %dma_wait3A_128 = arith.constant 0 : i32
    %dma_wait3A_129 = arith.constant 0 : i32
    %dma_wait3A_130 = tpu.memref_slice %arg7[%dma_wait3A_128, %dma_wait3A_129] : memref<10112x128xf32, #tpu.memory_space<vmem_shared>> -> memref<10112x128xf32, #tpu.memory_space<vmem_shared>>
    tpu.wait_indirect_dma semaphore(%arg14 : memref<!tpu.dma_semaphore, #tpu.memory_space<semaphore_mem>>) src(%arg10 : memref<128x128xf32, #tpu.memory_space<vmem>>) dst(%dma_wait3A_130 : memref<10112x128xf32, #tpu.memory_space<vmem_shared>>)
    %dma_wait3A_131 = arith.constant 39 : i32
    %dma_wait3A_132 = arith.constant 0 : i32
    %dma_wait3A_133 = tpu.memref_slice %arg9[%dma_wait3A_131, %dma_wait3A_132] : memref<40x128xi32, #tpu.memory_space<vmem>> -> memref<1x128xi32, #tpu.memory_space<vmem>>
    %dma_wait3A_134 = tpu.memref_squeeze %dma_wait3A_133 : memref<1x128xi32, #tpu.memory_space<vmem>> -> memref<128xi32, #tpu.memory_space<vmem>>
    %dma_wait3A_135 = arith.constant 0 : i32
    %dma_wait3A_136 = arith.constant 0 : i32
    %dma_wait3A_137 = tpu.memref_slice %arg7[%dma_wait3A_135, %dma_wait3A_136] : memref<10112x128xf32, #tpu.memory_space<vmem_shared>> -> memref<10112x128xf32, #tpu.memory_space<vmem_shared>>
    tpu.wait_indirect_dma semaphore(%arg15 : memref<!tpu.dma_semaphore, #tpu.memory_space<semaphore_mem>>) src(%arg11 : memref<128x128xf32, #tpu.memory_space<vmem>>) dst(%dma_wait3A_137 : memref<10112x128xf32, #tpu.memory_space<vmem_shared>>)
    %barrier3A_138 = arith.constant 0 : index
    tpu.barrier barrier_id(%barrier3A_138)
    %mul3A_139 = arith.constant 632 : i32
    %mul3A_140 = arith.muli %arg1, %mul3A_139 : i32
    %add3A_141 = arith.constant 0 : i32
    %add3A_142 = arith.addi %mul3A_140, %add3A_141 : i32
    "tpu.region"() ({
      %run_scoped3A = tpu.sem_alloc : memref<!tpu.dma_semaphore, #tpu.memory_space<semaphore_mem>>
      %dma_start3A_159 = arith.constant 0 : i32
      %dma_start3A_160 = arith.constant 0 : i32
      %dma_start3A_161 = tpu.memref_slice %arg10[%dma_start3A_159, %dma_start3A_160] : memref<128x128xf32, #tpu.memory_space<vmem>> -> memref<128x128xf32, #tpu.memory_space<vmem>>
      %dma_start3A_162 = arith.constant 0 : i32
      %dma_start3A_163 = tpu.memref_slice %arg7[%add3A_142, %dma_start3A_162] : memref<10112x128xf32, #tpu.memory_space<vmem_shared>> -> memref<128x128xf32, #tpu.memory_space<vmem_shared>>
      %dma_start3A_164 = arith.constant 0 : i32
      %dma_start3A_165 = arith.constant 0 : i32
      %dma_start3A_166 = tpu.memref_slice %arg10[%dma_start3A_164, %dma_start3A_165] : memref<128x128xf32, #tpu.memory_space<vmem>> -> memref<128x128xf32, #tpu.memory_space<vmem>>
      %dma_start3A_167 = arith.constant 0 : i32
      %dma_start3A_168 = tpu.memref_slice %arg7[%add3A_142, %dma_start3A_167] : memref<10112x128xf32, #tpu.memory_space<vmem_shared>> -> memref<128x128xf32, #tpu.memory_space<vmem_shared>>
      tpu.enqueue_dma source(%dma_start3A_168 : memref<128x128xf32, #tpu.memory_space<vmem_shared>>) target(%dma_start3A_166 : memref<128x128xf32, #tpu.memory_space<vmem>>) target_semaphore(%run_scoped3A : memref<!tpu.dma_semaphore, #tpu.memory_space<semaphore_mem>>)
      %dma_wait3A_169 = arith.constant 0 : i32
      %dma_wait3A_170 = arith.constant 0 : i32
      %dma_wait3A_171 = tpu.memref_slice %arg10[%dma_wait3A_169, %dma_wait3A_170] : memref<128x128xf32, #tpu.memory_space<vmem>> -> memref<128x128xf32, #tpu.memory_space<vmem>>
      %dma_wait3A_172 = arith.constant 0 : i32
      %dma_wait3A_173 = tpu.memref_slice %arg7[%add3A_142, %dma_wait3A_172] : memref<10112x128xf32, #tpu.memory_space<vmem_shared>> -> memref<128x128xf32, #tpu.memory_space<vmem_shared>>
      %dma_wait3A_174 = arith.constant 0 : i32
      %dma_wait3A_175 = arith.constant 0 : i32
      %dma_wait3A_176 = tpu.memref_slice %arg10[%dma_wait3A_174, %dma_wait3A_175] : memref<128x128xf32, #tpu.memory_space<vmem>> -> memref<128x128xf32, #tpu.memory_space<vmem>>
      %dma_wait3A_177 = arith.constant 0 : i32
      %dma_wait3A_178 = tpu.memref_slice %arg7[%add3A_142, %dma_wait3A_177] : memref<10112x128xf32, #tpu.memory_space<vmem_shared>> -> memref<128x128xf32, #tpu.memory_space<vmem_shared>>
      tpu.wait_dma2 semaphore(%run_scoped3A : memref<!tpu.dma_semaphore, #tpu.memory_space<semaphore_mem>>) src(%dma_wait3A_178 : memref<128x128xf32, #tpu.memory_space<vmem_shared>>) dst(%dma_wait3A_176 : memref<128x128xf32, #tpu.memory_space<vmem>>)
      tpu.yield
    }) : () -> ()
    "tpu.region"() ({
      %run_scoped3A = tpu.sem_alloc : memref<!tpu.dma_semaphore, #tpu.memory_space<semaphore_mem>>
      %dma_start3A_159 = arith.constant 0 : i32
      %dma_start3A_160 = arith.constant 0 : i32
      %dma_start3A_161 = tpu.memref_slice %arg10[%dma_start3A_159, %dma_start3A_160] : memref<128x128xf32, #tpu.memory_space<vmem>> -> memref<128x128xf32, #tpu.memory_space<vmem>>
      %dma_start3A_162 = arith.constant 0 : i32
      %dma_start3A_163 = tpu.memref_slice %arg6[%arg0, %add3A_142, %dma_start3A_162] : memref<2x10112x128xf32, #tpu.memory_space<hbm>> -> memref<1x128x128xf32, #tpu.memory_space<hbm>>
      %dma_start3A_164 = tpu.memref_squeeze %dma_start3A_163 : memref<1x128x128xf32, #tpu.memory_space<hbm>> -> memref<128x128xf32, #tpu.memory_space<hbm>>
      %dma_start3A_165 = arith.constant 0 : i32
      %dma_start3A_166 = tpu.memref_slice %arg6[%arg0, %add3A_142, %dma_start3A_165] : memref<2x10112x128xf32, #tpu.memory_space<hbm>> -> memref<1x128x128xf32, #tpu.memory_space<hbm>>
      %dma_start3A_167 = tpu.memref_squeeze %dma_start3A_166 : memref<1x128x128xf32, #tpu.memory_space<hbm>> -> memref<128x128xf32, #tpu.memory_space<hbm>>
      %dma_start3A_168 = arith.constant 0 : i32
      %dma_start3A_169 = arith.constant 0 : i32
      %dma_start3A_170 = tpu.memref_slice %arg10[%dma_start3A_168, %dma_start3A_169] : memref<128x128xf32, #tpu.memory_space<vmem>> -> memref<128x128xf32, #tpu.memory_space<vmem>>
      tpu.enqueue_dma source(%dma_start3A_170 : memref<128x128xf32, #tpu.memory_space<vmem>>) target(%dma_start3A_167 : memref<128x128xf32, #tpu.memory_space<hbm>>) target_semaphore(%run_scoped3A : memref<!tpu.dma_semaphore, #tpu.memory_space<semaphore_mem>>)
      %dma_wait3A_171 = arith.constant 0 : i32
      %dma_wait3A_172 = arith.constant 0 : i32
      %dma_wait3A_173 = tpu.memref_slice %arg10[%dma_wait3A_171, %dma_wait3A_172] : memref<128x128xf32, #tpu.memory_space<vmem>> -> memref<128x128xf32, #tpu.memory_space<vmem>>
      %dma_wait3A_174 = arith.constant 0 : i32
      %dma_wait3A_175 = tpu.memref_slice %arg6[%arg0, %add3A_142, %dma_wait3A_174] : memref<2x10112x128xf32, #tpu.memory_space<hbm>> -> memref<1x128x128xf32, #tpu.memory_space<hbm>>
      %dma_wait3A_176 = tpu.memref_squeeze %dma_wait3A_175 : memref<1x128x128xf32, #tpu.memory_space<hbm>> -> memref<128x128xf32, #tpu.memory_space<hbm>>
      %dma_wait3A_177 = arith.constant 0 : i32
      %dma_wait3A_178 = tpu.memref_slice %arg6[%arg0, %add3A_142, %dma_wait3A_177] : memref<2x10112x128xf32, #tpu.memory_space<hbm>> -> memref<1x128x128xf32, #tpu.memory_space<hbm>>
      %dma_wait3A_179 = tpu.memref_squeeze %dma_wait3A_178 : memref<1x128x128xf32, #tpu.memory_space<hbm>> -> memref<128x128xf32, #tpu.memory_space<hbm>>
      %dma_wait3A_180 = arith.constant 0 : i32
      %dma_wait3A_181 = arith.constant 0 : i32
      %dma_wait3A_182 = tpu.memref_slice %arg10[%dma_wait3A_180, %dma_wait3A_181] : memref<128x128xf32, #tpu.memory_space<vmem>> -> memref<128x128xf32, #tpu.memory_space<vmem>>
      tpu.wait_dma2 semaphore(%run_scoped3A : memref<!tpu.dma_semaphore, #tpu.memory_space<semaphore_mem>>) src(%dma_wait3A_182 : memref<128x128xf32, #tpu.memory_space<vmem>>) dst(%dma_wait3A_179 : memref<128x128xf32, #tpu.memory_space<hbm>>)
      tpu.yield
    }) : () -> ()
    %mul3A_143 = arith.constant 632 : i32
    %mul3A_144 = arith.muli %arg1, %mul3A_143 : i32
    %add3A_145 = arith.constant 128 : i32
    %add3A_146 = arith.addi %mul3A_144, %add3A_145 : i32
    "tpu.region"() ({
      %run_scoped3A = tpu.sem_alloc : memref<!tpu.dma_semaphore, #tpu.memory_space<semaphore_mem>>
      %dma_start3A_159 = arith.constant 0 : i32
      %dma_start3A_160 = arith.constant 0 : i32
      %dma_start3A_161 = tpu.memref_slice %arg10[%dma_start3A_159, %dma_start3A_160] : memref<128x128xf32, #tpu.memory_space<vmem>> -> memref<128x128xf32, #tpu.memory_space<vmem>>
      %dma_start3A_162 = arith.constant 0 : i32
      %dma_start3A_163 = tpu.memref_slice %arg7[%add3A_146, %dma_start3A_162] : memref<10112x128xf32, #tpu.memory_space<vmem_shared>> -> memref<128x128xf32, #tpu.memory_space<vmem_shared>>
      %dma_start3A_164 = arith.constant 0 : i32
      %dma_start3A_165 = arith.constant 0 : i32
      %dma_start3A_166 = tpu.memref_slice %arg10[%dma_start3A_164, %dma_start3A_165] : memref<128x128xf32, #tpu.memory_space<vmem>> -> memref<128x128xf32, #tpu.memory_space<vmem>>
      %dma_start3A_167 = arith.constant 0 : i32
      %dma_start3A_168 = tpu.memref_slice %arg7[%add3A_146, %dma_start3A_167] : memref<10112x128xf32, #tpu.memory_space<vmem_shared>> -> memref<128x128xf32, #tpu.memory_space<vmem_shared>>
      tpu.enqueue_dma source(%dma_start3A_168 : memref<128x128xf32, #tpu.memory_space<vmem_shared>>) target(%dma_start3A_166 : memref<128x128xf32, #tpu.memory_space<vmem>>) target_semaphore(%run_scoped3A : memref<!tpu.dma_semaphore, #tpu.memory_space<semaphore_mem>>)
      %dma_wait3A_169 = arith.constant 0 : i32
      %dma_wait3A_170 = arith.constant 0 : i32
      %dma_wait3A_171 = tpu.memref_slice %arg10[%dma_wait3A_169, %dma_wait3A_170] : memref<128x128xf32, #tpu.memory_space<vmem>> -> memref<128x128xf32, #tpu.memory_space<vmem>>
      %dma_wait3A_172 = arith.constant 0 : i32
      %dma_wait3A_173 = tpu.memref_slice %arg7[%add3A_146, %dma_wait3A_172] : memref<10112x128xf32, #tpu.memory_space<vmem_shared>> -> memref<128x128xf32, #tpu.memory_space<vmem_shared>>
      %dma_wait3A_174 = arith.constant 0 : i32
      %dma_wait3A_175 = arith.constant 0 : i32
      %dma_wait3A_176 = tpu.memref_slice %arg10[%dma_wait3A_174, %dma_wait3A_175] : memref<128x128xf32, #tpu.memory_space<vmem>> -> memref<128x128xf32, #tpu.memory_space<vmem>>
      %dma_wait3A_177 = arith.constant 0 : i32
      %dma_wait3A_178 = tpu.memref_slice %arg7[%add3A_146, %dma_wait3A_177] : memref<10112x128xf32, #tpu.memory_space<vmem_shared>> -> memref<128x128xf32, #tpu.memory_space<vmem_shared>>
      tpu.wait_dma2 semaphore(%run_scoped3A : memref<!tpu.dma_semaphore, #tpu.memory_space<semaphore_mem>>) src(%dma_wait3A_178 : memref<128x128xf32, #tpu.memory_space<vmem_shared>>) dst(%dma_wait3A_176 : memref<128x128xf32, #tpu.memory_space<vmem>>)
      tpu.yield
    }) : () -> ()
    "tpu.region"() ({
      %run_scoped3A = tpu.sem_alloc : memref<!tpu.dma_semaphore, #tpu.memory_space<semaphore_mem>>
      %dma_start3A_159 = arith.constant 0 : i32
      %dma_start3A_160 = arith.constant 0 : i32
      %dma_start3A_161 = tpu.memref_slice %arg10[%dma_start3A_159, %dma_start3A_160] : memref<128x128xf32, #tpu.memory_space<vmem>> -> memref<128x128xf32, #tpu.memory_space<vmem>>
      %dma_start3A_162 = arith.constant 0 : i32
      %dma_start3A_163 = tpu.memref_slice %arg6[%arg0, %add3A_146, %dma_start3A_162] : memref<2x10112x128xf32, #tpu.memory_space<hbm>> -> memref<1x128x128xf32, #tpu.memory_space<hbm>>
      %dma_start3A_164 = tpu.memref_squeeze %dma_start3A_163 : memref<1x128x128xf32, #tpu.memory_space<hbm>> -> memref<128x128xf32, #tpu.memory_space<hbm>>
      %dma_start3A_165 = arith.constant 0 : i32
      %dma_start3A_166 = tpu.memref_slice %arg6[%arg0, %add3A_146, %dma_start3A_165] : memref<2x10112x128xf32, #tpu.memory_space<hbm>> -> memref<1x128x128xf32, #tpu.memory_space<hbm>>
      %dma_start3A_167 = tpu.memref_squeeze %dma_start3A_166 : memref<1x128x128xf32, #tpu.memory_space<hbm>> -> memref<128x128xf32, #tpu.memory_space<hbm>>
      %dma_start3A_168 = arith.constant 0 : i32
      %dma_start3A_169 = arith.constant 0 : i32
      %dma_start3A_170 = tpu.memref_slice %arg10[%dma_start3A_168, %dma_start3A_169] : memref<128x128xf32, #tpu.memory_space<vmem>> -> memref<128x128xf32, #tpu.memory_space<vmem>>
      tpu.enqueue_dma source(%dma_start3A_170 : memref<128x128xf32, #tpu.memory_space<vmem>>) target(%dma_start3A_167 : memref<128x128xf32, #tpu.memory_space<hbm>>) target_semaphore(%run_scoped3A : memref<!tpu.dma_semaphore, #tpu.memory_space<semaphore_mem>>)
      %dma_wait3A_171 = arith.constant 0 : i32
      %dma_wait3A_172 = arith.constant 0 : i32
      %dma_wait3A_173 = tpu.memref_slice %arg10[%dma_wait3A_171, %dma_wait3A_172] : memref<128x128xf32, #tpu.memory_space<vmem>> -> memref<128x128xf32, #tpu.memory_space<vmem>>
      %dma_wait3A_174 = arith.constant 0 : i32
      %dma_wait3A_175 = tpu.memref_slice %arg6[%arg0, %add3A_146, %dma_wait3A_174] : memref<2x10112x128xf32, #tpu.memory_space<hbm>> -> memref<1x128x128xf32, #tpu.memory_space<hbm>>
      %dma_wait3A_176 = tpu.memref_squeeze %dma_wait3A_175 : memref<1x128x128xf32, #tpu.memory_space<hbm>> -> memref<128x128xf32, #tpu.memory_space<hbm>>
      %dma_wait3A_177 = arith.constant 0 : i32
      %dma_wait3A_178 = tpu.memref_slice %arg6[%arg0, %add3A_146, %dma_wait3A_177] : memref<2x10112x128xf32, #tpu.memory_space<hbm>> -> memref<1x128x128xf32, #tpu.memory_space<hbm>>
      %dma_wait3A_179 = tpu.memref_squeeze %dma_wait3A_178 : memref<1x128x128xf32, #tpu.memory_space<hbm>> -> memref<128x128xf32, #tpu.memory_space<hbm>>
      %dma_wait3A_180 = arith.constant 0 : i32
      %dma_wait3A_181 = arith.constant 0 : i32
      %dma_wait3A_182 = tpu.memref_slice %arg10[%dma_wait3A_180, %dma_wait3A_181] : memref<128x128xf32, #tpu.memory_space<vmem>> -> memref<128x128xf32, #tpu.memory_space<vmem>>
      tpu.wait_dma2 semaphore(%run_scoped3A : memref<!tpu.dma_semaphore, #tpu.memory_space<semaphore_mem>>) src(%dma_wait3A_182 : memref<128x128xf32, #tpu.memory_space<vmem>>) dst(%dma_wait3A_179 : memref<128x128xf32, #tpu.memory_space<hbm>>)
      tpu.yield
    }) : () -> ()
    %mul3A_147 = arith.constant 632 : i32
    %mul3A_148 = arith.muli %arg1, %mul3A_147 : i32
    %add3A_149 = arith.constant 256 : i32
    %add3A_150 = arith.addi %mul3A_148, %add3A_149 : i32
    "tpu.region"() ({
      %run_scoped3A = tpu.sem_alloc : memref<!tpu.dma_semaphore, #tpu.memory_space<semaphore_mem>>
      %dma_start3A_159 = arith.constant 0 : i32
      %dma_start3A_160 = arith.constant 0 : i32
      %dma_start3A_161 = tpu.memref_slice %arg10[%dma_start3A_159, %dma_start3A_160] : memref<128x128xf32, #tpu.memory_space<vmem>> -> memref<128x128xf32, #tpu.memory_space<vmem>>
      %dma_start3A_162 = arith.constant 0 : i32
      %dma_start3A_163 = tpu.memref_slice %arg7[%add3A_150, %dma_start3A_162] : memref<10112x128xf32, #tpu.memory_space<vmem_shared>> -> memref<128x128xf32, #tpu.memory_space<vmem_shared>>
      %dma_start3A_164 = arith.constant 0 : i32
      %dma_start3A_165 = arith.constant 0 : i32
      %dma_start3A_166 = tpu.memref_slice %arg10[%dma_start3A_164, %dma_start3A_165] : memref<128x128xf32, #tpu.memory_space<vmem>> -> memref<128x128xf32, #tpu.memory_space<vmem>>
      %dma_start3A_167 = arith.constant 0 : i32
      %dma_start3A_168 = tpu.memref_slice %arg7[%add3A_150, %dma_start3A_167] : memref<10112x128xf32, #tpu.memory_space<vmem_shared>> -> memref<128x128xf32, #tpu.memory_space<vmem_shared>>
      tpu.enqueue_dma source(%dma_start3A_168 : memref<128x128xf32, #tpu.memory_space<vmem_shared>>) target(%dma_start3A_166 : memref<128x128xf32, #tpu.memory_space<vmem>>) target_semaphore(%run_scoped3A : memref<!tpu.dma_semaphore, #tpu.memory_space<semaphore_mem>>)
      %dma_wait3A_169 = arith.constant 0 : i32
      %dma_wait3A_170 = arith.constant 0 : i32
      %dma_wait3A_171 = tpu.memref_slice %arg10[%dma_wait3A_169, %dma_wait3A_170] : memref<128x128xf32, #tpu.memory_space<vmem>> -> memref<128x128xf32, #tpu.memory_space<vmem>>
      %dma_wait3A_172 = arith.constant 0 : i32
      %dma_wait3A_173 = tpu.memref_slice %arg7[%add3A_150, %dma_wait3A_172] : memref<10112x128xf32, #tpu.memory_space<vmem_shared>> -> memref<128x128xf32, #tpu.memory_space<vmem_shared>>
      %dma_wait3A_174 = arith.constant 0 : i32
      %dma_wait3A_175 = arith.constant 0 : i32
      %dma_wait3A_176 = tpu.memref_slice %arg10[%dma_wait3A_174, %dma_wait3A_175] : memref<128x128xf32, #tpu.memory_space<vmem>> -> memref<128x128xf32, #tpu.memory_space<vmem>>
      %dma_wait3A_177 = arith.constant 0 : i32
      %dma_wait3A_178 = tpu.memref_slice %arg7[%add3A_150, %dma_wait3A_177] : memref<10112x128xf32, #tpu.memory_space<vmem_shared>> -> memref<128x128xf32, #tpu.memory_space<vmem_shared>>
      tpu.wait_dma2 semaphore(%run_scoped3A : memref<!tpu.dma_semaphore, #tpu.memory_space<semaphore_mem>>) src(%dma_wait3A_178 : memref<128x128xf32, #tpu.memory_space<vmem_shared>>) dst(%dma_wait3A_176 : memref<128x128xf32, #tpu.memory_space<vmem>>)
      tpu.yield
    }) : () -> ()
    "tpu.region"() ({
      %run_scoped3A = tpu.sem_alloc : memref<!tpu.dma_semaphore, #tpu.memory_space<semaphore_mem>>
      %dma_start3A_159 = arith.constant 0 : i32
      %dma_start3A_160 = arith.constant 0 : i32
      %dma_start3A_161 = tpu.memref_slice %arg10[%dma_start3A_159, %dma_start3A_160] : memref<128x128xf32, #tpu.memory_space<vmem>> -> memref<128x128xf32, #tpu.memory_space<vmem>>
      %dma_start3A_162 = arith.constant 0 : i32
      %dma_start3A_163 = tpu.memref_slice %arg6[%arg0, %add3A_150, %dma_start3A_162] : memref<2x10112x128xf32, #tpu.memory_space<hbm>> -> memref<1x128x128xf32, #tpu.memory_space<hbm>>
      %dma_start3A_164 = tpu.memref_squeeze %dma_start3A_163 : memref<1x128x128xf32, #tpu.memory_space<hbm>> -> memref<128x128xf32, #tpu.memory_space<hbm>>
      %dma_start3A_165 = arith.constant 0 : i32
      %dma_start3A_166 = tpu.memref_slice %arg6[%arg0, %add3A_150, %dma_start3A_165] : memref<2x10112x128xf32, #tpu.memory_space<hbm>> -> memref<1x128x128xf32, #tpu.memory_space<hbm>>
      %dma_start3A_167 = tpu.memref_squeeze %dma_start3A_166 : memref<1x128x128xf32, #tpu.memory_space<hbm>> -> memref<128x128xf32, #tpu.memory_space<hbm>>
      %dma_start3A_168 = arith.constant 0 : i32
      %dma_start3A_169 = arith.constant 0 : i32
      %dma_start3A_170 = tpu.memref_slice %arg10[%dma_start3A_168, %dma_start3A_169] : memref<128x128xf32, #tpu.memory_space<vmem>> -> memref<128x128xf32, #tpu.memory_space<vmem>>
      tpu.enqueue_dma source(%dma_start3A_170 : memref<128x128xf32, #tpu.memory_space<vmem>>) target(%dma_start3A_167 : memref<128x128xf32, #tpu.memory_space<hbm>>) target_semaphore(%run_scoped3A : memref<!tpu.dma_semaphore, #tpu.memory_space<semaphore_mem>>)
      %dma_wait3A_171 = arith.constant 0 : i32
      %dma_wait3A_172 = arith.constant 0 : i32
      %dma_wait3A_173 = tpu.memref_slice %arg10[%dma_wait3A_171, %dma_wait3A_172] : memref<128x128xf32, #tpu.memory_space<vmem>> -> memref<128x128xf32, #tpu.memory_space<vmem>>
      %dma_wait3A_174 = arith.constant 0 : i32
      %dma_wait3A_175 = tpu.memref_slice %arg6[%arg0, %add3A_150, %dma_wait3A_174] : memref<2x10112x128xf32, #tpu.memory_space<hbm>> -> memref<1x128x128xf32, #tpu.memory_space<hbm>>
      %dma_wait3A_176 = tpu.memref_squeeze %dma_wait3A_175 : memref<1x128x128xf32, #tpu.memory_space<hbm>> -> memref<128x128xf32, #tpu.memory_space<hbm>>
      %dma_wait3A_177 = arith.constant 0 : i32
      %dma_wait3A_178 = tpu.memref_slice %arg6[%arg0, %add3A_150, %dma_wait3A_177] : memref<2x10112x128xf32, #tpu.memory_space<hbm>> -> memref<1x128x128xf32, #tpu.memory_space<hbm>>
      %dma_wait3A_179 = tpu.memref_squeeze %dma_wait3A_178 : memref<1x128x128xf32, #tpu.memory_space<hbm>> -> memref<128x128xf32, #tpu.memory_space<hbm>>
      %dma_wait3A_180 = arith.constant 0 : i32
      %dma_wait3A_181 = arith.constant 0 : i32
      %dma_wait3A_182 = tpu.memref_slice %arg10[%dma_wait3A_180, %dma_wait3A_181] : memref<128x128xf32, #tpu.memory_space<vmem>> -> memref<128x128xf32, #tpu.memory_space<vmem>>
      tpu.wait_dma2 semaphore(%run_scoped3A : memref<!tpu.dma_semaphore, #tpu.memory_space<semaphore_mem>>) src(%dma_wait3A_182 : memref<128x128xf32, #tpu.memory_space<vmem>>) dst(%dma_wait3A_179 : memref<128x128xf32, #tpu.memory_space<hbm>>)
      tpu.yield
    }) : () -> ()
    %mul3A_151 = arith.constant 632 : i32
    %mul3A_152 = arith.muli %arg1, %mul3A_151 : i32
    %add3A_153 = arith.constant 384 : i32
    %add3A_154 = arith.addi %mul3A_152, %add3A_153 : i32
    "tpu.region"() ({
      %run_scoped3A = tpu.sem_alloc : memref<!tpu.dma_semaphore, #tpu.memory_space<semaphore_mem>>
      %dma_start3A_159 = arith.constant 0 : i32
      %dma_start3A_160 = arith.constant 0 : i32
      %dma_start3A_161 = tpu.memref_slice %arg10[%dma_start3A_159, %dma_start3A_160] : memref<128x128xf32, #tpu.memory_space<vmem>> -> memref<128x128xf32, #tpu.memory_space<vmem>>
      %dma_start3A_162 = arith.constant 0 : i32
      %dma_start3A_163 = tpu.memref_slice %arg7[%add3A_154, %dma_start3A_162] : memref<10112x128xf32, #tpu.memory_space<vmem_shared>> -> memref<128x128xf32, #tpu.memory_space<vmem_shared>>
      %dma_start3A_164 = arith.constant 0 : i32
      %dma_start3A_165 = arith.constant 0 : i32
      %dma_start3A_166 = tpu.memref_slice %arg10[%dma_start3A_164, %dma_start3A_165] : memref<128x128xf32, #tpu.memory_space<vmem>> -> memref<128x128xf32, #tpu.memory_space<vmem>>
      %dma_start3A_167 = arith.constant 0 : i32
      %dma_start3A_168 = tpu.memref_slice %arg7[%add3A_154, %dma_start3A_167] : memref<10112x128xf32, #tpu.memory_space<vmem_shared>> -> memref<128x128xf32, #tpu.memory_space<vmem_shared>>
      tpu.enqueue_dma source(%dma_start3A_168 : memref<128x128xf32, #tpu.memory_space<vmem_shared>>) target(%dma_start3A_166 : memref<128x128xf32, #tpu.memory_space<vmem>>) target_semaphore(%run_scoped3A : memref<!tpu.dma_semaphore, #tpu.memory_space<semaphore_mem>>)
      %dma_wait3A_169 = arith.constant 0 : i32
      %dma_wait3A_170 = arith.constant 0 : i32
      %dma_wait3A_171 = tpu.memref_slice %arg10[%dma_wait3A_169, %dma_wait3A_170] : memref<128x128xf32, #tpu.memory_space<vmem>> -> memref<128x128xf32, #tpu.memory_space<vmem>>
      %dma_wait3A_172 = arith.constant 0 : i32
      %dma_wait3A_173 = tpu.memref_slice %arg7[%add3A_154, %dma_wait3A_172] : memref<10112x128xf32, #tpu.memory_space<vmem_shared>> -> memref<128x128xf32, #tpu.memory_space<vmem_shared>>
      %dma_wait3A_174 = arith.constant 0 : i32
      %dma_wait3A_175 = arith.constant 0 : i32
      %dma_wait3A_176 = tpu.memref_slice %arg10[%dma_wait3A_174, %dma_wait3A_175] : memref<128x128xf32, #tpu.memory_space<vmem>> -> memref<128x128xf32, #tpu.memory_space<vmem>>
      %dma_wait3A_177 = arith.constant 0 : i32
      %dma_wait3A_178 = tpu.memref_slice %arg7[%add3A_154, %dma_wait3A_177] : memref<10112x128xf32, #tpu.memory_space<vmem_shared>> -> memref<128x128xf32, #tpu.memory_space<vmem_shared>>
      tpu.wait_dma2 semaphore(%run_scoped3A : memref<!tpu.dma_semaphore, #tpu.memory_space<semaphore_mem>>) src(%dma_wait3A_178 : memref<128x128xf32, #tpu.memory_space<vmem_shared>>) dst(%dma_wait3A_176 : memref<128x128xf32, #tpu.memory_space<vmem>>)
      tpu.yield
    }) : () -> ()
    "tpu.region"() ({
      %run_scoped3A = tpu.sem_alloc : memref<!tpu.dma_semaphore, #tpu.memory_space<semaphore_mem>>
      %dma_start3A_159 = arith.constant 0 : i32
      %dma_start3A_160 = arith.constant 0 : i32
      %dma_start3A_161 = tpu.memref_slice %arg10[%dma_start3A_159, %dma_start3A_160] : memref<128x128xf32, #tpu.memory_space<vmem>> -> memref<128x128xf32, #tpu.memory_space<vmem>>
      %dma_start3A_162 = arith.constant 0 : i32
      %dma_start3A_163 = tpu.memref_slice %arg6[%arg0, %add3A_154, %dma_start3A_162] : memref<2x10112x128xf32, #tpu.memory_space<hbm>> -> memref<1x128x128xf32, #tpu.memory_space<hbm>>
      %dma_start3A_164 = tpu.memref_squeeze %dma_start3A_163 : memref<1x128x128xf32, #tpu.memory_space<hbm>> -> memref<128x128xf32, #tpu.memory_space<hbm>>
      %dma_start3A_165 = arith.constant 0 : i32
      %dma_start3A_166 = tpu.memref_slice %arg6[%arg0, %add3A_154, %dma_start3A_165] : memref<2x10112x128xf32, #tpu.memory_space<hbm>> -> memref<1x128x128xf32, #tpu.memory_space<hbm>>
      %dma_start3A_167 = tpu.memref_squeeze %dma_start3A_166 : memref<1x128x128xf32, #tpu.memory_space<hbm>> -> memref<128x128xf32, #tpu.memory_space<hbm>>
      %dma_start3A_168 = arith.constant 0 : i32
      %dma_start3A_169 = arith.constant 0 : i32
      %dma_start3A_170 = tpu.memref_slice %arg10[%dma_start3A_168, %dma_start3A_169] : memref<128x128xf32, #tpu.memory_space<vmem>> -> memref<128x128xf32, #tpu.memory_space<vmem>>
      tpu.enqueue_dma source(%dma_start3A_170 : memref<128x128xf32, #tpu.memory_space<vmem>>) target(%dma_start3A_167 : memref<128x128xf32, #tpu.memory_space<hbm>>) target_semaphore(%run_scoped3A : memref<!tpu.dma_semaphore, #tpu.memory_space<semaphore_mem>>)
      %dma_wait3A_171 = arith.constant 0 : i32
      %dma_wait3A_172 = arith.constant 0 : i32
      %dma_wait3A_173 = tpu.memref_slice %arg10[%dma_wait3A_171, %dma_wait3A_172] : memref<128x128xf32, #tpu.memory_space<vmem>> -> memref<128x128xf32, #tpu.memory_space<vmem>>
      %dma_wait3A_174 = arith.constant 0 : i32
      %dma_wait3A_175 = tpu.memref_slice %arg6[%arg0, %add3A_154, %dma_wait3A_174] : memref<2x10112x128xf32, #tpu.memory_space<hbm>> -> memref<1x128x128xf32, #tpu.memory_space<hbm>>
      %dma_wait3A_176 = tpu.memref_squeeze %dma_wait3A_175 : memref<1x128x128xf32, #tpu.memory_space<hbm>> -> memref<128x128xf32, #tpu.memory_space<hbm>>
      %dma_wait3A_177 = arith.constant 0 : i32
      %dma_wait3A_178 = tpu.memref_slice %arg6[%arg0, %add3A_154, %dma_wait3A_177] : memref<2x10112x128xf32, #tpu.memory_space<hbm>> -> memref<1x128x128xf32, #tpu.memory_space<hbm>>
      %dma_wait3A_179 = tpu.memref_squeeze %dma_wait3A_178 : memref<1x128x128xf32, #tpu.memory_space<hbm>> -> memref<128x128xf32, #tpu.memory_space<hbm>>
      %dma_wait3A_180 = arith.constant 0 : i32
      %dma_wait3A_181 = arith.constant 0 : i32
      %dma_wait3A_182 = tpu.memref_slice %arg10[%dma_wait3A_180, %dma_wait3A_181] : memref<128x128xf32, #tpu.memory_space<vmem>> -> memref<128x128xf32, #tpu.memory_space<vmem>>
      tpu.wait_dma2 semaphore(%run_scoped3A : memref<!tpu.dma_semaphore, #tpu.memory_space<semaphore_mem>>) src(%dma_wait3A_182 : memref<128x128xf32, #tpu.memory_space<vmem>>) dst(%dma_wait3A_179 : memref<128x128xf32, #tpu.memory_space<hbm>>)
      tpu.yield
    }) : () -> ()
    %mul3A_155 = arith.constant 632 : i32
    %mul3A_156 = arith.muli %arg1, %mul3A_155 : i32
    %add3A_157 = arith.constant 512 : i32
    %add3A_158 = arith.addi %mul3A_156, %add3A_157 : i32
    "tpu.region"() ({
      %run_scoped3A = tpu.sem_alloc : memref<!tpu.dma_semaphore, #tpu.memory_space<semaphore_mem>>
      %dma_start3A_159 = arith.constant 0 : i32
      %dma_start3A_160 = arith.constant 0 : i32
      %dma_start3A_161 = tpu.memref_slice %arg10[%dma_start3A_159, %dma_start3A_160] : memref<128x128xf32, #tpu.memory_space<vmem>> -> memref<120x128xf32, #tpu.memory_space<vmem>>
      %dma_start3A_162 = arith.constant 0 : i32
      %dma_start3A_163 = tpu.memref_slice %arg7[%add3A_158, %dma_start3A_162] : memref<10112x128xf32, #tpu.memory_space<vmem_shared>> -> memref<120x128xf32, #tpu.memory_space<vmem_shared>>
      %dma_start3A_164 = arith.constant 0 : i32
      %dma_start3A_165 = arith.constant 0 : i32
      %dma_start3A_166 = tpu.memref_slice %arg10[%dma_start3A_164, %dma_start3A_165] : memref<128x128xf32, #tpu.memory_space<vmem>> -> memref<120x128xf32, #tpu.memory_space<vmem>>
      %dma_start3A_167 = arith.constant 0 : i32
      %dma_start3A_168 = tpu.memref_slice %arg7[%add3A_158, %dma_start3A_167] : memref<10112x128xf32, #tpu.memory_space<vmem_shared>> -> memref<120x128xf32, #tpu.memory_space<vmem_shared>>
      tpu.enqueue_dma source(%dma_start3A_168 : memref<120x128xf32, #tpu.memory_space<vmem_shared>>) target(%dma_start3A_166 : memref<120x128xf32, #tpu.memory_space<vmem>>) target_semaphore(%run_scoped3A : memref<!tpu.dma_semaphore, #tpu.memory_space<semaphore_mem>>)
      %dma_wait3A_169 = arith.constant 0 : i32
      %dma_wait3A_170 = arith.constant 0 : i32
      %dma_wait3A_171 = tpu.memref_slice %arg10[%dma_wait3A_169, %dma_wait3A_170] : memref<128x128xf32, #tpu.memory_space<vmem>> -> memref<120x128xf32, #tpu.memory_space<vmem>>
      %dma_wait3A_172 = arith.constant 0 : i32
      %dma_wait3A_173 = tpu.memref_slice %arg7[%add3A_158, %dma_wait3A_172] : memref<10112x128xf32, #tpu.memory_space<vmem_shared>> -> memref<120x128xf32, #tpu.memory_space<vmem_shared>>
      %dma_wait3A_174 = arith.constant 0 : i32
      %dma_wait3A_175 = arith.constant 0 : i32
      %dma_wait3A_176 = tpu.memref_slice %arg10[%dma_wait3A_174, %dma_wait3A_175] : memref<128x128xf32, #tpu.memory_space<vmem>> -> memref<120x128xf32, #tpu.memory_space<vmem>>
      %dma_wait3A_177 = arith.constant 0 : i32
      %dma_wait3A_178 = tpu.memref_slice %arg7[%add3A_158, %dma_wait3A_177] : memref<10112x128xf32, #tpu.memory_space<vmem_shared>> -> memref<120x128xf32, #tpu.memory_space<vmem_shared>>
      tpu.wait_dma2 semaphore(%run_scoped3A : memref<!tpu.dma_semaphore, #tpu.memory_space<semaphore_mem>>) src(%dma_wait3A_178 : memref<120x128xf32, #tpu.memory_space<vmem_shared>>) dst(%dma_wait3A_176 : memref<120x128xf32, #tpu.memory_space<vmem>>)
      tpu.yield
    }) : () -> ()
    "tpu.region"() ({
      %run_scoped3A = tpu.sem_alloc : memref<!tpu.dma_semaphore, #tpu.memory_space<semaphore_mem>>
      %dma_start3A_159 = arith.constant 0 : i32
      %dma_start3A_160 = arith.constant 0 : i32
      %dma_start3A_161 = tpu.memref_slice %arg10[%dma_start3A_159, %dma_start3A_160] : memref<128x128xf32, #tpu.memory_space<vmem>> -> memref<120x128xf32, #tpu.memory_space<vmem>>
      %dma_start3A_162 = arith.constant 0 : i32
      %dma_start3A_163 = tpu.memref_slice %arg6[%arg0, %add3A_158, %dma_start3A_162] : memref<2x10112x128xf32, #tpu.memory_space<hbm>> -> memref<1x120x128xf32, #tpu.memory_space<hbm>>
      %dma_start3A_164 = tpu.memref_squeeze %dma_start3A_163 : memref<1x120x128xf32, #tpu.memory_space<hbm>> -> memref<120x128xf32, #tpu.memory_space<hbm>>
      %dma_start3A_165 = arith.constant 0 : i32
      %dma_start3A_166 = tpu.memref_slice %arg6[%arg0, %add3A_158, %dma_start3A_165] : memref<2x10112x128xf32, #tpu.memory_space<hbm>> -> memref<1x120x128xf32, #tpu.memory_space<hbm>>
      %dma_start3A_167 = tpu.memref_squeeze %dma_start3A_166 : memref<1x120x128xf32, #tpu.memory_space<hbm>> -> memref<120x128xf32, #tpu.memory_space<hbm>>
      %dma_start3A_168 = arith.constant 0 : i32
      %dma_start3A_169 = arith.constant 0 : i32
      %dma_start3A_170 = tpu.memref_slice %arg10[%dma_start3A_168, %dma_start3A_169] : memref<128x128xf32, #tpu.memory_space<vmem>> -> memref<120x128xf32, #tpu.memory_space<vmem>>
      tpu.enqueue_dma source(%dma_start3A_170 : memref<120x128xf32, #tpu.memory_space<vmem>>) target(%dma_start3A_167 : memref<120x128xf32, #tpu.memory_space<hbm>>) target_semaphore(%run_scoped3A : memref<!tpu.dma_semaphore, #tpu.memory_space<semaphore_mem>>)
      %dma_wait3A_171 = arith.constant 0 : i32
      %dma_wait3A_172 = arith.constant 0 : i32
      %dma_wait3A_173 = tpu.memref_slice %arg10[%dma_wait3A_171, %dma_wait3A_172] : memref<128x128xf32, #tpu.memory_space<vmem>> -> memref<120x128xf32, #tpu.memory_space<vmem>>
      %dma_wait3A_174 = arith.constant 0 : i32
      %dma_wait3A_175 = tpu.memref_slice %arg6[%arg0, %add3A_158, %dma_wait3A_174] : memref<2x10112x128xf32, #tpu.memory_space<hbm>> -> memref<1x120x128xf32, #tpu.memory_space<hbm>>
      %dma_wait3A_176 = tpu.memref_squeeze %dma_wait3A_175 : memref<1x120x128xf32, #tpu.memory_space<hbm>> -> memref<120x128xf32, #tpu.memory_space<hbm>>
      %dma_wait3A_177 = arith.constant 0 : i32
      %dma_wait3A_178 = tpu.memref_slice %arg6[%arg0, %add3A_158, %dma_wait3A_177] : memref<2x10112x128xf32, #tpu.memory_space<hbm>> -> memref<1x120x128xf32, #tpu.memory_space<hbm>>
      %dma_wait3A_179 = tpu.memref_squeeze %dma_wait3A_178 : memref<1x120x128xf32, #tpu.memory_space<hbm>> -> memref<120x128xf32, #tpu.memory_space<hbm>>
      %dma_wait3A_180 = arith.constant 0 : i32
      %dma_wait3A_181 = arith.constant 0 : i32
      %dma_wait3A_182 = tpu.memref_slice %arg10[%dma_wait3A_180, %dma_wait3A_181] : memref<128x128xf32, #tpu.memory_space<vmem>> -> memref<120x128xf32, #tpu.memory_space<vmem>>
      tpu.wait_dma2 semaphore(%run_scoped3A : memref<!tpu.dma_semaphore, #tpu.memory_space<semaphore_mem>>) src(%dma_wait3A_182 : memref<120x128xf32, #tpu.memory_space<vmem>>) dst(%dma_wait3A_179 : memref<120x128xf32, #tpu.memory_space<hbm>>)
      tpu.yield
    }) : () -> ()
    return
  }
}

#map = affine_map<(d0, d1) -> (0, 0, 0)>
#map1 = affine_map<(d0, d1) -> (0, 0)>
module attributes {stable_mosaic.version = 14 : i64} {
  func.func @body(%arg0: i32, %arg1: i32, %arg2: memref<32x80x128xi32, #tpu.memory_space<hbm>>, %arg3: memref<128x128xf32, #tpu.memory_space<hbm>>, %arg4: memref<128x128xf32, #tpu.memory_space<hbm>>, %arg5: memref<2x10112x128xf32, #tpu.memory_space<hbm>>, %arg6: memref<10112x128xf32, #tpu.memory_space<vmem_shared>>, %arg7: memref<80x128xi32, #tpu.memory_space<vmem>>, %arg8: memref<128x128xf32, #tpu.memory_space<vmem>>) attributes {dimension_semantics = [#tpu.dimension_semantics<core_parallel>, #tpu.dimension_semantics<subcore_parallel>], iteration_bounds = array<i64: 2, 16>, scalar_prefetch = 0 : i64, scratch_operands = 3 : i64, tpu.core_type = #tpu.core_type<sc_vector_subcore>, window_params = [{transform_indices = #map}, {transform_indices = #map1}, {transform_indices = #map1}, {transform_indices = #map}]} {
    %mul3A = arith.constant 16 : i32
    %mul3A_0 = arith.muli %arg0, %mul3A : i32
    %add3A = arith.addi %mul3A_0, %arg1 : i32
    %mul3A_1 = arith.constant 632 : i32
    %mul3A_2 = arith.muli %arg1, %mul3A_1 : i32
    %add3A_3 = arith.constant 0 : i32
    %add3A_4 = arith.addi %mul3A_2, %add3A_3 : i32
    "tpu.region"() ({
      %run_scoped3A = tpu.sem_alloc : memref<!tpu.dma_semaphore, #tpu.memory_space<semaphore_mem>>
      %dma_start3A = arith.constant 0 : i32
      %dma_start3A_47 = tpu.memref_slice %arg6[%add3A_4, %dma_start3A] : memref<10112x128xf32, #tpu.memory_space<vmem_shared>> -> memref<128x128xf32, #tpu.memory_space<vmem_shared>>
      %dma_start3A_48 = arith.constant 0 : i32
      %dma_start3A_49 = arith.constant 0 : i32
      %dma_start3A_50 = tpu.memref_slice %arg4[%dma_start3A_48, %dma_start3A_49] : memref<128x128xf32, #tpu.memory_space<hbm>> -> memref<128x128xf32, #tpu.memory_space<hbm>>
      tpu.enqueue_dma source(%dma_start3A_50 : memref<128x128xf32, #tpu.memory_space<hbm>>) target(%dma_start3A_47 : memref<128x128xf32, #tpu.memory_space<vmem_shared>>) target_semaphore(%run_scoped3A : memref<!tpu.dma_semaphore, #tpu.memory_space<semaphore_mem>>)
      %dma_wait3A = arith.constant 0 : i32
      %dma_wait3A_51 = tpu.memref_slice %arg6[%add3A_4, %dma_wait3A] : memref<10112x128xf32, #tpu.memory_space<vmem_shared>> -> memref<128x128xf32, #tpu.memory_space<vmem_shared>>
      %dma_wait3A_52 = arith.constant 0 : i32
      %dma_wait3A_53 = arith.constant 0 : i32
      %dma_wait3A_54 = tpu.memref_slice %arg4[%dma_wait3A_52, %dma_wait3A_53] : memref<128x128xf32, #tpu.memory_space<hbm>> -> memref<128x128xf32, #tpu.memory_space<hbm>>
      tpu.wait_dma2 semaphore(%run_scoped3A : memref<!tpu.dma_semaphore, #tpu.memory_space<semaphore_mem>>) src(%dma_wait3A_54 : memref<128x128xf32, #tpu.memory_space<hbm>>) dst(%dma_wait3A_51 : memref<128x128xf32, #tpu.memory_space<vmem_shared>>)
      tpu.yield
    }) : () -> ()
    %mul3A_5 = arith.constant 632 : i32
    %mul3A_6 = arith.muli %arg1, %mul3A_5 : i32
    %add3A_7 = arith.constant 128 : i32
    %add3A_8 = arith.addi %mul3A_6, %add3A_7 : i32
    "tpu.region"() ({
      %run_scoped3A = tpu.sem_alloc : memref<!tpu.dma_semaphore, #tpu.memory_space<semaphore_mem>>
      %dma_start3A = arith.constant 0 : i32
      %dma_start3A_47 = tpu.memref_slice %arg6[%add3A_8, %dma_start3A] : memref<10112x128xf32, #tpu.memory_space<vmem_shared>> -> memref<128x128xf32, #tpu.memory_space<vmem_shared>>
      %dma_start3A_48 = arith.constant 0 : i32
      %dma_start3A_49 = arith.constant 0 : i32
      %dma_start3A_50 = tpu.memref_slice %arg4[%dma_start3A_48, %dma_start3A_49] : memref<128x128xf32, #tpu.memory_space<hbm>> -> memref<128x128xf32, #tpu.memory_space<hbm>>
      tpu.enqueue_dma source(%dma_start3A_50 : memref<128x128xf32, #tpu.memory_space<hbm>>) target(%dma_start3A_47 : memref<128x128xf32, #tpu.memory_space<vmem_shared>>) target_semaphore(%run_scoped3A : memref<!tpu.dma_semaphore, #tpu.memory_space<semaphore_mem>>)
      %dma_wait3A = arith.constant 0 : i32
      %dma_wait3A_51 = tpu.memref_slice %arg6[%add3A_8, %dma_wait3A] : memref<10112x128xf32, #tpu.memory_space<vmem_shared>> -> memref<128x128xf32, #tpu.memory_space<vmem_shared>>
      %dma_wait3A_52 = arith.constant 0 : i32
      %dma_wait3A_53 = arith.constant 0 : i32
      %dma_wait3A_54 = tpu.memref_slice %arg4[%dma_wait3A_52, %dma_wait3A_53] : memref<128x128xf32, #tpu.memory_space<hbm>> -> memref<128x128xf32, #tpu.memory_space<hbm>>
      tpu.wait_dma2 semaphore(%run_scoped3A : memref<!tpu.dma_semaphore, #tpu.memory_space<semaphore_mem>>) src(%dma_wait3A_54 : memref<128x128xf32, #tpu.memory_space<hbm>>) dst(%dma_wait3A_51 : memref<128x128xf32, #tpu.memory_space<vmem_shared>>)
      tpu.yield
    }) : () -> ()
    %mul3A_9 = arith.constant 632 : i32
    %mul3A_10 = arith.muli %arg1, %mul3A_9 : i32
    %add3A_11 = arith.constant 256 : i32
    %add3A_12 = arith.addi %mul3A_10, %add3A_11 : i32
    "tpu.region"() ({
      %run_scoped3A = tpu.sem_alloc : memref<!tpu.dma_semaphore, #tpu.memory_space<semaphore_mem>>
      %dma_start3A = arith.constant 0 : i32
      %dma_start3A_47 = tpu.memref_slice %arg6[%add3A_12, %dma_start3A] : memref<10112x128xf32, #tpu.memory_space<vmem_shared>> -> memref<128x128xf32, #tpu.memory_space<vmem_shared>>
      %dma_start3A_48 = arith.constant 0 : i32
      %dma_start3A_49 = arith.constant 0 : i32
      %dma_start3A_50 = tpu.memref_slice %arg4[%dma_start3A_48, %dma_start3A_49] : memref<128x128xf32, #tpu.memory_space<hbm>> -> memref<128x128xf32, #tpu.memory_space<hbm>>
      tpu.enqueue_dma source(%dma_start3A_50 : memref<128x128xf32, #tpu.memory_space<hbm>>) target(%dma_start3A_47 : memref<128x128xf32, #tpu.memory_space<vmem_shared>>) target_semaphore(%run_scoped3A : memref<!tpu.dma_semaphore, #tpu.memory_space<semaphore_mem>>)
      %dma_wait3A = arith.constant 0 : i32
      %dma_wait3A_51 = tpu.memref_slice %arg6[%add3A_12, %dma_wait3A] : memref<10112x128xf32, #tpu.memory_space<vmem_shared>> -> memref<128x128xf32, #tpu.memory_space<vmem_shared>>
      %dma_wait3A_52 = arith.constant 0 : i32
      %dma_wait3A_53 = arith.constant 0 : i32
      %dma_wait3A_54 = tpu.memref_slice %arg4[%dma_wait3A_52, %dma_wait3A_53] : memref<128x128xf32, #tpu.memory_space<hbm>> -> memref<128x128xf32, #tpu.memory_space<hbm>>
      tpu.wait_dma2 semaphore(%run_scoped3A : memref<!tpu.dma_semaphore, #tpu.memory_space<semaphore_mem>>) src(%dma_wait3A_54 : memref<128x128xf32, #tpu.memory_space<hbm>>) dst(%dma_wait3A_51 : memref<128x128xf32, #tpu.memory_space<vmem_shared>>)
      tpu.yield
    }) : () -> ()
    %mul3A_13 = arith.constant 632 : i32
    %mul3A_14 = arith.muli %arg1, %mul3A_13 : i32
    %add3A_15 = arith.constant 384 : i32
    %add3A_16 = arith.addi %mul3A_14, %add3A_15 : i32
    "tpu.region"() ({
      %run_scoped3A = tpu.sem_alloc : memref<!tpu.dma_semaphore, #tpu.memory_space<semaphore_mem>>
      %dma_start3A = arith.constant 0 : i32
      %dma_start3A_47 = tpu.memref_slice %arg6[%add3A_16, %dma_start3A] : memref<10112x128xf32, #tpu.memory_space<vmem_shared>> -> memref<128x128xf32, #tpu.memory_space<vmem_shared>>
      %dma_start3A_48 = arith.constant 0 : i32
      %dma_start3A_49 = arith.constant 0 : i32
      %dma_start3A_50 = tpu.memref_slice %arg4[%dma_start3A_48, %dma_start3A_49] : memref<128x128xf32, #tpu.memory_space<hbm>> -> memref<128x128xf32, #tpu.memory_space<hbm>>
      tpu.enqueue_dma source(%dma_start3A_50 : memref<128x128xf32, #tpu.memory_space<hbm>>) target(%dma_start3A_47 : memref<128x128xf32, #tpu.memory_space<vmem_shared>>) target_semaphore(%run_scoped3A : memref<!tpu.dma_semaphore, #tpu.memory_space<semaphore_mem>>)
      %dma_wait3A = arith.constant 0 : i32
      %dma_wait3A_51 = tpu.memref_slice %arg6[%add3A_16, %dma_wait3A] : memref<10112x128xf32, #tpu.memory_space<vmem_shared>> -> memref<128x128xf32, #tpu.memory_space<vmem_shared>>
      %dma_wait3A_52 = arith.constant 0 : i32
      %dma_wait3A_53 = arith.constant 0 : i32
      %dma_wait3A_54 = tpu.memref_slice %arg4[%dma_wait3A_52, %dma_wait3A_53] : memref<128x128xf32, #tpu.memory_space<hbm>> -> memref<128x128xf32, #tpu.memory_space<hbm>>
      tpu.wait_dma2 semaphore(%run_scoped3A : memref<!tpu.dma_semaphore, #tpu.memory_space<semaphore_mem>>) src(%dma_wait3A_54 : memref<128x128xf32, #tpu.memory_space<hbm>>) dst(%dma_wait3A_51 : memref<128x128xf32, #tpu.memory_space<vmem_shared>>)
      tpu.yield
    }) : () -> ()
    %mul3A_17 = arith.constant 632 : i32
    %mul3A_18 = arith.muli %arg1, %mul3A_17 : i32
    %add3A_19 = arith.constant 512 : i32
    %add3A_20 = arith.addi %mul3A_18, %add3A_19 : i32
    "tpu.region"() ({
      %run_scoped3A = tpu.sem_alloc : memref<!tpu.dma_semaphore, #tpu.memory_space<semaphore_mem>>
      %dma_start3A = arith.constant 0 : i32
      %dma_start3A_47 = tpu.memref_slice %arg6[%add3A_20, %dma_start3A] : memref<10112x128xf32, #tpu.memory_space<vmem_shared>> -> memref<120x128xf32, #tpu.memory_space<vmem_shared>>
      %dma_start3A_48 = arith.constant 0 : i32
      %dma_start3A_49 = arith.constant 0 : i32
      %dma_start3A_50 = tpu.memref_slice %arg4[%dma_start3A_48, %dma_start3A_49] : memref<128x128xf32, #tpu.memory_space<hbm>> -> memref<120x128xf32, #tpu.memory_space<hbm>>
      tpu.enqueue_dma source(%dma_start3A_50 : memref<120x128xf32, #tpu.memory_space<hbm>>) target(%dma_start3A_47 : memref<120x128xf32, #tpu.memory_space<vmem_shared>>) target_semaphore(%run_scoped3A : memref<!tpu.dma_semaphore, #tpu.memory_space<semaphore_mem>>)
      %dma_wait3A = arith.constant 0 : i32
      %dma_wait3A_51 = tpu.memref_slice %arg6[%add3A_20, %dma_wait3A] : memref<10112x128xf32, #tpu.memory_space<vmem_shared>> -> memref<120x128xf32, #tpu.memory_space<vmem_shared>>
      %dma_wait3A_52 = arith.constant 0 : i32
      %dma_wait3A_53 = arith.constant 0 : i32
      %dma_wait3A_54 = tpu.memref_slice %arg4[%dma_wait3A_52, %dma_wait3A_53] : memref<128x128xf32, #tpu.memory_space<hbm>> -> memref<120x128xf32, #tpu.memory_space<hbm>>
      tpu.wait_dma2 semaphore(%run_scoped3A : memref<!tpu.dma_semaphore, #tpu.memory_space<semaphore_mem>>) src(%dma_wait3A_54 : memref<120x128xf32, #tpu.memory_space<hbm>>) dst(%dma_wait3A_51 : memref<120x128xf32, #tpu.memory_space<vmem_shared>>)
      tpu.yield
    }) : () -> ()
    "tpu.region"() ({
      %run_scoped3A = tpu.sem_alloc : memref<!tpu.dma_semaphore, #tpu.memory_space<semaphore_mem>>
      %dma_start3A = arith.constant 0 : i32
      %dma_start3A_47 = arith.constant 0 : i32
      %dma_start3A_48 = tpu.memref_slice %arg2[%add3A, %dma_start3A, %dma_start3A_47] : memref<32x80x128xi32, #tpu.memory_space<hbm>> -> memref<1x80x128xi32, #tpu.memory_space<hbm>>
      %dma_start3A_49 = tpu.memref_squeeze %dma_start3A_48 : memref<1x80x128xi32, #tpu.memory_space<hbm>> -> memref<80x128xi32, #tpu.memory_space<hbm>>
      %dma_start3A_50 = arith.constant 0 : i32
      %dma_start3A_51 = arith.constant 0 : i32
      %dma_start3A_52 = tpu.memref_slice %arg2[%add3A, %dma_start3A_50, %dma_start3A_51] : memref<32x80x128xi32, #tpu.memory_space<hbm>> -> memref<1x80x128xi32, #tpu.memory_space<hbm>>
      %dma_start3A_53 = tpu.memref_squeeze %dma_start3A_52 : memref<1x80x128xi32, #tpu.memory_space<hbm>> -> memref<80x128xi32, #tpu.memory_space<hbm>>
      tpu.enqueue_dma source(%dma_start3A_53 : memref<80x128xi32, #tpu.memory_space<hbm>>) target(%arg7 : memref<80x128xi32, #tpu.memory_space<vmem>>) target_semaphore(%run_scoped3A : memref<!tpu.dma_semaphore, #tpu.memory_space<semaphore_mem>>)
      %dma_wait3A = arith.constant 0 : i32
      %dma_wait3A_54 = arith.constant 0 : i32
      %dma_wait3A_55 = tpu.memref_slice %arg2[%add3A, %dma_wait3A, %dma_wait3A_54] : memref<32x80x128xi32, #tpu.memory_space<hbm>> -> memref<1x80x128xi32, #tpu.memory_space<hbm>>
      %dma_wait3A_56 = tpu.memref_squeeze %dma_wait3A_55 : memref<1x80x128xi32, #tpu.memory_space<hbm>> -> memref<80x128xi32, #tpu.memory_space<hbm>>
      %dma_wait3A_57 = arith.constant 0 : i32
      %dma_wait3A_58 = arith.constant 0 : i32
      %dma_wait3A_59 = tpu.memref_slice %arg2[%add3A, %dma_wait3A_57, %dma_wait3A_58] : memref<32x80x128xi32, #tpu.memory_space<hbm>> -> memref<1x80x128xi32, #tpu.memory_space<hbm>>
      %dma_wait3A_60 = tpu.memref_squeeze %dma_wait3A_59 : memref<1x80x128xi32, #tpu.memory_space<hbm>> -> memref<80x128xi32, #tpu.memory_space<hbm>>
      tpu.wait_dma2 semaphore(%run_scoped3A : memref<!tpu.dma_semaphore, #tpu.memory_space<semaphore_mem>>) src(%dma_wait3A_60 : memref<80x128xi32, #tpu.memory_space<hbm>>) dst(%arg7 : memref<80x128xi32, #tpu.memory_space<vmem>>)
      tpu.yield
    }) : () -> ()
    "tpu.region"() ({
      %run_scoped3A = tpu.sem_alloc : memref<!tpu.dma_semaphore, #tpu.memory_space<semaphore_mem>>
      tpu.enqueue_dma source(%arg3 : memref<128x128xf32, #tpu.memory_space<hbm>>) target(%arg8 : memref<128x128xf32, #tpu.memory_space<vmem>>) target_semaphore(%run_scoped3A : memref<!tpu.dma_semaphore, #tpu.memory_space<semaphore_mem>>)
      tpu.wait_dma2 semaphore(%run_scoped3A : memref<!tpu.dma_semaphore, #tpu.memory_space<semaphore_mem>>) src(%arg3 : memref<128x128xf32, #tpu.memory_space<hbm>>) dst(%arg8 : memref<128x128xf32, #tpu.memory_space<vmem>>)
      tpu.yield
    }) : () -> ()
    %barrier3A = arith.constant 0 : index
    tpu.barrier barrier_id(%barrier3A)
    %scan3A = arith.constant 0 : i32
    %scan3A_21 = arith.constant 0 : i32
    %scan3A_22 = arith.constant 80 : i32
    %scan3A_23 = arith.addi %scan3A_21, %scan3A_22 : i32
    %scan3A_24 = arith.constant 1 : i32
    scf.for %scan3A_47 = %scan3A_21 to %scan3A_23 step %scan3A_24  : i32 {
      "tpu.region"() ({
        %run_scoped3A = tpu.sem_alloc : memref<!tpu.dma_semaphore, #tpu.memory_space<semaphore_mem>>
        %dma_start3A = arith.constant 0 : i32
        %dma_start3A_48 = tpu.memref_slice %arg7[%scan3A_47, %dma_start3A] : memref<80x128xi32, #tpu.memory_space<vmem>> -> memref<1x128xi32, #tpu.memory_space<vmem>>
        %dma_start3A_49 = tpu.memref_squeeze %dma_start3A_48 : memref<1x128xi32, #tpu.memory_space<vmem>> -> memref<128xi32, #tpu.memory_space<vmem>>
        %dma_start3A_50 = arith.constant 0 : i32
        %dma_start3A_51 = arith.constant 0 : i32
        %dma_start3A_52 = tpu.memref_slice %arg6[%dma_start3A_50, %dma_start3A_51] : memref<10112x128xf32, #tpu.memory_space<vmem_shared>> -> memref<10112x128xf32, #tpu.memory_space<vmem_shared>>
        tpu.enqueue_indirect_dma source(%arg8 : memref<128x128xf32, #tpu.memory_space<vmem>>) target(%dma_start3A_52 : memref<10112x128xf32, #tpu.memory_space<vmem_shared>>) offsets(%dma_start3A_49 : memref<128xi32, #tpu.memory_space<vmem>>) semaphore(%run_scoped3A : memref<!tpu.dma_semaphore, #tpu.memory_space<semaphore_mem>>) {add = true}
        %dma_wait3A = arith.constant 0 : i32
        %dma_wait3A_53 = tpu.memref_slice %arg7[%scan3A_47, %dma_wait3A] : memref<80x128xi32, #tpu.memory_space<vmem>> -> memref<1x128xi32, #tpu.memory_space<vmem>>
        %dma_wait3A_54 = tpu.memref_squeeze %dma_wait3A_53 : memref<1x128xi32, #tpu.memory_space<vmem>> -> memref<128xi32, #tpu.memory_space<vmem>>
        %dma_wait3A_55 = arith.constant 0 : i32
        %dma_wait3A_56 = arith.constant 0 : i32
        %dma_wait3A_57 = tpu.memref_slice %arg6[%dma_wait3A_55, %dma_wait3A_56] : memref<10112x128xf32, #tpu.memory_space<vmem_shared>> -> memref<10112x128xf32, #tpu.memory_space<vmem_shared>>
        tpu.wait_indirect_dma semaphore(%run_scoped3A : memref<!tpu.dma_semaphore, #tpu.memory_space<semaphore_mem>>) src(%arg8 : memref<128x128xf32, #tpu.memory_space<vmem>>) dst(%dma_wait3A_57 : memref<10112x128xf32, #tpu.memory_space<vmem_shared>>)
        tpu.yield
      }) : () -> ()
    }
    %scan3A_25 = arith.constant 80 : i32
    %barrier3A_26 = arith.constant 0 : index
    tpu.barrier barrier_id(%barrier3A_26)
    %mul3A_27 = arith.constant 632 : i32
    %mul3A_28 = arith.muli %arg1, %mul3A_27 : i32
    %add3A_29 = arith.constant 0 : i32
    %add3A_30 = arith.addi %mul3A_28, %add3A_29 : i32
    "tpu.region"() ({
      %run_scoped3A = tpu.sem_alloc : memref<!tpu.dma_semaphore, #tpu.memory_space<semaphore_mem>>
      %dma_start3A = arith.constant 0 : i32
      %dma_start3A_47 = arith.constant 0 : i32
      %dma_start3A_48 = tpu.memref_slice %arg8[%dma_start3A, %dma_start3A_47] : memref<128x128xf32, #tpu.memory_space<vmem>> -> memref<128x128xf32, #tpu.memory_space<vmem>>
      %dma_start3A_49 = arith.constant 0 : i32
      %dma_start3A_50 = tpu.memref_slice %arg6[%add3A_30, %dma_start3A_49] : memref<10112x128xf32, #tpu.memory_space<vmem_shared>> -> memref<128x128xf32, #tpu.memory_space<vmem_shared>>
      %dma_start3A_51 = arith.constant 0 : i32
      %dma_start3A_52 = arith.constant 0 : i32
      %dma_start3A_53 = tpu.memref_slice %arg8[%dma_start3A_51, %dma_start3A_52] : memref<128x128xf32, #tpu.memory_space<vmem>> -> memref<128x128xf32, #tpu.memory_space<vmem>>
      %dma_start3A_54 = arith.constant 0 : i32
      %dma_start3A_55 = tpu.memref_slice %arg6[%add3A_30, %dma_start3A_54] : memref<10112x128xf32, #tpu.memory_space<vmem_shared>> -> memref<128x128xf32, #tpu.memory_space<vmem_shared>>
      tpu.enqueue_dma source(%dma_start3A_55 : memref<128x128xf32, #tpu.memory_space<vmem_shared>>) target(%dma_start3A_53 : memref<128x128xf32, #tpu.memory_space<vmem>>) target_semaphore(%run_scoped3A : memref<!tpu.dma_semaphore, #tpu.memory_space<semaphore_mem>>)
      %dma_wait3A = arith.constant 0 : i32
      %dma_wait3A_56 = arith.constant 0 : i32
      %dma_wait3A_57 = tpu.memref_slice %arg8[%dma_wait3A, %dma_wait3A_56] : memref<128x128xf32, #tpu.memory_space<vmem>> -> memref<128x128xf32, #tpu.memory_space<vmem>>
      %dma_wait3A_58 = arith.constant 0 : i32
      %dma_wait3A_59 = tpu.memref_slice %arg6[%add3A_30, %dma_wait3A_58] : memref<10112x128xf32, #tpu.memory_space<vmem_shared>> -> memref<128x128xf32, #tpu.memory_space<vmem_shared>>
      %dma_wait3A_60 = arith.constant 0 : i32
      %dma_wait3A_61 = arith.constant 0 : i32
      %dma_wait3A_62 = tpu.memref_slice %arg8[%dma_wait3A_60, %dma_wait3A_61] : memref<128x128xf32, #tpu.memory_space<vmem>> -> memref<128x128xf32, #tpu.memory_space<vmem>>
      %dma_wait3A_63 = arith.constant 0 : i32
      %dma_wait3A_64 = tpu.memref_slice %arg6[%add3A_30, %dma_wait3A_63] : memref<10112x128xf32, #tpu.memory_space<vmem_shared>> -> memref<128x128xf32, #tpu.memory_space<vmem_shared>>
      tpu.wait_dma2 semaphore(%run_scoped3A : memref<!tpu.dma_semaphore, #tpu.memory_space<semaphore_mem>>) src(%dma_wait3A_64 : memref<128x128xf32, #tpu.memory_space<vmem_shared>>) dst(%dma_wait3A_62 : memref<128x128xf32, #tpu.memory_space<vmem>>)
      tpu.yield
    }) : () -> ()
    "tpu.region"() ({
      %run_scoped3A = tpu.sem_alloc : memref<!tpu.dma_semaphore, #tpu.memory_space<semaphore_mem>>
      %dma_start3A = arith.constant 0 : i32
      %dma_start3A_47 = arith.constant 0 : i32
      %dma_start3A_48 = tpu.memref_slice %arg8[%dma_start3A, %dma_start3A_47] : memref<128x128xf32, #tpu.memory_space<vmem>> -> memref<128x128xf32, #tpu.memory_space<vmem>>
      %dma_start3A_49 = arith.constant 0 : i32
      %dma_start3A_50 = tpu.memref_slice %arg5[%arg0, %add3A_30, %dma_start3A_49] : memref<2x10112x128xf32, #tpu.memory_space<hbm>> -> memref<1x128x128xf32, #tpu.memory_space<hbm>>
      %dma_start3A_51 = tpu.memref_squeeze %dma_start3A_50 : memref<1x128x128xf32, #tpu.memory_space<hbm>> -> memref<128x128xf32, #tpu.memory_space<hbm>>
      %dma_start3A_52 = arith.constant 0 : i32
      %dma_start3A_53 = tpu.memref_slice %arg5[%arg0, %add3A_30, %dma_start3A_52] : memref<2x10112x128xf32, #tpu.memory_space<hbm>> -> memref<1x128x128xf32, #tpu.memory_space<hbm>>
      %dma_start3A_54 = tpu.memref_squeeze %dma_start3A_53 : memref<1x128x128xf32, #tpu.memory_space<hbm>> -> memref<128x128xf32, #tpu.memory_space<hbm>>
      %dma_start3A_55 = arith.constant 0 : i32
      %dma_start3A_56 = arith.constant 0 : i32
      %dma_start3A_57 = tpu.memref_slice %arg8[%dma_start3A_55, %dma_start3A_56] : memref<128x128xf32, #tpu.memory_space<vmem>> -> memref<128x128xf32, #tpu.memory_space<vmem>>
      tpu.enqueue_dma source(%dma_start3A_57 : memref<128x128xf32, #tpu.memory_space<vmem>>) target(%dma_start3A_54 : memref<128x128xf32, #tpu.memory_space<hbm>>) target_semaphore(%run_scoped3A : memref<!tpu.dma_semaphore, #tpu.memory_space<semaphore_mem>>)
      %dma_wait3A = arith.constant 0 : i32
      %dma_wait3A_58 = arith.constant 0 : i32
      %dma_wait3A_59 = tpu.memref_slice %arg8[%dma_wait3A, %dma_wait3A_58] : memref<128x128xf32, #tpu.memory_space<vmem>> -> memref<128x128xf32, #tpu.memory_space<vmem>>
      %dma_wait3A_60 = arith.constant 0 : i32
      %dma_wait3A_61 = tpu.memref_slice %arg5[%arg0, %add3A_30, %dma_wait3A_60] : memref<2x10112x128xf32, #tpu.memory_space<hbm>> -> memref<1x128x128xf32, #tpu.memory_space<hbm>>
      %dma_wait3A_62 = tpu.memref_squeeze %dma_wait3A_61 : memref<1x128x128xf32, #tpu.memory_space<hbm>> -> memref<128x128xf32, #tpu.memory_space<hbm>>
      %dma_wait3A_63 = arith.constant 0 : i32
      %dma_wait3A_64 = tpu.memref_slice %arg5[%arg0, %add3A_30, %dma_wait3A_63] : memref<2x10112x128xf32, #tpu.memory_space<hbm>> -> memref<1x128x128xf32, #tpu.memory_space<hbm>>
      %dma_wait3A_65 = tpu.memref_squeeze %dma_wait3A_64 : memref<1x128x128xf32, #tpu.memory_space<hbm>> -> memref<128x128xf32, #tpu.memory_space<hbm>>
      %dma_wait3A_66 = arith.constant 0 : i32
      %dma_wait3A_67 = arith.constant 0 : i32
      %dma_wait3A_68 = tpu.memref_slice %arg8[%dma_wait3A_66, %dma_wait3A_67] : memref<128x128xf32, #tpu.memory_space<vmem>> -> memref<128x128xf32, #tpu.memory_space<vmem>>
      tpu.wait_dma2 semaphore(%run_scoped3A : memref<!tpu.dma_semaphore, #tpu.memory_space<semaphore_mem>>) src(%dma_wait3A_68 : memref<128x128xf32, #tpu.memory_space<vmem>>) dst(%dma_wait3A_65 : memref<128x128xf32, #tpu.memory_space<hbm>>)
      tpu.yield
    }) : () -> ()
    %mul3A_31 = arith.constant 632 : i32
    %mul3A_32 = arith.muli %arg1, %mul3A_31 : i32
    %add3A_33 = arith.constant 128 : i32
    %add3A_34 = arith.addi %mul3A_32, %add3A_33 : i32
    "tpu.region"() ({
      %run_scoped3A = tpu.sem_alloc : memref<!tpu.dma_semaphore, #tpu.memory_space<semaphore_mem>>
      %dma_start3A = arith.constant 0 : i32
      %dma_start3A_47 = arith.constant 0 : i32
      %dma_start3A_48 = tpu.memref_slice %arg8[%dma_start3A, %dma_start3A_47] : memref<128x128xf32, #tpu.memory_space<vmem>> -> memref<128x128xf32, #tpu.memory_space<vmem>>
      %dma_start3A_49 = arith.constant 0 : i32
      %dma_start3A_50 = tpu.memref_slice %arg6[%add3A_34, %dma_start3A_49] : memref<10112x128xf32, #tpu.memory_space<vmem_shared>> -> memref<128x128xf32, #tpu.memory_space<vmem_shared>>
      %dma_start3A_51 = arith.constant 0 : i32
      %dma_start3A_52 = arith.constant 0 : i32
      %dma_start3A_53 = tpu.memref_slice %arg8[%dma_start3A_51, %dma_start3A_52] : memref<128x128xf32, #tpu.memory_space<vmem>> -> memref<128x128xf32, #tpu.memory_space<vmem>>
      %dma_start3A_54 = arith.constant 0 : i32
      %dma_start3A_55 = tpu.memref_slice %arg6[%add3A_34, %dma_start3A_54] : memref<10112x128xf32, #tpu.memory_space<vmem_shared>> -> memref<128x128xf32, #tpu.memory_space<vmem_shared>>
      tpu.enqueue_dma source(%dma_start3A_55 : memref<128x128xf32, #tpu.memory_space<vmem_shared>>) target(%dma_start3A_53 : memref<128x128xf32, #tpu.memory_space<vmem>>) target_semaphore(%run_scoped3A : memref<!tpu.dma_semaphore, #tpu.memory_space<semaphore_mem>>)
      %dma_wait3A = arith.constant 0 : i32
      %dma_wait3A_56 = arith.constant 0 : i32
      %dma_wait3A_57 = tpu.memref_slice %arg8[%dma_wait3A, %dma_wait3A_56] : memref<128x128xf32, #tpu.memory_space<vmem>> -> memref<128x128xf32, #tpu.memory_space<vmem>>
      %dma_wait3A_58 = arith.constant 0 : i32
      %dma_wait3A_59 = tpu.memref_slice %arg6[%add3A_34, %dma_wait3A_58] : memref<10112x128xf32, #tpu.memory_space<vmem_shared>> -> memref<128x128xf32, #tpu.memory_space<vmem_shared>>
      %dma_wait3A_60 = arith.constant 0 : i32
      %dma_wait3A_61 = arith.constant 0 : i32
      %dma_wait3A_62 = tpu.memref_slice %arg8[%dma_wait3A_60, %dma_wait3A_61] : memref<128x128xf32, #tpu.memory_space<vmem>> -> memref<128x128xf32, #tpu.memory_space<vmem>>
      %dma_wait3A_63 = arith.constant 0 : i32
      %dma_wait3A_64 = tpu.memref_slice %arg6[%add3A_34, %dma_wait3A_63] : memref<10112x128xf32, #tpu.memory_space<vmem_shared>> -> memref<128x128xf32, #tpu.memory_space<vmem_shared>>
      tpu.wait_dma2 semaphore(%run_scoped3A : memref<!tpu.dma_semaphore, #tpu.memory_space<semaphore_mem>>) src(%dma_wait3A_64 : memref<128x128xf32, #tpu.memory_space<vmem_shared>>) dst(%dma_wait3A_62 : memref<128x128xf32, #tpu.memory_space<vmem>>)
      tpu.yield
    }) : () -> ()
    "tpu.region"() ({
      %run_scoped3A = tpu.sem_alloc : memref<!tpu.dma_semaphore, #tpu.memory_space<semaphore_mem>>
      %dma_start3A = arith.constant 0 : i32
      %dma_start3A_47 = arith.constant 0 : i32
      %dma_start3A_48 = tpu.memref_slice %arg8[%dma_start3A, %dma_start3A_47] : memref<128x128xf32, #tpu.memory_space<vmem>> -> memref<128x128xf32, #tpu.memory_space<vmem>>
      %dma_start3A_49 = arith.constant 0 : i32
      %dma_start3A_50 = tpu.memref_slice %arg5[%arg0, %add3A_34, %dma_start3A_49] : memref<2x10112x128xf32, #tpu.memory_space<hbm>> -> memref<1x128x128xf32, #tpu.memory_space<hbm>>
      %dma_start3A_51 = tpu.memref_squeeze %dma_start3A_50 : memref<1x128x128xf32, #tpu.memory_space<hbm>> -> memref<128x128xf32, #tpu.memory_space<hbm>>
      %dma_start3A_52 = arith.constant 0 : i32
      %dma_start3A_53 = tpu.memref_slice %arg5[%arg0, %add3A_34, %dma_start3A_52] : memref<2x10112x128xf32, #tpu.memory_space<hbm>> -> memref<1x128x128xf32, #tpu.memory_space<hbm>>
      %dma_start3A_54 = tpu.memref_squeeze %dma_start3A_53 : memref<1x128x128xf32, #tpu.memory_space<hbm>> -> memref<128x128xf32, #tpu.memory_space<hbm>>
      %dma_start3A_55 = arith.constant 0 : i32
      %dma_start3A_56 = arith.constant 0 : i32
      %dma_start3A_57 = tpu.memref_slice %arg8[%dma_start3A_55, %dma_start3A_56] : memref<128x128xf32, #tpu.memory_space<vmem>> -> memref<128x128xf32, #tpu.memory_space<vmem>>
      tpu.enqueue_dma source(%dma_start3A_57 : memref<128x128xf32, #tpu.memory_space<vmem>>) target(%dma_start3A_54 : memref<128x128xf32, #tpu.memory_space<hbm>>) target_semaphore(%run_scoped3A : memref<!tpu.dma_semaphore, #tpu.memory_space<semaphore_mem>>)
      %dma_wait3A = arith.constant 0 : i32
      %dma_wait3A_58 = arith.constant 0 : i32
      %dma_wait3A_59 = tpu.memref_slice %arg8[%dma_wait3A, %dma_wait3A_58] : memref<128x128xf32, #tpu.memory_space<vmem>> -> memref<128x128xf32, #tpu.memory_space<vmem>>
      %dma_wait3A_60 = arith.constant 0 : i32
      %dma_wait3A_61 = tpu.memref_slice %arg5[%arg0, %add3A_34, %dma_wait3A_60] : memref<2x10112x128xf32, #tpu.memory_space<hbm>> -> memref<1x128x128xf32, #tpu.memory_space<hbm>>
      %dma_wait3A_62 = tpu.memref_squeeze %dma_wait3A_61 : memref<1x128x128xf32, #tpu.memory_space<hbm>> -> memref<128x128xf32, #tpu.memory_space<hbm>>
      %dma_wait3A_63 = arith.constant 0 : i32
      %dma_wait3A_64 = tpu.memref_slice %arg5[%arg0, %add3A_34, %dma_wait3A_63] : memref<2x10112x128xf32, #tpu.memory_space<hbm>> -> memref<1x128x128xf32, #tpu.memory_space<hbm>>
      %dma_wait3A_65 = tpu.memref_squeeze %dma_wait3A_64 : memref<1x128x128xf32, #tpu.memory_space<hbm>> -> memref<128x128xf32, #tpu.memory_space<hbm>>
      %dma_wait3A_66 = arith.constant 0 : i32
      %dma_wait3A_67 = arith.constant 0 : i32
      %dma_wait3A_68 = tpu.memref_slice %arg8[%dma_wait3A_66, %dma_wait3A_67] : memref<128x128xf32, #tpu.memory_space<vmem>> -> memref<128x128xf32, #tpu.memory_space<vmem>>
      tpu.wait_dma2 semaphore(%run_scoped3A : memref<!tpu.dma_semaphore, #tpu.memory_space<semaphore_mem>>) src(%dma_wait3A_68 : memref<128x128xf32, #tpu.memory_space<vmem>>) dst(%dma_wait3A_65 : memref<128x128xf32, #tpu.memory_space<hbm>>)
      tpu.yield
    }) : () -> ()
    %mul3A_35 = arith.constant 632 : i32
    %mul3A_36 = arith.muli %arg1, %mul3A_35 : i32
    %add3A_37 = arith.constant 256 : i32
    %add3A_38 = arith.addi %mul3A_36, %add3A_37 : i32
    "tpu.region"() ({
      %run_scoped3A = tpu.sem_alloc : memref<!tpu.dma_semaphore, #tpu.memory_space<semaphore_mem>>
      %dma_start3A = arith.constant 0 : i32
      %dma_start3A_47 = arith.constant 0 : i32
      %dma_start3A_48 = tpu.memref_slice %arg8[%dma_start3A, %dma_start3A_47] : memref<128x128xf32, #tpu.memory_space<vmem>> -> memref<128x128xf32, #tpu.memory_space<vmem>>
      %dma_start3A_49 = arith.constant 0 : i32
      %dma_start3A_50 = tpu.memref_slice %arg6[%add3A_38, %dma_start3A_49] : memref<10112x128xf32, #tpu.memory_space<vmem_shared>> -> memref<128x128xf32, #tpu.memory_space<vmem_shared>>
      %dma_start3A_51 = arith.constant 0 : i32
      %dma_start3A_52 = arith.constant 0 : i32
      %dma_start3A_53 = tpu.memref_slice %arg8[%dma_start3A_51, %dma_start3A_52] : memref<128x128xf32, #tpu.memory_space<vmem>> -> memref<128x128xf32, #tpu.memory_space<vmem>>
      %dma_start3A_54 = arith.constant 0 : i32
      %dma_start3A_55 = tpu.memref_slice %arg6[%add3A_38, %dma_start3A_54] : memref<10112x128xf32, #tpu.memory_space<vmem_shared>> -> memref<128x128xf32, #tpu.memory_space<vmem_shared>>
      tpu.enqueue_dma source(%dma_start3A_55 : memref<128x128xf32, #tpu.memory_space<vmem_shared>>) target(%dma_start3A_53 : memref<128x128xf32, #tpu.memory_space<vmem>>) target_semaphore(%run_scoped3A : memref<!tpu.dma_semaphore, #tpu.memory_space<semaphore_mem>>)
      %dma_wait3A = arith.constant 0 : i32
      %dma_wait3A_56 = arith.constant 0 : i32
      %dma_wait3A_57 = tpu.memref_slice %arg8[%dma_wait3A, %dma_wait3A_56] : memref<128x128xf32, #tpu.memory_space<vmem>> -> memref<128x128xf32, #tpu.memory_space<vmem>>
      %dma_wait3A_58 = arith.constant 0 : i32
      %dma_wait3A_59 = tpu.memref_slice %arg6[%add3A_38, %dma_wait3A_58] : memref<10112x128xf32, #tpu.memory_space<vmem_shared>> -> memref<128x128xf32, #tpu.memory_space<vmem_shared>>
      %dma_wait3A_60 = arith.constant 0 : i32
      %dma_wait3A_61 = arith.constant 0 : i32
      %dma_wait3A_62 = tpu.memref_slice %arg8[%dma_wait3A_60, %dma_wait3A_61] : memref<128x128xf32, #tpu.memory_space<vmem>> -> memref<128x128xf32, #tpu.memory_space<vmem>>
      %dma_wait3A_63 = arith.constant 0 : i32
      %dma_wait3A_64 = tpu.memref_slice %arg6[%add3A_38, %dma_wait3A_63] : memref<10112x128xf32, #tpu.memory_space<vmem_shared>> -> memref<128x128xf32, #tpu.memory_space<vmem_shared>>
      tpu.wait_dma2 semaphore(%run_scoped3A : memref<!tpu.dma_semaphore, #tpu.memory_space<semaphore_mem>>) src(%dma_wait3A_64 : memref<128x128xf32, #tpu.memory_space<vmem_shared>>) dst(%dma_wait3A_62 : memref<128x128xf32, #tpu.memory_space<vmem>>)
      tpu.yield
    }) : () -> ()
    "tpu.region"() ({
      %run_scoped3A = tpu.sem_alloc : memref<!tpu.dma_semaphore, #tpu.memory_space<semaphore_mem>>
      %dma_start3A = arith.constant 0 : i32
      %dma_start3A_47 = arith.constant 0 : i32
      %dma_start3A_48 = tpu.memref_slice %arg8[%dma_start3A, %dma_start3A_47] : memref<128x128xf32, #tpu.memory_space<vmem>> -> memref<128x128xf32, #tpu.memory_space<vmem>>
      %dma_start3A_49 = arith.constant 0 : i32
      %dma_start3A_50 = tpu.memref_slice %arg5[%arg0, %add3A_38, %dma_start3A_49] : memref<2x10112x128xf32, #tpu.memory_space<hbm>> -> memref<1x128x128xf32, #tpu.memory_space<hbm>>
      %dma_start3A_51 = tpu.memref_squeeze %dma_start3A_50 : memref<1x128x128xf32, #tpu.memory_space<hbm>> -> memref<128x128xf32, #tpu.memory_space<hbm>>
      %dma_start3A_52 = arith.constant 0 : i32
      %dma_start3A_53 = tpu.memref_slice %arg5[%arg0, %add3A_38, %dma_start3A_52] : memref<2x10112x128xf32, #tpu.memory_space<hbm>> -> memref<1x128x128xf32, #tpu.memory_space<hbm>>
      %dma_start3A_54 = tpu.memref_squeeze %dma_start3A_53 : memref<1x128x128xf32, #tpu.memory_space<hbm>> -> memref<128x128xf32, #tpu.memory_space<hbm>>
      %dma_start3A_55 = arith.constant 0 : i32
      %dma_start3A_56 = arith.constant 0 : i32
      %dma_start3A_57 = tpu.memref_slice %arg8[%dma_start3A_55, %dma_start3A_56] : memref<128x128xf32, #tpu.memory_space<vmem>> -> memref<128x128xf32, #tpu.memory_space<vmem>>
      tpu.enqueue_dma source(%dma_start3A_57 : memref<128x128xf32, #tpu.memory_space<vmem>>) target(%dma_start3A_54 : memref<128x128xf32, #tpu.memory_space<hbm>>) target_semaphore(%run_scoped3A : memref<!tpu.dma_semaphore, #tpu.memory_space<semaphore_mem>>)
      %dma_wait3A = arith.constant 0 : i32
      %dma_wait3A_58 = arith.constant 0 : i32
      %dma_wait3A_59 = tpu.memref_slice %arg8[%dma_wait3A, %dma_wait3A_58] : memref<128x128xf32, #tpu.memory_space<vmem>> -> memref<128x128xf32, #tpu.memory_space<vmem>>
      %dma_wait3A_60 = arith.constant 0 : i32
      %dma_wait3A_61 = tpu.memref_slice %arg5[%arg0, %add3A_38, %dma_wait3A_60] : memref<2x10112x128xf32, #tpu.memory_space<hbm>> -> memref<1x128x128xf32, #tpu.memory_space<hbm>>
      %dma_wait3A_62 = tpu.memref_squeeze %dma_wait3A_61 : memref<1x128x128xf32, #tpu.memory_space<hbm>> -> memref<128x128xf32, #tpu.memory_space<hbm>>
      %dma_wait3A_63 = arith.constant 0 : i32
      %dma_wait3A_64 = tpu.memref_slice %arg5[%arg0, %add3A_38, %dma_wait3A_63] : memref<2x10112x128xf32, #tpu.memory_space<hbm>> -> memref<1x128x128xf32, #tpu.memory_space<hbm>>
      %dma_wait3A_65 = tpu.memref_squeeze %dma_wait3A_64 : memref<1x128x128xf32, #tpu.memory_space<hbm>> -> memref<128x128xf32, #tpu.memory_space<hbm>>
      %dma_wait3A_66 = arith.constant 0 : i32
      %dma_wait3A_67 = arith.constant 0 : i32
      %dma_wait3A_68 = tpu.memref_slice %arg8[%dma_wait3A_66, %dma_wait3A_67] : memref<128x128xf32, #tpu.memory_space<vmem>> -> memref<128x128xf32, #tpu.memory_space<vmem>>
      tpu.wait_dma2 semaphore(%run_scoped3A : memref<!tpu.dma_semaphore, #tpu.memory_space<semaphore_mem>>) src(%dma_wait3A_68 : memref<128x128xf32, #tpu.memory_space<vmem>>) dst(%dma_wait3A_65 : memref<128x128xf32, #tpu.memory_space<hbm>>)
      tpu.yield
    }) : () -> ()
    %mul3A_39 = arith.constant 632 : i32
    %mul3A_40 = arith.muli %arg1, %mul3A_39 : i32
    %add3A_41 = arith.constant 384 : i32
    %add3A_42 = arith.addi %mul3A_40, %add3A_41 : i32
    "tpu.region"() ({
      %run_scoped3A = tpu.sem_alloc : memref<!tpu.dma_semaphore, #tpu.memory_space<semaphore_mem>>
      %dma_start3A = arith.constant 0 : i32
      %dma_start3A_47 = arith.constant 0 : i32
      %dma_start3A_48 = tpu.memref_slice %arg8[%dma_start3A, %dma_start3A_47] : memref<128x128xf32, #tpu.memory_space<vmem>> -> memref<128x128xf32, #tpu.memory_space<vmem>>
      %dma_start3A_49 = arith.constant 0 : i32
      %dma_start3A_50 = tpu.memref_slice %arg6[%add3A_42, %dma_start3A_49] : memref<10112x128xf32, #tpu.memory_space<vmem_shared>> -> memref<128x128xf32, #tpu.memory_space<vmem_shared>>
      %dma_start3A_51 = arith.constant 0 : i32
      %dma_start3A_52 = arith.constant 0 : i32
      %dma_start3A_53 = tpu.memref_slice %arg8[%dma_start3A_51, %dma_start3A_52] : memref<128x128xf32, #tpu.memory_space<vmem>> -> memref<128x128xf32, #tpu.memory_space<vmem>>
      %dma_start3A_54 = arith.constant 0 : i32
      %dma_start3A_55 = tpu.memref_slice %arg6[%add3A_42, %dma_start3A_54] : memref<10112x128xf32, #tpu.memory_space<vmem_shared>> -> memref<128x128xf32, #tpu.memory_space<vmem_shared>>
      tpu.enqueue_dma source(%dma_start3A_55 : memref<128x128xf32, #tpu.memory_space<vmem_shared>>) target(%dma_start3A_53 : memref<128x128xf32, #tpu.memory_space<vmem>>) target_semaphore(%run_scoped3A : memref<!tpu.dma_semaphore, #tpu.memory_space<semaphore_mem>>)
      %dma_wait3A = arith.constant 0 : i32
      %dma_wait3A_56 = arith.constant 0 : i32
      %dma_wait3A_57 = tpu.memref_slice %arg8[%dma_wait3A, %dma_wait3A_56] : memref<128x128xf32, #tpu.memory_space<vmem>> -> memref<128x128xf32, #tpu.memory_space<vmem>>
      %dma_wait3A_58 = arith.constant 0 : i32
      %dma_wait3A_59 = tpu.memref_slice %arg6[%add3A_42, %dma_wait3A_58] : memref<10112x128xf32, #tpu.memory_space<vmem_shared>> -> memref<128x128xf32, #tpu.memory_space<vmem_shared>>
      %dma_wait3A_60 = arith.constant 0 : i32
      %dma_wait3A_61 = arith.constant 0 : i32
      %dma_wait3A_62 = tpu.memref_slice %arg8[%dma_wait3A_60, %dma_wait3A_61] : memref<128x128xf32, #tpu.memory_space<vmem>> -> memref<128x128xf32, #tpu.memory_space<vmem>>
      %dma_wait3A_63 = arith.constant 0 : i32
      %dma_wait3A_64 = tpu.memref_slice %arg6[%add3A_42, %dma_wait3A_63] : memref<10112x128xf32, #tpu.memory_space<vmem_shared>> -> memref<128x128xf32, #tpu.memory_space<vmem_shared>>
      tpu.wait_dma2 semaphore(%run_scoped3A : memref<!tpu.dma_semaphore, #tpu.memory_space<semaphore_mem>>) src(%dma_wait3A_64 : memref<128x128xf32, #tpu.memory_space<vmem_shared>>) dst(%dma_wait3A_62 : memref<128x128xf32, #tpu.memory_space<vmem>>)
      tpu.yield
    }) : () -> ()
    "tpu.region"() ({
      %run_scoped3A = tpu.sem_alloc : memref<!tpu.dma_semaphore, #tpu.memory_space<semaphore_mem>>
      %dma_start3A = arith.constant 0 : i32
      %dma_start3A_47 = arith.constant 0 : i32
      %dma_start3A_48 = tpu.memref_slice %arg8[%dma_start3A, %dma_start3A_47] : memref<128x128xf32, #tpu.memory_space<vmem>> -> memref<128x128xf32, #tpu.memory_space<vmem>>
      %dma_start3A_49 = arith.constant 0 : i32
      %dma_start3A_50 = tpu.memref_slice %arg5[%arg0, %add3A_42, %dma_start3A_49] : memref<2x10112x128xf32, #tpu.memory_space<hbm>> -> memref<1x128x128xf32, #tpu.memory_space<hbm>>
      %dma_start3A_51 = tpu.memref_squeeze %dma_start3A_50 : memref<1x128x128xf32, #tpu.memory_space<hbm>> -> memref<128x128xf32, #tpu.memory_space<hbm>>
      %dma_start3A_52 = arith.constant 0 : i32
      %dma_start3A_53 = tpu.memref_slice %arg5[%arg0, %add3A_42, %dma_start3A_52] : memref<2x10112x128xf32, #tpu.memory_space<hbm>> -> memref<1x128x128xf32, #tpu.memory_space<hbm>>
      %dma_start3A_54 = tpu.memref_squeeze %dma_start3A_53 : memref<1x128x128xf32, #tpu.memory_space<hbm>> -> memref<128x128xf32, #tpu.memory_space<hbm>>
      %dma_start3A_55 = arith.constant 0 : i32
      %dma_start3A_56 = arith.constant 0 : i32
      %dma_start3A_57 = tpu.memref_slice %arg8[%dma_start3A_55, %dma_start3A_56] : memref<128x128xf32, #tpu.memory_space<vmem>> -> memref<128x128xf32, #tpu.memory_space<vmem>>
      tpu.enqueue_dma source(%dma_start3A_57 : memref<128x128xf32, #tpu.memory_space<vmem>>) target(%dma_start3A_54 : memref<128x128xf32, #tpu.memory_space<hbm>>) target_semaphore(%run_scoped3A : memref<!tpu.dma_semaphore, #tpu.memory_space<semaphore_mem>>)
      %dma_wait3A = arith.constant 0 : i32
      %dma_wait3A_58 = arith.constant 0 : i32
      %dma_wait3A_59 = tpu.memref_slice %arg8[%dma_wait3A, %dma_wait3A_58] : memref<128x128xf32, #tpu.memory_space<vmem>> -> memref<128x128xf32, #tpu.memory_space<vmem>>
      %dma_wait3A_60 = arith.constant 0 : i32
      %dma_wait3A_61 = tpu.memref_slice %arg5[%arg0, %add3A_42, %dma_wait3A_60] : memref<2x10112x128xf32, #tpu.memory_space<hbm>> -> memref<1x128x128xf32, #tpu.memory_space<hbm>>
      %dma_wait3A_62 = tpu.memref_squeeze %dma_wait3A_61 : memref<1x128x128xf32, #tpu.memory_space<hbm>> -> memref<128x128xf32, #tpu.memory_space<hbm>>
      %dma_wait3A_63 = arith.constant 0 : i32
      %dma_wait3A_64 = tpu.memref_slice %arg5[%arg0, %add3A_42, %dma_wait3A_63] : memref<2x10112x128xf32, #tpu.memory_space<hbm>> -> memref<1x128x128xf32, #tpu.memory_space<hbm>>
      %dma_wait3A_65 = tpu.memref_squeeze %dma_wait3A_64 : memref<1x128x128xf32, #tpu.memory_space<hbm>> -> memref<128x128xf32, #tpu.memory_space<hbm>>
      %dma_wait3A_66 = arith.constant 0 : i32
      %dma_wait3A_67 = arith.constant 0 : i32
      %dma_wait3A_68 = tpu.memref_slice %arg8[%dma_wait3A_66, %dma_wait3A_67] : memref<128x128xf32, #tpu.memory_space<vmem>> -> memref<128x128xf32, #tpu.memory_space<vmem>>
      tpu.wait_dma2 semaphore(%run_scoped3A : memref<!tpu.dma_semaphore, #tpu.memory_space<semaphore_mem>>) src(%dma_wait3A_68 : memref<128x128xf32, #tpu.memory_space<vmem>>) dst(%dma_wait3A_65 : memref<128x128xf32, #tpu.memory_space<hbm>>)
      tpu.yield
    }) : () -> ()
    %mul3A_43 = arith.constant 632 : i32
    %mul3A_44 = arith.muli %arg1, %mul3A_43 : i32
    %add3A_45 = arith.constant 512 : i32
    %add3A_46 = arith.addi %mul3A_44, %add3A_45 : i32
    "tpu.region"() ({
      %run_scoped3A = tpu.sem_alloc : memref<!tpu.dma_semaphore, #tpu.memory_space<semaphore_mem>>
      %dma_start3A = arith.constant 0 : i32
      %dma_start3A_47 = arith.constant 0 : i32
      %dma_start3A_48 = tpu.memref_slice %arg8[%dma_start3A, %dma_start3A_47] : memref<128x128xf32, #tpu.memory_space<vmem>> -> memref<120x128xf32, #tpu.memory_space<vmem>>
      %dma_start3A_49 = arith.constant 0 : i32
      %dma_start3A_50 = tpu.memref_slice %arg6[%add3A_46, %dma_start3A_49] : memref<10112x128xf32, #tpu.memory_space<vmem_shared>> -> memref<120x128xf32, #tpu.memory_space<vmem_shared>>
      %dma_start3A_51 = arith.constant 0 : i32
      %dma_start3A_52 = arith.constant 0 : i32
      %dma_start3A_53 = tpu.memref_slice %arg8[%dma_start3A_51, %dma_start3A_52] : memref<128x128xf32, #tpu.memory_space<vmem>> -> memref<120x128xf32, #tpu.memory_space<vmem>>
      %dma_start3A_54 = arith.constant 0 : i32
      %dma_start3A_55 = tpu.memref_slice %arg6[%add3A_46, %dma_start3A_54] : memref<10112x128xf32, #tpu.memory_space<vmem_shared>> -> memref<120x128xf32, #tpu.memory_space<vmem_shared>>
      tpu.enqueue_dma source(%dma_start3A_55 : memref<120x128xf32, #tpu.memory_space<vmem_shared>>) target(%dma_start3A_53 : memref<120x128xf32, #tpu.memory_space<vmem>>) target_semaphore(%run_scoped3A : memref<!tpu.dma_semaphore, #tpu.memory_space<semaphore_mem>>)
      %dma_wait3A = arith.constant 0 : i32
      %dma_wait3A_56 = arith.constant 0 : i32
      %dma_wait3A_57 = tpu.memref_slice %arg8[%dma_wait3A, %dma_wait3A_56] : memref<128x128xf32, #tpu.memory_space<vmem>> -> memref<120x128xf32, #tpu.memory_space<vmem>>
      %dma_wait3A_58 = arith.constant 0 : i32
      %dma_wait3A_59 = tpu.memref_slice %arg6[%add3A_46, %dma_wait3A_58] : memref<10112x128xf32, #tpu.memory_space<vmem_shared>> -> memref<120x128xf32, #tpu.memory_space<vmem_shared>>
      %dma_wait3A_60 = arith.constant 0 : i32
      %dma_wait3A_61 = arith.constant 0 : i32
      %dma_wait3A_62 = tpu.memref_slice %arg8[%dma_wait3A_60, %dma_wait3A_61] : memref<128x128xf32, #tpu.memory_space<vmem>> -> memref<120x128xf32, #tpu.memory_space<vmem>>
      %dma_wait3A_63 = arith.constant 0 : i32
      %dma_wait3A_64 = tpu.memref_slice %arg6[%add3A_46, %dma_wait3A_63] : memref<10112x128xf32, #tpu.memory_space<vmem_shared>> -> memref<120x128xf32, #tpu.memory_space<vmem_shared>>
      tpu.wait_dma2 semaphore(%run_scoped3A : memref<!tpu.dma_semaphore, #tpu.memory_space<semaphore_mem>>) src(%dma_wait3A_64 : memref<120x128xf32, #tpu.memory_space<vmem_shared>>) dst(%dma_wait3A_62 : memref<120x128xf32, #tpu.memory_space<vmem>>)
      tpu.yield
    }) : () -> ()
    "tpu.region"() ({
      %run_scoped3A = tpu.sem_alloc : memref<!tpu.dma_semaphore, #tpu.memory_space<semaphore_mem>>
      %dma_start3A = arith.constant 0 : i32
      %dma_start3A_47 = arith.constant 0 : i32
      %dma_start3A_48 = tpu.memref_slice %arg8[%dma_start3A, %dma_start3A_47] : memref<128x128xf32, #tpu.memory_space<vmem>> -> memref<120x128xf32, #tpu.memory_space<vmem>>
      %dma_start3A_49 = arith.constant 0 : i32
      %dma_start3A_50 = tpu.memref_slice %arg5[%arg0, %add3A_46, %dma_start3A_49] : memref<2x10112x128xf32, #tpu.memory_space<hbm>> -> memref<1x120x128xf32, #tpu.memory_space<hbm>>
      %dma_start3A_51 = tpu.memref_squeeze %dma_start3A_50 : memref<1x120x128xf32, #tpu.memory_space<hbm>> -> memref<120x128xf32, #tpu.memory_space<hbm>>
      %dma_start3A_52 = arith.constant 0 : i32
      %dma_start3A_53 = tpu.memref_slice %arg5[%arg0, %add3A_46, %dma_start3A_52] : memref<2x10112x128xf32, #tpu.memory_space<hbm>> -> memref<1x120x128xf32, #tpu.memory_space<hbm>>
      %dma_start3A_54 = tpu.memref_squeeze %dma_start3A_53 : memref<1x120x128xf32, #tpu.memory_space<hbm>> -> memref<120x128xf32, #tpu.memory_space<hbm>>
      %dma_start3A_55 = arith.constant 0 : i32
      %dma_start3A_56 = arith.constant 0 : i32
      %dma_start3A_57 = tpu.memref_slice %arg8[%dma_start3A_55, %dma_start3A_56] : memref<128x128xf32, #tpu.memory_space<vmem>> -> memref<120x128xf32, #tpu.memory_space<vmem>>
      tpu.enqueue_dma source(%dma_start3A_57 : memref<120x128xf32, #tpu.memory_space<vmem>>) target(%dma_start3A_54 : memref<120x128xf32, #tpu.memory_space<hbm>>) target_semaphore(%run_scoped3A : memref<!tpu.dma_semaphore, #tpu.memory_space<semaphore_mem>>)
      %dma_wait3A = arith.constant 0 : i32
      %dma_wait3A_58 = arith.constant 0 : i32
      %dma_wait3A_59 = tpu.memref_slice %arg8[%dma_wait3A, %dma_wait3A_58] : memref<128x128xf32, #tpu.memory_space<vmem>> -> memref<120x128xf32, #tpu.memory_space<vmem>>
      %dma_wait3A_60 = arith.constant 0 : i32
      %dma_wait3A_61 = tpu.memref_slice %arg5[%arg0, %add3A_46, %dma_wait3A_60] : memref<2x10112x128xf32, #tpu.memory_space<hbm>> -> memref<1x120x128xf32, #tpu.memory_space<hbm>>
      %dma_wait3A_62 = tpu.memref_squeeze %dma_wait3A_61 : memref<1x120x128xf32, #tpu.memory_space<hbm>> -> memref<120x128xf32, #tpu.memory_space<hbm>>
      %dma_wait3A_63 = arith.constant 0 : i32
      %dma_wait3A_64 = tpu.memref_slice %arg5[%arg0, %add3A_46, %dma_wait3A_63] : memref<2x10112x128xf32, #tpu.memory_space<hbm>> -> memref<1x120x128xf32, #tpu.memory_space<hbm>>
      %dma_wait3A_65 = tpu.memref_squeeze %dma_wait3A_64 : memref<1x120x128xf32, #tpu.memory_space<hbm>> -> memref<120x128xf32, #tpu.memory_space<hbm>>
      %dma_wait3A_66 = arith.constant 0 : i32
      %dma_wait3A_67 = arith.constant 0 : i32
      %dma_wait3A_68 = tpu.memref_slice %arg8[%dma_wait3A_66, %dma_wait3A_67] : memref<128x128xf32, #tpu.memory_space<vmem>> -> memref<120x128xf32, #tpu.memory_space<vmem>>
      tpu.wait_dma2 semaphore(%run_scoped3A : memref<!tpu.dma_semaphore, #tpu.memory_space<semaphore_mem>>) src(%dma_wait3A_68 : memref<120x128xf32, #tpu.memory_space<vmem>>) dst(%dma_wait3A_65 : memref<120x128xf32, #tpu.memory_space<hbm>>)
      tpu.yield
    }) : () -> ()
    return
  }
}

module attributes {stable_mosaic.version = 14 : i64} {
  func.func @body(%arg0: memref<10000x128xf32, #tpu.memory_space<vmem>>, %arg1: memref<2x10112x128xf32, #tpu.memory_space<vmem>>, %arg2: memref<2x10112x128xf32, #tpu.memory_space<vmem>>, %arg3: memref<1x128xf32, #tpu.memory_space<vmem>>, %arg4: memref<128x128xf32, #tpu.memory_space<vmem>>, %arg5: memref<128x128xf32, #tpu.memory_space<vmem>>, %arg6: memref<10000x128xf32, #tpu.memory_space<vmem>>) attributes {dimension_semantics = [], scalar_prefetch = 0 : i64, scratch_operands = 0 : i64, tpu.core_type = #tpu.core_type<tc>} {
    %get3A = arith.constant 0 : index
    %get3A_0 = arith.constant 0 : index
    %get3A_1 = arith.constant 0 : index
    %get3A_2 = vector.load %arg1[%get3A, %get3A_0, %get3A_1] : memref<2x10112x128xf32, #tpu.memory_space<vmem>>, vector<1x10000x128xf32>
    %get3A_3 = vector.shape_cast %get3A_2 : vector<1x10000x128xf32> to vector<10000x128xf32>
    %get3A_4 = arith.constant 1 : index
    %get3A_5 = arith.constant 0 : index
    %get3A_6 = arith.constant 0 : index
    %get3A_7 = vector.load %arg1[%get3A_4, %get3A_5, %get3A_6] : memref<2x10112x128xf32, #tpu.memory_space<vmem>>, vector<1x10000x128xf32>
    %get3A_8 = vector.shape_cast %get3A_7 : vector<1x10000x128xf32> to vector<10000x128xf32>
    %add3A = arith.addf %get3A_3, %get3A_8 : vector<10000x128xf32>
    %get3A_9 = arith.constant 0 : index
    %get3A_10 = arith.constant 0 : index
    %get3A_11 = arith.constant 0 : index
    %get3A_12 = vector.load %arg2[%get3A_9, %get3A_10, %get3A_11] : memref<2x10112x128xf32, #tpu.memory_space<vmem>>, vector<1x10000x1xf32>
    %get3A_13 = vector.shape_cast %get3A_12 : vector<1x10000x1xf32> to vector<10000x1xf32>
    %get3A_14 = arith.constant 1 : index
    %get3A_15 = arith.constant 0 : index
    %get3A_16 = arith.constant 0 : index
    %get3A_17 = vector.load %arg2[%get3A_14, %get3A_15, %get3A_16] : memref<2x10112x128xf32, #tpu.memory_space<vmem>>, vector<1x10000x1xf32>
    %get3A_18 = vector.shape_cast %get3A_17 : vector<1x10000x1xf32> to vector<10000x1xf32>
    %add3A_19 = arith.addf %get3A_13, %get3A_18 : vector<10000x1xf32>
    %max3A = arith.constant 1.000000e+00 : f32
    %max3A_20 = vector.broadcast %max3A : f32 to vector<10000x1xf32>
    %max3A_21 = arith.maximumf %add3A_19, %max3A_20 : vector<10000x1xf32>
    %div3A = arith.constant 1.000000e+00 : f32
    %div3A_22 = vector.broadcast %div3A : f32 to vector<10000x1xf32>
    %div3A_23 = arith.divf %div3A_22, %max3A_21 : vector<10000x1xf32>
    %get3A_24 = arith.constant 0 : index
    %get3A_25 = arith.constant 0 : index
    %get3A_26 = vector.load %arg0[%get3A_24, %get3A_25] : memref<10000x128xf32, #tpu.memory_space<vmem>>, vector<10000x128xf32>
    %get3A_27 = arith.constant 0 : index
    %get3A_28 = arith.constant 0 : index
    %get3A_29 = vector.load %arg4[%get3A_27, %get3A_28] : memref<128x128xf32, #tpu.memory_space<vmem>>, vector<128x128xf32>
    %convert_element_type3A = arith.truncf %get3A_26 : vector<10000x128xf32> to vector<10000x128xbf16>
    %convert_element_type3A_30 = arith.truncf %get3A_29 : vector<128x128xf32> to vector<128x128xbf16>
    %dot_general3A = arith.constant dense<0.000000e+00> : vector<10000x128xf32>
    %dot_general3A_31 = tpu.matmul %convert_element_type3A, %convert_element_type3A_30, %dot_general3A {dimension_numbers = #tpu.dot_dimension_numbers<[1], [0], [0], [1], [0, 0, 1, 1], [], []>, transpose_lhs_hint = false} : vector<10000x128xbf16>, vector<128x128xbf16>, vector<10000x128xf32> -> vector<10000x128xf32>
    %mul3A = vector.broadcast %div3A_23 : vector<10000x1xf32> to vector<10000x128xf32>
    %mul3A_32 = arith.mulf %add3A, %mul3A : vector<10000x128xf32>
    %get3A_33 = arith.constant 0 : index
    %get3A_34 = arith.constant 0 : index
    %get3A_35 = vector.load %arg5[%get3A_33, %get3A_34] : memref<128x128xf32, #tpu.memory_space<vmem>>, vector<128x128xf32>
    %convert_element_type3A_36 = arith.truncf %mul3A_32 : vector<10000x128xf32> to vector<10000x128xbf16>
    %convert_element_type3A_37 = arith.truncf %get3A_35 : vector<128x128xf32> to vector<128x128xbf16>
    %dot_general3A_38 = arith.constant dense<0.000000e+00> : vector<10000x128xf32>
    %dot_general3A_39 = tpu.matmul %convert_element_type3A_36, %convert_element_type3A_37, %dot_general3A_38 {dimension_numbers = #tpu.dot_dimension_numbers<[1], [0], [0], [1], [0, 0, 1, 1], [], []>, transpose_lhs_hint = false} : vector<10000x128xbf16>, vector<128x128xbf16>, vector<10000x128xf32> -> vector<10000x128xf32>
    %add3A_40 = arith.addf %dot_general3A_31, %dot_general3A_39 : vector<10000x128xf32>
    %get3A_41 = arith.constant 0 : index
    %get3A_42 = arith.constant 0 : index
    %get3A_43 = vector.load %arg3[%get3A_41, %get3A_42] : memref<1x128xf32, #tpu.memory_space<vmem>>, vector<1x128xf32>
    %add3A_44 = vector.broadcast %get3A_43 : vector<1x128xf32> to vector<10000x128xf32>
    %add3A_45 = arith.addf %add3A_40, %add3A_44 : vector<10000x128xf32>
    %max3A_46 = arith.constant 0.000000e+00 : f32
    %max3A_47 = vector.broadcast %max3A_46 : f32 to vector<10000x128xf32>
    %max3A_48 = arith.maximumf %add3A_45, %max3A_47 : vector<10000x128xf32>
    %swap3A = arith.constant 0 : index
    %swap3A_49 = arith.constant 0 : index
    %swap3A_50 = vector.load %arg6[%swap3A, %swap3A_49] : memref<10000x128xf32, #tpu.memory_space<vmem>>, vector<10000x128xf32>
    tpu.vector_store %arg6[%swap3A, %swap3A_49], %max3A_48 {strides = array<i32>} : memref<10000x128xf32, #tpu.memory_space<vmem>>, vector<10000x128xf32>,
    return
  }
}

module attributes {stable_mosaic.version = 14 : i64} {
  func.func @body(%arg0: memref<10000x128xf32, #tpu.memory_space<vmem>>, %arg1: memref<2x10112x128xf32, #tpu.memory_space<vmem>>, %arg2: memref<2x10112x128xf32, #tpu.memory_space<vmem>>, %arg3: memref<1x64xf32, #tpu.memory_space<vmem>>, %arg4: memref<128x64xf32, #tpu.memory_space<vmem>>, %arg5: memref<128x64xf32, #tpu.memory_space<vmem>>, %arg6: memref<64x64xf32, #tpu.memory_space<vmem>>, %arg7: memref<1x64xf32, #tpu.memory_space<vmem>>, %arg8: memref<64x64xf32, #tpu.memory_space<vmem>>, %arg9: memref<1x64xf32, #tpu.memory_space<vmem>>, %arg10: memref<64x1xf32, #tpu.memory_space<vmem>>, %arg11: memref<1x1xf32, #tpu.memory_space<vmem>>, %arg12: memref<1x1xf32, #tpu.memory_space<vmem>>) attributes {dimension_semantics = [], scalar_prefetch = 0 : i64, scratch_operands = 0 : i64, tpu.core_type = #tpu.core_type<tc>} {
    %get3A = arith.constant 0 : index
    %get3A_0 = arith.constant 0 : index
    %get3A_1 = arith.constant 0 : index
    %get3A_2 = vector.load %arg1[%get3A, %get3A_0, %get3A_1] : memref<2x10112x128xf32, #tpu.memory_space<vmem>>, vector<1x10000x128xf32>
    %get3A_3 = vector.shape_cast %get3A_2 : vector<1x10000x128xf32> to vector<10000x128xf32>
    %get3A_4 = arith.constant 1 : index
    %get3A_5 = arith.constant 0 : index
    %get3A_6 = arith.constant 0 : index
    %get3A_7 = vector.load %arg1[%get3A_4, %get3A_5, %get3A_6] : memref<2x10112x128xf32, #tpu.memory_space<vmem>>, vector<1x10000x128xf32>
    %get3A_8 = vector.shape_cast %get3A_7 : vector<1x10000x128xf32> to vector<10000x128xf32>
    %add3A = arith.addf %get3A_3, %get3A_8 : vector<10000x128xf32>
    %get3A_9 = arith.constant 0 : index
    %get3A_10 = arith.constant 0 : index
    %get3A_11 = arith.constant 0 : index
    %get3A_12 = vector.load %arg2[%get3A_9, %get3A_10, %get3A_11] : memref<2x10112x128xf32, #tpu.memory_space<vmem>>, vector<1x10000x1xf32>
    %get3A_13 = vector.shape_cast %get3A_12 : vector<1x10000x1xf32> to vector<10000x1xf32>
    %get3A_14 = arith.constant 1 : index
    %get3A_15 = arith.constant 0 : index
    %get3A_16 = arith.constant 0 : index
    %get3A_17 = vector.load %arg2[%get3A_14, %get3A_15, %get3A_16] : memref<2x10112x128xf32, #tpu.memory_space<vmem>>, vector<1x10000x1xf32>
    %get3A_18 = vector.shape_cast %get3A_17 : vector<1x10000x1xf32> to vector<10000x1xf32>
    %add3A_19 = arith.addf %get3A_13, %get3A_18 : vector<10000x1xf32>
    %max3A = arith.constant 1.000000e+00 : f32
    %max3A_20 = vector.broadcast %max3A : f32 to vector<10000x1xf32>
    %max3A_21 = arith.maximumf %add3A_19, %max3A_20 : vector<10000x1xf32>
    %div3A = arith.constant 1.000000e+00 : f32
    %div3A_22 = vector.broadcast %div3A : f32 to vector<10000x1xf32>
    %div3A_23 = arith.divf %div3A_22, %max3A_21 : vector<10000x1xf32>
    %get3A_24 = arith.constant 0 : index
    %get3A_25 = arith.constant 0 : index
    %get3A_26 = vector.load %arg0[%get3A_24, %get3A_25] : memref<10000x128xf32, #tpu.memory_space<vmem>>, vector<10000x128xf32>
    %get3A_27 = arith.constant 0 : index
    %get3A_28 = arith.constant 0 : index
    %get3A_29 = vector.load %arg4[%get3A_27, %get3A_28] : memref<128x64xf32, #tpu.memory_space<vmem>>, vector<128x64xf32>
    %convert_element_type3A = arith.truncf %get3A_26 : vector<10000x128xf32> to vector<10000x128xbf16>
    %convert_element_type3A_30 = arith.truncf %get3A_29 : vector<128x64xf32> to vector<128x64xbf16>
    %dot_general3A = arith.constant dense<0.000000e+00> : vector<10000x64xf32>
    %dot_general3A_31 = tpu.matmul %convert_element_type3A, %convert_element_type3A_30, %dot_general3A {dimension_numbers = #tpu.dot_dimension_numbers<[1], [0], [0], [1], [0, 0, 1, 1], [], []>, transpose_lhs_hint = false} : vector<10000x128xbf16>, vector<128x64xbf16>, vector<10000x64xf32> -> vector<10000x64xf32>
    %mul3A = vector.broadcast %div3A_23 : vector<10000x1xf32> to vector<10000x128xf32>
    %mul3A_32 = arith.mulf %add3A, %mul3A : vector<10000x128xf32>
    %get3A_33 = arith.constant 0 : index
    %get3A_34 = arith.constant 0 : index
    %get3A_35 = vector.load %arg5[%get3A_33, %get3A_34] : memref<128x64xf32, #tpu.memory_space<vmem>>, vector<128x64xf32>
    %convert_element_type3A_36 = arith.truncf %mul3A_32 : vector<10000x128xf32> to vector<10000x128xbf16>
    %convert_element_type3A_37 = arith.truncf %get3A_35 : vector<128x64xf32> to vector<128x64xbf16>
    %dot_general3A_38 = arith.constant dense<0.000000e+00> : vector<10000x64xf32>
    %dot_general3A_39 = tpu.matmul %convert_element_type3A_36, %convert_element_type3A_37, %dot_general3A_38 {dimension_numbers = #tpu.dot_dimension_numbers<[1], [0], [0], [1], [0, 0, 1, 1], [], []>, transpose_lhs_hint = false} : vector<10000x128xbf16>, vector<128x64xbf16>, vector<10000x64xf32> -> vector<10000x64xf32>
    %add3A_40 = arith.addf %dot_general3A_31, %dot_general3A_39 : vector<10000x64xf32>
    %get3A_41 = arith.constant 0 : index
    %get3A_42 = arith.constant 0 : index
    %get3A_43 = vector.load %arg3[%get3A_41, %get3A_42] : memref<1x64xf32, #tpu.memory_space<vmem>>, vector<1x64xf32>
    %add3A_44 = vector.broadcast %get3A_43 : vector<1x64xf32> to vector<10000x64xf32>
    %add3A_45 = arith.addf %add3A_40, %add3A_44 : vector<10000x64xf32>
    %reduce_sum3A = arith.constant dense<0.000000e+00> : vector<64xf32>
    %reduce_sum3A_46 = vector.multi_reduction <add>, %add3A_45, %reduce_sum3A [0] : vector<10000x64xf32> to vector<64xf32>
    %broadcast_in_dim3A = vector.shape_cast %reduce_sum3A_46 : vector<64xf32> to vector<1x64xf32>
    %div3A_47 = arith.constant 1.000000e+04 : f32
    %div3A_48 = vector.broadcast %div3A_47 : f32 to vector<1x64xf32>
    %div3A_49 = arith.divf %broadcast_in_dim3A, %div3A_48 : vector<1x64xf32>
    %get3A_50 = arith.constant 0 : index
    %get3A_51 = arith.constant 0 : index
    %get3A_52 = vector.load %arg6[%get3A_50, %get3A_51] : memref<64x64xf32, #tpu.memory_space<vmem>>, vector<64x64xf32>
    %convert_element_type3A_53 = arith.truncf %div3A_49 : vector<1x64xf32> to vector<1x64xbf16>
    %convert_element_type3A_54 = arith.truncf %get3A_52 : vector<64x64xf32> to vector<64x64xbf16>
    %dot_general3A_55 = arith.constant dense<0.000000e+00> : vector<1x64xf32>
    %dot_general3A_56 = tpu.matmul %convert_element_type3A_53, %convert_element_type3A_54, %dot_general3A_55 {dimension_numbers = #tpu.dot_dimension_numbers<[1], [0], [0], [1], [0, 0, 1, 1], [], []>, transpose_lhs_hint = false} : vector<1x64xbf16>, vector<64x64xbf16>, vector<1x64xf32> -> vector<1x64xf32>
    %get3A_57 = arith.constant 0 : index
    %get3A_58 = arith.constant 0 : index
    %get3A_59 = vector.load %arg7[%get3A_57, %get3A_58] : memref<1x64xf32, #tpu.memory_space<vmem>>, vector<1x64xf32>
    %add3A_60 = arith.addf %dot_general3A_56, %get3A_59 : vector<1x64xf32>
    %max3A_61 = arith.constant 0.000000e+00 : f32
    %max3A_62 = vector.broadcast %max3A_61 : f32 to vector<1x64xf32>
    %max3A_63 = arith.maximumf %add3A_60, %max3A_62 : vector<1x64xf32>
    %get3A_64 = arith.constant 0 : index
    %get3A_65 = arith.constant 0 : index
    %get3A_66 = vector.load %arg8[%get3A_64, %get3A_65] : memref<64x64xf32, #tpu.memory_space<vmem>>, vector<64x64xf32>
    %convert_element_type3A_67 = arith.truncf %max3A_63 : vector<1x64xf32> to vector<1x64xbf16>
    %convert_element_type3A_68 = arith.truncf %get3A_66 : vector<64x64xf32> to vector<64x64xbf16>
    %dot_general3A_69 = arith.constant dense<0.000000e+00> : vector<1x64xf32>
    %dot_general3A_70 = tpu.matmul %convert_element_type3A_67, %convert_element_type3A_68, %dot_general3A_69 {dimension_numbers = #tpu.dot_dimension_numbers<[1], [0], [0], [1], [0, 0, 1, 1], [], []>, transpose_lhs_hint = false} : vector<1x64xbf16>, vector<64x64xbf16>, vector<1x64xf32> -> vector<1x64xf32>
    %get3A_71 = arith.constant 0 : index
    %get3A_72 = arith.constant 0 : index
    %get3A_73 = vector.load %arg9[%get3A_71, %get3A_72] : memref<1x64xf32, #tpu.memory_space<vmem>>, vector<1x64xf32>
    %add3A_74 = arith.addf %dot_general3A_70, %get3A_73 : vector<1x64xf32>
    %max3A_75 = arith.constant 0.000000e+00 : f32
    %max3A_76 = vector.broadcast %max3A_75 : f32 to vector<1x64xf32>
    %max3A_77 = arith.maximumf %add3A_74, %max3A_76 : vector<1x64xf32>
    %get3A_78 = arith.constant 0 : index
    %get3A_79 = arith.constant 0 : index
    %get3A_80 = vector.load %arg10[%get3A_78, %get3A_79] : memref<64x1xf32, #tpu.memory_space<vmem>>, vector<64x1xf32>
    %convert_element_type3A_81 = arith.truncf %max3A_77 : vector<1x64xf32> to vector<1x64xbf16>
    %convert_element_type3A_82 = arith.truncf %get3A_80 : vector<64x1xf32> to vector<64x1xbf16>
    %dot_general3A_83 = arith.constant dense<0.000000e+00> : vector<1x1xf32>
    %dot_general3A_84 = tpu.matmul %convert_element_type3A_81, %convert_element_type3A_82, %dot_general3A_83 {dimension_numbers = #tpu.dot_dimension_numbers<[1], [0], [0], [1], [0, 0, 1, 1], [], []>, transpose_lhs_hint = false} : vector<1x64xbf16>, vector<64x1xbf16>, vector<1x1xf32> -> vector<1x1xf32>
    %get3A_85 = arith.constant 0 : index
    %get3A_86 = arith.constant 0 : index
    %get3A_87 = vector.load %arg11[%get3A_85, %get3A_86] : memref<1x1xf32, #tpu.memory_space<vmem>>, vector<1x1xf32>
    %add3A_88 = arith.addf %dot_general3A_84, %get3A_87 : vector<1x1xf32>
    %swap3A = arith.constant 0 : index
    %swap3A_89 = arith.constant 0 : index
    %swap3A_90 = vector.load %arg12[%swap3A, %swap3A_89] : memref<1x1xf32, #tpu.memory_space<vmem>>, vector<1x1xf32>
    tpu.vector_store %arg12[%swap3A, %swap3A_89], %add3A_88 {strides = array<i32>} : memref<1x1xf32, #tpu.memory_space<vmem>>, vector<1x1xf32>,
    return
  }
}

</mosaic_0001>

<sc_bundles>
// kernel: kernel.12.cloned.1.call-start
scs
__scs_entry_jumppad:
0x0: {  	(pc) =	sbr.rel $0x88, $3  }
0x1: {  	(tag) =	ssettag $0x0;
	lr =	simm.s32 $0x1  }
0x2: {  	[smem:$0x3F90] =	sst lr;
	_ =	strace $0xD0000000  }
0x3: {  	_ = 	snop  }
0x4: {  	_ = 	snop  }
0x5: {  	_ = 	snop  }
0x6: {  	_ = 	snop  }
0x7: {  	_ = 	snop  }
__scs_overlays_trampoline_lowered:
0x8: {  	[smem:$0x3F9F] =	sst s0  }
0x9: {  	[smem:$0x3FA0] =	sst s1  }
0xa: {  	[smem:$0x3FA1] =	sst s2  }
0xb: {  	[smem:$0x3FA2] =	sst s3  }
0xc: {  	[smem:$0x3FA3] =	sst s4  }
0xd: {  	[smem:$0x3FA4] =	sst s5  }
0xe: {  	[smem:$0x3FA5] =	sst s6  }
0xf: {  	[smem:$0x3FA6] =	sst s7  }
0x10: {  	[smem:$0x3FA7] =	sst s8  }
0x11: {  	[smem:$0x3FA8] =	sst s9;
	s0 =	simm.s32 @!p0 $0x0  }
0x12: {  	s1 =	sld [smem:$0x3F8E];
	s0 =	simm.s32 @p0 $0x1  }
0x13: {  	[smem:$0x3FA9] =	sst s0;
	s0 =	simm.s32 @!p1 $0x0  }
0x14: {  	s2 =	sld [smem:$0x3F8D];
	s0 =	simm.s32 @p1 $0x1  }
0x15: {  	[smem:$0x3FAA] =	sst s0;
	s0 =	simm.s32 @!p2 $0x0  }
0x16: {  	s3 =	sld [smem:$0x3FDB];
	s0 =	simm.s32 @p2 $0x1  }
0x17: {  	s4 =	simm.s32 $0x1BF5;
	[smem:$0x3FAC] =	sst s0  }
0x18: {  	s0 =	sld [smem:$0x3F8F];
	_ =	swait.ge [sflag:s4], $0x0  }
0x19: {  	s7 =	sld [smem:$0x3F90]  }
0x1a: {  	s8 =	sadd.s32 $0xFFFFE003, lr  }
0x1b: {  	s9 =	sadd.s32 $0xFFFFFEF7, lr;
	s5 =	simm.s32 $0xFFFFFFFF;
	p2 =	slt.u32 s8, $0xFFFFF086  }
0x1c: {  	p1 =	slt.u32 s9, $0xF7A;
	s5 =	simm.s32 @!p2 $0x0  }
0x1d: {  	s5 =	simm.s32 @p1 $0x1;
	p0 =	seq.s32 s7, s2  }
0x1e: {  	s7 =	smul.u32 @!p0 $0xF7A, s2;
	p2 =	seq.s32 @!p0 s5, $0x0  }
0x1f: {  	s9 =	smul.u32 $0xF7A, s1;
	s8 =	simm.s32 @!p0 $0x1BF5;
	p2 =	por !p2, p0  }
0x20: {  	[sflag:s8] =	ssyncset.s32 @!p0 $0xFFFFF086;
	s6 =	sadd.s32 @!p0 s3, s7;
	s7 =	simm.s32 @!p0 $0x108  }
0x21: {  	s3 =	sadd.s32 s3, s9;
	s6 =	sadd.s32 @!p0 $0x88, s6;
	s7 =	simm.s32 @p2 $0x1082  }
0x22: {  	[simem:s7], [sflag:s8] =	dma.local @!p0 [hbm:s6], $0xF7A  }
0x23: {  	s9 =	sor.u32 $0xD0000000, s2;
	s6 =	simm.s32 $0x108;
	_ =	swait.ge @!p0 [sflag:s8], $0x0  }
0x24: {  	s3 =	sadd.s32 $0x88, s3;
	s6 =	simm.s32 @!p1 $0x1082;
	[sflag:s4] =	ssyncset.s32 $0xFFFFF086  }
0x25: {  	[simem:s6], [sflag:s4] =	dma.local [hbm:s3], $0xF7A  }
0x26: {  	[smem:$0x3F90] =	sst s1;
	(tag) =	ssettag s2;
	_ =	strace s9  }
0x27: {  	s1 =	sld [smem:$0x3FA0]  }
0x28: {  	s2 =	sld [smem:$0x3FA1]  }
0x29: {  	s4 =	sld [smem:$0x3FA3]  }
0x2a: {  	p0 =	seq.s32 s5, $0x0;
	s5 =	sld [smem:$0x3FA4]  }
0x2b: {  	s6 =	sld [smem:$0x3FA5]  }
0x2c: {  	s7 =	sld [smem:$0x3FA6]  }
0x2d: {  	s3 =	simm.s32 $0x108;
	s8 =	sld [smem:$0x3FA7]  }
0x2e: {  	s3 =	simm.s32 @!p0 $0x1082;
	s9 =	sld [smem:$0x3FA8]  }
0x2f: {  	lr =	sadd.s32 s0, s3;
	s0 =	sld [smem:$0x3F9F]  }
0x30: {  	s3 =	sld [smem:$0x3FA2]  }
0x31: {  	[smem:$0x3FAB] =	sst s10  }
0x32: {  	s10 =	sld [smem:$0x3FA9];
	_ =	sdelay $0x3  }
0x33: {  	p0 =	seq.s32 s10, $0x1;
	s10 =	sld [smem:$0x3FAB];
	_ =	sdelay $0x3  }
0x34: {  	[smem:$0x3FAB] =	sst s10  }
0x35: {  	s10 =	sld [smem:$0x3FAA];
	_ =	sdelay $0x3  }
0x36: {  	p1 =	seq.s32 s10, $0x1;
	s10 =	sld [smem:$0x3FAB];
	_ =	sdelay $0x3  }
0x37: {  	[smem:$0x3FAB] =	sst s10  }
0x38: {  	s10 =	sld [smem:$0x3FAC]  }
0x39: {  	_ = 	snop;
	(pc) =	sbr.ind lr, $3  }
0x3a: {  	_ = 	snop  }
0x3b: {  	_ = 	snop  }
0x3c: {  	p2 =	seq.s32 s10, $0x1;
	s10 =	sld [smem:$0x3FAB]  }
0x3d: {  	_ =	shalt  }
0x3e: {  	_ =	shalt  }
0x3f: {  	_ =	shalt  }
0x40: {  	_ =	shalt  }
0x41: {  	_ =	shalt  }
0x42: {  	_ =	shalt  }
0x43: {  	_ =	shalt  }
0x44: {  	_ =	shalt  }
0x45: {  	_ =	shalt  }
0x46: {  	_ =	shalt  }
0x47: {  	_ =	shalt  }
0x48: {  	_ =	shalt  }
0x49: {  	_ =	shalt  }
0x4a: {  	_ =	shalt  }
0x4b: {  	_ =	shalt  }
0x4c: {  	_ =	shalt  }
0x4d: {  	_ =	shalt  }
0x4e: {  	_ =	shalt  }
0x4f: {  	_ =	shalt  }
0x50: {  	_ =	shalt  }
0x51: {  	_ =	shalt  }
0x52: {  	_ =	shalt  }
0x53: {  	_ =	shalt  }
0x54: {  	_ =	shalt  }
0x55: {  	_ =	shalt  }
0x56: {  	_ =	shalt  }
0x57: {  	_ =	shalt  }
0x58: {  	_ =	shalt  }
0x59: {  	_ =	shalt  }
0x5a: {  	_ =	shalt  }
0x5b: {  	_ =	shalt  }
0x5c: {  	_ =	shalt  }
0x5d: {  	_ =	shalt  }
0x5e: {  	_ =	shalt  }
0x5f: {  	_ =	shalt  }
0x60: {  	_ =	shalt  }
0x61: {  	_ =	shalt  }
0x62: {  	_ =	shalt  }
0x63: {  	_ =	shalt  }
0x64: {  	_ =	shalt  }
0x65: {  	_ =	shalt  }
0x66: {  	_ =	shalt  }
0x67: {  	_ =	shalt  }
0x68: {  	_ =	shalt  }
0x69: {  	_ =	shalt  }
0x6a: {  	_ =	shalt  }
0x6b: {  	_ =	shalt  }
0x6c: {  	_ =	shalt  }
0x6d: {  	_ =	shalt  }
0x6e: {  	_ =	shalt  }
0x6f: {  	_ =	shalt  }
0x70: {  	_ =	shalt  }
0x71: {  	_ =	shalt  }
0x72: {  	_ =	shalt  }
0x73: {  	_ =	shalt  }
0x74: {  	_ =	shalt  }
0x75: {  	_ =	shalt  }
0x76: {  	_ =	shalt  }
0x77: {  	_ =	shalt  }
0x78: {  	_ =	shalt  }
0x79: {  	_ =	shalt  }
0x7a: {  	_ =	shalt  }
0x7b: {  	_ =	shalt  }
0x7c: {  	_ =	shalt  }
0x7d: {  	_ =	shalt  }
0x7e: {  	_ =	shalt  }
0x7f: {  	_ =	shalt  }
0x80: {  	_ =	shalt  }
0x81: {  	_ =	shalt  }
0x82: {  	_ =	shalt  }
0x83: {  	_ =	shalt  }
0x84: {  	_ =	shalt  }
0x85: {  	_ =	shalt  }
0x86: {  	_ =	shalt  }
0x87: {  	_ =	shalt  }
.Lfunc_end0:
.L_simem_size_0:
called_computation.1_lowered:
.L_overlay_start_0:
0x88: {  	s2 =	sld [smem:$0x3FD9]  }
0x89: {  	s3 =	sld [smem:$0x3FFE];
	_ =	sdelay $0x1  }
0x8a: {  	s1 =	srdreg.scid  }
0x8b: {  	s0 =	sand.u32 $0x1, s1  }
0x8c: {  	s17 =	sshll.u32 s0, $0xA;
	s2 =	sadd.s32 s3, s2  }
0x8d: {  	s2 =	sadd.s32 s2, s17  }
0x8e: {  	[smem:$0x3FB7] =	sst s2  }
0x8f: {  	_ = 	snop  }
0x90: {  	s2 =	sld [smem:$0x3FC9];
	(tm) =	ssettm $0x1  }
0x91: {  	s18 =	sld [smem:$0x3FFB];
	_ =	sdelay $0x3  }
0x92: {  	_ =	strace s18  }
0x93: {  	s3 =	sld [smem:$0x3FFC];
	_ =	sdelay $0x3  }
0x94: {  	_ =	strace s3  }
0x95: {  	s3 =	sld [smem:$0x3FFD];
	_ =	sdelay $0x3  }
0x96: {  	_ =	strace s3  }
0x97: {  	_ =	strace $0x8FFFFFFF  }
0x98: {  	s19 =	sld [smem:$0x3FDB];
	_ =	sdelay $0x1  }
0x99: {  	s4 =	simm.s32 $_scs_section_size  }
0x9a: {  	s5 =	simm.s32 $_size__tile_overlayer_lowered;
	s6 =	simm.s32 $_tile_overlayer_lowered  }
0x9b: {  	s22 =	simm.s32 $0x1BFF;
	s21 =	sshll.u32 s6, $0x1;
	s3 =	sadd.s32 s4, s19  }
0x9c: {  	s7 =	simm.s32 $0x0;
	s20 =	sshll.u32 s5, $0x1;
	s5 =	sadd.s32 s21, s3  }
0x9d: {  	[timem:s7], [sflag:s22] =	dma.local [hbm:s5], s20  }
0x9e: {  	_ =	swait.ge [sflag:s22], s20  }
0x9f: {  	s4 =	ssub.s32 $0x0, s20;
	[sflag:s22] =	ssyncset.done $0x0  }
0xa0: {  	[sflag:s22] =	ssyncadd.s32 s4;
	_ =	sdelay $0x1  }
0xa1: {  	s23 =	simm.s32 $0x1B8B  }
0xa2: {  	_ =	swait.ge [sflag:s23], $0x1  }
0xa3: {  	[sflag:s23] =	ssyncset.done $0x0  }
0xa4: {  	s25 =	simm.s32 $0x1B8E;
	s24 =	sld [smem:$0x3FFE];
	[sflag:s23] =	ssyncadd.s32 $0xFFFFFFFF  }
0xa5: {  	s26 =	simm.s32 $execute0_lowered;
	[smem:$0x3FD2] =	sst s25  }
0xa6: {  	s5 =	sshll.u32 s26, $0x1;
	_ =	strace $0x80000046;
	[dreg:$0x1] =	wrdreg $0xFFFFFFFF  }
0xa7: {  	s28 =	simm.s32 $_size_execute0_lowered;
	s3 =	sadd.s32 s3, s5;
	[dreg:$0x0] =	wrdreg $0x0  }
0xa8: {  	s5 =	sshll.u32 s28, $0x1;
	[dreg:$0x2] =	wrdreg s3  }
0xa9: {  	[dreg:$0x3] =	wrdreg s5  }
0xaa: {  	[dreg:$0x4] =	wrdreg $0xC0  }
0xab: {  	_ =	task [dreg:s7], $0x5FFFF  }
0xac: {  	[dreg:$0x1] =	wrdreg $0xFFFFFFFF  }
0xad: {  	[dreg:$0x0] =	wrdreg $0x60  }
0xae: {  	[dreg:$0x2] =	wrdreg s2  }
0xaf: {  	[dreg:$0x3] =	wrdreg s24  }
0xb0: {  	[dreg:$0x4] =	wrdreg $0x0  }
0xb1: {  	[dreg:$0x5] =	wrdreg $0xA  }
0xb2: {  	_ =	task.clear_ibuf [dreg:s7], $0x6FFFF;
	_ =	strace $0x90000046  }
0xb3: {  	s29 =	simm.s32 $0xA;
	_ =	strace $0x80000048  }
0xb4: {  	_ =	swait.ge [sflag:s29], $0x1  }
0xb5: {  	[sflag:s29] =	ssyncadd.s32 $0xFFFFFFFF  }
0xb6: {  	_ =	strace $0x90000048  }
0xb7: {  	_ =	sfence  }
0xb8: {  	s30 =	sld [smem:$0x0];
	_ =	sdelay $0x2  }
0xb9: {  	s31 =	sshll.u32 s1, $0xD;
	s1 =	sshrl.u32 s1, $0x2  }
0xba: {  	s3 =	sand.u32 $0x4000, s31;
	s1 =	sadd.s32 s1, s30  }
0xbb: {  	s0 =	sor.u32 s3, s0;
	s1 =	sshll.u32 s1, $0x11  }
0xbc: {  	s0 =	sor.u32 s1, s0  }
0xbd: {  	s0 =	sadd.s32 $0x8F2B, s0  }
0xbe: {  	[sflag:s0] =	ssyncadd.remote.s32 $0x1  }
0xbf: {  	_ =	sfence.sel $0xFFFF  }
0xc0: {  	[dreg:$0x0] =	wrdreg $0xFFFFFFFF;
	(pc) =	sbr.abs _section_cstart, $3  }
0xc1: {  	[dreg:$0x1] =	wrdreg $0xFFFFFFFF  }
0xc2: {  	_ =	task.clear_ibuf [dreg:s7], $0x2FFFF;
	_ =	strace $0x9FFFFFFF  }
0xc3: {  	(tm) =	ssettm $0x7FFFFFFF  }
tec
execute0_lowered:
.L_overlay_start_1:
0x0: {  	(tag) =	ssettag $0x1  }
0x1: {  	s1 =	rddreg [dreg:$0x0]  }
0x2: {  	s0 =	rddreg [dreg:$0x1]  }
0x3: {  	s2 =	rddreg [dreg:$0x2];
	s3 =	simm.s32 $0x0;
	s4 =	srdreg.scid  }
0x4: {  	s10 =	stileid.u32;
	s28 =	simm.s32 $0x18400;
	s29 =	simm.s32 $0x13C80  }
0x5: {  	s30 =	simm.s32 $0x1A400;
	s31 =	simm.s32 $0x13CC0;
	[smem:$0x7FF] =	sst s3  }
0x6: {  	s5 =	sadd.s32 $0xDA00, s0;
	s4 =	sand.u32 $0x1, s4;
	s11 =	sadd.s32 $0x3A00, s0  }
0x7: {  	s7 =	smul.u32 $0x4F000, s10;
	s8 =	sadd.s32 $0x17A00, s0;
	s0 =	sadd.s32 $0x18200, s0  }
0x8: {  	s12 =	smul.u32 $0x13C00, s10;
	_ =	strace $0x80000047;
	s6 =	ssub.s32 $0x2, s4  }
0x9: {  	[dreg:$0x4] =	wrdreg s8;
	s9 =	sshll.u32 s4, $0x4;
	s4 =	smul.u32 $0x13C000, s4  }
0xa: {  	s18 =	sshrl.u32 s6, $0x1;
	s7 =	sshrl.u32 s7, $0x2;
	s19 =	sor.u32 s10, s9  }
0xb: {  	s14 =	sadd.s32 $0x4000, s12;
	s15 =	sadd.s32 $0x8000, s12;
	s16 =	sadd.s32 $0xC000, s12  }
0xc: {  	s17 =	sadd.s32 $0x10000, s12;
	s13 =	ssub.s32 s6, s18;
	s6 =	sadd.s32 s7, s2  }
0xd: {  	s9 =	smul.u32 $0x2800, s19;
	s7 =	sadd.s32 s14, s2;
	s8 =	sadd.s32 s15, s2  }
0xe: {  	s10 =	sadd.s32 s17, s2;
	s12 =	sadd.s32 s12, s4;
	s22 =	sadd.s32 s4, s14  }
0xf: {  	s24 =	sadd.s32 s4, s15;
	s25 =	sadd.s32 s4, s16;
	s4 =	sadd.s32 s4, s17  }
0x10: {  	s14 =	simm.s32 $0x16300;
	s15 =	simm.s32 $0x16380;
	s21 =	sshrl.u32 s12, $0x3  }
0x11: {  	s23 =	sshrl.u32 s22, $0x3;
	s4 =	sshrl.u32 s4, $0x3;
	s18 =	sshrl.u32 s9, $0x3  }
0x12: {  	s22 =	simm.s32 $0x5;
	s12 =	simm.s32 $0x3;
	s19 =	sadd.s32 s5, s18  }
0x13: {  	s20 =	sadd.s32 s11, s18;
	s18 =	sadd.s32 $0x280, s18;
	[dreg:$0x5] =	wrdreg s19  }
0x14: {  	s9 =	sadd.s32 s16, s2;
	[dreg:$0x6] =	wrdreg s20;
	s5 =	sadd.s32 s5, s18  }
0x15: {  	s16 =	simm.s32 $0x0;
	s11 =	sadd.s32 s11, s18;
	[dreg:$0x7] =	wrdreg s5  }
0x16: {  	s20 =	smax.u32 s13, $0x1;
	s13 =	simm.s32 $0x4;
	[dreg:$0x8] =	wrdreg s11  }
0x17: {  	s5 =	sadd.s32 s0, s21;
	s11 =	sshrl.u32 s25, $0x3;
	s21 =	simm.s32 $0x16400  }
0x18: {  	s25 =	simm.s32 $0x40;
	[dreg:$0x9] =	wrdreg s5;
	s5 =	sadd.s32 s0, s23  }
0x19: {  	s26 =	sadd.s32 s0, s11;
	s23 =	simm.s32 $0x13C00;
	[dreg:$0xa] =	wrdreg s5  }
0x1a: {  	s11 =	simm.s32 $0x2;
	s5 =	sshrl.u32 s24, $0x3;
	[dreg:$0xc] =	wrdreg s26  }
0x1b: {  	s24 =	simm.s32 $0x15000;
	s26 =	simm.s32 $0x13C40;
	s5 =	sadd.s32 s0, s5  }
0x1c: {  	s0 =	sadd.s32 s0, s4;
	s4 =	simm.s32 $0x1;
	[dreg:$0xb] =	wrdreg s5  }
0x1d: {  	[dreg:$0xd] =	wrdreg s0;
	s0 =	simm.s32 $0x1C400;
	s5 =	simm.s32 $0x80  }
.LBB2_1:
0x1e: {  	s17 =	rddreg [dreg:$0x4]  }
0x1f: {  	[tilespmem:s21], [sflag:$0x5] =	stream.linear.gather [hbm4b:s17+s3], $0x4000, $0x38;
	[tilespmem:$0x1E400] =	vst v63  }
0x20: {  	_ =	swait.ge [sflag:s22], $0x4000  }
0x21: {  	[sflag:s22] =	ssyncset.done $0x0  }
0x22: {  	[sflag:s22] =	ssyncadd.s32 $0xFFFFC000  }
0x23: {  	[spmem:s6] =	stream.linear.scatter [tilespmem:s21], [sflag:$0x5], $0x4000, $0x38;
	[tilespmem:$0x1E400] =	vst v63  }
0x24: {  	_ =	swait.ge [sflag:s22], $0x4000  }
0x25: {  	[sflag:s22] =	ssyncset.done $0x0  }
0x26: {  	[sflag:s22] =	ssyncadd.s32 $0xFFFFC000  }
0x27: {  	[spmem:s7] =	stream.linear.scatter [tilespmem:s21], [sflag:$0x5], $0x4000, $0x38;
	[tilespmem:$0x1E400] =	vst v63  }
0x28: {  	_ =	swait.ge [sflag:s22], $0x4000  }
0x29: {  	[sflag:s22] =	ssyncset.done $0x0  }
0x2a: {  	[sflag:s22] =	ssyncadd.s32 $0xFFFFC000  }
0x2b: {  	[spmem:s8] =	stream.linear.scatter [tilespmem:s21], [sflag:$0x5], $0x4000, $0x38;
	[tilespmem:$0x1E400] =	vst v63  }
0x2c: {  	_ =	swait.ge [sflag:s22], $0x4000  }
0x2d: {  	[sflag:s22] =	ssyncset.done $0x0  }
0x2e: {  	[sflag:s22] =	ssyncadd.s32 $0xFFFFC000  }
0x2f: {  	[spmem:s9] =	stream.linear.scatter [tilespmem:s21], [sflag:$0x5], $0x4000, $0x38;
	[tilespmem:$0x1E400] =	vst v63  }
0x30: {  	_ =	swait.ge [sflag:s22], $0x4000  }
0x31: {  	[sflag:s22] =	ssyncset.done $0x0  }
0x32: {  	[sflag:s22] =	ssyncadd.s32 $0xFFFFC000  }
0x33: {  	[spmem:s10] =	stream.linear.scatter [tilespmem:s21], [sflag:$0x5], $0x3C00, $0x38;
	[tilespmem:$0x1E400] =	vst v63  }
0x34: {  	_ =	swait.ge [sflag:s22], $0x3C00  }
0x35: {  	[sflag:s22] =	ssyncset.done $0x0  }
0x36: {  	[sflag:s22] =	ssyncadd.s32 $0xFFFFC400  }
0x37: {  	[bflag:$0x0] =	sbarrier.arrive $0xFFFF  }
0x38: {  	s19 =	rddreg [dreg:$0x5]  }
0x39: {  	[tilespmem:s23], [sflag:$0x5] =	stream.linear.gather [hbm4b:s19+s3], $0x1400, $0x38;
	[tilespmem:$0x1E400] =	vst v63  }
0x3a: {  	_ =	swait.ge [sflag:s22], $0x1400  }
0x3b: {  	[sflag:s22] =	ssyncset.done $0x0  }
0x3c: {  	s18 =	rddreg [dreg:$0x6];
	[sflag:s22] =	ssyncadd.s32 $0xFFFFEC00  }
0x3d: {  	[tilespmem:s24], [sflag:$0x5] =	stream.linear.gather [hbm4b:s18+s3], $0x1400, $0x38;
	[tilespmem:$0x1E400] =	vst v63  }
0x3e: {  	_ =	swait.ge [sflag:s22], $0x1400  }
0x3f: {  	[sflag:s22] =	ssyncset.done $0x0  }
0x40: {  	[sflag:s22] =	ssyncadd.s32 $0xFFFFEC00  }
0x41: {  	[tilespmem:s21], [sflag:$0x1] =	stream.indirect.gather [hbm4b:s1+s25], $0x80, s23, s25, $0xb8;
	[tilespmem:$0x1E400] =	vst v63  }
0x42: {  	_ = 	snop  }
0x43: {  	[tilespmem:s28], [sflag:$0x1] =	stream.indirect.gather [hbm4b:s1+s25], $0x80, s26, s25, $0xb8;
	[tilespmem:$0x1E400] =	vst v63  }
0x44: {  	_ = 	snop  }
0x45: {  	[tilespmem:s30], [sflag:$0x2] =	stream.indirect.gather [hbm4b:s1+s25], $0x80, s29, s25, $0xb8;
	[tilespmem:$0x1E400] =	vst v63  }
0x46: {  	_ = 	snop  }
0x47: {  	[tilespmem:s0], [sflag:$0x2] =	stream.indirect.gather [hbm4b:s1+s25], $0x80, s31, s25, $0xb8;
	[tilespmem:$0x1E400] =	vst v63  }
0x48: {  	_ =	swait.ge [sflag:s4], $0x4000  }
0x49: {  	[sflag:s4] =	ssyncset.done $0x0  }
0x4a: {  	s19 =	simm.s32 $0x15000;
	[sflag:s4] =	ssyncadd.s32 $0xFFFFC000  }
0x4b: {  	[spmem:s2] =	stream.indirect.scatter.add.f32 [tilespmem:s21], [sflag:$0x3], $0x80, s19, s5, $0xb8;
	[tilespmem:$0x1E400] =	vst v63  }
0x4c: {  	_ =	swait.ge [sflag:s11], $0x4000  }
0x4d: {  	[sflag:s11] =	ssyncset.done $0x0  }
0x4e: {  	s18 =	simm.s32 $0x15080;
	[sflag:s11] =	ssyncadd.s32 $0xFFFFC000  }
0x4f: {  	[spmem:s2] =	stream.indirect.scatter.add.f32 [tilespmem:s30], [sflag:$0x4], $0x80, s18, s5, $0xb8;
	[tilespmem:$0x1E400] =	vst v63  }
0x50: {  	_ =	swait.ge [sflag:s12], $0x4000  }
0x51: {  	[sflag:s12] =	ssyncset.done $0x0  }
0x52: {  	s19 =	simm.s32 $0x13D00;
	[sflag:s12] =	ssyncadd.s32 $0xFFFFC000  }
0x53: {  	[tilespmem:s21], [sflag:$0x1] =	stream.indirect.gather [hbm4b:s1+s25], $0x80, s19, s25, $0xb8;
	[tilespmem:$0x1E400] =	vst v63  }
0x54: {  	s18 =	simm.s32 $0x13D40  }
0x55: {  	[tilespmem:s28], [sflag:$0x1] =	stream.indirect.gather [hbm4b:s1+s25], $0x80, s18, s25, $0xb8;
	[tilespmem:$0x1E400] =	vst v63  }
0x56: {  	_ =	swait.ge [sflag:s13], $0x4000  }
0x57: {  	s17 =	simm.s32 $0x400;
	[sflag:s13] =	ssyncset.done $0x0  }
0x58: {  	s19 =	simm.s32 $0x13D80;
	s18 =	simm.s32 $0x13DC0;
	[sflag:s13] =	ssyncadd.s32 $0xFFFFC000  }
0x59: {  	[tilespmem:s30], [sflag:$0x2] =	stream.indirect.gather [hbm4b:s1+s25], $0x80, s19, s25, $0xb8;
	[tilespmem:$0x1E400] =	vst v63  }
.LBB2_2:
0x5a: {  	[tilespmem:s0], [sflag:$0x2] =	stream.indirect.gather [hbm4b:s1+s25], $0x80, s18, s25, $0xb8;
	[tilespmem:$0x1E400] =	vst v63  }
0x5b: {  	s18 =	smov.u32 s17  }
0x5c: {  	p0 =	sne.s32 s17, $0x4800;
	s17 =	sadd.s32 $0x400, s17;
	_ =	swait.ge [sflag:s4], $0x4000  }
0x5d: {  	s18 =	sshra.s32 s18, $0x2;
	[sflag:s4] =	ssyncset.done $0x0  }
0x5e: {  	s19 =	sadd.s32 $0x15000, s18;
	[sflag:s4] =	ssyncadd.s32 $0xFFFFC000  }
0x5f: {  	[spmem:s2] =	stream.indirect.scatter.add.f32 [tilespmem:s21], [sflag:$0x3], $0x80, s19, s5, $0xb8;
	[tilespmem:$0x1E400] =	vst v63  }
0x60: {  	_ =	swait.ge [sflag:s11], $0x4000  }
0x61: {  	[sflag:s11] =	ssyncset.done $0x0  }
0x62: {  	s19 =	sadd.s32 $0x15080, s18;
	[sflag:s11] =	ssyncadd.s32 $0xFFFFC000  }
0x63: {  	[spmem:s2] =	stream.indirect.scatter.add.f32 [tilespmem:s30], [sflag:$0x4], $0x80, s19, s5, $0xb8;
	[tilespmem:$0x1E400] =	vst v63  }
0x64: {  	_ =	swait.ge [sflag:s12], $0x4000  }
0x65: {  	[sflag:s12] =	ssyncset.done $0x0  }
0x66: {  	s19 =	sadd.s32 $0x13D00, s18;
	[sflag:s12] =	ssyncadd.s32 $0xFFFFC000  }
0x67: {  	[tilespmem:s21], [sflag:$0x1] =	stream.indirect.gather [hbm4b:s1+s25], $0x80, s19, s25, $0xb8;
	[tilespmem:$0x1E400] =	vst v63  }
0x68: {  	s19 =	sadd.s32 $0x13D40, s18  }
0x69: {  	[tilespmem:s28], [sflag:$0x1] =	stream.indirect.gather [hbm4b:s1+s25], $0x80, s19, s25, $0xb8;
	[tilespmem:$0x1E400] =	vst v63  }
.Ltmp0:
0x6a: {  	_ =	swait.ge [sflag:s13], $0x4000;
	(pc) =	sbr.rel @p0 .LBB2_2-.Ltmp0, $4  }
0x6b: {  	[sflag:s13] =	ssyncset.done $0x0  }
0x6c: {  	s19 =	sadd.s32 $0x13D80, s18;
	[sflag:s13] =	ssyncadd.s32 $0xFFFFC000  }
0x6d: {  	[tilespmem:s30], [sflag:$0x2] =	stream.indirect.gather [hbm4b:s1+s25], $0x80, s19, s25, $0xb8;
	[tilespmem:$0x1E400] =	vst v63  }
0x6e: {  	s18 =	sadd.s32 $0x13DC0, s18  }
0x6f: {  	[tilespmem:s0], [sflag:$0x2] =	stream.indirect.gather [hbm4b:s1+s25], $0x80, s18, s25, $0xb8;
	[tilespmem:$0x1E400] =	vst v63  }
0x70: {  	_ =	swait.ge [sflag:s4], $0x4000  }
0x71: {  	[sflag:s4] =	ssyncset.done $0x0  }
0x72: {  	[sflag:s4] =	ssyncadd.s32 $0xFFFFC000  }
0x73: {  	[spmem:s2] =	stream.indirect.scatter.add.f32 [tilespmem:s21], [sflag:$0x3], $0x80, s14, s5, $0xb8;
	[tilespmem:$0x1E400] =	vst v63  }
0x74: {  	_ =	swait.ge [sflag:s11], $0x4000  }
0x75: {  	[sflag:s11] =	ssyncset.done $0x0  }
0x76: {  	[sflag:s11] =	ssyncadd.s32 $0xFFFFC000  }
0x77: {  	[spmem:s2] =	stream.indirect.scatter.add.f32 [tilespmem:s30], [sflag:$0x4], $0x80, s15, s5, $0xb8;
	[tilespmem:$0x1E400] =	vst v63  }
0x78: {  	_ =	swait.ge [sflag:s12], $0x4000  }
0x79: {  	[sflag:s12] =	ssyncset.done $0x0  }
0x7a: {  	[sflag:s12] =	ssyncadd.s32 $0xFFFFC000  }
0x7b: {  	_ =	swait.ge [sflag:s13], $0x4000  }
0x7c: {  	[sflag:s13] =	ssyncset.done $0x0  }
0x7d: {  	s17 =	simm.s32 $0x0;
	s19 =	rddreg [dreg:$0x7];
	[sflag:s13] =	ssyncadd.s32 $0xFFFFC000  }
0x7e: {  	[tilespmem:s23], [sflag:$0x5] =	stream.linear.gather [hbm4b:s19+s17], $0x1400, $0x38;
	[tilespmem:$0x1E400] =	vst v63  }
0x7f: {  	_ =	swait.ge [sflag:s22], $0x1400  }
0x80: {  	[sflag:s22] =	ssyncset.done $0x0  }
0x81: {  	s19 =	rddreg [dreg:$0x8];
	[sflag:s22] =	ssyncadd.s32 $0xFFFFEC00  }
0x82: {  	[tilespmem:s24], [sflag:$0x5] =	stream.linear.gather [hbm4b:s19+s17], $0x1400, $0x38;
	[tilespmem:$0x1E400] =	vst v63  }
0x83: {  	_ =	swait.ge [sflag:s22], $0x1400  }
0x84: {  	[sflag:s22] =	ssyncset.done $0x0  }
0x85: {  	[sflag:s22] =	ssyncadd.s32 $0xFFFFEC00  }
0x86: {  	[tilespmem:s21], [sflag:$0x1] =	stream.indirect.gather [hbm4b:s1+s25], $0x80, s23, s25, $0xb8;
	[tilespmem:$0x1E400] =	vst v63  }
0x87: {  	_ = 	snop  }
0x88: {  	[tilespmem:s28], [sflag:$0x1] =	stream.indirect.gather [hbm4b:s1+s25], $0x80, s26, s25, $0xb8;
	[tilespmem:$0x1E400] =	vst v63  }
0x89: {  	_ = 	snop  }
0x8a: {  	[tilespmem:s30], [sflag:$0x2] =	stream.indirect.gather [hbm4b:s1+s25], $0x80, s29, s25, $0xb8;
	[tilespmem:$0x1E400] =	vst v63  }
0x8b: {  	_ = 	snop  }
0x8c: {  	[tilespmem:s0], [sflag:$0x2] =	stream.indirect.gather [hbm4b:s1+s25], $0x80, s31, s25, $0xb8;
	[tilespmem:$0x1E400] =	vst v63  }
0x8d: {  	_ =	swait.ge [sflag:s4], $0x4000  }
0x8e: {  	[sflag:s4] =	ssyncset.done $0x0  }
0x8f: {  	s19 =	simm.s32 $0x15000;
	[sflag:s4] =	ssyncadd.s32 $0xFFFFC000  }
0x90: {  	[spmem:s2] =	stream.indirect.scatter.add.f32 [tilespmem:s21], [sflag:$0x3], $0x80, s19, s5, $0xb8;
	[tilespmem:$0x1E400] =	vst v63  }
0x91: {  	_ =	swait.ge [sflag:s11], $0x4000  }
0x92: {  	[sflag:s11] =	ssyncset.done $0x0  }
0x93: {  	s18 =	simm.s32 $0x15080;
	[sflag:s11] =	ssyncadd.s32 $0xFFFFC000  }
0x94: {  	[spmem:s2] =	stream.indirect.scatter.add.f32 [tilespmem:s30], [sflag:$0x4], $0x80, s18, s5, $0xb8;
	[tilespmem:$0x1E400] =	vst v63  }
0x95: {  	_ =	swait.ge [sflag:s12], $0x4000  }
0x96: {  	[sflag:s12] =	ssyncset.done $0x0  }
0x97: {  	s19 =	simm.s32 $0x13D00;
	[sflag:s12] =	ssyncadd.s32 $0xFFFFC000  }
0x98: {  	[tilespmem:s21], [sflag:$0x1] =	stream.indirect.gather [hbm4b:s1+s25], $0x80, s19, s25, $0xb8;
	[tilespmem:$0x1E400] =	vst v63  }
0x99: {  	s18 =	simm.s32 $0x13D40  }
0x9a: {  	[tilespmem:s28], [sflag:$0x1] =	stream.indirect.gather [hbm4b:s1+s25], $0x80, s18, s25, $0xb8;
	[tilespmem:$0x1E400] =	vst v63  }
0x9b: {  	_ =	swait.ge [sflag:s13], $0x4000  }
0x9c: {  	s17 =	simm.s32 $0x400;
	[sflag:s13] =	ssyncset.done $0x0  }
0x9d: {  	s19 =	simm.s32 $0x13D80;
	s18 =	simm.s32 $0x13DC0;
	[sflag:s13] =	ssyncadd.s32 $0xFFFFC000  }
0x9e: {  	[tilespmem:s30], [sflag:$0x2] =	stream.indirect.gather [hbm4b:s1+s25], $0x80, s19, s25, $0xb8;
	[tilespmem:$0x1E400] =	vst v63  }
.LBB2_4:
0x9f: {  	[tilespmem:s0], [sflag:$0x2] =	stream.indirect.gather [hbm4b:s1+s25], $0x80, s18, s25, $0xb8;
	[tilespmem:$0x1E400] =	vst v63  }
0xa0: {  	s18 =	smov.u32 s17  }
0xa1: {  	p0 =	sne.s32 s17, $0x4800;
	s17 =	sadd.s32 $0x400, s17;
	_ =	swait.ge [sflag:s4], $0x4000  }
0xa2: {  	s18 =	sshra.s32 s18, $0x2;
	[sflag:s4] =	ssyncset.done $0x0  }
0xa3: {  	s19 =	sadd.s32 $0x15000, s18;
	[sflag:s4] =	ssyncadd.s32 $0xFFFFC000  }
0xa4: {  	[spmem:s2] =	stream.indirect.scatter.add.f32 [tilespmem:s21], [sflag:$0x3], $0x80, s19, s5, $0xb8;
	[tilespmem:$0x1E400] =	vst v63  }
0xa5: {  	_ =	swait.ge [sflag:s11], $0x4000  }
0xa6: {  	[sflag:s11] =	ssyncset.done $0x0  }
0xa7: {  	s19 =	sadd.s32 $0x15080, s18;
	[sflag:s11] =	ssyncadd.s32 $0xFFFFC000  }
0xa8: {  	[spmem:s2] =	stream.indirect.scatter.add.f32 [tilespmem:s30], [sflag:$0x4], $0x80, s19, s5, $0xb8;
	[tilespmem:$0x1E400] =	vst v63  }
0xa9: {  	_ =	swait.ge [sflag:s12], $0x4000  }
0xaa: {  	[sflag:s12] =	ssyncset.done $0x0  }
0xab: {  	s19 =	sadd.s32 $0x13D00, s18;
	[sflag:s12] =	ssyncadd.s32 $0xFFFFC000  }
0xac: {  	[tilespmem:s21], [sflag:$0x1] =	stream.indirect.gather [hbm4b:s1+s25], $0x80, s19, s25, $0xb8;
	[tilespmem:$0x1E400] =	vst v63  }
0xad: {  	s19 =	sadd.s32 $0x13D40, s18  }
0xae: {  	[tilespmem:s28], [sflag:$0x1] =	stream.indirect.gather [hbm4b:s1+s25], $0x80, s19, s25, $0xb8;
	[tilespmem:$0x1E400] =	vst v63  }
.Ltmp1:
0xaf: {  	_ =	swait.ge [sflag:s13], $0x4000;
	(pc) =	sbr.rel @p0 .LBB2_4-.Ltmp1, $4  }
0xb0: {  	[sflag:s13] =	ssyncset.done $0x0  }
0xb1: {  	s19 =	sadd.s32 $0x13D80, s18;
	[sflag:s13] =	ssyncadd.s32 $0xFFFFC000  }
0xb2: {  	[tilespmem:s30], [sflag:$0x2] =	stream.indirect.gather [hbm4b:s1+s25], $0x80, s19, s25, $0xb8;
	[tilespmem:$0x1E400] =	vst v63  }
0xb3: {  	s18 =	sadd.s32 $0x13DC0, s18  }
0xb4: {  	[tilespmem:s0], [sflag:$0x2] =	stream.indirect.gather [hbm4b:s1+s25], $0x80, s18, s25, $0xb8;
	[tilespmem:$0x1E400] =	vst v63  }
0xb5: {  	_ =	swait.ge [sflag:s4], $0x4000  }
0xb6: {  	[sflag:s4] =	ssyncset.done $0x0  }
0xb7: {  	[sflag:s4] =	ssyncadd.s32 $0xFFFFC000  }
0xb8: {  	[spmem:s2] =	stream.indirect.scatter.add.f32 [tilespmem:s21], [sflag:$0x3], $0x80, s14, s5, $0xb8;
	[tilespmem:$0x1E400] =	vst v63  }
0xb9: {  	_ =	swait.ge [sflag:s11], $0x4000  }
0xba: {  	[sflag:s11] =	ssyncset.done $0x0  }
0xbb: {  	[sflag:s11] =	ssyncadd.s32 $0xFFFFC000  }
0xbc: {  	[spmem:s2] =	stream.indirect.scatter.add.f32 [tilespmem:s30], [sflag:$0x4], $0x80, s15, s5, $0xb8;
	[tilespmem:$0x1E400] =	vst v63  }
0xbd: {  	_ =	swait.ge [sflag:s12], $0x4000  }
0xbe: {  	[sflag:s12] =	ssyncset.done $0x0  }
0xbf: {  	[sflag:s12] =	ssyncadd.s32 $0xFFFFC000  }
0xc0: {  	_ =	swait.ge [sflag:s13], $0x4000  }
0xc1: {  	[sflag:s13] =	ssyncset.done $0x0  }
0xc2: {  	[sflag:s13] =	ssyncadd.s32 $0xFFFFC000  }
0xc3: {  	[bflag:$0x0] =	sbarrier.arrive $0xFFFF  }
0xc4: {  	[tilespmem:s21], [sflag:$0x5] =	stream.linear.gather [spmem:s6], $0x4000, $0x38;
	[tilespmem:$0x1E400] =	vst v63  }
0xc5: {  	_ =	swait.ge [sflag:s22], $0x4000  }
0xc6: {  	[sflag:s22] =	ssyncset.done $0x0  }
0xc7: {  	s17 =	rddreg [dreg:$0x9];
	[sflag:s22] =	ssyncadd.s32 $0xFFFFC000  }
0xc8: {  	[hbm4b:s17+s3] =	stream.linear.scatter [tilespmem:s21], [sflag:$0x5], $0x4000, $0x38;
	[tilespmem:$0x1E400] =	vst v63  }
0xc9: {  	_ =	swait.ge [sflag:s22], $0x4000  }
0xca: {  	[sflag:s22] =	ssyncset.done $0x0  }
0xcb: {  	[sflag:s22] =	ssyncadd.s32 $0xFFFFC000  }
0xcc: {  	[tilespmem:s21], [sflag:$0x5] =	stream.linear.gather [spmem:s7], $0x4000, $0x38;
	[tilespmem:$0x1E400] =	vst v63  }
0xcd: {  	_ =	swait.ge [sflag:s22], $0x4000  }
0xce: {  	[sflag:s22] =	ssyncset.done $0x0  }
0xcf: {  	s18 =	rddreg [dreg:$0xa];
	[sflag:s22] =	ssyncadd.s32 $0xFFFFC000  }
0xd0: {  	[hbm4b:s18+s3] =	stream.linear.scatter [tilespmem:s21], [sflag:$0x5], $0x4000, $0x38;
	[tilespmem:$0x1E400] =	vst v63  }
0xd1: {  	_ =	swait.ge [sflag:s22], $0x4000  }
0xd2: {  	[sflag:s22] =	ssyncset.done $0x0  }
0xd3: {  	[sflag:s22] =	ssyncadd.s32 $0xFFFFC000  }
0xd4: {  	[tilespmem:s21], [sflag:$0x5] =	stream.linear.gather [spmem:s8], $0x4000, $0x38;
	[tilespmem:$0x1E400] =	vst v63  }
0xd5: {  	_ =	swait.ge [sflag:s22], $0x4000  }
0xd6: {  	[sflag:s22] =	ssyncset.done $0x0  }
0xd7: {  	s19 =	rddreg [dreg:$0xb];
	[sflag:s22] =	ssyncadd.s32 $0xFFFFC000  }
0xd8: {  	[hbm4b:s19+s3] =	stream.linear.scatter [tilespmem:s21], [sflag:$0x5], $0x4000, $0x38;
	[tilespmem:$0x1E400] =	vst v63  }
0xd9: {  	_ =	swait.ge [sflag:s22], $0x4000  }
0xda: {  	[sflag:s22] =	ssyncset.done $0x0  }
0xdb: {  	[sflag:s22] =	ssyncadd.s32 $0xFFFFC000  }
0xdc: {  	[tilespmem:s21], [sflag:$0x5] =	stream.linear.gather [spmem:s9], $0x4000, $0x38;
	[tilespmem:$0x1E400] =	vst v63  }
0xdd: {  	_ =	swait.ge [sflag:s22], $0x4000  }
0xde: {  	[sflag:s22] =	ssyncset.done $0x0  }
0xdf: {  	s18 =	rddreg [dreg:$0xc];
	[sflag:s22] =	ssyncadd.s32 $0xFFFFC000  }
0xe0: {  	[hbm4b:s18+s3] =	stream.linear.scatter [tilespmem:s21], [sflag:$0x5], $0x4000, $0x38;
	[tilespmem:$0x1E400] =	vst v63  }
0xe1: {  	_ =	swait.ge [sflag:s22], $0x4000  }
0xe2: {  	[sflag:s22] =	ssyncset.done $0x0  }
0xe3: {  	[sflag:s22] =	ssyncadd.s32 $0xFFFFC000  }
0xe4: {  	[tilespmem:s21], [sflag:$0x5] =	stream.linear.gather [spmem:s10], $0x3C00, $0x38;
	[tilespmem:$0x1E400] =	vst v63  }
0xe5: {  	s16 =	sadd.s32 $0x1, s16;
	_ =	swait.ge [sflag:s22], $0x3C00  }
0xe6: {  	p0 =	sne.s32 s16, s20;
	[sflag:s22] =	ssyncset.done $0x0  }
.Ltmp2:
0xe7: {  	s19 =	rddreg [dreg:$0xd];
	[sflag:s22] =	ssyncadd.s32 $0xFFFFC400;
	(pc) =	sbr.rel @p0 .LBB2_1-.Ltmp2, $4  }
0xe8: {  	[hbm4b:s19+s3] =	stream.linear.scatter [tilespmem:s21], [sflag:$0x5], $0x3C00, $0x38;
	[tilespmem:$0x1E400] =	vst v63  }
0xe9: {  	_ =	swait.ge [sflag:s22], $0x3C00  }
0xea: {  	[sflag:s22] =	ssyncset.done $0x0  }
0xeb: {  	[sflag:s22] =	ssyncadd.s32 $0xFFFFC400  }
0xec: {  	_ =	sfence.sel $0x180000  }
0xed: {  	[bflag:$0x0] =	sbarrier.arrive $0xFFFF  }
0xee: {  	_ =	strace $0x90000047  }
0xef: {  	s0 =	stileid.u32;
	[bflag:$0x2] =	sbarrier.arrive $0xFFFF  }
0xf0: {  	p0 =	sne.s32 s0, $0x0;
	s0 =	rddreg [dreg:$0x3]  }
0xf1: {  	s0 =	sadd.s32 @!p0 $0x100000, s0  }
0xf2: {  	[sflag:s0] =	ssyncadd.tile.s32 @!p0 $0x1;
	_ =	shalt  }
.Lfunc_end2:
_tile_overlayer_lowered:
.L_overlay_start_2:
0xf3: {  	(tag) =	ssettag $0x2  }
0xf4: {  	s0 =	rddreg [dreg:$0x0];
	s2 =	stileid.u32  }
0xf5: {  	s1 =	rddreg [dreg:$0x1];
	p0 =	sne.s32 s2, $0x0  }
0xf6: {  	s3 =	rddreg [dreg:$0x2];
	[bflag:$0x3] =	sbarrier.arrive $0xFFFF;
	s2 =	simm.s32 @!p0 $0x1C05  }
0xf7: {  	[timem:s3], [sflag:s2] =	dma.local @!p0 [hbm:s0], s1  }
0xf8: {  	s0 =	simm.s32 @!p0 $0x5  }
0xf9: {  	_ =	swait.ge @!p0 [sflag:s0], s1  }
0xfa: {  	s1 =	ssub.s32 @!p0 $0x0, s1;
	[sflag:s0] =	ssyncset.done @!p0 $0x0  }
0xfb: {  	[sflag:s0] =	ssyncadd.s32 @!p0 s1  }
0xfc: {  	[bflag:$0x3] =	sbarrier.arrive $0xFFFF  }
0xfd: {  	_ =	shalt  }

// kernel: kernel.15.cloned.1.call-start
scs
__scs_entry_jumppad:
0x0: {  	(pc) =	sbr.rel $0x88, $3  }
0x1: {  	(tag) =	ssettag $0x0;
	lr =	simm.s32 $0x1  }
0x2: {  	[smem:$0x3F90] =	sst lr;
	_ =	strace $0xD0000000  }
0x3: {  	_ = 	snop  }
0x4: {  	_ = 	snop  }
0x5: {  	_ = 	snop  }
0x6: {  	_ = 	snop  }
0x7: {  	_ = 	snop  }
__scs_overlays_trampoline_lowered:
0x8: {  	[smem:$0x3F9F] =	sst s0  }
0x9: {  	[smem:$0x3FA0] =	sst s1  }
0xa: {  	[smem:$0x3FA1] =	sst s2  }
0xb: {  	[smem:$0x3FA2] =	sst s3  }
0xc: {  	[smem:$0x3FA3] =	sst s4  }
0xd: {  	[smem:$0x3FA4] =	sst s5  }
0xe: {  	[smem:$0x3FA5] =	sst s6  }
0xf: {  	[smem:$0x3FA6] =	sst s7  }
0x10: {  	[smem:$0x3FA7] =	sst s8  }
0x11: {  	[smem:$0x3FA8] =	sst s9;
	s0 =	simm.s32 @!p0 $0x0  }
0x12: {  	s1 =	sld [smem:$0x3F8E];
	s0 =	simm.s32 @p0 $0x1  }
0x13: {  	[smem:$0x3FA9] =	sst s0;
	s0 =	simm.s32 @!p1 $0x0  }
0x14: {  	s2 =	sld [smem:$0x3F8D];
	s0 =	simm.s32 @p1 $0x1  }
0x15: {  	[smem:$0x3FAA] =	sst s0;
	s0 =	simm.s32 @!p2 $0x0  }
0x16: {  	s3 =	sld [smem:$0x3FDB];
	s0 =	simm.s32 @p2 $0x1  }
0x17: {  	s4 =	simm.s32 $0x1BF5;
	[smem:$0x3FAC] =	sst s0  }
0x18: {  	s0 =	sld [smem:$0x3F8F];
	_ =	swait.ge [sflag:s4], $0x0  }
0x19: {  	s7 =	sld [smem:$0x3F90]  }
0x1a: {  	s8 =	sadd.s32 $0xFFFFE003, lr  }
0x1b: {  	s9 =	sadd.s32 $0xFFFFFEF7, lr;
	s5 =	simm.s32 $0xFFFFFFFF;
	p2 =	slt.u32 s8, $0xFFFFF086  }
0x1c: {  	p1 =	slt.u32 s9, $0xF7A;
	s5 =	simm.s32 @!p2 $0x0  }
0x1d: {  	s5 =	simm.s32 @p1 $0x1;
	p0 =	seq.s32 s7, s2  }
0x1e: {  	s7 =	smul.u32 @!p0 $0xF7A, s2;
	p2 =	seq.s32 @!p0 s5, $0x0  }
0x1f: {  	s9 =	smul.u32 $0xF7A, s1;
	s8 =	simm.s32 @!p0 $0x1BF5;
	p2 =	por !p2, p0  }
0x20: {  	[sflag:s8] =	ssyncset.s32 @!p0 $0xFFFFF086;
	s6 =	sadd.s32 @!p0 s3, s7;
	s7 =	simm.s32 @!p0 $0x108  }
0x21: {  	s3 =	sadd.s32 s3, s9;
	s6 =	sadd.s32 @!p0 $0x88, s6;
	s7 =	simm.s32 @p2 $0x1082  }
0x22: {  	[simem:s7], [sflag:s8] =	dma.local @!p0 [hbm:s6], $0xF7A  }
0x23: {  	s9 =	sor.u32 $0xD0000000, s2;
	s6 =	simm.s32 $0x108;
	_ =	swait.ge @!p0 [sflag:s8], $0x0  }
0x24: {  	s3 =	sadd.s32 $0x88, s3;
	s6 =	simm.s32 @!p1 $0x1082;
	[sflag:s4] =	ssyncset.s32 $0xFFFFF086  }
0x25: {  	[simem:s6], [sflag:s4] =	dma.local [hbm:s3], $0xF7A  }
0x26: {  	[smem:$0x3F90] =	sst s1;
	(tag) =	ssettag s2;
	_ =	strace s9  }
0x27: {  	s1 =	sld [smem:$0x3FA0]  }
0x28: {  	s2 =	sld [smem:$0x3FA1]  }
0x29: {  	s4 =	sld [smem:$0x3FA3]  }
0x2a: {  	p0 =	seq.s32 s5, $0x0;
	s5 =	sld [smem:$0x3FA4]  }
0x2b: {  	s6 =	sld [smem:$0x3FA5]  }
0x2c: {  	s7 =	sld [smem:$0x3FA6]  }
0x2d: {  	s3 =	simm.s32 $0x108;
	s8 =	sld [smem:$0x3FA7]  }
0x2e: {  	s3 =	simm.s32 @!p0 $0x1082;
	s9 =	sld [smem:$0x3FA8]  }
0x2f: {  	lr =	sadd.s32 s0, s3;
	s0 =	sld [smem:$0x3F9F]  }
0x30: {  	s3 =	sld [smem:$0x3FA2]  }
0x31: {  	[smem:$0x3FAB] =	sst s10  }
0x32: {  	s10 =	sld [smem:$0x3FA9];
	_ =	sdelay $0x3  }
0x33: {  	p0 =	seq.s32 s10, $0x1;
	s10 =	sld [smem:$0x3FAB];
	_ =	sdelay $0x3  }
0x34: {  	[smem:$0x3FAB] =	sst s10  }
0x35: {  	s10 =	sld [smem:$0x3FAA];
	_ =	sdelay $0x3  }
0x36: {  	p1 =	seq.s32 s10, $0x1;
	s10 =	sld [smem:$0x3FAB];
	_ =	sdelay $0x3  }
0x37: {  	[smem:$0x3FAB] =	sst s10  }
0x38: {  	s10 =	sld [smem:$0x3FAC]  }
0x39: {  	_ = 	snop;
	(pc) =	sbr.ind lr, $3  }
0x3a: {  	_ = 	snop  }
0x3b: {  	_ = 	snop  }
0x3c: {  	p2 =	seq.s32 s10, $0x1;
	s10 =	sld [smem:$0x3FAB]  }
0x3d: {  	_ =	shalt  }
0x3e: {  	_ =	shalt  }
0x3f: {  	_ =	shalt  }
0x40: {  	_ =	shalt  }
0x41: {  	_ =	shalt  }
0x42: {  	_ =	shalt  }
0x43: {  	_ =	shalt  }
0x44: {  	_ =	shalt  }
0x45: {  	_ =	shalt  }
0x46: {  	_ =	shalt  }
0x47: {  	_ =	shalt  }
0x48: {  	_ =	shalt  }
0x49: {  	_ =	shalt  }
0x4a: {  	_ =	shalt  }
0x4b: {  	_ =	shalt  }
0x4c: {  	_ =	shalt  }
0x4d: {  	_ =	shalt  }
0x4e: {  	_ =	shalt  }
0x4f: {  	_ =	shalt  }
0x50: {  	_ =	shalt  }
0x51: {  	_ =	shalt  }
0x52: {  	_ =	shalt  }
0x53: {  	_ =	shalt  }
0x54: {  	_ =	shalt  }
0x55: {  	_ =	shalt  }
0x56: {  	_ =	shalt  }
0x57: {  	_ =	shalt  }
0x58: {  	_ =	shalt  }
0x59: {  	_ =	shalt  }
0x5a: {  	_ =	shalt  }
0x5b: {  	_ =	shalt  }
0x5c: {  	_ =	shalt  }
0x5d: {  	_ =	shalt  }
0x5e: {  	_ =	shalt  }
0x5f: {  	_ =	shalt  }
0x60: {  	_ =	shalt  }
0x61: {  	_ =	shalt  }
0x62: {  	_ =	shalt  }
0x63: {  	_ =	shalt  }
0x64: {  	_ =	shalt  }
0x65: {  	_ =	shalt  }
0x66: {  	_ =	shalt  }
0x67: {  	_ =	shalt  }
0x68: {  	_ =	shalt  }
0x69: {  	_ =	shalt  }
0x6a: {  	_ =	shalt  }
0x6b: {  	_ =	shalt  }
0x6c: {  	_ =	shalt  }
0x6d: {  	_ =	shalt  }
0x6e: {  	_ =	shalt  }
0x6f: {  	_ =	shalt  }
0x70: {  	_ =	shalt  }
0x71: {  	_ =	shalt  }
0x72: {  	_ =	shalt  }
0x73: {  	_ =	shalt  }
0x74: {  	_ =	shalt  }
0x75: {  	_ =	shalt  }
0x76: {  	_ =	shalt  }
0x77: {  	_ =	shalt  }
0x78: {  	_ =	shalt  }
0x79: {  	_ =	shalt  }
0x7a: {  	_ =	shalt  }
0x7b: {  	_ =	shalt  }
0x7c: {  	_ =	shalt  }
0x7d: {  	_ =	shalt  }
0x7e: {  	_ =	shalt  }
0x7f: {  	_ =	shalt  }
0x80: {  	_ =	shalt  }
0x81: {  	_ =	shalt  }
0x82: {  	_ =	shalt  }
0x83: {  	_ =	shalt  }
0x84: {  	_ =	shalt  }
0x85: {  	_ =	shalt  }
0x86: {  	_ =	shalt  }
0x87: {  	_ =	shalt  }
.Lfunc_end0:
.L_simem_size_0:
called_computation.2_lowered:
.L_overlay_start_0:
0x88: {  	s2 =	sld [smem:$0x3FD9]  }
0x89: {  	s3 =	sld [smem:$0x3FFE];
	_ =	sdelay $0x1  }
0x8a: {  	s1 =	srdreg.scid  }
0x8b: {  	s0 =	sand.u32 $0x1, s1  }
0x8c: {  	s16 =	sshll.u32 s0, $0xA;
	s2 =	sadd.s32 s3, s2  }
0x8d: {  	s2 =	sadd.s32 s2, s16  }
0x8e: {  	[smem:$0x3FB7] =	sst s2  }
0x8f: {  	_ = 	snop  }
0x90: {  	(tm) =	ssettm $0x1  }
0x91: {  	s17 =	sld [smem:$0x3FFB];
	_ =	sdelay $0x3  }
0x92: {  	_ =	strace s17  }
0x93: {  	s2 =	sld [smem:$0x3FFC];
	_ =	sdelay $0x3  }
0x94: {  	_ =	strace s2  }
0x95: {  	s2 =	sld [smem:$0x3FFD];
	_ =	sdelay $0x3  }
0x96: {  	_ =	strace s2  }
0x97: {  	_ =	strace $0x8FFFFFFF  }
0x98: {  	s18 =	sld [smem:$0x3FDB];
	_ =	sdelay $0x1  }
0x99: {  	s19 =	simm.s32 $_scs_section_size  }
0x9a: {  	s4 =	simm.s32 $_size__tile_overlayer_lowered;
	s5 =	simm.s32 $_tile_overlayer_lowered  }
0x9b: {  	s22 =	simm.s32 $0x1BFF;
	s21 =	sshll.u32 s5, $0x1;
	s2 =	sadd.s32 s19, s18  }
0x9c: {  	s6 =	simm.s32 $0x0;
	s20 =	sshll.u32 s4, $0x1;
	s4 =	sadd.s32 s21, s2  }
0x9d: {  	[timem:s6], [sflag:s22] =	dma.local [hbm:s4], s20  }
0x9e: {  	_ =	swait.ge [sflag:s22], s20  }
0x9f: {  	s3 =	ssub.s32 $0x0, s20;
	[sflag:s22] =	ssyncset.done $0x0  }
0xa0: {  	[sflag:s22] =	ssyncadd.s32 s3;
	_ =	sdelay $0x1  }
0xa1: {  	s23 =	simm.s32 $0x1B8B  }
0xa2: {  	_ =	swait.ge [sflag:s23], $0x1  }
0xa3: {  	[sflag:s23] =	ssyncset.done $0x0  }
0xa4: {  	s25 =	simm.s32 $0x1B8E;
	s24 =	sld [smem:$0x3FFE];
	[sflag:s23] =	ssyncadd.s32 $0xFFFFFFFF  }
0xa5: {  	s26 =	simm.s32 $execute0_lowered;
	[smem:$0x3FD2] =	sst s25  }
0xa6: {  	s4 =	sshll.u32 s26, $0x1;
	_ =	strace $0x8000004C;
	[dreg:$0x1] =	wrdreg $0xFFFFFFFF  }
0xa7: {  	s28 =	simm.s32 $_size_execute0_lowered;
	s2 =	sadd.s32 s2, s4;
	[dreg:$0x0] =	wrdreg $0x0  }
0xa8: {  	s4 =	sshll.u32 s28, $0x1;
	[dreg:$0x2] =	wrdreg s2  }
0xa9: {  	[dreg:$0x3] =	wrdreg s4  }
0xaa: {  	[dreg:$0x4] =	wrdreg $0xC0  }
0xab: {  	_ =	task [dreg:s6], $0x5FFFF  }
0xac: {  	[dreg:$0x1] =	wrdreg $0xFFFFFFFF  }
0xad: {  	[dreg:$0x0] =	wrdreg $0x60  }
0xae: {  	[dreg:$0x2] =	wrdreg s24  }
0xaf: {  	[dreg:$0x3] =	wrdreg $0x0  }
0xb0: {  	[dreg:$0x4] =	wrdreg $0x9  }
0xb1: {  	_ =	task.clear_ibuf [dreg:s6], $0x5FFFF;
	_ =	strace $0x9000004C  }
0xb2: {  	s29 =	simm.s32 $0x9;
	_ =	strace $0x8000004E  }
0xb3: {  	_ =	swait.ge [sflag:s29], $0x1  }
0xb4: {  	[sflag:s29] =	ssyncadd.s32 $0xFFFFFFFF  }
0xb5: {  	_ =	strace $0x9000004E  }
0xb6: {  	_ =	sfence  }
0xb7: {  	s30 =	sld [smem:$0x0];
	_ =	sdelay $0x2  }
0xb8: {  	s31 =	sshll.u32 s1, $0xD;
	s1 =	sshrl.u32 s1, $0x2  }
0xb9: {  	s3 =	sand.u32 $0x4000, s31;
	s1 =	sadd.s32 s1, s30  }
0xba: {  	s0 =	sor.u32 s3, s0;
	s1 =	sshll.u32 s1, $0x11  }
0xbb: {  	s0 =	sor.u32 s1, s0  }
0xbc: {  	s0 =	sadd.s32 $0x8F2B, s0  }
0xbd: {  	[sflag:s0] =	ssyncadd.remote.s32 $0x1  }
0xbe: {  	_ =	sfence.sel $0xFFFF  }
0xbf: {  	[dreg:$0x0] =	wrdreg $0xFFFFFFFF;
	(pc) =	sbr.abs _section_cstart, $3  }
0xc0: {  	[dreg:$0x1] =	wrdreg $0xFFFFFFFF  }
0xc1: {  	_ =	task.clear_ibuf [dreg:s6], $0x2FFFF;
	_ =	strace $0x9FFFFFFF  }
0xc2: {  	(tm) =	ssettm $0x7FFFFFFF  }
0xc3: {  	_ =	shalt  }
tec
execute0_lowered:
.L_overlay_start_1:
0x0: {  	(tag) =	ssettag $0x1  }
0x1: {  	s0 =	rddreg [dreg:$0x0]  }
0x2: {  	s1 =	rddreg [dreg:$0x1]  }
0x3: {  	s2 =	simm.s32 $0x0;
	s3 =	srdreg.scid;
	s10 =	stileid.u32  }
0x4: {  	s28 =	simm.s32 $0x18400;
	s29 =	simm.s32 $0x13C80;
	s30 =	simm.s32 $0x1A400  }
0x5: {  	s31 =	simm.s32 $0x13CC0;
	[smem:$0x7FF] =	sst s2;
	s4 =	sadd.s32 $0x18200, s0  }
0x6: {  	s5 =	sadd.s32 $0xDA00, s0;
	s3 =	sand.u32 $0x1, s3;
	s11 =	sadd.s32 $0x3A00, s0  }
0x7: {  	s7 =	smul.u32 $0x4F000, s10;
	s8 =	sadd.s32 $0x17A00, s0;
	s0 =	sadd.s32 $0xB6A00, s0  }
0x8: {  	s12 =	smul.u32 $0x13C00, s10;
	_ =	strace $0x8000004D;
	s6 =	ssub.s32 $0x2, s3  }
0x9: {  	[dreg:$0x3] =	wrdreg s8;
	s9 =	sshll.u32 s3, $0x4;
	s3 =	smul.u32 $0x13C000, s3  }
0xa: {  	s18 =	sshrl.u32 s6, $0x1;
	s7 =	sshrl.u32 s7, $0x2;
	s19 =	sor.u32 s10, s9  }
0xb: {  	s14 =	sadd.s32 $0x4000, s12;
	s15 =	sadd.s32 $0x8000, s12;
	s16 =	sadd.s32 $0xC000, s12  }
0xc: {  	s17 =	sadd.s32 $0x10000, s12;
	s13 =	ssub.s32 s6, s18;
	s6 =	sadd.s32 s7, s1  }
0xd: {  	s9 =	smul.u32 $0x2800, s19;
	s7 =	sadd.s32 s14, s1;
	s8 =	sadd.s32 s15, s1  }
0xe: {  	s10 =	sadd.s32 s17, s1;
	s12 =	sadd.s32 s12, s3;
	s22 =	sadd.s32 s3, s14  }
0xf: {  	s24 =	sadd.s32 s3, s15;
	s25 =	sadd.s32 s3, s16;
	s3 =	sadd.s32 s3, s17  }
0x10: {  	s14 =	simm.s32 $0x16300;
	s15 =	simm.s32 $0x16380;
	s21 =	sshrl.u32 s12, $0x3  }
0x11: {  	s23 =	sshrl.u32 s22, $0x3;
	s3 =	sshrl.u32 s3, $0x3;
	s18 =	sshrl.u32 s9, $0x3  }
0x12: {  	s22 =	simm.s32 $0x5;
	s12 =	simm.s32 $0x3;
	s19 =	sadd.s32 s5, s18  }
0x13: {  	s20 =	sadd.s32 s11, s18;
	s18 =	sadd.s32 $0x280, s18;
	[dreg:$0x4] =	wrdreg s19  }
0x14: {  	s9 =	sadd.s32 s16, s1;
	[dreg:$0x5] =	wrdreg s20;
	s5 =	sadd.s32 s5, s18  }
0x15: {  	s16 =	simm.s32 $0x0;
	s11 =	sadd.s32 s11, s18;
	[dreg:$0x6] =	wrdreg s5  }
0x16: {  	s20 =	smax.u32 s13, $0x1;
	s13 =	simm.s32 $0x4;
	[dreg:$0x7] =	wrdreg s11  }
0x17: {  	s5 =	sadd.s32 s0, s21;
	s11 =	sshrl.u32 s25, $0x3;
	s21 =	simm.s32 $0x16400  }
0x18: {  	s25 =	simm.s32 $0x40;
	[dreg:$0x8] =	wrdreg s5;
	s5 =	sadd.s32 s0, s23  }
0x19: {  	s26 =	sadd.s32 s0, s11;
	s23 =	simm.s32 $0x13C00;
	[dreg:$0x9] =	wrdreg s5  }
0x1a: {  	s11 =	simm.s32 $0x2;
	s5 =	sshrl.u32 s24, $0x3;
	[dreg:$0xb] =	wrdreg s26  }
0x1b: {  	s24 =	simm.s32 $0x15000;
	s26 =	simm.s32 $0x13C40;
	s5 =	sadd.s32 s0, s5  }
0x1c: {  	s0 =	sadd.s32 s0, s3;
	s3 =	simm.s32 $0x1;
	[dreg:$0xa] =	wrdreg s5  }
0x1d: {  	[dreg:$0xc] =	wrdreg s0;
	s0 =	simm.s32 $0x1C400;
	s5 =	simm.s32 $0x80  }
.LBB2_1:
0x1e: {  	s17 =	rddreg [dreg:$0x3]  }
0x1f: {  	[tilespmem:s21], [sflag:$0x5] =	stream.linear.gather [hbm4b:s17+s2], $0x4000, $0x38;
	[tilespmem:$0x1E400] =	vst v63  }
0x20: {  	_ =	swait.ge [sflag:s22], $0x4000  }
0x21: {  	[sflag:s22] =	ssyncset.done $0x0  }
0x22: {  	[sflag:s22] =	ssyncadd.s32 $0xFFFFC000  }
0x23: {  	[spmem:s6] =	stream.linear.scatter [tilespmem:s21], [sflag:$0x5], $0x4000, $0x38;
	[tilespmem:$0x1E400] =	vst v63  }
0x24: {  	_ =	swait.ge [sflag:s22], $0x4000  }
0x25: {  	[sflag:s22] =	ssyncset.done $0x0  }
0x26: {  	[sflag:s22] =	ssyncadd.s32 $0xFFFFC000  }
0x27: {  	[spmem:s7] =	stream.linear.scatter [tilespmem:s21], [sflag:$0x5], $0x4000, $0x38;
	[tilespmem:$0x1E400] =	vst v63  }
0x28: {  	_ =	swait.ge [sflag:s22], $0x4000  }
0x29: {  	[sflag:s22] =	ssyncset.done $0x0  }
0x2a: {  	[sflag:s22] =	ssyncadd.s32 $0xFFFFC000  }
0x2b: {  	[spmem:s8] =	stream.linear.scatter [tilespmem:s21], [sflag:$0x5], $0x4000, $0x38;
	[tilespmem:$0x1E400] =	vst v63  }
0x2c: {  	_ =	swait.ge [sflag:s22], $0x4000  }
0x2d: {  	[sflag:s22] =	ssyncset.done $0x0  }
0x2e: {  	[sflag:s22] =	ssyncadd.s32 $0xFFFFC000  }
0x2f: {  	[spmem:s9] =	stream.linear.scatter [tilespmem:s21], [sflag:$0x5], $0x4000, $0x38;
	[tilespmem:$0x1E400] =	vst v63  }
0x30: {  	_ =	swait.ge [sflag:s22], $0x4000  }
0x31: {  	[sflag:s22] =	ssyncset.done $0x0  }
0x32: {  	[sflag:s22] =	ssyncadd.s32 $0xFFFFC000  }
0x33: {  	[spmem:s10] =	stream.linear.scatter [tilespmem:s21], [sflag:$0x5], $0x3C00, $0x38;
	[tilespmem:$0x1E400] =	vst v63  }
0x34: {  	_ =	swait.ge [sflag:s22], $0x3C00  }
0x35: {  	[sflag:s22] =	ssyncset.done $0x0  }
0x36: {  	[sflag:s22] =	ssyncadd.s32 $0xFFFFC400  }
0x37: {  	[bflag:$0x0] =	sbarrier.arrive $0xFFFF  }
0x38: {  	s19 =	rddreg [dreg:$0x4]  }
0x39: {  	[tilespmem:s23], [sflag:$0x5] =	stream.linear.gather [hbm4b:s19+s2], $0x1400, $0x38;
	[tilespmem:$0x1E400] =	vst v63  }
0x3a: {  	_ =	swait.ge [sflag:s22], $0x1400  }
0x3b: {  	[sflag:s22] =	ssyncset.done $0x0  }
0x3c: {  	s18 =	rddreg [dreg:$0x5];
	[sflag:s22] =	ssyncadd.s32 $0xFFFFEC00  }
0x3d: {  	[tilespmem:s24], [sflag:$0x5] =	stream.linear.gather [hbm4b:s18+s2], $0x1400, $0x38;
	[tilespmem:$0x1E400] =	vst v63  }
0x3e: {  	_ =	swait.ge [sflag:s22], $0x1400  }
0x3f: {  	[sflag:s22] =	ssyncset.done $0x0  }
0x40: {  	[sflag:s22] =	ssyncadd.s32 $0xFFFFEC00  }
0x41: {  	[tilespmem:s21], [sflag:$0x1] =	stream.indirect.gather [hbm4b:s4+s25], $0x80, s23, s25, $0xb8;
	[tilespmem:$0x1E400] =	vst v63  }
0x42: {  	_ = 	snop  }
0x43: {  	[tilespmem:s28], [sflag:$0x1] =	stream.indirect.gather [hbm4b:s4+s25], $0x80, s26, s25, $0xb8;
	[tilespmem:$0x1E400] =	vst v63  }
0x44: {  	_ = 	snop  }
0x45: {  	[tilespmem:s30], [sflag:$0x2] =	stream.indirect.gather [hbm4b:s4+s25], $0x80, s29, s25, $0xb8;
	[tilespmem:$0x1E400] =	vst v63  }
0x46: {  	_ = 	snop  }
0x47: {  	[tilespmem:s0], [sflag:$0x2] =	stream.indirect.gather [hbm4b:s4+s25], $0x80, s31, s25, $0xb8;
	[tilespmem:$0x1E400] =	vst v63  }
0x48: {  	_ =	swait.ge [sflag:s3], $0x4000  }
0x49: {  	[sflag:s3] =	ssyncset.done $0x0  }
0x4a: {  	s19 =	simm.s32 $0x15000;
	[sflag:s3] =	ssyncadd.s32 $0xFFFFC000  }
0x4b: {  	[spmem:s1] =	stream.indirect.scatter.add.f32 [tilespmem:s21], [sflag:$0x3], $0x80, s19, s5, $0xb8;
	[tilespmem:$0x1E400] =	vst v63  }
0x4c: {  	_ =	swait.ge [sflag:s11], $0x4000  }
0x4d: {  	[sflag:s11] =	ssyncset.done $0x0  }
0x4e: {  	s18 =	simm.s32 $0x15080;
	[sflag:s11] =	ssyncadd.s32 $0xFFFFC000  }
0x4f: {  	[spmem:s1] =	stream.indirect.scatter.add.f32 [tilespmem:s30], [sflag:$0x4], $0x80, s18, s5, $0xb8;
	[tilespmem:$0x1E400] =	vst v63  }
0x50: {  	_ =	swait.ge [sflag:s12], $0x4000  }
0x51: {  	[sflag:s12] =	ssyncset.done $0x0  }
0x52: {  	s19 =	simm.s32 $0x13D00;
	[sflag:s12] =	ssyncadd.s32 $0xFFFFC000  }
0x53: {  	[tilespmem:s21], [sflag:$0x1] =	stream.indirect.gather [hbm4b:s4+s25], $0x80, s19, s25, $0xb8;
	[tilespmem:$0x1E400] =	vst v63  }
0x54: {  	s18 =	simm.s32 $0x13D40  }
0x55: {  	[tilespmem:s28], [sflag:$0x1] =	stream.indirect.gather [hbm4b:s4+s25], $0x80, s18, s25, $0xb8;
	[tilespmem:$0x1E400] =	vst v63  }
0x56: {  	_ =	swait.ge [sflag:s13], $0x4000  }
0x57: {  	s17 =	simm.s32 $0x400;
	[sflag:s13] =	ssyncset.done $0x0  }
0x58: {  	s19 =	simm.s32 $0x13D80;
	s18 =	simm.s32 $0x13DC0;
	[sflag:s13] =	ssyncadd.s32 $0xFFFFC000  }
0x59: {  	[tilespmem:s30], [sflag:$0x2] =	stream.indirect.gather [hbm4b:s4+s25], $0x80, s19, s25, $0xb8;
	[tilespmem:$0x1E400] =	vst v63  }
.LBB2_2:
0x5a: {  	[tilespmem:s0], [sflag:$0x2] =	stream.indirect.gather [hbm4b:s4+s25], $0x80, s18, s25, $0xb8;
	[tilespmem:$0x1E400] =	vst v63  }
0x5b: {  	s18 =	smov.u32 s17  }
0x5c: {  	p0 =	sne.s32 s17, $0x4800;
	s17 =	sadd.s32 $0x400, s17;
	_ =	swait.ge [sflag:s3], $0x4000  }
0x5d: {  	s18 =	sshra.s32 s18, $0x2;
	[sflag:s3] =	ssyncset.done $0x0  }
0x5e: {  	s19 =	sadd.s32 $0x15000, s18;
	[sflag:s3] =	ssyncadd.s32 $0xFFFFC000  }
0x5f: {  	[spmem:s1] =	stream.indirect.scatter.add.f32 [tilespmem:s21], [sflag:$0x3], $0x80, s19, s5, $0xb8;
	[tilespmem:$0x1E400] =	vst v63  }
0x60: {  	_ =	swait.ge [sflag:s11], $0x4000  }
0x61: {  	[sflag:s11] =	ssyncset.done $0x0  }
0x62: {  	s19 =	sadd.s32 $0x15080, s18;
	[sflag:s11] =	ssyncadd.s32 $0xFFFFC000  }
0x63: {  	[spmem:s1] =	stream.indirect.scatter.add.f32 [tilespmem:s30], [sflag:$0x4], $0x80, s19, s5, $0xb8;
	[tilespmem:$0x1E400] =	vst v63  }
0x64: {  	_ =	swait.ge [sflag:s12], $0x4000  }
0x65: {  	[sflag:s12] =	ssyncset.done $0x0  }
0x66: {  	s19 =	sadd.s32 $0x13D00, s18;
	[sflag:s12] =	ssyncadd.s32 $0xFFFFC000  }
0x67: {  	[tilespmem:s21], [sflag:$0x1] =	stream.indirect.gather [hbm4b:s4+s25], $0x80, s19, s25, $0xb8;
	[tilespmem:$0x1E400] =	vst v63  }
0x68: {  	s19 =	sadd.s32 $0x13D40, s18  }
0x69: {  	[tilespmem:s28], [sflag:$0x1] =	stream.indirect.gather [hbm4b:s4+s25], $0x80, s19, s25, $0xb8;
	[tilespmem:$0x1E400] =	vst v63  }
.Ltmp0:
0x6a: {  	_ =	swait.ge [sflag:s13], $0x4000;
	(pc) =	sbr.rel @p0 .LBB2_2-.Ltmp0, $4  }
0x6b: {  	[sflag:s13] =	ssyncset.done $0x0  }
0x6c: {  	s19 =	sadd.s32 $0x13D80, s18;
	[sflag:s13] =	ssyncadd.s32 $0xFFFFC000  }
0x6d: {  	[tilespmem:s30], [sflag:$0x2] =	stream.indirect.gather [hbm4b:s4+s25], $0x80, s19, s25, $0xb8;
	[tilespmem:$0x1E400] =	vst v63  }
0x6e: {  	s18 =	sadd.s32 $0x13DC0, s18  }
0x6f: {  	[tilespmem:s0], [sflag:$0x2] =	stream.indirect.gather [hbm4b:s4+s25], $0x80, s18, s25, $0xb8;
	[tilespmem:$0x1E400] =	vst v63  }
0x70: {  	_ =	swait.ge [sflag:s3], $0x4000  }
0x71: {  	[sflag:s3] =	ssyncset.done $0x0  }
0x72: {  	[sflag:s3] =	ssyncadd.s32 $0xFFFFC000  }
0x73: {  	[spmem:s1] =	stream.indirect.scatter.add.f32 [tilespmem:s21], [sflag:$0x3], $0x80, s14, s5, $0xb8;
	[tilespmem:$0x1E400] =	vst v63  }
0x74: {  	_ =	swait.ge [sflag:s11], $0x4000  }
0x75: {  	[sflag:s11] =	ssyncset.done $0x0  }
0x76: {  	[sflag:s11] =	ssyncadd.s32 $0xFFFFC000  }
0x77: {  	[spmem:s1] =	stream.indirect.scatter.add.f32 [tilespmem:s30], [sflag:$0x4], $0x80, s15, s5, $0xb8;
	[tilespmem:$0x1E400] =	vst v63  }
0x78: {  	_ =	swait.ge [sflag:s12], $0x4000  }
0x79: {  	[sflag:s12] =	ssyncset.done $0x0  }
0x7a: {  	[sflag:s12] =	ssyncadd.s32 $0xFFFFC000  }
0x7b: {  	_ =	swait.ge [sflag:s13], $0x4000  }
0x7c: {  	[sflag:s13] =	ssyncset.done $0x0  }
0x7d: {  	s17 =	simm.s32 $0x0;
	s19 =	rddreg [dreg:$0x6];
	[sflag:s13] =	ssyncadd.s32 $0xFFFFC000  }
0x7e: {  	[tilespmem:s23], [sflag:$0x5] =	stream.linear.gather [hbm4b:s19+s17], $0x1400, $0x38;
	[tilespmem:$0x1E400] =	vst v63  }
0x7f: {  	_ =	swait.ge [sflag:s22], $0x1400  }
0x80: {  	[sflag:s22] =	ssyncset.done $0x0  }
0x81: {  	s19 =	rddreg [dreg:$0x7];
	[sflag:s22] =	ssyncadd.s32 $0xFFFFEC00  }
0x82: {  	[tilespmem:s24], [sflag:$0x5] =	stream.linear.gather [hbm4b:s19+s17], $0x1400, $0x38;
	[tilespmem:$0x1E400] =	vst v63  }
0x83: {  	_ =	swait.ge [sflag:s22], $0x1400  }
0x84: {  	[sflag:s22] =	ssyncset.done $0x0  }
0x85: {  	[sflag:s22] =	ssyncadd.s32 $0xFFFFEC00  }
0x86: {  	[tilespmem:s21], [sflag:$0x1] =	stream.indirect.gather [hbm4b:s4+s25], $0x80, s23, s25, $0xb8;
	[tilespmem:$0x1E400] =	vst v63  }
0x87: {  	_ = 	snop  }
0x88: {  	[tilespmem:s28], [sflag:$0x1] =	stream.indirect.gather [hbm4b:s4+s25], $0x80, s26, s25, $0xb8;
	[tilespmem:$0x1E400] =	vst v63  }
0x89: {  	_ = 	snop  }
0x8a: {  	[tilespmem:s30], [sflag:$0x2] =	stream.indirect.gather [hbm4b:s4+s25], $0x80, s29, s25, $0xb8;
	[tilespmem:$0x1E400] =	vst v63  }
0x8b: {  	_ = 	snop  }
0x8c: {  	[tilespmem:s0], [sflag:$0x2] =	stream.indirect.gather [hbm4b:s4+s25], $0x80, s31, s25, $0xb8;
	[tilespmem:$0x1E400] =	vst v63  }
0x8d: {  	_ =	swait.ge [sflag:s3], $0x4000  }
0x8e: {  	[sflag:s3] =	ssyncset.done $0x0  }
0x8f: {  	s19 =	simm.s32 $0x15000;
	[sflag:s3] =	ssyncadd.s32 $0xFFFFC000  }
0x90: {  	[spmem:s1] =	stream.indirect.scatter.add.f32 [tilespmem:s21], [sflag:$0x3], $0x80, s19, s5, $0xb8;
	[tilespmem:$0x1E400] =	vst v63  }
0x91: {  	_ =	swait.ge [sflag:s11], $0x4000  }
0x92: {  	[sflag:s11] =	ssyncset.done $0x0  }
0x93: {  	s18 =	simm.s32 $0x15080;
	[sflag:s11] =	ssyncadd.s32 $0xFFFFC000  }
0x94: {  	[spmem:s1] =	stream.indirect.scatter.add.f32 [tilespmem:s30], [sflag:$0x4], $0x80, s18, s5, $0xb8;
	[tilespmem:$0x1E400] =	vst v63  }
0x95: {  	_ =	swait.ge [sflag:s12], $0x4000  }
0x96: {  	[sflag:s12] =	ssyncset.done $0x0  }
0x97: {  	s19 =	simm.s32 $0x13D00;
	[sflag:s12] =	ssyncadd.s32 $0xFFFFC000  }
0x98: {  	[tilespmem:s21], [sflag:$0x1] =	stream.indirect.gather [hbm4b:s4+s25], $0x80, s19, s25, $0xb8;
	[tilespmem:$0x1E400] =	vst v63  }
0x99: {  	s18 =	simm.s32 $0x13D40  }
0x9a: {  	[tilespmem:s28], [sflag:$0x1] =	stream.indirect.gather [hbm4b:s4+s25], $0x80, s18, s25, $0xb8;
	[tilespmem:$0x1E400] =	vst v63  }
0x9b: {  	_ =	swait.ge [sflag:s13], $0x4000  }
0x9c: {  	s17 =	simm.s32 $0x400;
	[sflag:s13] =	ssyncset.done $0x0  }
0x9d: {  	s19 =	simm.s32 $0x13D80;
	s18 =	simm.s32 $0x13DC0;
	[sflag:s13] =	ssyncadd.s32 $0xFFFFC000  }
0x9e: {  	[tilespmem:s30], [sflag:$0x2] =	stream.indirect.gather [hbm4b:s4+s25], $0x80, s19, s25, $0xb8;
	[tilespmem:$0x1E400] =	vst v63  }
.LBB2_4:
0x9f: {  	[tilespmem:s0], [sflag:$0x2] =	stream.indirect.gather [hbm4b:s4+s25], $0x80, s18, s25, $0xb8;
	[tilespmem:$0x1E400] =	vst v63  }
0xa0: {  	s18 =	smov.u32 s17  }
0xa1: {  	p0 =	sne.s32 s17, $0x4800;
	s17 =	sadd.s32 $0x400, s17;
	_ =	swait.ge [sflag:s3], $0x4000  }
0xa2: {  	s18 =	sshra.s32 s18, $0x2;
	[sflag:s3] =	ssyncset.done $0x0  }
0xa3: {  	s19 =	sadd.s32 $0x15000, s18;
	[sflag:s3] =	ssyncadd.s32 $0xFFFFC000  }
0xa4: {  	[spmem:s1] =	stream.indirect.scatter.add.f32 [tilespmem:s21], [sflag:$0x3], $0x80, s19, s5, $0xb8;
	[tilespmem:$0x1E400] =	vst v63  }
0xa5: {  	_ =	swait.ge [sflag:s11], $0x4000  }
0xa6: {  	[sflag:s11] =	ssyncset.done $0x0  }
0xa7: {  	s19 =	sadd.s32 $0x15080, s18;
	[sflag:s11] =	ssyncadd.s32 $0xFFFFC000  }
0xa8: {  	[spmem:s1] =	stream.indirect.scatter.add.f32 [tilespmem:s30], [sflag:$0x4], $0x80, s19, s5, $0xb8;
	[tilespmem:$0x1E400] =	vst v63  }
0xa9: {  	_ =	swait.ge [sflag:s12], $0x4000  }
0xaa: {  	[sflag:s12] =	ssyncset.done $0x0  }
0xab: {  	s19 =	sadd.s32 $0x13D00, s18;
	[sflag:s12] =	ssyncadd.s32 $0xFFFFC000  }
0xac: {  	[tilespmem:s21], [sflag:$0x1] =	stream.indirect.gather [hbm4b:s4+s25], $0x80, s19, s25, $0xb8;
	[tilespmem:$0x1E400] =	vst v63  }
0xad: {  	s19 =	sadd.s32 $0x13D40, s18  }
0xae: {  	[tilespmem:s28], [sflag:$0x1] =	stream.indirect.gather [hbm4b:s4+s25], $0x80, s19, s25, $0xb8;
	[tilespmem:$0x1E400] =	vst v63  }
.Ltmp1:
0xaf: {  	_ =	swait.ge [sflag:s13], $0x4000;
	(pc) =	sbr.rel @p0 .LBB2_4-.Ltmp1, $4  }
0xb0: {  	[sflag:s13] =	ssyncset.done $0x0  }
0xb1: {  	s19 =	sadd.s32 $0x13D80, s18;
	[sflag:s13] =	ssyncadd.s32 $0xFFFFC000  }
0xb2: {  	[tilespmem:s30], [sflag:$0x2] =	stream.indirect.gather [hbm4b:s4+s25], $0x80, s19, s25, $0xb8;
	[tilespmem:$0x1E400] =	vst v63  }
0xb3: {  	s18 =	sadd.s32 $0x13DC0, s18  }
0xb4: {  	[tilespmem:s0], [sflag:$0x2] =	stream.indirect.gather [hbm4b:s4+s25], $0x80, s18, s25, $0xb8;
	[tilespmem:$0x1E400] =	vst v63  }
0xb5: {  	_ =	swait.ge [sflag:s3], $0x4000  }
0xb6: {  	[sflag:s3] =	ssyncset.done $0x0  }
0xb7: {  	[sflag:s3] =	ssyncadd.s32 $0xFFFFC000  }
0xb8: {  	[spmem:s1] =	stream.indirect.scatter.add.f32 [tilespmem:s21], [sflag:$0x3], $0x80, s14, s5, $0xb8;
	[tilespmem:$0x1E400] =	vst v63  }
0xb9: {  	_ =	swait.ge [sflag:s11], $0x4000  }
0xba: {  	[sflag:s11] =	ssyncset.done $0x0  }
0xbb: {  	[sflag:s11] =	ssyncadd.s32 $0xFFFFC000  }
0xbc: {  	[spmem:s1] =	stream.indirect.scatter.add.f32 [tilespmem:s30], [sflag:$0x4], $0x80, s15, s5, $0xb8;
	[tilespmem:$0x1E400] =	vst v63  }
0xbd: {  	_ =	swait.ge [sflag:s12], $0x4000  }
0xbe: {  	[sflag:s12] =	ssyncset.done $0x0  }
0xbf: {  	[sflag:s12] =	ssyncadd.s32 $0xFFFFC000  }
0xc0: {  	_ =	swait.ge [sflag:s13], $0x4000  }
0xc1: {  	[sflag:s13] =	ssyncset.done $0x0  }
0xc2: {  	[sflag:s13] =	ssyncadd.s32 $0xFFFFC000  }
0xc3: {  	[bflag:$0x0] =	sbarrier.arrive $0xFFFF  }
0xc4: {  	[tilespmem:s21], [sflag:$0x5] =	stream.linear.gather [spmem:s6], $0x4000, $0x38;
	[tilespmem:$0x1E400] =	vst v63  }
0xc5: {  	_ =	swait.ge [sflag:s22], $0x4000  }
0xc6: {  	[sflag:s22] =	ssyncset.done $0x0  }
0xc7: {  	s17 =	rddreg [dreg:$0x8];
	[sflag:s22] =	ssyncadd.s32 $0xFFFFC000  }
0xc8: {  	[hbm4b:s17+s2] =	stream.linear.scatter [tilespmem:s21], [sflag:$0x5], $0x4000, $0x38;
	[tilespmem:$0x1E400] =	vst v63  }
0xc9: {  	_ =	swait.ge [sflag:s22], $0x4000  }
0xca: {  	[sflag:s22] =	ssyncset.done $0x0  }
0xcb: {  	[sflag:s22] =	ssyncadd.s32 $0xFFFFC000  }
0xcc: {  	[tilespmem:s21], [sflag:$0x5] =	stream.linear.gather [spmem:s7], $0x4000, $0x38;
	[tilespmem:$0x1E400] =	vst v63  }
0xcd: {  	_ =	swait.ge [sflag:s22], $0x4000  }
0xce: {  	[sflag:s22] =	ssyncset.done $0x0  }
0xcf: {  	s18 =	rddreg [dreg:$0x9];
	[sflag:s22] =	ssyncadd.s32 $0xFFFFC000  }
0xd0: {  	[hbm4b:s18+s2] =	stream.linear.scatter [tilespmem:s21], [sflag:$0x5], $0x4000, $0x38;
	[tilespmem:$0x1E400] =	vst v63  }
0xd1: {  	_ =	swait.ge [sflag:s22], $0x4000  }
0xd2: {  	[sflag:s22] =	ssyncset.done $0x0  }
0xd3: {  	[sflag:s22] =	ssyncadd.s32 $0xFFFFC000  }
0xd4: {  	[tilespmem:s21], [sflag:$0x5] =	stream.linear.gather [spmem:s8], $0x4000, $0x38;
	[tilespmem:$0x1E400] =	vst v63  }
0xd5: {  	_ =	swait.ge [sflag:s22], $0x4000  }
0xd6: {  	[sflag:s22] =	ssyncset.done $0x0  }
0xd7: {  	s19 =	rddreg [dreg:$0xa];
	[sflag:s22] =	ssyncadd.s32 $0xFFFFC000  }
0xd8: {  	[hbm4b:s19+s2] =	stream.linear.scatter [tilespmem:s21], [sflag:$0x5], $0x4000, $0x38;
	[tilespmem:$0x1E400] =	vst v63  }
0xd9: {  	_ =	swait.ge [sflag:s22], $0x4000  }
0xda: {  	[sflag:s22] =	ssyncset.done $0x0  }
0xdb: {  	[sflag:s22] =	ssyncadd.s32 $0xFFFFC000  }
0xdc: {  	[tilespmem:s21], [sflag:$0x5] =	stream.linear.gather [spmem:s9], $0x4000, $0x38;
	[tilespmem:$0x1E400] =	vst v63  }
0xdd: {  	_ =	swait.ge [sflag:s22], $0x4000  }
0xde: {  	[sflag:s22] =	ssyncset.done $0x0  }
0xdf: {  	s18 =	rddreg [dreg:$0xb];
	[sflag:s22] =	ssyncadd.s32 $0xFFFFC000  }
0xe0: {  	[hbm4b:s18+s2] =	stream.linear.scatter [tilespmem:s21], [sflag:$0x5], $0x4000, $0x38;
	[tilespmem:$0x1E400] =	vst v63  }
0xe1: {  	_ =	swait.ge [sflag:s22], $0x4000  }
0xe2: {  	[sflag:s22] =	ssyncset.done $0x0  }
0xe3: {  	[sflag:s22] =	ssyncadd.s32 $0xFFFFC000  }
0xe4: {  	[tilespmem:s21], [sflag:$0x5] =	stream.linear.gather [spmem:s10], $0x3C00, $0x38;
	[tilespmem:$0x1E400] =	vst v63  }
0xe5: {  	s16 =	sadd.s32 $0x1, s16;
	_ =	swait.ge [sflag:s22], $0x3C00  }
0xe6: {  	p0 =	sne.s32 s16, s20;
	[sflag:s22] =	ssyncset.done $0x0  }
.Ltmp2:
0xe7: {  	s19 =	rddreg [dreg:$0xc];
	[sflag:s22] =	ssyncadd.s32 $0xFFFFC400;
	(pc) =	sbr.rel @p0 .LBB2_1-.Ltmp2, $4  }
0xe8: {  	[hbm4b:s19+s2] =	stream.linear.scatter [tilespmem:s21], [sflag:$0x5], $0x3C00, $0x38;
	[tilespmem:$0x1E400] =	vst v63  }
0xe9: {  	_ =	swait.ge [sflag:s22], $0x3C00  }
0xea: {  	[sflag:s22] =	ssyncset.done $0x0  }
0xeb: {  	[sflag:s22] =	ssyncadd.s32 $0xFFFFC400  }
0xec: {  	_ =	sfence.sel $0x180000  }
0xed: {  	[bflag:$0x0] =	sbarrier.arrive $0xFFFF  }
0xee: {  	_ =	strace $0x9000004D  }
0xef: {  	s0 =	stileid.u32;
	[bflag:$0x2] =	sbarrier.arrive $0xFFFF  }
0xf0: {  	p0 =	sne.s32 s0, $0x0;
	s0 =	rddreg [dreg:$0x2]  }
0xf1: {  	s0 =	sadd.s32 @!p0 $0x100000, s0  }
0xf2: {  	[sflag:s0] =	ssyncadd.tile.s32 @!p0 $0x1;
	_ =	shalt  }
.Lfunc_end2:
_tile_overlayer_lowered:
.L_overlay_start_2:
0xf3: {  	(tag) =	ssettag $0x2  }
0xf4: {  	s0 =	rddreg [dreg:$0x0];
	s2 =	stileid.u32  }
0xf5: {  	s1 =	rddreg [dreg:$0x1];
	p0 =	sne.s32 s2, $0x0  }
0xf6: {  	s3 =	rddreg [dreg:$0x2];
	[bflag:$0x3] =	sbarrier.arrive $0xFFFF;
	s2 =	simm.s32 @!p0 $0x1C05  }
0xf7: {  	[timem:s3], [sflag:s2] =	dma.local @!p0 [hbm:s0], s1  }
0xf8: {  	s0 =	simm.s32 @!p0 $0x5  }
0xf9: {  	_ =	swait.ge @!p0 [sflag:s0], s1  }
0xfa: {  	s1 =	ssub.s32 @!p0 $0x0, s1;
	[sflag:s0] =	ssyncset.done @!p0 $0x0  }
0xfb: {  	[sflag:s0] =	ssyncadd.s32 @!p0 s1  }
0xfc: {  	[bflag:$0x3] =	sbarrier.arrive $0xFFFF  }
0xfd: {  	_ =	shalt  }

// kernel: kernel.18.cloned.1.call-start
scs
__scs_entry_jumppad:
0x0: {  	(pc) =	sbr.rel $0x88, $3  }
0x1: {  	(tag) =	ssettag $0x0;
	lr =	simm.s32 $0x1  }
0x2: {  	[smem:$0x3F90] =	sst lr;
	_ =	strace $0xD0000000  }
0x3: {  	_ = 	snop  }
0x4: {  	_ = 	snop  }
0x5: {  	_ = 	snop  }
0x6: {  	_ = 	snop  }
0x7: {  	_ = 	snop  }
__scs_overlays_trampoline_lowered:
0x8: {  	[smem:$0x3F9F] =	sst s0  }
0x9: {  	[smem:$0x3FA0] =	sst s1  }
0xa: {  	[smem:$0x3FA1] =	sst s2  }
0xb: {  	[smem:$0x3FA2] =	sst s3  }
0xc: {  	[smem:$0x3FA3] =	sst s4  }
0xd: {  	[smem:$0x3FA4] =	sst s5  }
0xe: {  	[smem:$0x3FA5] =	sst s6  }
0xf: {  	[smem:$0x3FA6] =	sst s7  }
0x10: {  	[smem:$0x3FA7] =	sst s8  }
0x11: {  	[smem:$0x3FA8] =	sst s9;
	s0 =	simm.s32 @!p0 $0x0  }
0x12: {  	s1 =	sld [smem:$0x3F8E];
	s0 =	simm.s32 @p0 $0x1  }
0x13: {  	[smem:$0x3FA9] =	sst s0;
	s0 =	simm.s32 @!p1 $0x0  }
0x14: {  	s2 =	sld [smem:$0x3F8D];
	s0 =	simm.s32 @p1 $0x1  }
0x15: {  	[smem:$0x3FAA] =	sst s0;
	s0 =	simm.s32 @!p2 $0x0  }
0x16: {  	s3 =	sld [smem:$0x3FDB];
	s0 =	simm.s32 @p2 $0x1  }
0x17: {  	s4 =	simm.s32 $0x1BF5;
	[smem:$0x3FAC] =	sst s0  }
0x18: {  	s0 =	sld [smem:$0x3F8F];
	_ =	swait.ge [sflag:s4], $0x0  }
0x19: {  	s7 =	sld [smem:$0x3F90]  }
0x1a: {  	s8 =	sadd.s32 $0xFFFFE003, lr  }
0x1b: {  	s9 =	sadd.s32 $0xFFFFFEF7, lr;
	s5 =	simm.s32 $0xFFFFFFFF;
	p2 =	slt.u32 s8, $0xFFFFF086  }
0x1c: {  	p1 =	slt.u32 s9, $0xF7A;
	s5 =	simm.s32 @!p2 $0x0  }
0x1d: {  	s5 =	simm.s32 @p1 $0x1;
	p0 =	seq.s32 s7, s2  }
0x1e: {  	s7 =	smul.u32 @!p0 $0xF7A, s2;
	p2 =	seq.s32 @!p0 s5, $0x0  }
0x1f: {  	s9 =	smul.u32 $0xF7A, s1;
	s8 =	simm.s32 @!p0 $0x1BF5;
	p2 =	por !p2, p0  }
0x20: {  	[sflag:s8] =	ssyncset.s32 @!p0 $0xFFFFF086;
	s6 =	sadd.s32 @!p0 s3, s7;
	s7 =	simm.s32 @!p0 $0x108  }
0x21: {  	s3 =	sadd.s32 s3, s9;
	s6 =	sadd.s32 @!p0 $0x88, s6;
	s7 =	simm.s32 @p2 $0x1082  }
0x22: {  	[simem:s7], [sflag:s8] =	dma.local @!p0 [hbm:s6], $0xF7A  }
0x23: {  	s9 =	sor.u32 $0xD0000000, s2;
	s6 =	simm.s32 $0x108;
	_ =	swait.ge @!p0 [sflag:s8], $0x0  }
0x24: {  	s3 =	sadd.s32 $0x88, s3;
	s6 =	simm.s32 @!p1 $0x1082;
	[sflag:s4] =	ssyncset.s32 $0xFFFFF086  }
0x25: {  	[simem:s6], [sflag:s4] =	dma.local [hbm:s3], $0xF7A  }
0x26: {  	[smem:$0x3F90] =	sst s1;
	(tag) =	ssettag s2;
	_ =	strace s9  }
0x27: {  	s1 =	sld [smem:$0x3FA0]  }
0x28: {  	s2 =	sld [smem:$0x3FA1]  }
0x29: {  	s4 =	sld [smem:$0x3FA3]  }
0x2a: {  	p0 =	seq.s32 s5, $0x0;
	s5 =	sld [smem:$0x3FA4]  }
0x2b: {  	s6 =	sld [smem:$0x3FA5]  }
0x2c: {  	s7 =	sld [smem:$0x3FA6]  }
0x2d: {  	s3 =	simm.s32 $0x108;
	s8 =	sld [smem:$0x3FA7]  }
0x2e: {  	s3 =	simm.s32 @!p0 $0x1082;
	s9 =	sld [smem:$0x3FA8]  }
0x2f: {  	lr =	sadd.s32 s0, s3;
	s0 =	sld [smem:$0x3F9F]  }
0x30: {  	s3 =	sld [smem:$0x3FA2]  }
0x31: {  	[smem:$0x3FAB] =	sst s10  }
0x32: {  	s10 =	sld [smem:$0x3FA9];
	_ =	sdelay $0x3  }
0x33: {  	p0 =	seq.s32 s10, $0x1;
	s10 =	sld [smem:$0x3FAB];
	_ =	sdelay $0x3  }
0x34: {  	[smem:$0x3FAB] =	sst s10  }
0x35: {  	s10 =	sld [smem:$0x3FAA];
	_ =	sdelay $0x3  }
0x36: {  	p1 =	seq.s32 s10, $0x1;
	s10 =	sld [smem:$0x3FAB];
	_ =	sdelay $0x3  }
0x37: {  	[smem:$0x3FAB] =	sst s10  }
0x38: {  	s10 =	sld [smem:$0x3FAC]  }
0x39: {  	_ = 	snop;
	(pc) =	sbr.ind lr, $3  }
0x3a: {  	_ = 	snop  }
0x3b: {  	_ = 	snop  }
0x3c: {  	p2 =	seq.s32 s10, $0x1;
	s10 =	sld [smem:$0x3FAB]  }
0x3d: {  	_ =	shalt  }
0x3e: {  	_ =	shalt  }
0x3f: {  	_ =	shalt  }
0x40: {  	_ =	shalt  }
0x41: {  	_ =	shalt  }
0x42: {  	_ =	shalt  }
0x43: {  	_ =	shalt  }
0x44: {  	_ =	shalt  }
0x45: {  	_ =	shalt  }
0x46: {  	_ =	shalt  }
0x47: {  	_ =	shalt  }
0x48: {  	_ =	shalt  }
0x49: {  	_ =	shalt  }
0x4a: {  	_ =	shalt  }
0x4b: {  	_ =	shalt  }
0x4c: {  	_ =	shalt  }
0x4d: {  	_ =	shalt  }
0x4e: {  	_ =	shalt  }
0x4f: {  	_ =	shalt  }
0x50: {  	_ =	shalt  }
0x51: {  	_ =	shalt  }
0x52: {  	_ =	shalt  }
0x53: {  	_ =	shalt  }
0x54: {  	_ =	shalt  }
0x55: {  	_ =	shalt  }
0x56: {  	_ =	shalt  }
0x57: {  	_ =	shalt  }
0x58: {  	_ =	shalt  }
0x59: {  	_ =	shalt  }
0x5a: {  	_ =	shalt  }
0x5b: {  	_ =	shalt  }
0x5c: {  	_ =	shalt  }
0x5d: {  	_ =	shalt  }
0x5e: {  	_ =	shalt  }
0x5f: {  	_ =	shalt  }
0x60: {  	_ =	shalt  }
0x61: {  	_ =	shalt  }
0x62: {  	_ =	shalt  }
0x63: {  	_ =	shalt  }
0x64: {  	_ =	shalt  }
0x65: {  	_ =	shalt  }
0x66: {  	_ =	shalt  }
0x67: {  	_ =	shalt  }
0x68: {  	_ =	shalt  }
0x69: {  	_ =	shalt  }
0x6a: {  	_ =	shalt  }
0x6b: {  	_ =	shalt  }
0x6c: {  	_ =	shalt  }
0x6d: {  	_ =	shalt  }
0x6e: {  	_ =	shalt  }
0x6f: {  	_ =	shalt  }
0x70: {  	_ =	shalt  }
0x71: {  	_ =	shalt  }
0x72: {  	_ =	shalt  }
0x73: {  	_ =	shalt  }
0x74: {  	_ =	shalt  }
0x75: {  	_ =	shalt  }
0x76: {  	_ =	shalt  }
0x77: {  	_ =	shalt  }
0x78: {  	_ =	shalt  }
0x79: {  	_ =	shalt  }
0x7a: {  	_ =	shalt  }
0x7b: {  	_ =	shalt  }
0x7c: {  	_ =	shalt  }
0x7d: {  	_ =	shalt  }
0x7e: {  	_ =	shalt  }
0x7f: {  	_ =	shalt  }
0x80: {  	_ =	shalt  }
0x81: {  	_ =	shalt  }
0x82: {  	_ =	shalt  }
0x83: {  	_ =	shalt  }
0x84: {  	_ =	shalt  }
0x85: {  	_ =	shalt  }
0x86: {  	_ =	shalt  }
0x87: {  	_ =	shalt  }
.Lfunc_end0:
.L_simem_size_0:
called_computation.3_lowered:
.L_overlay_start_0:
0x88: {  	s2 =	sld [smem:$0x3FD9]  }
0x89: {  	s3 =	sld [smem:$0x3FFE];
	_ =	sdelay $0x1  }
0x8a: {  	s1 =	srdreg.scid  }
0x8b: {  	s0 =	sand.u32 $0x1, s1  }
0x8c: {  	s16 =	sshll.u32 s0, $0xA;
	s2 =	sadd.s32 s3, s2  }
0x8d: {  	s2 =	sadd.s32 s2, s16  }
0x8e: {  	[smem:$0x3FB7] =	sst s2  }
0x8f: {  	_ = 	snop  }
0x90: {  	(tm) =	ssettm $0x1  }
0x91: {  	s17 =	sld [smem:$0x3FFB];
	_ =	sdelay $0x3  }
0x92: {  	_ =	strace s17  }
0x93: {  	s2 =	sld [smem:$0x3FFC];
	_ =	sdelay $0x3  }
0x94: {  	_ =	strace s2  }
0x95: {  	s2 =	sld [smem:$0x3FFD];
	_ =	sdelay $0x3  }
0x96: {  	_ =	strace s2  }
0x97: {  	_ =	strace $0x8FFFFFFF  }
0x98: {  	s18 =	sld [smem:$0x3FDB];
	_ =	sdelay $0x1  }
0x99: {  	s19 =	simm.s32 $_scs_section_size  }
0x9a: {  	s4 =	simm.s32 $_size__tile_overlayer_lowered;
	s5 =	simm.s32 $_tile_overlayer_lowered  }
0x9b: {  	s22 =	simm.s32 $0x1BFF;
	s21 =	sshll.u32 s5, $0x1;
	s2 =	sadd.s32 s19, s18  }
0x9c: {  	s6 =	simm.s32 $0x0;
	s20 =	sshll.u32 s4, $0x1;
	s4 =	sadd.s32 s21, s2  }
0x9d: {  	[timem:s6], [sflag:s22] =	dma.local [hbm:s4], s20  }
0x9e: {  	_ =	swait.ge [sflag:s22], s20  }
0x9f: {  	s3 =	ssub.s32 $0x0, s20;
	[sflag:s22] =	ssyncset.done $0x0  }
0xa0: {  	[sflag:s22] =	ssyncadd.s32 s3;
	_ =	sdelay $0x1  }
0xa1: {  	s23 =	simm.s32 $0x1B8B  }
0xa2: {  	_ =	swait.ge [sflag:s23], $0x1  }
0xa3: {  	[sflag:s23] =	ssyncset.done $0x0  }
0xa4: {  	s25 =	simm.s32 $0x1B8E;
	s24 =	sld [smem:$0x3FFE];
	[sflag:s23] =	ssyncadd.s32 $0xFFFFFFFF  }
0xa5: {  	s26 =	simm.s32 $execute0_lowered;
	[smem:$0x3FD2] =	sst s25  }
0xa6: {  	s4 =	sshll.u32 s26, $0x1;
	_ =	strace $0x8000004F;
	[dreg:$0x1] =	wrdreg $0xFFFFFFFF  }
0xa7: {  	s28 =	simm.s32 $_size_execute0_lowered;
	s2 =	sadd.s32 s2, s4;
	[dreg:$0x0] =	wrdreg $0x0  }
0xa8: {  	s4 =	sshll.u32 s28, $0x1;
	[dreg:$0x2] =	wrdreg s2  }
0xa9: {  	[dreg:$0x3] =	wrdreg s4  }
0xaa: {  	[dreg:$0x4] =	wrdreg $0xC0  }
0xab: {  	_ =	task [dreg:s6], $0x5FFFF  }
0xac: {  	[dreg:$0x1] =	wrdreg $0xFFFFFFFF  }
0xad: {  	[dreg:$0x0] =	wrdreg $0x60  }
0xae: {  	[dreg:$0x2] =	wrdreg s24  }
0xaf: {  	[dreg:$0x3] =	wrdreg $0x0  }
0xb0: {  	[dreg:$0x4] =	wrdreg $0x9  }
0xb1: {  	_ =	task.clear_ibuf [dreg:s6], $0x5FFFF;
	_ =	strace $0x9000004F  }
0xb2: {  	s29 =	simm.s32 $0x9;
	_ =	strace $0x80000051  }
0xb3: {  	_ =	swait.ge [sflag:s29], $0x1  }
0xb4: {  	[sflag:s29] =	ssyncadd.s32 $0xFFFFFFFF  }
0xb5: {  	_ =	strace $0x90000051  }
0xb6: {  	_ =	sfence  }
0xb7: {  	s30 =	sld [smem:$0x0];
	_ =	sdelay $0x2  }
0xb8: {  	s31 =	sshll.u32 s1, $0xD;
	s1 =	sshrl.u32 s1, $0x2  }
0xb9: {  	s3 =	sand.u32 $0x4000, s31;
	s1 =	sadd.s32 s1, s30  }
0xba: {  	s0 =	sor.u32 s3, s0;
	s1 =	sshll.u32 s1, $0x11  }
0xbb: {  	s0 =	sor.u32 s1, s0  }
0xbc: {  	s0 =	sadd.s32 $0x8F2B, s0  }
0xbd: {  	[sflag:s0] =	ssyncadd.remote.s32 $0x1  }
0xbe: {  	_ =	sfence.sel $0xFFFF  }
0xbf: {  	[dreg:$0x0] =	wrdreg $0xFFFFFFFF;
	(pc) =	sbr.abs _section_cstart, $3  }
0xc0: {  	[dreg:$0x1] =	wrdreg $0xFFFFFFFF  }
0xc1: {  	_ =	task.clear_ibuf [dreg:s6], $0x2FFFF;
	_ =	strace $0x9FFFFFFF  }
0xc2: {  	(tm) =	ssettm $0x7FFFFFFF  }
0xc3: {  	_ =	shalt  }
tec
execute0_lowered:
.L_overlay_start_1:
0x0: {  	(tag) =	ssettag $0x1  }
0x1: {  	s0 =	rddreg [dreg:$0x0]  }
0x2: {  	s1 =	rddreg [dreg:$0x1]  }
0x3: {  	s2 =	simm.s32 $0x0;
	s3 =	srdreg.scid;
	s10 =	stileid.u32  }
0x4: {  	s28 =	simm.s32 $0x18400;
	s29 =	simm.s32 $0x13C80;
	s30 =	simm.s32 $0x1A400  }
0x5: {  	s31 =	simm.s32 $0x13CC0;
	[smem:$0x7FF] =	sst s2;
	s4 =	sadd.s32 $0x18200, s0  }
0x6: {  	s5 =	sadd.s32 $0xDA00, s0;
	s3 =	sand.u32 $0x1, s3;
	s11 =	sadd.s32 $0x3A00, s0  }
0x7: {  	s7 =	smul.u32 $0x4F000, s10;
	s8 =	sadd.s32 $0x17A00, s0;
	s0 =	sadd.s32 $0xB6A00, s0  }
0x8: {  	s12 =	smul.u32 $0x13C00, s10;
	_ =	strace $0x80000050;
	s6 =	ssub.s32 $0x2, s3  }
0x9: {  	[dreg:$0x3] =	wrdreg s8;
	s9 =	sshll.u32 s3, $0x4;
	s3 =	smul.u32 $0x13C000, s3  }
0xa: {  	s18 =	sshrl.u32 s6, $0x1;
	s7 =	sshrl.u32 s7, $0x2;
	s19 =	sor.u32 s10, s9  }
0xb: {  	s14 =	sadd.s32 $0x4000, s12;
	s15 =	sadd.s32 $0x8000, s12;
	s16 =	sadd.s32 $0xC000, s12  }
0xc: {  	s17 =	sadd.s32 $0x10000, s12;
	s13 =	ssub.s32 s6, s18;
	s6 =	sadd.s32 s7, s1  }
0xd: {  	s9 =	smul.u32 $0x2800, s19;
	s7 =	sadd.s32 s14, s1;
	s8 =	sadd.s32 s15, s1  }
0xe: {  	s10 =	sadd.s32 s17, s1;
	s12 =	sadd.s32 s12, s3;
	s22 =	sadd.s32 s3, s14  }
0xf: {  	s24 =	sadd.s32 s3, s15;
	s25 =	sadd.s32 s3, s16;
	s3 =	sadd.s32 s3, s17  }
0x10: {  	s14 =	simm.s32 $0x16300;
	s15 =	simm.s32 $0x16380;
	s21 =	sshrl.u32 s12, $0x3  }
0x11: {  	s23 =	sshrl.u32 s22, $0x3;
	s3 =	sshrl.u32 s3, $0x3;
	s18 =	sshrl.u32 s9, $0x3  }
0x12: {  	s22 =	simm.s32 $0x5;
	s12 =	simm.s32 $0x3;
	s19 =	sadd.s32 s5, s18  }
0x13: {  	s20 =	sadd.s32 s11, s18;
	s18 =	sadd.s32 $0x280, s18;
	[dreg:$0x4] =	wrdreg s19  }
0x14: {  	s9 =	sadd.s32 s16, s1;
	[dreg:$0x5] =	wrdreg s20;
	s5 =	sadd.s32 s5, s18  }
0x15: {  	s16 =	simm.s32 $0x0;
	s11 =	sadd.s32 s11, s18;
	[dreg:$0x6] =	wrdreg s5  }
0x16: {  	s20 =	smax.u32 s13, $0x1;
	s13 =	simm.s32 $0x4;
	[dreg:$0x7] =	wrdreg s11  }
0x17: {  	s5 =	sadd.s32 s0, s21;
	s11 =	sshrl.u32 s25, $0x3;
	s21 =	simm.s32 $0x16400  }
0x18: {  	s25 =	simm.s32 $0x40;
	[dreg:$0x8] =	wrdreg s5;
	s5 =	sadd.s32 s0, s23  }
0x19: {  	s26 =	sadd.s32 s0, s11;
	s23 =	simm.s32 $0x13C00;
	[dreg:$0x9] =	wrdreg s5  }
0x1a: {  	s11 =	simm.s32 $0x2;
	s5 =	sshrl.u32 s24, $0x3;
	[dreg:$0xb] =	wrdreg s26  }
0x1b: {  	s24 =	simm.s32 $0x15000;
	s26 =	simm.s32 $0x13C40;
	s5 =	sadd.s32 s0, s5  }
0x1c: {  	s0 =	sadd.s32 s0, s3;
	s3 =	simm.s32 $0x1;
	[dreg:$0xa] =	wrdreg s5  }
0x1d: {  	[dreg:$0xc] =	wrdreg s0;
	s0 =	simm.s32 $0x1C400;
	s5 =	simm.s32 $0x80  }
.LBB2_1:
0x1e: {  	s17 =	rddreg [dreg:$0x3]  }
0x1f: {  	[tilespmem:s21], [sflag:$0x5] =	stream.linear.gather [hbm4b:s17+s2], $0x4000, $0x38;
	[tilespmem:$0x1E400] =	vst v63  }
0x20: {  	_ =	swait.ge [sflag:s22], $0x4000  }
0x21: {  	[sflag:s22] =	ssyncset.done $0x0  }
0x22: {  	[sflag:s22] =	ssyncadd.s32 $0xFFFFC000  }
0x23: {  	[spmem:s6] =	stream.linear.scatter [tilespmem:s21], [sflag:$0x5], $0x4000, $0x38;
	[tilespmem:$0x1E400] =	vst v63  }
0x24: {  	_ =	swait.ge [sflag:s22], $0x4000  }
0x25: {  	[sflag:s22] =	ssyncset.done $0x0  }
0x26: {  	[sflag:s22] =	ssyncadd.s32 $0xFFFFC000  }
0x27: {  	[spmem:s7] =	stream.linear.scatter [tilespmem:s21], [sflag:$0x5], $0x4000, $0x38;
	[tilespmem:$0x1E400] =	vst v63  }
0x28: {  	_ =	swait.ge [sflag:s22], $0x4000  }
0x29: {  	[sflag:s22] =	ssyncset.done $0x0  }
0x2a: {  	[sflag:s22] =	ssyncadd.s32 $0xFFFFC000  }
0x2b: {  	[spmem:s8] =	stream.linear.scatter [tilespmem:s21], [sflag:$0x5], $0x4000, $0x38;
	[tilespmem:$0x1E400] =	vst v63  }
0x2c: {  	_ =	swait.ge [sflag:s22], $0x4000  }
0x2d: {  	[sflag:s22] =	ssyncset.done $0x0  }
0x2e: {  	[sflag:s22] =	ssyncadd.s32 $0xFFFFC000  }
0x2f: {  	[spmem:s9] =	stream.linear.scatter [tilespmem:s21], [sflag:$0x5], $0x4000, $0x38;
	[tilespmem:$0x1E400] =	vst v63  }
0x30: {  	_ =	swait.ge [sflag:s22], $0x4000  }
0x31: {  	[sflag:s22] =	ssyncset.done $0x0  }
0x32: {  	[sflag:s22] =	ssyncadd.s32 $0xFFFFC000  }
0x33: {  	[spmem:s10] =	stream.linear.scatter [tilespmem:s21], [sflag:$0x5], $0x3C00, $0x38;
	[tilespmem:$0x1E400] =	vst v63  }
0x34: {  	_ =	swait.ge [sflag:s22], $0x3C00  }
0x35: {  	[sflag:s22] =	ssyncset.done $0x0  }
0x36: {  	[sflag:s22] =	ssyncadd.s32 $0xFFFFC400  }
0x37: {  	[bflag:$0x0] =	sbarrier.arrive $0xFFFF  }
0x38: {  	s19 =	rddreg [dreg:$0x4]  }
0x39: {  	[tilespmem:s23], [sflag:$0x5] =	stream.linear.gather [hbm4b:s19+s2], $0x1400, $0x38;
	[tilespmem:$0x1E400] =	vst v63  }
0x3a: {  	_ =	swait.ge [sflag:s22], $0x1400  }
0x3b: {  	[sflag:s22] =	ssyncset.done $0x0  }
0x3c: {  	s18 =	rddreg [dreg:$0x5];
	[sflag:s22] =	ssyncadd.s32 $0xFFFFEC00  }
0x3d: {  	[tilespmem:s24], [sflag:$0x5] =	stream.linear.gather [hbm4b:s18+s2], $0x1400, $0x38;
	[tilespmem:$0x1E400] =	vst v63  }
0x3e: {  	_ =	swait.ge [sflag:s22], $0x1400  }
0x3f: {  	[sflag:s22] =	ssyncset.done $0x0  }
0x40: {  	[sflag:s22] =	ssyncadd.s32 $0xFFFFEC00  }
0x41: {  	[tilespmem:s21], [sflag:$0x1] =	stream.indirect.gather [hbm4b:s4+s25], $0x80, s23, s25, $0xb8;
	[tilespmem:$0x1E400] =	vst v63  }
0x42: {  	_ = 	snop  }
0x43: {  	[tilespmem:s28], [sflag:$0x1] =	stream.indirect.gather [hbm4b:s4+s25], $0x80, s26, s25, $0xb8;
	[tilespmem:$0x1E400] =	vst v63  }
0x44: {  	_ = 	snop  }
0x45: {  	[tilespmem:s30], [sflag:$0x2] =	stream.indirect.gather [hbm4b:s4+s25], $0x80, s29, s25, $0xb8;
	[tilespmem:$0x1E400] =	vst v63  }
0x46: {  	_ = 	snop  }
0x47: {  	[tilespmem:s0], [sflag:$0x2] =	stream.indirect.gather [hbm4b:s4+s25], $0x80, s31, s25, $0xb8;
	[tilespmem:$0x1E400] =	vst v63  }
0x48: {  	_ =	swait.ge [sflag:s3], $0x4000  }
0x49: {  	[sflag:s3] =	ssyncset.done $0x0  }
0x4a: {  	s19 =	simm.s32 $0x15000;
	[sflag:s3] =	ssyncadd.s32 $0xFFFFC000  }
0x4b: {  	[spmem:s1] =	stream.indirect.scatter.add.f32 [tilespmem:s21], [sflag:$0x3], $0x80, s19, s5, $0xb8;
	[tilespmem:$0x1E400] =	vst v63  }
0x4c: {  	_ =	swait.ge [sflag:s11], $0x4000  }
0x4d: {  	[sflag:s11] =	ssyncset.done $0x0  }
0x4e: {  	s18 =	simm.s32 $0x15080;
	[sflag:s11] =	ssyncadd.s32 $0xFFFFC000  }
0x4f: {  	[spmem:s1] =	stream.indirect.scatter.add.f32 [tilespmem:s30], [sflag:$0x4], $0x80, s18, s5, $0xb8;
	[tilespmem:$0x1E400] =	vst v63  }
0x50: {  	_ =	swait.ge [sflag:s12], $0x4000  }
0x51: {  	[sflag:s12] =	ssyncset.done $0x0  }
0x52: {  	s19 =	simm.s32 $0x13D00;
	[sflag:s12] =	ssyncadd.s32 $0xFFFFC000  }
0x53: {  	[tilespmem:s21], [sflag:$0x1] =	stream.indirect.gather [hbm4b:s4+s25], $0x80, s19, s25, $0xb8;
	[tilespmem:$0x1E400] =	vst v63  }
0x54: {  	s18 =	simm.s32 $0x13D40  }
0x55: {  	[tilespmem:s28], [sflag:$0x1] =	stream.indirect.gather [hbm4b:s4+s25], $0x80, s18, s25, $0xb8;
	[tilespmem:$0x1E400] =	vst v63  }
0x56: {  	_ =	swait.ge [sflag:s13], $0x4000  }
0x57: {  	s17 =	simm.s32 $0x400;
	[sflag:s13] =	ssyncset.done $0x0  }
0x58: {  	s19 =	simm.s32 $0x13D80;
	s18 =	simm.s32 $0x13DC0;
	[sflag:s13] =	ssyncadd.s32 $0xFFFFC000  }
0x59: {  	[tilespmem:s30], [sflag:$0x2] =	stream.indirect.gather [hbm4b:s4+s25], $0x80, s19, s25, $0xb8;
	[tilespmem:$0x1E400] =	vst v63  }
.LBB2_2:
0x5a: {  	[tilespmem:s0], [sflag:$0x2] =	stream.indirect.gather [hbm4b:s4+s25], $0x80, s18, s25, $0xb8;
	[tilespmem:$0x1E400] =	vst v63  }
0x5b: {  	s18 =	smov.u32 s17  }
0x5c: {  	p0 =	sne.s32 s17, $0x4800;
	s17 =	sadd.s32 $0x400, s17;
	_ =	swait.ge [sflag:s3], $0x4000  }
0x5d: {  	s18 =	sshra.s32 s18, $0x2;
	[sflag:s3] =	ssyncset.done $0x0  }
0x5e: {  	s19 =	sadd.s32 $0x15000, s18;
	[sflag:s3] =	ssyncadd.s32 $0xFFFFC000  }
0x5f: {  	[spmem:s1] =	stream.indirect.scatter.add.f32 [tilespmem:s21], [sflag:$0x3], $0x80, s19, s5, $0xb8;
	[tilespmem:$0x1E400] =	vst v63  }
0x60: {  	_ =	swait.ge [sflag:s11], $0x4000  }
0x61: {  	[sflag:s11] =	ssyncset.done $0x0  }
0x62: {  	s19 =	sadd.s32 $0x15080, s18;
	[sflag:s11] =	ssyncadd.s32 $0xFFFFC000  }
0x63: {  	[spmem:s1] =	stream.indirect.scatter.add.f32 [tilespmem:s30], [sflag:$0x4], $0x80, s19, s5, $0xb8;
	[tilespmem:$0x1E400] =	vst v63  }
0x64: {  	_ =	swait.ge [sflag:s12], $0x4000  }
0x65: {  	[sflag:s12] =	ssyncset.done $0x0  }
0x66: {  	s19 =	sadd.s32 $0x13D00, s18;
	[sflag:s12] =	ssyncadd.s32 $0xFFFFC000  }
0x67: {  	[tilespmem:s21], [sflag:$0x1] =	stream.indirect.gather [hbm4b:s4+s25], $0x80, s19, s25, $0xb8;
	[tilespmem:$0x1E400] =	vst v63  }
0x68: {  	s19 =	sadd.s32 $0x13D40, s18  }
0x69: {  	[tilespmem:s28], [sflag:$0x1] =	stream.indirect.gather [hbm4b:s4+s25], $0x80, s19, s25, $0xb8;
	[tilespmem:$0x1E400] =	vst v63  }
.Ltmp0:
0x6a: {  	_ =	swait.ge [sflag:s13], $0x4000;
	(pc) =	sbr.rel @p0 .LBB2_2-.Ltmp0, $4  }
0x6b: {  	[sflag:s13] =	ssyncset.done $0x0  }
0x6c: {  	s19 =	sadd.s32 $0x13D80, s18;
	[sflag:s13] =	ssyncadd.s32 $0xFFFFC000  }
0x6d: {  	[tilespmem:s30], [sflag:$0x2] =	stream.indirect.gather [hbm4b:s4+s25], $0x80, s19, s25, $0xb8;
	[tilespmem:$0x1E400] =	vst v63  }
0x6e: {  	s18 =	sadd.s32 $0x13DC0, s18  }
0x6f: {  	[tilespmem:s0], [sflag:$0x2] =	stream.indirect.gather [hbm4b:s4+s25], $0x80, s18, s25, $0xb8;
	[tilespmem:$0x1E400] =	vst v63  }
0x70: {  	_ =	swait.ge [sflag:s3], $0x4000  }
0x71: {  	[sflag:s3] =	ssyncset.done $0x0  }
0x72: {  	[sflag:s3] =	ssyncadd.s32 $0xFFFFC000  }
0x73: {  	[spmem:s1] =	stream.indirect.scatter.add.f32 [tilespmem:s21], [sflag:$0x3], $0x80, s14, s5, $0xb8;
	[tilespmem:$0x1E400] =	vst v63  }
0x74: {  	_ =	swait.ge [sflag:s11], $0x4000  }
0x75: {  	[sflag:s11] =	ssyncset.done $0x0  }
0x76: {  	[sflag:s11] =	ssyncadd.s32 $0xFFFFC000  }
0x77: {  	[spmem:s1] =	stream.indirect.scatter.add.f32 [tilespmem:s30], [sflag:$0x4], $0x80, s15, s5, $0xb8;
	[tilespmem:$0x1E400] =	vst v63  }
0x78: {  	_ =	swait.ge [sflag:s12], $0x4000  }
0x79: {  	[sflag:s12] =	ssyncset.done $0x0  }
0x7a: {  	[sflag:s12] =	ssyncadd.s32 $0xFFFFC000  }
0x7b: {  	_ =	swait.ge [sflag:s13], $0x4000  }
0x7c: {  	[sflag:s13] =	ssyncset.done $0x0  }
0x7d: {  	s17 =	simm.s32 $0x0;
	s19 =	rddreg [dreg:$0x6];
	[sflag:s13] =	ssyncadd.s32 $0xFFFFC000  }
0x7e: {  	[tilespmem:s23], [sflag:$0x5] =	stream.linear.gather [hbm4b:s19+s17], $0x1400, $0x38;
	[tilespmem:$0x1E400] =	vst v63  }
0x7f: {  	_ =	swait.ge [sflag:s22], $0x1400  }
0x80: {  	[sflag:s22] =	ssyncset.done $0x0  }
0x81: {  	s19 =	rddreg [dreg:$0x7];
	[sflag:s22] =	ssyncadd.s32 $0xFFFFEC00  }
0x82: {  	[tilespmem:s24], [sflag:$0x5] =	stream.linear.gather [hbm4b:s19+s17], $0x1400, $0x38;
	[tilespmem:$0x1E400] =	vst v63  }
0x83: {  	_ =	swait.ge [sflag:s22], $0x1400  }
0x84: {  	[sflag:s22] =	ssyncset.done $0x0  }
0x85: {  	[sflag:s22] =	ssyncadd.s32 $0xFFFFEC00  }
0x86: {  	[tilespmem:s21], [sflag:$0x1] =	stream.indirect.gather [hbm4b:s4+s25], $0x80, s23, s25, $0xb8;
	[tilespmem:$0x1E400] =	vst v63  }
0x87: {  	_ = 	snop  }
0x88: {  	[tilespmem:s28], [sflag:$0x1] =	stream.indirect.gather [hbm4b:s4+s25], $0x80, s26, s25, $0xb8;
	[tilespmem:$0x1E400] =	vst v63  }
0x89: {  	_ = 	snop  }
0x8a: {  	[tilespmem:s30], [sflag:$0x2] =	stream.indirect.gather [hbm4b:s4+s25], $0x80, s29, s25, $0xb8;
	[tilespmem:$0x1E400] =	vst v63  }
0x8b: {  	_ = 	snop  }
0x8c: {  	[tilespmem:s0], [sflag:$0x2] =	stream.indirect.gather [hbm4b:s4+s25], $0x80, s31, s25, $0xb8;
	[tilespmem:$0x1E400] =	vst v63  }
0x8d: {  	_ =	swait.ge [sflag:s3], $0x4000  }
0x8e: {  	[sflag:s3] =	ssyncset.done $0x0  }
0x8f: {  	s19 =	simm.s32 $0x15000;
	[sflag:s3] =	ssyncadd.s32 $0xFFFFC000  }
0x90: {  	[spmem:s1] =	stream.indirect.scatter.add.f32 [tilespmem:s21], [sflag:$0x3], $0x80, s19, s5, $0xb8;
	[tilespmem:$0x1E400] =	vst v63  }
0x91: {  	_ =	swait.ge [sflag:s11], $0x4000  }
0x92: {  	[sflag:s11] =	ssyncset.done $0x0  }
0x93: {  	s18 =	simm.s32 $0x15080;
	[sflag:s11] =	ssyncadd.s32 $0xFFFFC000  }
0x94: {  	[spmem:s1] =	stream.indirect.scatter.add.f32 [tilespmem:s30], [sflag:$0x4], $0x80, s18, s5, $0xb8;
	[tilespmem:$0x1E400] =	vst v63  }
0x95: {  	_ =	swait.ge [sflag:s12], $0x4000  }
0x96: {  	[sflag:s12] =	ssyncset.done $0x0  }
0x97: {  	s19 =	simm.s32 $0x13D00;
	[sflag:s12] =	ssyncadd.s32 $0xFFFFC000  }
0x98: {  	[tilespmem:s21], [sflag:$0x1] =	stream.indirect.gather [hbm4b:s4+s25], $0x80, s19, s25, $0xb8;
	[tilespmem:$0x1E400] =	vst v63  }
0x99: {  	s18 =	simm.s32 $0x13D40  }
0x9a: {  	[tilespmem:s28], [sflag:$0x1] =	stream.indirect.gather [hbm4b:s4+s25], $0x80, s18, s25, $0xb8;
	[tilespmem:$0x1E400] =	vst v63  }
0x9b: {  	_ =	swait.ge [sflag:s13], $0x4000  }
0x9c: {  	s17 =	simm.s32 $0x400;
	[sflag:s13] =	ssyncset.done $0x0  }
0x9d: {  	s19 =	simm.s32 $0x13D80;
	s18 =	simm.s32 $0x13DC0;
	[sflag:s13] =	ssyncadd.s32 $0xFFFFC000  }
0x9e: {  	[tilespmem:s30], [sflag:$0x2] =	stream.indirect.gather [hbm4b:s4+s25], $0x80, s19, s25, $0xb8;
	[tilespmem:$0x1E400] =	vst v63  }
.LBB2_4:
0x9f: {  	[tilespmem:s0], [sflag:$0x2] =	stream.indirect.gather [hbm4b:s4+s25], $0x80, s18, s25, $0xb8;
	[tilespmem:$0x1E400] =	vst v63  }
0xa0: {  	s18 =	smov.u32 s17  }
0xa1: {  	p0 =	sne.s32 s17, $0x4800;
	s17 =	sadd.s32 $0x400, s17;
	_ =	swait.ge [sflag:s3], $0x4000  }
0xa2: {  	s18 =	sshra.s32 s18, $0x2;
	[sflag:s3] =	ssyncset.done $0x0  }
0xa3: {  	s19 =	sadd.s32 $0x15000, s18;
	[sflag:s3] =	ssyncadd.s32 $0xFFFFC000  }
0xa4: {  	[spmem:s1] =	stream.indirect.scatter.add.f32 [tilespmem:s21], [sflag:$0x3], $0x80, s19, s5, $0xb8;
	[tilespmem:$0x1E400] =	vst v63  }
0xa5: {  	_ =	swait.ge [sflag:s11], $0x4000  }
0xa6: {  	[sflag:s11] =	ssyncset.done $0x0  }
0xa7: {  	s19 =	sadd.s32 $0x15080, s18;
	[sflag:s11] =	ssyncadd.s32 $0xFFFFC000  }
0xa8: {  	[spmem:s1] =	stream.indirect.scatter.add.f32 [tilespmem:s30], [sflag:$0x4], $0x80, s19, s5, $0xb8;
	[tilespmem:$0x1E400] =	vst v63  }
0xa9: {  	_ =	swait.ge [sflag:s12], $0x4000  }
0xaa: {  	[sflag:s12] =	ssyncset.done $0x0  }
0xab: {  	s19 =	sadd.s32 $0x13D00, s18;
	[sflag:s12] =	ssyncadd.s32 $0xFFFFC000  }
0xac: {  	[tilespmem:s21], [sflag:$0x1] =	stream.indirect.gather [hbm4b:s4+s25], $0x80, s19, s25, $0xb8;
	[tilespmem:$0x1E400] =	vst v63  }
0xad: {  	s19 =	sadd.s32 $0x13D40, s18  }
0xae: {  	[tilespmem:s28], [sflag:$0x1] =	stream.indirect.gather [hbm4b:s4+s25], $0x80, s19, s25, $0xb8;
	[tilespmem:$0x1E400] =	vst v63  }
.Ltmp1:
0xaf: {  	_ =	swait.ge [sflag:s13], $0x4000;
	(pc) =	sbr.rel @p0 .LBB2_4-.Ltmp1, $4  }
0xb0: {  	[sflag:s13] =	ssyncset.done $0x0  }
0xb1: {  	s19 =	sadd.s32 $0x13D80, s18;
	[sflag:s13] =	ssyncadd.s32 $0xFFFFC000  }
0xb2: {  	[tilespmem:s30], [sflag:$0x2] =	stream.indirect.gather [hbm4b:s4+s25], $0x80, s19, s25, $0xb8;
	[tilespmem:$0x1E400] =	vst v63  }
0xb3: {  	s18 =	sadd.s32 $0x13DC0, s18  }
0xb4: {  	[tilespmem:s0], [sflag:$0x2] =	stream.indirect.gather [hbm4b:s4+s25], $0x80, s18, s25, $0xb8;
	[tilespmem:$0x1E400] =	vst v63  }
0xb5: {  	_ =	swait.ge [sflag:s3], $0x4000  }
0xb6: {  	[sflag:s3] =	ssyncset.done $0x0  }
0xb7: {  	[sflag:s3] =	ssyncadd.s32 $0xFFFFC000  }
0xb8: {  	[spmem:s1] =	stream.indirect.scatter.add.f32 [tilespmem:s21], [sflag:$0x3], $0x80, s14, s5, $0xb8;
	[tilespmem:$0x1E400] =	vst v63  }
0xb9: {  	_ =	swait.ge [sflag:s11], $0x4000  }
0xba: {  	[sflag:s11] =	ssyncset.done $0x0  }
0xbb: {  	[sflag:s11] =	ssyncadd.s32 $0xFFFFC000  }
0xbc: {  	[spmem:s1] =	stream.indirect.scatter.add.f32 [tilespmem:s30], [sflag:$0x4], $0x80, s15, s5, $0xb8;
	[tilespmem:$0x1E400] =	vst v63  }
0xbd: {  	_ =	swait.ge [sflag:s12], $0x4000  }
0xbe: {  	[sflag:s12] =	ssyncset.done $0x0  }
0xbf: {  	[sflag:s12] =	ssyncadd.s32 $0xFFFFC000  }
0xc0: {  	_ =	swait.ge [sflag:s13], $0x4000  }
0xc1: {  	[sflag:s13] =	ssyncset.done $0x0  }
0xc2: {  	[sflag:s13] =	ssyncadd.s32 $0xFFFFC000  }
0xc3: {  	[bflag:$0x0] =	sbarrier.arrive $0xFFFF  }
0xc4: {  	[tilespmem:s21], [sflag:$0x5] =	stream.linear.gather [spmem:s6], $0x4000, $0x38;
	[tilespmem:$0x1E400] =	vst v63  }
0xc5: {  	_ =	swait.ge [sflag:s22], $0x4000  }
0xc6: {  	[sflag:s22] =	ssyncset.done $0x0  }
0xc7: {  	s17 =	rddreg [dreg:$0x8];
	[sflag:s22] =	ssyncadd.s32 $0xFFFFC000  }
0xc8: {  	[hbm4b:s17+s2] =	stream.linear.scatter [tilespmem:s21], [sflag:$0x5], $0x4000, $0x38;
	[tilespmem:$0x1E400] =	vst v63  }
0xc9: {  	_ =	swait.ge [sflag:s22], $0x4000  }
0xca: {  	[sflag:s22] =	ssyncset.done $0x0  }
0xcb: {  	[sflag:s22] =	ssyncadd.s32 $0xFFFFC000  }
0xcc: {  	[tilespmem:s21], [sflag:$0x5] =	stream.linear.gather [spmem:s7], $0x4000, $0x38;
	[tilespmem:$0x1E400] =	vst v63  }
0xcd: {  	_ =	swait.ge [sflag:s22], $0x4000  }
0xce: {  	[sflag:s22] =	ssyncset.done $0x0  }
0xcf: {  	s18 =	rddreg [dreg:$0x9];
	[sflag:s22] =	ssyncadd.s32 $0xFFFFC000  }
0xd0: {  	[hbm4b:s18+s2] =	stream.linear.scatter [tilespmem:s21], [sflag:$0x5], $0x4000, $0x38;
	[tilespmem:$0x1E400] =	vst v63  }
0xd1: {  	_ =	swait.ge [sflag:s22], $0x4000  }
0xd2: {  	[sflag:s22] =	ssyncset.done $0x0  }
0xd3: {  	[sflag:s22] =	ssyncadd.s32 $0xFFFFC000  }
0xd4: {  	[tilespmem:s21], [sflag:$0x5] =	stream.linear.gather [spmem:s8], $0x4000, $0x38;
	[tilespmem:$0x1E400] =	vst v63  }
0xd5: {  	_ =	swait.ge [sflag:s22], $0x4000  }
0xd6: {  	[sflag:s22] =	ssyncset.done $0x0  }
0xd7: {  	s19 =	rddreg [dreg:$0xa];
	[sflag:s22] =	ssyncadd.s32 $0xFFFFC000  }
0xd8: {  	[hbm4b:s19+s2] =	stream.linear.scatter [tilespmem:s21], [sflag:$0x5], $0x4000, $0x38;
	[tilespmem:$0x1E400] =	vst v63  }
0xd9: {  	_ =	swait.ge [sflag:s22], $0x4000  }
0xda: {  	[sflag:s22] =	ssyncset.done $0x0  }
0xdb: {  	[sflag:s22] =	ssyncadd.s32 $0xFFFFC000  }
0xdc: {  	[tilespmem:s21], [sflag:$0x5] =	stream.linear.gather [spmem:s9], $0x4000, $0x38;
	[tilespmem:$0x1E400] =	vst v63  }
0xdd: {  	_ =	swait.ge [sflag:s22], $0x4000  }
0xde: {  	[sflag:s22] =	ssyncset.done $0x0  }
0xdf: {  	s18 =	rddreg [dreg:$0xb];
	[sflag:s22] =	ssyncadd.s32 $0xFFFFC000  }
0xe0: {  	[hbm4b:s18+s2] =	stream.linear.scatter [tilespmem:s21], [sflag:$0x5], $0x4000, $0x38;
	[tilespmem:$0x1E400] =	vst v63  }
0xe1: {  	_ =	swait.ge [sflag:s22], $0x4000  }
0xe2: {  	[sflag:s22] =	ssyncset.done $0x0  }
0xe3: {  	[sflag:s22] =	ssyncadd.s32 $0xFFFFC000  }
0xe4: {  	[tilespmem:s21], [sflag:$0x5] =	stream.linear.gather [spmem:s10], $0x3C00, $0x38;
	[tilespmem:$0x1E400] =	vst v63  }
0xe5: {  	s16 =	sadd.s32 $0x1, s16;
	_ =	swait.ge [sflag:s22], $0x3C00  }
0xe6: {  	p0 =	sne.s32 s16, s20;
	[sflag:s22] =	ssyncset.done $0x0  }
.Ltmp2:
0xe7: {  	s19 =	rddreg [dreg:$0xc];
	[sflag:s22] =	ssyncadd.s32 $0xFFFFC400;
	(pc) =	sbr.rel @p0 .LBB2_1-.Ltmp2, $4  }
0xe8: {  	[hbm4b:s19+s2] =	stream.linear.scatter [tilespmem:s21], [sflag:$0x5], $0x3C00, $0x38;
	[tilespmem:$0x1E400] =	vst v63  }
0xe9: {  	_ =	swait.ge [sflag:s22], $0x3C00  }
0xea: {  	[sflag:s22] =	ssyncset.done $0x0  }
0xeb: {  	[sflag:s22] =	ssyncadd.s32 $0xFFFFC400  }
0xec: {  	_ =	sfence.sel $0x180000  }
0xed: {  	[bflag:$0x0] =	sbarrier.arrive $0xFFFF  }
0xee: {  	_ =	strace $0x90000050  }
0xef: {  	s0 =	stileid.u32;
	[bflag:$0x2] =	sbarrier.arrive $0xFFFF  }
0xf0: {  	p0 =	sne.s32 s0, $0x0;
	s0 =	rddreg [dreg:$0x2]  }
0xf1: {  	s0 =	sadd.s32 @!p0 $0x100000, s0  }
0xf2: {  	[sflag:s0] =	ssyncadd.tile.s32 @!p0 $0x1;
	_ =	shalt  }
.Lfunc_end2:
_tile_overlayer_lowered:
.L_overlay_start_2:
0xf3: {  	(tag) =	ssettag $0x2  }
0xf4: {  	s0 =	rddreg [dreg:$0x0];
	s2 =	stileid.u32  }
0xf5: {  	s1 =	rddreg [dreg:$0x1];
	p0 =	sne.s32 s2, $0x0  }
0xf6: {  	s3 =	rddreg [dreg:$0x2];
	[bflag:$0x3] =	sbarrier.arrive $0xFFFF;
	s2 =	simm.s32 @!p0 $0x1C05  }
0xf7: {  	[timem:s3], [sflag:s2] =	dma.local @!p0 [hbm:s0], s1  }
0xf8: {  	s0 =	simm.s32 @!p0 $0x5  }
0xf9: {  	_ =	swait.ge @!p0 [sflag:s0], s1  }
0xfa: {  	s1 =	ssub.s32 @!p0 $0x0, s1;
	[sflag:s0] =	ssyncset.done @!p0 $0x0  }
0xfb: {  	[sflag:s0] =	ssyncadd.s32 @!p0 s1  }
0xfc: {  	[bflag:$0x3] =	sbarrier.arrive $0xFFFF  }
0xfd: {  	_ =	shalt  }

// kernel: kernel.9.cloned.1.call-start
scs
__scs_entry_jumppad:
0x0: {  	(pc) =	sbr.rel $0x88, $3  }
0x1: {  	(tag) =	ssettag $0x0;
	lr =	simm.s32 $0x1  }
0x2: {  	[smem:$0x3F90] =	sst lr;
	_ =	strace $0xD0000000  }
0x3: {  	_ = 	snop  }
0x4: {  	_ = 	snop  }
0x5: {  	_ = 	snop  }
0x6: {  	_ = 	snop  }
0x7: {  	_ = 	snop  }
__scs_overlays_trampoline_lowered:
0x8: {  	[smem:$0x3F9F] =	sst s0  }
0x9: {  	[smem:$0x3FA0] =	sst s1  }
0xa: {  	[smem:$0x3FA1] =	sst s2  }
0xb: {  	[smem:$0x3FA2] =	sst s3  }
0xc: {  	[smem:$0x3FA3] =	sst s4  }
0xd: {  	[smem:$0x3FA4] =	sst s5  }
0xe: {  	[smem:$0x3FA5] =	sst s6  }
0xf: {  	[smem:$0x3FA6] =	sst s7  }
0x10: {  	[smem:$0x3FA7] =	sst s8  }
0x11: {  	[smem:$0x3FA8] =	sst s9;
	s0 =	simm.s32 @!p0 $0x0  }
0x12: {  	s1 =	sld [smem:$0x3F8E];
	s0 =	simm.s32 @p0 $0x1  }
0x13: {  	[smem:$0x3FA9] =	sst s0;
	s0 =	simm.s32 @!p1 $0x0  }
0x14: {  	s2 =	sld [smem:$0x3F8D];
	s0 =	simm.s32 @p1 $0x1  }
0x15: {  	[smem:$0x3FAA] =	sst s0;
	s0 =	simm.s32 @!p2 $0x0  }
0x16: {  	s3 =	sld [smem:$0x3FDB];
	s0 =	simm.s32 @p2 $0x1  }
0x17: {  	s4 =	simm.s32 $0x1BF5;
	[smem:$0x3FAC] =	sst s0  }
0x18: {  	s0 =	sld [smem:$0x3F8F];
	_ =	swait.ge [sflag:s4], $0x0  }
0x19: {  	s7 =	sld [smem:$0x3F90]  }
0x1a: {  	s8 =	sadd.s32 $0xFFFFE003, lr  }
0x1b: {  	s9 =	sadd.s32 $0xFFFFFEF7, lr;
	s5 =	simm.s32 $0xFFFFFFFF;
	p2 =	slt.u32 s8, $0xFFFFF086  }
0x1c: {  	p1 =	slt.u32 s9, $0xF7A;
	s5 =	simm.s32 @!p2 $0x0  }
0x1d: {  	s5 =	simm.s32 @p1 $0x1;
	p0 =	seq.s32 s7, s2  }
0x1e: {  	s7 =	smul.u32 @!p0 $0xF7A, s2;
	p2 =	seq.s32 @!p0 s5, $0x0  }
0x1f: {  	s9 =	smul.u32 $0xF7A, s1;
	s8 =	simm.s32 @!p0 $0x1BF5;
	p2 =	por !p2, p0  }
0x20: {  	[sflag:s8] =	ssyncset.s32 @!p0 $0xFFFFF086;
	s6 =	sadd.s32 @!p0 s3, s7;
	s7 =	simm.s32 @!p0 $0x108  }
0x21: {  	s3 =	sadd.s32 s3, s9;
	s6 =	sadd.s32 @!p0 $0x88, s6;
	s7 =	simm.s32 @p2 $0x1082  }
0x22: {  	[simem:s7], [sflag:s8] =	dma.local @!p0 [hbm:s6], $0xF7A  }
0x23: {  	s9 =	sor.u32 $0xD0000000, s2;
	s6 =	simm.s32 $0x108;
	_ =	swait.ge @!p0 [sflag:s8], $0x0  }
0x24: {  	s3 =	sadd.s32 $0x88, s3;
	s6 =	simm.s32 @!p1 $0x1082;
	[sflag:s4] =	ssyncset.s32 $0xFFFFF086  }
0x25: {  	[simem:s6], [sflag:s4] =	dma.local [hbm:s3], $0xF7A  }
0x26: {  	[smem:$0x3F90] =	sst s1;
	(tag) =	ssettag s2;
	_ =	strace s9  }
0x27: {  	s1 =	sld [smem:$0x3FA0]  }
0x28: {  	s2 =	sld [smem:$0x3FA1]  }
0x29: {  	s4 =	sld [smem:$0x3FA3]  }
0x2a: {  	p0 =	seq.s32 s5, $0x0;
	s5 =	sld [smem:$0x3FA4]  }
0x2b: {  	s6 =	sld [smem:$0x3FA5]  }
0x2c: {  	s7 =	sld [smem:$0x3FA6]  }
0x2d: {  	s3 =	simm.s32 $0x108;
	s8 =	sld [smem:$0x3FA7]  }
0x2e: {  	s3 =	simm.s32 @!p0 $0x1082;
	s9 =	sld [smem:$0x3FA8]  }
0x2f: {  	lr =	sadd.s32 s0, s3;
	s0 =	sld [smem:$0x3F9F]  }
0x30: {  	s3 =	sld [smem:$0x3FA2]  }
0x31: {  	[smem:$0x3FAB] =	sst s10  }
0x32: {  	s10 =	sld [smem:$0x3FA9];
	_ =	sdelay $0x3  }
0x33: {  	p0 =	seq.s32 s10, $0x1;
	s10 =	sld [smem:$0x3FAB];
	_ =	sdelay $0x3  }
0x34: {  	[smem:$0x3FAB] =	sst s10  }
0x35: {  	s10 =	sld [smem:$0x3FAA];
	_ =	sdelay $0x3  }
0x36: {  	p1 =	seq.s32 s10, $0x1;
	s10 =	sld [smem:$0x3FAB];
	_ =	sdelay $0x3  }
0x37: {  	[smem:$0x3FAB] =	sst s10  }
0x38: {  	s10 =	sld [smem:$0x3FAC]  }
0x39: {  	_ = 	snop;
	(pc) =	sbr.ind lr, $3  }
0x3a: {  	_ = 	snop  }
0x3b: {  	_ = 	snop  }
0x3c: {  	p2 =	seq.s32 s10, $0x1;
	s10 =	sld [smem:$0x3FAB]  }
0x3d: {  	_ =	shalt  }
0x3e: {  	_ =	shalt  }
0x3f: {  	_ =	shalt  }
0x40: {  	_ =	shalt  }
0x41: {  	_ =	shalt  }
0x42: {  	_ =	shalt  }
0x43: {  	_ =	shalt  }
0x44: {  	_ =	shalt  }
0x45: {  	_ =	shalt  }
0x46: {  	_ =	shalt  }
0x47: {  	_ =	shalt  }
0x48: {  	_ =	shalt  }
0x49: {  	_ =	shalt  }
0x4a: {  	_ =	shalt  }
0x4b: {  	_ =	shalt  }
0x4c: {  	_ =	shalt  }
0x4d: {  	_ =	shalt  }
0x4e: {  	_ =	shalt  }
0x4f: {  	_ =	shalt  }
0x50: {  	_ =	shalt  }
0x51: {  	_ =	shalt  }
0x52: {  	_ =	shalt  }
0x53: {  	_ =	shalt  }
0x54: {  	_ =	shalt  }
0x55: {  	_ =	shalt  }
0x56: {  	_ =	shalt  }
0x57: {  	_ =	shalt  }
0x58: {  	_ =	shalt  }
0x59: {  	_ =	shalt  }
0x5a: {  	_ =	shalt  }
0x5b: {  	_ =	shalt  }
0x5c: {  	_ =	shalt  }
0x5d: {  	_ =	shalt  }
0x5e: {  	_ =	shalt  }
0x5f: {  	_ =	shalt  }
0x60: {  	_ =	shalt  }
0x61: {  	_ =	shalt  }
0x62: {  	_ =	shalt  }
0x63: {  	_ =	shalt  }
0x64: {  	_ =	shalt  }
0x65: {  	_ =	shalt  }
0x66: {  	_ =	shalt  }
0x67: {  	_ =	shalt  }
0x68: {  	_ =	shalt  }
0x69: {  	_ =	shalt  }
0x6a: {  	_ =	shalt  }
0x6b: {  	_ =	shalt  }
0x6c: {  	_ =	shalt  }
0x6d: {  	_ =	shalt  }
0x6e: {  	_ =	shalt  }
0x6f: {  	_ =	shalt  }
0x70: {  	_ =	shalt  }
0x71: {  	_ =	shalt  }
0x72: {  	_ =	shalt  }
0x73: {  	_ =	shalt  }
0x74: {  	_ =	shalt  }
0x75: {  	_ =	shalt  }
0x76: {  	_ =	shalt  }
0x77: {  	_ =	shalt  }
0x78: {  	_ =	shalt  }
0x79: {  	_ =	shalt  }
0x7a: {  	_ =	shalt  }
0x7b: {  	_ =	shalt  }
0x7c: {  	_ =	shalt  }
0x7d: {  	_ =	shalt  }
0x7e: {  	_ =	shalt  }
0x7f: {  	_ =	shalt  }
0x80: {  	_ =	shalt  }
0x81: {  	_ =	shalt  }
0x82: {  	_ =	shalt  }
0x83: {  	_ =	shalt  }
0x84: {  	_ =	shalt  }
0x85: {  	_ =	shalt  }
0x86: {  	_ =	shalt  }
0x87: {  	_ =	shalt  }
.Lfunc_end0:
.L_simem_size_0:
called_computation_lowered:
.L_overlay_start_0:
0x88: {  	s2 =	sld [smem:$0x3FD9]  }
0x89: {  	s3 =	sld [smem:$0x3FFE];
	_ =	sdelay $0x1  }
0x8a: {  	s1 =	srdreg.scid  }
0x8b: {  	s0 =	sand.u32 $0x1, s1  }
0x8c: {  	s17 =	sshll.u32 s0, $0xA;
	s2 =	sadd.s32 s3, s2  }
0x8d: {  	s2 =	sadd.s32 s2, s17  }
0x8e: {  	[smem:$0x3FB7] =	sst s2  }
0x8f: {  	_ = 	snop  }
0x90: {  	(tm) =	ssettm $0x1  }
0x91: {  	s18 =	sld [smem:$0x3FFB];
	_ =	sdelay $0x3  }
0x92: {  	_ =	strace s18  }
0x93: {  	s2 =	sld [smem:$0x3FFC];
	_ =	sdelay $0x3  }
0x94: {  	_ =	strace s2  }
0x95: {  	s2 =	sld [smem:$0x3FFD];
	_ =	sdelay $0x3  }
0x96: {  	_ =	strace s2  }
0x97: {  	_ =	strace $0x8FFFFFFF  }
0x98: {  	s19 =	sld [smem:$0x3FDB];
	_ =	sdelay $0x1  }
0x99: {  	s20 =	simm.s32 $_scs_section_size  }
0x9a: {  	s4 =	simm.s32 $_size__tile_overlayer_lowered;
	s5 =	simm.s32 $_tile_overlayer_lowered  }
0x9b: {  	s6 =	simm.s32 $0x1BFF;
	s21 =	sshll.u32 s5, $0x1;
	s3 =	sadd.s32 s20, s19  }
0x9c: {  	s22 =	simm.s32 $0x0;
	s4 =	sshll.u32 s4, $0x1;
	s5 =	sadd.s32 s21, s3  }
0x9d: {  	[timem:s22], [sflag:s6] =	dma.local [hbm:s5], s4  }
0x9e: {  	_ =	swait.ge [sflag:s6], s4  }
0x9f: {  	s4 =	ssub.s32 $0x0, s4;
	[sflag:s6] =	ssyncset.done $0x0  }
0xa0: {  	[sflag:s6] =	ssyncadd.s32 s4;
	_ =	sdelay $0x1  }
0xa1: {  	s23 =	simm.s32 $0x1B8B  }
0xa2: {  	_ =	swait.ge [sflag:s23], $0x1  }
0xa3: {  	[sflag:s23] =	ssyncset.done $0x0  }
0xa4: {  	[sflag:s23] =	ssyncadd.s32 $0xFFFFFFFF  }
0xa5: {  	s4 =	sld [smem:$0x0]  }
0xa6: {  	s5 =	sand.u32 $0xFFFFFFFE, s1  }
0xa7: {  	p0 =	sne.s32 s1, s5  }
0xa8: {  	s5 =	sshll.u32 @p0 s5, $0xE  }
0xa9: {  	s5 =	sadd.s32 @p0 $0x11B8D, s5;
	s6 =	sshll.u32 @p0 s4, $0x11  }
0xaa: {  	s5 =	sor.u32 @p0 s6, s5  }
0xab: {  	[sflag:s5] =	ssyncadd.remote.s32 @p0 $0x1;
	_ =	sdelay $0x1  }
0xac: {  	s5 =	simm.s32 @p0 $0x1B8D  }
0xad: {  	_ =	swait.eq @p0 [sflag:s5], $0x1  }
0xae: {  	[sflag:s5] =	ssyncadd.s32 @p0 $0xFFFFFFFF  }
0xaf: {  	s6 =	sshll.u32 @!p0 s1, $0xE  }
0xb0: {  	s6 =	sor.u32 @!p0 $0x4000, s6;
	s5 =	simm.s32 @!p0 $0x1B8D  }
0xb1: {  	s4 =	sshll.u32 @!p0 s4, $0x11;
	s6 =	sadd.s32 @!p0 $0x11B8D, s6;
	_ =	swait.eq @!p0 [sflag:s5], $0x1  }
0xb2: {  	s4 =	sor.u32 @!p0 s4, s6;
	[sflag:s5] =	ssyncadd.s32 @!p0 $0xFFFFFFFF  }
0xb3: {  	s25 =	simm.s32 $0x1B8E;
	s24 =	sld [smem:$0x3FFE];
	[sflag:s4] =	ssyncadd.remote.s32 @!p0 $0x1  }
0xb4: {  	s26 =	simm.s32 $execute0_lowered;
	[smem:$0x3FD2] =	sst s25  }
0xb5: {  	s5 =	sshll.u32 s26, $0x1;
	_ =	strace $0x80000049;
	[dreg:$0x1] =	wrdreg $0xFFFFFFFF  }
0xb6: {  	s28 =	simm.s32 $_size_execute0_lowered;
	s3 =	sadd.s32 s3, s5;
	[dreg:$0x0] =	wrdreg $0x0  }
0xb7: {  	s5 =	sshll.u32 s28, $0x1;
	[dreg:$0x2] =	wrdreg s3  }
0xb8: {  	[dreg:$0x3] =	wrdreg s5  }
0xb9: {  	[dreg:$0x4] =	wrdreg $0xC0  }
0xba: {  	_ =	task [dreg:s22], $0x5FFFF  }
0xbb: {  	[dreg:$0x1] =	wrdreg $0xFFFFFFFF  }
0xbc: {  	[dreg:$0x0] =	wrdreg $0x60  }
0xbd: {  	[dreg:$0x2] =	wrdreg s24  }
0xbe: {  	[dreg:$0x3] =	wrdreg $0x0  }
0xbf: {  	[dreg:$0x4] =	wrdreg $0x9  }
0xc0: {  	_ =	task.clear_ibuf [dreg:s22], $0x5FFFF;
	_ =	strace $0x90000049  }
0xc1: {  	s29 =	simm.s32 $0x9;
	_ =	strace $0x8000004B  }
0xc2: {  	_ =	swait.ge [sflag:s29], $0x1  }
0xc3: {  	[sflag:s29] =	ssyncadd.s32 $0xFFFFFFFF  }
0xc4: {  	_ =	strace $0x9000004B  }
0xc5: {  	_ =	sfence  }
0xc6: {  	s30 =	sld [smem:$0x0];
	_ =	sdelay $0x2  }
0xc7: {  	s31 =	sshll.u32 s1, $0xD;
	s1 =	sshrl.u32 s1, $0x2  }
0xc8: {  	s4 =	sand.u32 $0x4000, s31;
	s1 =	sadd.s32 s1, s30  }
0xc9: {  	s0 =	sor.u32 s4, s0;
	s1 =	sshll.u32 s1, $0x11  }
0xca: {  	s0 =	sor.u32 s1, s0  }
0xcb: {  	s0 =	sadd.s32 $0x8F2B, s0  }
0xcc: {  	[sflag:s0] =	ssyncadd.remote.s32 $0x1  }
0xcd: {  	_ =	sfence.sel $0xFFFF  }
0xce: {  	[dreg:$0x0] =	wrdreg $0xFFFFFFFF;
	(pc) =	sbr.abs _section_cstart, $3  }
0xcf: {  	[dreg:$0x1] =	wrdreg $0xFFFFFFFF  }
0xd0: {  	_ =	task.clear_ibuf [dreg:s22], $0x2FFFF;
	_ =	strace $0x9FFFFFFF  }
0xd1: {  	(tm) =	ssettm $0x7FFFFFFF  }
tec
execute0_lowered:
.L_overlay_start_1:
0x0: {  	(tag) =	ssettag $0x1  }
0x1: {  	s6 =	rddreg [dreg:$0x0]  }
0x2: {  	s0 =	srdreg.scid;
	s2 =	rddreg [dreg:$0x1]  }
0x3: {  	s1 =	stileid.u32;
	s3 =	simm.s32 $0x0;
	s21 =	simm.s32 $0x13C00  }
0x4: {  	s22 =	simm.s32 $0x16400;
	s23 =	simm.s32 $0x80;
	s24 =	simm.s32 $0x0  }
0x5: {  	s9 =	sand.u32 $0x1, s0;
	s0 =	rddreg [dreg:$0x2];
	s8 =	smul.u32 $0x4F000, s1  }
0x6: {  	[smem:$0x7FF] =	sst s3;
	s13 =	smul.u32 $0x13C00, s1;
	s5 =	sadd.s32 $0x17A00, s6  }
0x7: {  	s17 =	sadd.s32 $0x67A00, s6;
	s31 =	sshll.u32 s1, $0x6;
	s4 =	sshll.u32 s9, $0x4  }
0x8: {  	_ =	strace $0x8000004A;
	s7 =	ssub.s32 $0x2, s9;
	s19 =	smul.u32 $0x13C000, s9  }
0x9: {  	s4 =	sor.u32 s1, s4;
	s10 =	sshrl.u32 s7, $0x1;
	s30 =	sshrl.u32 s8, $0x2  }
0xa: {  	s14 =	sadd.s32 $0x4000, s13;
	s15 =	sadd.s32 $0x8000, s13;
	s16 =	sadd.s32 $0xC000, s13  }
0xb: {  	s20 =	sadd.s32 $0x10000, s13;
	s4 =	smul.u32 $0x500, s4;
	s18 =	ssub.s32 s7, s10  }
0xc: {  	s7 =	sor.u32 $0x1C01, s31;
	s8 =	sadd.s32 s14, s2;
	s9 =	sadd.s32 s15, s2  }
0xd: {  	s10 =	sadd.s32 s16, s2;
	s11 =	sadd.s32 s20, s2;
	s13 =	sadd.s32 s13, s19  }
0xe: {  	s14 =	sadd.s32 s19, s14;
	s15 =	sadd.s32 s19, s15;
	s16 =	sadd.s32 s19, s16  }
0xf: {  	s19 =	sadd.s32 s19, s20;
	s20 =	simm.s32 $0x1;
	s13 =	sshrl.u32 s13, $0x3  }
0x10: {  	s14 =	sshrl.u32 s14, $0x3;
	s15 =	sshrl.u32 s15, $0x3;
	s16 =	sshrl.u32 s16, $0x3  }
0x11: {  	s19 =	sshrl.u32 s19, $0x3;
	s18 =	smax.u32 s18, $0x1;
	s12 =	sadd.s32 s4, s6  }
0x12: {  	s4 =	sadd.s32 $0x67200, s6;
	s6 =	sadd.s32 s30, s2;
	s13 =	sadd.s32 s17, s13  }
0x13: {  	s14 =	sadd.s32 s17, s14;
	s15 =	sadd.s32 s17, s15;
	s16 =	sadd.s32 s17, s16  }
0x14: {  	s17 =	sadd.s32 s17, s19;
	s12 =	sadd.s32 $0x3A00, s12;
	s19 =	sshrl.u32 s6, $0x3  }
.LBB2_1:
0x15: {  	[spmem:s19], [sflag:s7] =	dma.local [hbm:s5], $0x800  }
0x16: {  	_ =	swait.ge [sflag:s20], $0x800  }
0x17: {  	[sflag:s20] =	ssyncset.done $0x0  }
0x18: {  	s25 =	sshrl.u32 s8, $0x3;
	[sflag:s20] =	ssyncadd.s32 $0xFFFFF800  }
0x19: {  	[spmem:s25], [sflag:s7] =	dma.local [hbm:s5], $0x800  }
0x1a: {  	_ =	swait.ge [sflag:s20], $0x800  }
0x1b: {  	[sflag:s20] =	ssyncset.done $0x0  }
0x1c: {  	s28 =	sshrl.u32 s9, $0x3;
	[sflag:s20] =	ssyncadd.s32 $0xFFFFF800  }
0x1d: {  	[spmem:s28], [sflag:s7] =	dma.local [hbm:s5], $0x800  }
0x1e: {  	_ =	swait.ge [sflag:s20], $0x800  }
0x1f: {  	[sflag:s20] =	ssyncset.done $0x0  }
0x20: {  	s29 =	sshrl.u32 s10, $0x3;
	[sflag:s20] =	ssyncadd.s32 $0xFFFFF800  }
0x21: {  	[spmem:s29], [sflag:s7] =	dma.local [hbm:s5], $0x800  }
0x22: {  	_ =	swait.ge [sflag:s20], $0x800  }
0x23: {  	[sflag:s20] =	ssyncset.done $0x0  }
0x24: {  	s30 =	sshrl.u32 s11, $0x3;
	[sflag:s20] =	ssyncadd.s32 $0xFFFFF800  }
0x25: {  	[spmem:s30], [sflag:s7] =	dma.local [hbm:s5], $0x780  }
0x26: {  	_ =	swait.ge [sflag:s20], $0x780  }
0x27: {  	[sflag:s20] =	ssyncset.done $0x0  }
0x28: {  	[sflag:s20] =	ssyncadd.s32 $0xFFFFF880  }
0x29: {  	[tilespmem:s21], [sflag:$0x1] =	stream.linear.gather [hbm4b:s12+s3], $0x2800, $0x38;
	[tilespmem:$0x1A400] =	vst v63  }
0x2a: {  	_ =	swait.ge [sflag:s20], $0x2800  }
0x2b: {  	[sflag:s20] =	ssyncset.done $0x0  }
0x2c: {  	[sflag:s20] =	ssyncadd.s32 $0xFFFFD800  }
0x2d: {  	[tilespmem:s22], [sflag:$0x1] =	stream.linear.gather [hbm4b:s4+s3], $0x4000, $0x38;
	[tilespmem:$0x1A400] =	vst v63  }
0x2e: {  	_ =	swait.ge [sflag:s20], $0x4000  }
0x2f: {  	[sflag:s20] =	ssyncset.done $0x0  }
0x30: {  	[sflag:s20] =	ssyncadd.s32 $0xFFFFC000  }
0x31: {  	s31 =	simm.s32 $0x13C00;
	[bflag:$0x0] =	sbarrier.arrive $0xFFFF  }
0x32: {  	[spmem:s2] =	stream.indirect.scatter.add.f32 [tilespmem:s22], [sflag:$0x1], $0x80, s31, s23, $0xb8;
	[tilespmem:$0x1A400] =	vst v63  }
0x33: {  	s25 =	simm.s32 $0x200;
	_ =	swait.ge [sflag:s20], $0x4000  }
.LBB2_2:
0x34: {  	s26 =	sshra.s32 s25, $0x2;
	[sflag:s20] =	ssyncset.done $0x0;
	p0 =	sne.s32 s25, $0x9E00  }
.Ltmp0:
0x35: {  	s26 =	sadd.s32 $0x13C00, s26;
	[sflag:s20] =	ssyncadd.s32 $0xFFFFC000;
	(pc) =	sbr.rel @p0 .LBB2_2-.Ltmp0, $3  }
0x36: {  	[spmem:s2] =	stream.indirect.scatter.add.f32 [tilespmem:s22], [sflag:$0x1], $0x80, s26, s23, $0xb8;
	[tilespmem:$0x1A400] =	vst v63  }
0x37: {  	s25 =	sadd.s32 $0x200, s25;
	_ =	sdelay $0x1  }
0x38: {  	_ =	swait.ge [sflag:s20], $0x4000  }
0x39: {  	[sflag:s20] =	ssyncset.done $0x0  }
0x3a: {  	[sflag:s20] =	ssyncadd.s32 $0xFFFFC000  }
0x3b: {  	[bflag:$0x0] =	sbarrier.arrive $0xFFFF  }
0x3c: {  	[tilespmem:s22], [sflag:$0x1] =	stream.linear.gather [spmem:s6], $0x4000, $0x38;
	[tilespmem:$0x1A400] =	vst v63  }
0x3d: {  	_ =	swait.ge [sflag:s20], $0x4000  }
0x3e: {  	[sflag:s20] =	ssyncset.done $0x0  }
0x3f: {  	[sflag:s20] =	ssyncadd.s32 $0xFFFFC000  }
0x40: {  	[hbm4b:s13+s3] =	stream.linear.scatter [tilespmem:s22], [sflag:$0x1], $0x4000, $0x38;
	[tilespmem:$0x1A400] =	vst v63  }
0x41: {  	_ =	swait.ge [sflag:s20], $0x4000  }
0x42: {  	[sflag:s20] =	ssyncset.done $0x0  }
0x43: {  	[sflag:s20] =	ssyncadd.s32 $0xFFFFC000  }
0x44: {  	[tilespmem:s22], [sflag:$0x1] =	stream.linear.gather [spmem:s8], $0x4000, $0x38;
	[tilespmem:$0x1A400] =	vst v63  }
0x45: {  	_ =	swait.ge [sflag:s20], $0x4000  }
0x46: {  	[sflag:s20] =	ssyncset.done $0x0  }
0x47: {  	[sflag:s20] =	ssyncadd.s32 $0xFFFFC000  }
0x48: {  	[hbm4b:s14+s3] =	stream.linear.scatter [tilespmem:s22], [sflag:$0x1], $0x4000, $0x38;
	[tilespmem:$0x1A400] =	vst v63  }
0x49: {  	_ =	swait.ge [sflag:s20], $0x4000  }
0x4a: {  	[sflag:s20] =	ssyncset.done $0x0  }
0x4b: {  	[sflag:s20] =	ssyncadd.s32 $0xFFFFC000  }
0x4c: {  	[tilespmem:s22], [sflag:$0x1] =	stream.linear.gather [spmem:s9], $0x4000, $0x38;
	[tilespmem:$0x1A400] =	vst v63  }
0x4d: {  	_ =	swait.ge [sflag:s20], $0x4000  }
0x4e: {  	[sflag:s20] =	ssyncset.done $0x0  }
0x4f: {  	[sflag:s20] =	ssyncadd.s32 $0xFFFFC000  }
0x50: {  	[hbm4b:s15+s3] =	stream.linear.scatter [tilespmem:s22], [sflag:$0x1], $0x4000, $0x38;
	[tilespmem:$0x1A400] =	vst v63  }
0x51: {  	_ =	swait.ge [sflag:s20], $0x4000  }
0x52: {  	[sflag:s20] =	ssyncset.done $0x0  }
0x53: {  	[sflag:s20] =	ssyncadd.s32 $0xFFFFC000  }
0x54: {  	[tilespmem:s22], [sflag:$0x1] =	stream.linear.gather [spmem:s10], $0x4000, $0x38;
	[tilespmem:$0x1A400] =	vst v63  }
0x55: {  	_ =	swait.ge [sflag:s20], $0x4000  }
0x56: {  	[sflag:s20] =	ssyncset.done $0x0  }
0x57: {  	[sflag:s20] =	ssyncadd.s32 $0xFFFFC000  }
0x58: {  	[hbm4b:s16+s3] =	stream.linear.scatter [tilespmem:s22], [sflag:$0x1], $0x4000, $0x38;
	[tilespmem:$0x1A400] =	vst v63  }
0x59: {  	_ =	swait.ge [sflag:s20], $0x4000  }
0x5a: {  	[sflag:s20] =	ssyncset.done $0x0  }
0x5b: {  	[sflag:s20] =	ssyncadd.s32 $0xFFFFC000  }
0x5c: {  	[tilespmem:s22], [sflag:$0x1] =	stream.linear.gather [spmem:s11], $0x3C00, $0x38;
	[tilespmem:$0x1A400] =	vst v63  }
0x5d: {  	s24 =	sadd.s32 $0x1, s24;
	_ =	swait.ge [sflag:s20], $0x3C00  }
0x5e: {  	p0 =	sne.s32 s24, s18;
	[sflag:s20] =	ssyncset.done $0x0  }
.Ltmp1:
0x5f: {  	[sflag:s20] =	ssyncadd.s32 $0xFFFFC400;
	(pc) =	sbr.rel @p0 .LBB2_1-.Ltmp1, $4  }
0x60: {  	[hbm4b:s17+s3] =	stream.linear.scatter [tilespmem:s22], [sflag:$0x1], $0x3C00, $0x38;
	[tilespmem:$0x1A400] =	vst v63  }
0x61: {  	_ =	swait.ge [sflag:s20], $0x3C00  }
0x62: {  	[sflag:s20] =	ssyncset.done $0x0  }
0x63: {  	[sflag:s20] =	ssyncadd.s32 $0xFFFFC400  }
0x64: {  	_ =	sfence.sel $0x180000  }
0x65: {  	[bflag:$0x0] =	sbarrier.arrive $0xFFFF  }
0x66: {  	p0 =	sne.s32 s1, $0x0;
	_ =	strace $0x9000004A  }
0x67: {  	s0 =	sadd.s32 @!p0 $0x100000, s0;
	[bflag:$0x2] =	sbarrier.arrive $0xFFFF  }
0x68: {  	[sflag:s0] =	ssyncadd.tile.s32 @!p0 $0x1;
	_ =	shalt  }
.Lfunc_end2:
_tile_overlayer_lowered:
.L_overlay_start_2:
0x69: {  	(tag) =	ssettag $0x2  }
0x6a: {  	s0 =	rddreg [dreg:$0x0];
	s2 =	stileid.u32  }
0x6b: {  	s1 =	rddreg [dreg:$0x1];
	p0 =	sne.s32 s2, $0x0  }
0x6c: {  	s3 =	rddreg [dreg:$0x2];
	[bflag:$0x3] =	sbarrier.arrive $0xFFFF;
	s2 =	simm.s32 @!p0 $0x1C01  }
0x6d: {  	[timem:s3], [sflag:s2] =	dma.local @!p0 [hbm:s0], s1  }
0x6e: {  	s0 =	simm.s32 @!p0 $0x1  }
0x6f: {  	_ =	swait.ge @!p0 [sflag:s0], s1  }
0x70: {  	s1 =	ssub.s32 @!p0 $0x0, s1;
	[sflag:s0] =	ssyncset.done @!p0 $0x0  }
0x71: {  	[sflag:s0] =	ssyncadd.s32 @!p0 s1  }
0x72: {  	[bflag:$0x3] =	sbarrier.arrive $0xFFFF  }
0x73: {  	_ =	shalt  }

</sc_bundles>
